<compile_context>
chip_gen: v7x
topology: tpu7x:2x2x1
jax: 0.10.2.dev20260603
libtpu: 0.0.44.dev20260713+nightly
codegen_flags: <defaults>
</compile_context>

<pallas_src>
import functools

import jax
import jax.numpy as jnp
from jax import lax
from jax.experimental import pallas as pl
from jax.experimental.pallas import tpu as pltpu
from jax.experimental.pallas import tpu_sc as plsc

N = 10000
NPAD = 10240
IN_CH = 128
HID = 16
HEADS1 = 8
HEADS2 = 1
WALK_WINDOW = 5
NEG_SAMPLES = 10
TEMP = 0.07
NWALK = 16
LWALK = 20
PAD_K = 16

NC = 2
NS = 16
C = 64
NCHUNK = 168
PER_TILE = NCHUNK * C
E_HALF = NS * PER_TILE
E_PAD = NC * E_HALF
RPT = NPAD // NS
BLK = 1280

_sc_mesh = plsc.VectorSubcoreMesh(
    core_axis_name="c", subcore_axis_name="s", num_cores=NC, num_subcores=NS)


def _make_conv_edge(heads):

  def body(h_hbm, at_hbm, bt_hbm, src_hbm, dst_hbm, z128, z16,
           out_hbm, den_hbm, *scr):
    c = lax.axis_index("c")
    t = lax.axis_index("s")
    it = iter(scr)
    sidx = tuple(next(it) for _ in range(3))
    didx = tuple(next(it) for _ in range(3))
    ea = tuple(next(it) for _ in range(3))
    eb = tuple(next(it) for _ in range(3))
    hb = tuple(next(it) for _ in range(3))
    ex = tuple(next(it) for _ in range(3))
    gsem = tuple(next(it) for _ in range(3))
    ssem = tuple(next(it) for _ in range(3))
    out_sp = next(it)
    den_sp = next(it)

    pltpu.sync_copy(z128, out_sp.at[pl.ds(t * RPT, RPT)])
    pltpu.sync_copy(z16, den_sp.at[pl.ds(t * RPT, RPT)])
    plsc.subcore_barrier()

    ebase = c * E_HALF + t * PER_TILE

    def issue(cj, s):
      b = ebase + cj * C
      pltpu.sync_copy(src_hbm.at[pl.ds(b, C)], sidx[s])
      pltpu.sync_copy(dst_hbm.at[pl.ds(b, C)], didx[s])
      pltpu.async_copy(at_hbm.at[sidx[s]], ea[s], gsem[s])
      pltpu.async_copy(bt_hbm.at[didx[s]], eb[s], gsem[s])
      pltpu.async_copy(h_hbm.at[sidx[s]], hb[s], gsem[s])

    def wait_gathers(s):
      pltpu.make_async_copy(at_hbm.at[sidx[s]], ea[s], gsem[s]).wait()
      pltpu.make_async_copy(bt_hbm.at[didx[s]], eb[s], gsem[s]).wait()
      pltpu.make_async_copy(h_hbm.at[sidx[s]], hb[s], gsem[s]).wait()

    def wait_scatters(s):
      pltpu.make_async_copy(ex[s], den_sp.at[didx[s]], ssem[s]).wait()
      pltpu.make_async_copy(hb[s], out_sp.at[didx[s]], ssem[s]).wait()

    def compute(s):
      def ebody(e, carry):
        v = ea[s][e, :] + eb[s][e, :]
        v = jnp.maximum(v, 0.2 * v)
        v = jnp.exp(v)
        ex[s][e, :] = v
        for g in range(8):
          hb[s][e, pl.ds(16 * g, 16)] = hb[s][e, pl.ds(16 * g, 16)] * v[g]
        return carry
      lax.fori_loop(0, C, ebody, 0)

    def scatters(s):
      pltpu.async_copy(ex[s], den_sp.at[didx[s]], ssem[s], add=True)
      pltpu.async_copy(hb[s], out_sp.at[didx[s]], ssem[s], add=True)

    issue(0, 0)

    def step(cj, s):
      @pl.when(jnp.logical_and(cj + 1 < NCHUNK, cj >= 2))
      def _():
        wait_scatters((s + 1) % 3)

      @pl.when(cj + 1 < NCHUNK)
      def _():
        issue(cj + 1, (s + 1) % 3)

      wait_gathers(s)
      compute(s)
      scatters(s)

    def outer(i, carry):
      for b in range(3):
        step(i * 3 + b, b)
      return carry
    lax.fori_loop(0, NCHUNK // 3, outer, 0)

    wait_scatters(0)
    wait_scatters(1)
    wait_scatters(2)
    plsc.subcore_barrier()
    pltpu.sync_copy(out_sp.at[pl.ds(t * RPT, RPT)],
                    out_hbm.at[c, pl.ds(t * RPT, RPT)])
    pltpu.sync_copy(den_sp.at[pl.ds(t * RPT, RPT)],
                    den_hbm.at[c, pl.ds(t * RPT, RPT)])

  idx_t = lambda: pltpu.VMEM((C,), jnp.int32)
  e_t = lambda: pltpu.VMEM((C, 16), jnp.float32)
  h_t = lambda: pltpu.VMEM((C, 128), jnp.float32)
  sem = pltpu.SemaphoreType.DMA
  return pl.kernel(
      body,
      out_type=(jax.ShapeDtypeStruct((NC, NPAD, 128), jnp.float32),
                jax.ShapeDtypeStruct((NC, NPAD, 16), jnp.float32)),
      mesh=_sc_mesh,
      compiler_params=pltpu.CompilerParams(use_tc_tiling_on_sc=False),
      scratch_types=(
          tuple(idx_t() for _ in range(6))
          + tuple(e_t() for _ in range(6))
          + tuple(h_t() for _ in range(3))
          + tuple(e_t() for _ in range(3))
          + tuple(sem for _ in range(6))
          + (pltpu.VMEM_SHARED((NPAD, 128), jnp.float32),
             pltpu.VMEM_SHARED((NPAD, 16), jnp.float32))
      ),
  )


_conv_edge = _make_conv_edge(8)

NROWS = 3 * NWALK * LWALK * PAD_K
RW = NROWS // (NC * NS)
GCH = 120


def _gather_body(emb_hbm, gidx_hbm, g_hbm, gi, rb):
  wid = lax.axis_index("c") * NS + lax.axis_index("s")
  base = wid * RW
  for k in range(RW // GCH):
    b = base + k * GCH
    pltpu.sync_copy(gidx_hbm.at[pl.ds(b, GCH)], gi)
    pltpu.sync_copy(emb_hbm.at[gi], rb)
    pltpu.sync_copy(rb, g_hbm.at[pl.ds(b, GCH)])


_loss_gather = pl.kernel(
    _gather_body,
    out_type=jax.ShapeDtypeStruct((NROWS, 256), jnp.float32),
    mesh=_sc_mesh,
    scratch_types=(
        pltpu.VMEM((GCH,), jnp.int32),
        pltpu.VMEM((GCH, 256), jnp.float32),
    ),
)


def _prep1_kernel(x_ref, w_ref, pas_ref, pad_ref, h_out, as_out, ad_out):
  h = jnp.dot(x_ref[...], w_ref[...], preferred_element_type=jnp.float32)
  h_out[...] = h
  as_out[...] = jnp.dot(h, pas_ref[...], preferred_element_type=jnp.float32)
  ad_out[...] = jnp.dot(h, pad_ref[...], preferred_element_type=jnp.float32)


def _mid_kernel(p0, p1, d0, d1, exp_ref, b_ref, w2_ref, pas_ref, pad_ref,
                emb1_out, h_out, as_out, ad_out):
  den = jnp.dot(d0[...] + d1[...], exp_ref[...],
                preferred_element_type=jnp.float32)
  agg = (p0[...] + p1[...]) / (den + 1e-16) + b_ref[...]
  e1 = jnp.where(agg > 0, agg, jnp.exp(agg) - 1.0)
  emb1_out[...] = e1
  h2 = jnp.dot(e1, w2_ref[...], preferred_element_type=jnp.float32)
  h_out[...] = h2
  as_out[...] = jnp.dot(h2, pas_ref[...], preferred_element_type=jnp.float32)
  ad_out[...] = jnp.dot(h2, pad_ref[...], preferred_element_type=jnp.float32)


def _final_kernel(e1_ref, q0, q1, d0, d1, exp_ref, b_ref, emb_out):
  den = jnp.dot(d0[...] + d1[...], exp_ref[...],
                preferred_element_type=jnp.float32)
  e2 = (q0[...] + q1[...]) / (den + 1e-16) + b_ref[...]
  emb_out[:, :128] = e1_ref[...]
  emb_out[:, 128:] = e2


def _loss_kernel(ar_ref, pr_ref, nr_ref, pm_ref, km_ref, out_ref):
  AR = ar_ref[...]
  PR = pr_ref[...]
  NR = nr_ref[...]
  pm = pm_ref[...]
  km = km_ref[...]
  inv_a = 1.0 / jnp.maximum(jnp.sqrt(jnp.sum(AR * AR, axis=-1)), 1e-8)
  inv_p = 1.0 / jnp.maximum(jnp.sqrt(jnp.sum(PR * PR, axis=-1)), 1e-8)
  inv_n = 1.0 / jnp.maximum(jnp.sqrt(jnp.sum(NR * NR, axis=-1)), 1e-8)
  dots_p = jnp.sum(AR * PR, axis=-1) * inv_a * inv_p * (1.0 / TEMP)
  dots_n = jnp.sum(AR * NR, axis=-1) * inv_a * inv_n * (1.0 / TEMP)
  pos_sum = jnp.sum(jnp.exp(dots_p) * pm, axis=-1)
  neg_sum = jnp.sum(jnp.exp(dots_n) * km, axis=-1)
  terms = jnp.log(pos_sum + neg_sum) - jnp.log(pos_sum)
  out_ref[...] = jnp.sum(terms).reshape(1, 1)


def _window_map():
  import numpy as np
  posmap = np.zeros((LWALK, PAD_K), dtype=np.int32)
  valid = np.zeros((LWALK, PAD_K), dtype=np.float32)
  for i in range(LWALK):
    js = [j for j in range(i - WALK_WINDOW, i + WALK_WINDOW + 1)
          if j != i and 0 <= j < LWALK]
    for k, j in enumerate(js):
      posmap[i, k] = j
      valid[i, k] = 1.0
  return jnp.asarray(posmap), jnp.asarray(valid)


def _neg_indices(n):
  base = jax.random.key(1234)
  wi = jnp.arange(NWALK, dtype=jnp.int32)
  ii = jnp.arange(LWALK, dtype=jnp.int32)

  def one(w, i):
    k = jax.random.fold_in(jax.random.fold_in(base, w), i)
    return jax.random.randint(k, (NEG_SAMPLES,), 0, n)

  return jax.vmap(lambda w: jax.vmap(lambda i: one(w, i))(ii))(wi)


def _grid_call(fn, n_out_128, outs, *args):
  grid = NPAD // BLK

  def spec(arr):
    k = arr.shape[-1]
    if arr.shape[0] == NPAD:
      return pl.BlockSpec((BLK, k), lambda i: (i, 0))
    return pl.BlockSpec(arr.shape, lambda i: (0, 0))

  return pl.pallas_call(
      fn,
      grid=(grid,),
      in_specs=[spec(a) for a in args],
      out_specs=[pl.BlockSpec((BLK, k), lambda i: (i, 0)) for k in outs],
      out_shape=[jax.ShapeDtypeStruct((NPAD, k), jnp.float32) for k in outs],
  )(*args)


def kernel(x, edge_index, walks, W1, a1_src, a1_dst, b1, W2, a2_src, a2_dst, b2):
  n = x.shape[0]
  loops = jnp.arange(n, dtype=edge_index.dtype)
  pad = jnp.full((E_PAD - n - edge_index.shape[1],), N, dtype=edge_index.dtype)
  src = jnp.concatenate([edge_index[0], loops, pad])
  dst = jnp.concatenate([edge_index[1], loops, pad])
  x_pad = jnp.pad(x, ((0, NPAD - n), (0, 0)))

  eye8 = jnp.eye(8, dtype=jnp.float32)
  A1s = jnp.pad((a1_src[:, :, None] * eye8[:, None, :]).reshape(128, 8),
                ((0, 0), (0, 8)))
  A1d = jnp.pad((a1_dst[:, :, None] * eye8[:, None, :]).reshape(128, 8),
                ((0, 0), (0, 8)))
  rep8 = jnp.concatenate([jnp.ones((1, 8), jnp.float32),
                          jnp.zeros((1, 8), jnp.float32)], axis=1)
  A2s = a2_src.reshape(128, 1) * rep8
  A2d = a2_dst.reshape(128, 1) * rep8
  EXP16 = jnp.pad((eye8[:, :, None] * jnp.ones((16,), jnp.float32))
                  .reshape(8, 128), ((0, 8), (0, 0)))
  EXP1 = jnp.zeros((16, 128), jnp.float32).at[0, :].set(1.0)
  z128 = jnp.zeros((RPT, 128), jnp.float32)
  z16 = jnp.zeros((RPT, 16), jnp.float32)

  h1, as1, ad1 = _grid_call(_prep1_kernel, None, (128, 16, 16),
                            x_pad, W1, A1s, A1d)
  out1, den1 = _conv_edge(h1, as1, ad1, src, dst, z128, z16)
  emb1, h2, as2, ad2 = _grid_call(
      _mid_kernel, None, (128, 128, 16, 16),
      out1[0], out1[1], den1[0], den1[1], EXP16, b1.reshape(1, 128),
      W2, A2s, A2d)
  out2, den2 = _conv_edge(h2, as2, ad2, src, dst, z128, z16)
  emb = _grid_call(_final_kernel, None, (256,),
                   emb1, out2[0], out2[1], den2[0], den2[1], EXP1,
                   b2.reshape(1, 128))[0]

  posmap, pvalid = _window_map()
  A = NWALK * LWALK
  anchor_idx = walks.reshape(-1)
  pos_idx = jnp.take(walks, posmap.reshape(-1), axis=1).reshape(A, PAD_K)
  pmask = jnp.tile(pvalid, (NWALK, 1))
  neg = _neg_indices(n).reshape(A, NEG_SAMPLES)
  coll = (neg[:, :, None] == pos_idx[:, None, :]) & (pmask[:, None, :] > 0)
  keep = (~coll.any(-1)).astype(jnp.float32)
  neg_idx = jnp.pad(neg, ((0, 0), (0, PAD_K - NEG_SAMPLES)))
  kmask = jnp.pad(keep, ((0, 0), (0, PAD_K - NEG_SAMPLES)))

  gidx = jnp.concatenate([
      jnp.repeat(anchor_idx, PAD_K),
      pos_idx.reshape(-1),
      neg_idx.reshape(-1),
  ]).astype(jnp.int32)
  G = _loss_gather(emb, gidx)
  AP = A * PAD_K
  AR = G[:AP].reshape(A, PAD_K, 256)
  PR = G[AP:2 * AP].reshape(A, PAD_K, 256)
  NR = G[2 * AP:].reshape(A, PAD_K, 256)

  out = pl.pallas_call(
      _loss_kernel,
      out_shape=jax.ShapeDtypeStruct((1, 1), jnp.float32),
  )(AR, PR, NR, pmask, kmask)
  return out.reshape(())

# --- scband reference (transcript-rebuilt; emitter-appended) ---
"""Pipeline reference for scband-random-walk-gat-3848290697850 (READ-ONLY COPY).

The authoritative reference and input builder live on the scoring server;
editing this copy changes nothing except your own understanding.
"""

import jax, jax.numpy as jnp
import numpy as np

NUM_NODES = 10000
IN_CH = 128
HID = 16
HEADS1 = 8
HEADS2 = 1
WALK_WINDOW = 5
NEG_SAMPLES = 10
TEMP = 0.07


def gat_conv(x, src, dst, W, a_src, a_dst, bias, heads, out_ch, n):
    # PyG-style GATConv (self-loops already included in src/dst)
    h = (x @ W).reshape(n, heads, out_ch)
    alpha_s = (h * a_src[None, :, :]).sum(-1)  # [N, heads]
    alpha_d = (h * a_dst[None, :, :]).sum(-1)  # [N, heads]
    e = jax.nn.leaky_relu(alpha_s[src] + alpha_d[dst], 0.2)  # [E, heads]
    e_max = jax.ops.segment_max(e, dst, num_segments=n)
    ex = jnp.exp(e - e_max[dst])
    den = jax.ops.segment_sum(ex, dst, num_segments=n)
    alpha = ex / (den[dst] + 1e-16)
    out = jax.ops.segment_sum(h[src] * alpha[:, :, None], dst, num_segments=n)
    return out.reshape(n, heads * out_ch) + bias


def cosine_to_rows(anchor, mat):
    an = anchor / jnp.maximum(jnp.linalg.norm(anchor), 1e-8)
    mn = mat / jnp.maximum(jnp.linalg.norm(mat, axis=1, keepdims=True), 1e-8)
    return mn @ an


def setup_inputs(seed: int = 0) -> dict:
    key = jax.random.key(seed)
    ks = jax.random.split(key, 12)
    x = jax.random.normal(ks[0], (NUM_NODES, IN_CH), dtype=jnp.float32)
    edge_index = jax.random.randint(ks[1], (2, 320000), 0, NUM_NODES, dtype=jnp.int32)
    walks = jax.random.randint(ks[2], (16, 20), 0, NUM_NODES, dtype=jnp.int32)
    d1 = HID * HEADS1  # 128
    W1 = jax.random.normal(ks[3], (IN_CH, d1), dtype=jnp.float32) / np.sqrt(IN_CH)
    a1_src = jax.random.normal(ks[4], (HEADS1, HID), dtype=jnp.float32) * 0.1
    a1_dst = jax.random.normal(ks[5], (HEADS1, HID), dtype=jnp.float32) * 0.1
    b1 = jnp.zeros((d1,), dtype=jnp.float32)
    W2 = jax.random.normal(ks[6], (d1, d1), dtype=jnp.float32) / np.sqrt(d1)
    a2_src = jax.random.normal(ks[7], (HEADS2, d1), dtype=jnp.float32) * 0.1
    a2_dst = jax.random.normal(ks[8], (HEADS2, d1), dtype=jnp.float32) * 0.1
    b2 = jnp.zeros((d1,), dtype=jnp.float32)
    return {"x": x, "edge_index": edge_index, "walks": walks,
            "W1": W1, "a1_src": a1_src, "a1_dst": a1_dst, "b1": b1,
            "W2": W2, "a2_src": a2_src, "a2_dst": a2_dst, "b2": b2}


def precompute_negatives(walks_np, n):
    negs = {}
    base = jax.random.key(1234)
    for wi in range(walks_np.shape[0]):
        walk = walks_np[wi]
        L = len(walk)
        for i in range(L):
            start = max(0, i - WALK_WINDOW)
            end = min(L, i + WALK_WINDOW + 1)
            pos = np.concatenate([walk[start:i], walk[i + 1:end]])
            k = jax.random.fold_in(jax.random.fold_in(base, wi), i)
            neg = np.asarray(jax.random.randint(k, (NEG_SAMPLES,), 0, n))
            neg = neg[~np.isin(neg, pos)]
            negs[(wi, i)] = (pos, neg)
    return negs


def reference(x, edge_index, walks, W1, a1_src, a1_dst, b1, W2, a2_src, a2_dst, b2):
    n = x.shape[0]
    loops = jnp.arange(n, dtype=edge_index.dtype)
    src = jnp.concatenate([edge_index[0], loops])
    dst = jnp.concatenate([edge_index[1], loops])
    # get_embeddings: conv1 -> elu, conv2, concat (no dropout in eval path)
    emb1 = jax.nn.elu(gat_conv(x, src, dst, W1, a1_src, a1_dst, b1, HEADS1, HID, n))
    emb2 = gat_conv(emb1, src, dst, W2, a2_src, a2_dst, b2, HEADS2, HID * HEADS1, n)
    embeddings = jnp.concatenate([emb1, emb2], axis=1)
    base = jax.random.key(1234)
    loss = jnp.float32(0.0)
    L = walks.shape[1]
    for wi in range(walks.shape[0]):
        walk = walks[wi]
        for i in range(L):
            start = max(0, i - WALK_WINDOW)
            end = min(L, i + WALK_WINDOW + 1)
            pos = jnp.concatenate([walk[start:i], walk[i + 1:end]])
            if pos.shape[0] == 0:
                continue
            k = jax.random.fold_in(jax.random.fold_in(base, wi), i)
            neg = jax.random.randint(k, (NEG_SAMPLES,), 0, n)
            keep = ~jnp.isin(neg, pos)
            anchor = embeddings[walk[i]]
            pos_sims = cosine_to_rows(anchor, embeddings[pos]) / TEMP
            neg_sims = cosine_to_rows(anchor, embeddings[neg]) / TEMP
            pos_sum = jnp.exp(pos_sims).sum()
            neg_sum = jnp.where(keep, jnp.exp(neg_sims), jnp.float32(0.0)).sum()
            loss = loss + (-jnp.log(pos_sum / (pos_sum + neg_sum)))
    return loss

if __name__ == "__main__":
    import jax
    _d = setup_inputs()
    print(jax.jit(kernel)(*tuple(_d.values())))

</pallas_src>

<mosaic_0001>
#map = affine_map<(d0, d1) -> (0, 0)>
#map1 = affine_map<(d0, d1) -> (0)>
#map2 = affine_map<(d0, d1) -> (0, 0, 0)>
module attributes {stable_mosaic.version = 14 : i64} {
  func.func @body(%arg0: i32, %arg1: i32, %arg2: memref<10240x128xf32, #tpu.memory_space<hbm>>, %arg3: memref<10240x16xf32, #tpu.memory_space<hbm>>, %arg4: memref<10240x16xf32, #tpu.memory_space<hbm>>, %arg5: memref<344064xi32, #tpu.memory_space<hbm>>, %arg6: memref<344064xi32, #tpu.memory_space<hbm>>, %arg7: memref<640x128xf32, #tpu.memory_space<hbm>>, %arg8: memref<640x16xf32, #tpu.memory_space<hbm>>, %arg9: memref<2x10240x128xf32, #tpu.memory_space<hbm>>, %arg10: memref<2x10240x16xf32, #tpu.memory_space<hbm>>, %arg11: memref<64xi32, #tpu.memory_space<vmem>>, %arg12: memref<64xi32, #tpu.memory_space<vmem>>, %arg13: memref<64xi32, #tpu.memory_space<vmem>>, %arg14: memref<64xi32, #tpu.memory_space<vmem>>, %arg15: memref<64xi32, #tpu.memory_space<vmem>>, %arg16: memref<64xi32, #tpu.memory_space<vmem>>, %arg17: memref<64x16xf32, #tpu.memory_space<vmem>>, %arg18: memref<64x16xf32, #tpu.memory_space<vmem>>, %arg19: memref<64x16xf32, #tpu.memory_space<vmem>>, %arg20: memref<64x16xf32, #tpu.memory_space<vmem>>, %arg21: memref<64x16xf32, #tpu.memory_space<vmem>>, %arg22: memref<64x16xf32, #tpu.memory_space<vmem>>, %arg23: memref<64x128xf32, #tpu.memory_space<vmem>>, %arg24: memref<64x128xf32, #tpu.memory_space<vmem>>, %arg25: memref<64x128xf32, #tpu.memory_space<vmem>>, %arg26: memref<64x16xf32, #tpu.memory_space<vmem>>, %arg27: memref<64x16xf32, #tpu.memory_space<vmem>>, %arg28: memref<64x16xf32, #tpu.memory_space<vmem>>, %arg29: memref<!tpu.dma_semaphore, #tpu.memory_space<semaphore_mem>>, %arg30: memref<!tpu.dma_semaphore, #tpu.memory_space<semaphore_mem>>, %arg31: memref<!tpu.dma_semaphore, #tpu.memory_space<semaphore_mem>>, %arg32: memref<!tpu.dma_semaphore, #tpu.memory_space<semaphore_mem>>, %arg33: memref<!tpu.dma_semaphore, #tpu.memory_space<semaphore_mem>>, %arg34: memref<!tpu.dma_semaphore, #tpu.memory_space<semaphore_mem>>, %arg35: memref<10240x128xf32, #tpu.memory_space<vmem_shared>>, %arg36: memref<10240x16xf32, #tpu.memory_space<vmem_shared>>) attributes {dimension_semantics = [#tpu.dimension_semantics<core_parallel>, #tpu.dimension_semantics<subcore_parallel>], iteration_bounds = array<i64: 2, 16>, scalar_prefetch = 0 : i64, scratch_operands = 26 : i64, tpu.core_type = #tpu.core_type<sc_vector_subcore>, window_params = [{transform_indices = #map}, {transform_indices = #map}, {transform_indices = #map}, {transform_indices = #map1}, {transform_indices = #map1}, {transform_indices = #map}, {transform_indices = #map}, {transform_indices = #map2}, {transform_indices = #map2}]} {
    %mul3A = arith.constant 640 : i32
    %mul3A_0 = arith.muli %arg1, %mul3A : i32
    "tpu.region"() ({
      %run_scoped3A = tpu.sem_alloc : memref<!tpu.dma_semaphore, #tpu.memory_space<semaphore_mem>>
      %dma_start3A_48 = arith.constant 0 : i32
      %dma_start3A_49 = tpu.memref_slice %arg35[%mul3A_0, %dma_start3A_48] : memref<10240x128xf32, #tpu.memory_space<vmem_shared>> -> memref<640x128xf32, #tpu.memory_space<vmem_shared>>
      tpu.enqueue_dma source(%arg7 : memref<640x128xf32, #tpu.memory_space<hbm>>) target(%dma_start3A_49 : memref<640x128xf32, #tpu.memory_space<vmem_shared>>) target_semaphore(%run_scoped3A : memref<!tpu.dma_semaphore, #tpu.memory_space<semaphore_mem>>)
      %dma_wait3A_50 = arith.constant 0 : i32
      %dma_wait3A_51 = tpu.memref_slice %arg35[%mul3A_0, %dma_wait3A_50] : memref<10240x128xf32, #tpu.memory_space<vmem_shared>> -> memref<640x128xf32, #tpu.memory_space<vmem_shared>>
      tpu.wait_dma2 semaphore(%run_scoped3A : memref<!tpu.dma_semaphore, #tpu.memory_space<semaphore_mem>>) src(%arg7 : memref<640x128xf32, #tpu.memory_space<hbm>>) dst(%dma_wait3A_51 : memref<640x128xf32, #tpu.memory_space<vmem_shared>>)
      tpu.yield
    }) : () -> ()
    %mul3A_1 = arith.constant 640 : i32
    %mul3A_2 = arith.muli %arg1, %mul3A_1 : i32
    "tpu.region"() ({
      %run_scoped3A = tpu.sem_alloc : memref<!tpu.dma_semaphore, #tpu.memory_space<semaphore_mem>>
      %dma_start3A_48 = arith.constant 0 : i32
      %dma_start3A_49 = tpu.memref_slice %arg36[%mul3A_2, %dma_start3A_48] : memref<10240x16xf32, #tpu.memory_space<vmem_shared>> -> memref<640x16xf32, #tpu.memory_space<vmem_shared>>
      tpu.enqueue_dma source(%arg8 : memref<640x16xf32, #tpu.memory_space<hbm>>) target(%dma_start3A_49 : memref<640x16xf32, #tpu.memory_space<vmem_shared>>) target_semaphore(%run_scoped3A : memref<!tpu.dma_semaphore, #tpu.memory_space<semaphore_mem>>)
      %dma_wait3A_50 = arith.constant 0 : i32
      %dma_wait3A_51 = tpu.memref_slice %arg36[%mul3A_2, %dma_wait3A_50] : memref<10240x16xf32, #tpu.memory_space<vmem_shared>> -> memref<640x16xf32, #tpu.memory_space<vmem_shared>>
      tpu.wait_dma2 semaphore(%run_scoped3A : memref<!tpu.dma_semaphore, #tpu.memory_space<semaphore_mem>>) src(%arg8 : memref<640x16xf32, #tpu.memory_space<hbm>>) dst(%dma_wait3A_51 : memref<640x16xf32, #tpu.memory_space<vmem_shared>>)
      tpu.yield
    }) : () -> ()
    %barrier3A = arith.constant 0 : index
    tpu.barrier barrier_id(%barrier3A)
    %mul3A_3 = arith.constant 172032 : i32
    %mul3A_4 = arith.muli %arg0, %mul3A_3 : i32
    %mul3A_5 = arith.constant 10752 : i32
    %mul3A_6 = arith.muli %arg1, %mul3A_5 : i32
    %add3A = arith.addi %mul3A_4, %mul3A_6 : i32
    %add3A_7 = arith.constant 0 : i32
    %add3A_8 = arith.addi %add3A, %add3A_7 : i32
    "tpu.region"() ({
      %run_scoped3A = tpu.sem_alloc : memref<!tpu.dma_semaphore, #tpu.memory_space<semaphore_mem>>
      %dma_start3A_48 = tpu.memref_slice %arg5[%add3A_8] : memref<344064xi32, #tpu.memory_space<hbm>> -> memref<64xi32, #tpu.memory_space<hbm>>
      %dma_start3A_49 = tpu.memref_slice %arg5[%add3A_8] : memref<344064xi32, #tpu.memory_space<hbm>> -> memref<64xi32, #tpu.memory_space<hbm>>
      tpu.enqueue_dma source(%dma_start3A_49 : memref<64xi32, #tpu.memory_space<hbm>>) target(%arg11 : memref<64xi32, #tpu.memory_space<vmem>>) target_semaphore(%run_scoped3A : memref<!tpu.dma_semaphore, #tpu.memory_space<semaphore_mem>>)
      %dma_wait3A_50 = tpu.memref_slice %arg5[%add3A_8] : memref<344064xi32, #tpu.memory_space<hbm>> -> memref<64xi32, #tpu.memory_space<hbm>>
      %dma_wait3A_51 = tpu.memref_slice %arg5[%add3A_8] : memref<344064xi32, #tpu.memory_space<hbm>> -> memref<64xi32, #tpu.memory_space<hbm>>
      tpu.wait_dma2 semaphore(%run_scoped3A : memref<!tpu.dma_semaphore, #tpu.memory_space<semaphore_mem>>) src(%dma_wait3A_51 : memref<64xi32, #tpu.memory_space<hbm>>) dst(%arg11 : memref<64xi32, #tpu.memory_space<vmem>>)
      tpu.yield
    }) : () -> ()
    "tpu.region"() ({
      %run_scoped3A = tpu.sem_alloc : memref<!tpu.dma_semaphore, #tpu.memory_space<semaphore_mem>>
      %dma_start3A_48 = tpu.memref_slice %arg6[%add3A_8] : memref<344064xi32, #tpu.memory_space<hbm>> -> memref<64xi32, #tpu.memory_space<hbm>>
      %dma_start3A_49 = tpu.memref_slice %arg6[%add3A_8] : memref<344064xi32, #tpu.memory_space<hbm>> -> memref<64xi32, #tpu.memory_space<hbm>>
      tpu.enqueue_dma source(%dma_start3A_49 : memref<64xi32, #tpu.memory_space<hbm>>) target(%arg14 : memref<64xi32, #tpu.memory_space<vmem>>) target_semaphore(%run_scoped3A : memref<!tpu.dma_semaphore, #tpu.memory_space<semaphore_mem>>)
      %dma_wait3A_50 = tpu.memref_slice %arg6[%add3A_8] : memref<344064xi32, #tpu.memory_space<hbm>> -> memref<64xi32, #tpu.memory_space<hbm>>
      %dma_wait3A_51 = tpu.memref_slice %arg6[%add3A_8] : memref<344064xi32, #tpu.memory_space<hbm>> -> memref<64xi32, #tpu.memory_space<hbm>>
      tpu.wait_dma2 semaphore(%run_scoped3A : memref<!tpu.dma_semaphore, #tpu.memory_space<semaphore_mem>>) src(%dma_wait3A_51 : memref<64xi32, #tpu.memory_space<hbm>>) dst(%arg14 : memref<64xi32, #tpu.memory_space<vmem>>)
      tpu.yield
    }) : () -> ()
    %dma_start3A = arith.constant 0 : i32
    %dma_start3A_9 = arith.constant 0 : i32
    %dma_start3A_10 = tpu.memref_slice %arg3[%dma_start3A, %dma_start3A_9] : memref<10240x16xf32, #tpu.memory_space<hbm>> -> memref<10240x16xf32, #tpu.memory_space<hbm>>
    tpu.enqueue_indirect_dma source(%dma_start3A_10 : memref<10240x16xf32, #tpu.memory_space<hbm>>) target(%arg17 : memref<64x16xf32, #tpu.memory_space<vmem>>) offsets(%arg11 : memref<64xi32, #tpu.memory_space<vmem>>) semaphore(%arg29 : memref<!tpu.dma_semaphore, #tpu.memory_space<semaphore_mem>>)
    %dma_start3A_11 = arith.constant 0 : i32
    %dma_start3A_12 = arith.constant 0 : i32
    %dma_start3A_13 = tpu.memref_slice %arg4[%dma_start3A_11, %dma_start3A_12] : memref<10240x16xf32, #tpu.memory_space<hbm>> -> memref<10240x16xf32, #tpu.memory_space<hbm>>
    tpu.enqueue_indirect_dma source(%dma_start3A_13 : memref<10240x16xf32, #tpu.memory_space<hbm>>) target(%arg20 : memref<64x16xf32, #tpu.memory_space<vmem>>) offsets(%arg14 : memref<64xi32, #tpu.memory_space<vmem>>) semaphore(%arg29 : memref<!tpu.dma_semaphore, #tpu.memory_space<semaphore_mem>>)
    %dma_start3A_14 = arith.constant 0 : i32
    %dma_start3A_15 = arith.constant 0 : i32
    %dma_start3A_16 = tpu.memref_slice %arg2[%dma_start3A_14, %dma_start3A_15] : memref<10240x128xf32, #tpu.memory_space<hbm>> -> memref<10240x128xf32, #tpu.memory_space<hbm>>
    tpu.enqueue_indirect_dma source(%dma_start3A_16 : memref<10240x128xf32, #tpu.memory_space<hbm>>) target(%arg23 : memref<64x128xf32, #tpu.memory_space<vmem>>) offsets(%arg11 : memref<64xi32, #tpu.memory_space<vmem>>) semaphore(%arg29 : memref<!tpu.dma_semaphore, #tpu.memory_space<semaphore_mem>>)
    %scan3A = arith.constant 0 : i32
    %scan3A_17 = arith.constant 0 : i32
    %scan3A_18 = arith.constant 56 : i32
    %scan3A_19 = arith.addi %scan3A_17, %scan3A_18 : i32
    %scan3A_20 = arith.constant 1 : i32
    scf.for %scan3A_48 = %scan3A_17 to %scan3A_19 step %scan3A_20  : i32 {
      %mul3A_49 = arith.constant 3 : i32
      %mul3A_50 = arith.muli %scan3A_48, %mul3A_49 : i32
      %add3A_51 = arith.constant 0 : i32
      %add3A_52 = arith.addi %mul3A_50, %add3A_51 : i32
      %add3A_53 = arith.constant 1 : i32
      %add3A_54 = arith.addi %add3A_52, %add3A_53 : i32
      %lt3A = arith.constant 168 : i32
      %lt3A_55 = arith.cmpi slt, %add3A_54, %lt3A : i32
      %ge3A = arith.constant 2 : i32
      %ge3A_56 = arith.cmpi sge, %add3A_52, %ge3A : i32
      %and3A = arith.andi %lt3A_55, %ge3A_56 : i1
      %convert_element_type3A = arith.extui %and3A : i1 to i32
      %cond3A = arith.constant 0 : i32
      %cond3A_57 = arith.cmpi ne, %convert_element_type3A, %cond3A : i32
      scf.if %cond3A_57 {
        %dma_wait3A_170 = arith.constant 0 : i32
        %dma_wait3A_171 = arith.constant 0 : i32
        %dma_wait3A_172 = tpu.memref_slice %arg36[%dma_wait3A_170, %dma_wait3A_171] : memref<10240x16xf32, #tpu.memory_space<vmem_shared>> -> memref<10240x16xf32, #tpu.memory_space<vmem_shared>>
        tpu.wait_indirect_dma semaphore(%arg33 : memref<!tpu.dma_semaphore, #tpu.memory_space<semaphore_mem>>) src(%arg27 : memref<64x16xf32, #tpu.memory_space<vmem>>) dst(%dma_wait3A_172 : memref<10240x16xf32, #tpu.memory_space<vmem_shared>>)
        %dma_wait3A_173 = arith.constant 0 : i32
        %dma_wait3A_174 = arith.constant 0 : i32
        %dma_wait3A_175 = tpu.memref_slice %arg35[%dma_wait3A_173, %dma_wait3A_174] : memref<10240x128xf32, #tpu.memory_space<vmem_shared>> -> memref<10240x128xf32, #tpu.memory_space<vmem_shared>>
        tpu.wait_indirect_dma semaphore(%arg33 : memref<!tpu.dma_semaphore, #tpu.memory_space<semaphore_mem>>) src(%arg24 : memref<64x128xf32, #tpu.memory_space<vmem>>) dst(%dma_wait3A_175 : memref<10240x128xf32, #tpu.memory_space<vmem_shared>>)
      } else {
      }
      %add3A_58 = arith.constant 1 : i32
      %add3A_59 = arith.addi %add3A_52, %add3A_58 : i32
      %lt3A_60 = arith.constant 168 : i32
      %lt3A_61 = arith.cmpi slt, %add3A_59, %lt3A_60 : i32
      %convert_element_type3A_62 = arith.extui %lt3A_61 : i1 to i32
      %cond3A_63 = arith.constant 0 : i32
      %cond3A_64 = arith.cmpi ne, %convert_element_type3A_62, %cond3A_63 : i32
      scf.if %cond3A_64 {
        %add3A_170 = arith.constant 1 : i32
        %add3A_171 = arith.addi %add3A_52, %add3A_170 : i32
        %mul3A_172 = arith.constant 64 : i32
        %mul3A_173 = arith.muli %add3A_171, %mul3A_172 : i32
        %add3A_174 = arith.addi %add3A, %mul3A_173 : i32
        "tpu.region"() ({
          %run_scoped3A = tpu.sem_alloc : memref<!tpu.dma_semaphore, #tpu.memory_space<semaphore_mem>>
          %dma_start3A_184 = tpu.memref_slice %arg5[%add3A_174] : memref<344064xi32, #tpu.memory_space<hbm>> -> memref<64xi32, #tpu.memory_space<hbm>>
          %dma_start3A_185 = tpu.memref_slice %arg5[%add3A_174] : memref<344064xi32, #tpu.memory_space<hbm>> -> memref<64xi32, #tpu.memory_space<hbm>>
          tpu.enqueue_dma source(%dma_start3A_185 : memref<64xi32, #tpu.memory_space<hbm>>) target(%arg12 : memref<64xi32, #tpu.memory_space<vmem>>) target_semaphore(%run_scoped3A : memref<!tpu.dma_semaphore, #tpu.memory_space<semaphore_mem>>)
          %dma_wait3A_186 = tpu.memref_slice %arg5[%add3A_174] : memref<344064xi32, #tpu.memory_space<hbm>> -> memref<64xi32, #tpu.memory_space<hbm>>
          %dma_wait3A_187 = tpu.memref_slice %arg5[%add3A_174] : memref<344064xi32, #tpu.memory_space<hbm>> -> memref<64xi32, #tpu.memory_space<hbm>>
          tpu.wait_dma2 semaphore(%run_scoped3A : memref<!tpu.dma_semaphore, #tpu.memory_space<semaphore_mem>>) src(%dma_wait3A_187 : memref<64xi32, #tpu.memory_space<hbm>>) dst(%arg12 : memref<64xi32, #tpu.memory_space<vmem>>)
          tpu.yield
        }) : () -> ()
        "tpu.region"() ({
          %run_scoped3A = tpu.sem_alloc : memref<!tpu.dma_semaphore, #tpu.memory_space<semaphore_mem>>
          %dma_start3A_184 = tpu.memref_slice %arg6[%add3A_174] : memref<344064xi32, #tpu.memory_space<hbm>> -> memref<64xi32, #tpu.memory_space<hbm>>
          %dma_start3A_185 = tpu.memref_slice %arg6[%add3A_174] : memref<344064xi32, #tpu.memory_space<hbm>> -> memref<64xi32, #tpu.memory_space<hbm>>
          tpu.enqueue_dma source(%dma_start3A_185 : memref<64xi32, #tpu.memory_space<hbm>>) target(%arg15 : memref<64xi32, #tpu.memory_space<vmem>>) target_semaphore(%run_scoped3A : memref<!tpu.dma_semaphore, #tpu.memory_space<semaphore_mem>>)
          %dma_wait3A_186 = tpu.memref_slice %arg6[%add3A_174] : memref<344064xi32, #tpu.memory_space<hbm>> -> memref<64xi32, #tpu.memory_space<hbm>>
          %dma_wait3A_187 = tpu.memref_slice %arg6[%add3A_174] : memref<344064xi32, #tpu.memory_space<hbm>> -> memref<64xi32, #tpu.memory_space<hbm>>
          tpu.wait_dma2 semaphore(%run_scoped3A : memref<!tpu.dma_semaphore, #tpu.memory_space<semaphore_mem>>) src(%dma_wait3A_187 : memref<64xi32, #tpu.memory_space<hbm>>) dst(%arg15 : memref<64xi32, #tpu.memory_space<vmem>>)
          tpu.yield
        }) : () -> ()
        %dma_start3A_175 = arith.constant 0 : i32
        %dma_start3A_176 = arith.constant 0 : i32
        %dma_start3A_177 = tpu.memref_slice %arg3[%dma_start3A_175, %dma_start3A_176] : memref<10240x16xf32, #tpu.memory_space<hbm>> -> memref<10240x16xf32, #tpu.memory_space<hbm>>
        tpu.enqueue_indirect_dma source(%dma_start3A_177 : memref<10240x16xf32, #tpu.memory_space<hbm>>) target(%arg18 : memref<64x16xf32, #tpu.memory_space<vmem>>) offsets(%arg12 : memref<64xi32, #tpu.memory_space<vmem>>) semaphore(%arg30 : memref<!tpu.dma_semaphore, #tpu.memory_space<semaphore_mem>>)
        %dma_start3A_178 = arith.constant 0 : i32
        %dma_start3A_179 = arith.constant 0 : i32
        %dma_start3A_180 = tpu.memref_slice %arg4[%dma_start3A_178, %dma_start3A_179] : memref<10240x16xf32, #tpu.memory_space<hbm>> -> memref<10240x16xf32, #tpu.memory_space<hbm>>
        tpu.enqueue_indirect_dma source(%dma_start3A_180 : memref<10240x16xf32, #tpu.memory_space<hbm>>) target(%arg21 : memref<64x16xf32, #tpu.memory_space<vmem>>) offsets(%arg15 : memref<64xi32, #tpu.memory_space<vmem>>) semaphore(%arg30 : memref<!tpu.dma_semaphore, #tpu.memory_space<semaphore_mem>>)
        %dma_start3A_181 = arith.constant 0 : i32
        %dma_start3A_182 = arith.constant 0 : i32
        %dma_start3A_183 = tpu.memref_slice %arg2[%dma_start3A_181, %dma_start3A_182] : memref<10240x128xf32, #tpu.memory_space<hbm>> -> memref<10240x128xf32, #tpu.memory_space<hbm>>
        tpu.enqueue_indirect_dma source(%dma_start3A_183 : memref<10240x128xf32, #tpu.memory_space<hbm>>) target(%arg24 : memref<64x128xf32, #tpu.memory_space<vmem>>) offsets(%arg12 : memref<64xi32, #tpu.memory_space<vmem>>) semaphore(%arg30 : memref<!tpu.dma_semaphore, #tpu.memory_space<semaphore_mem>>)
      } else {
      }
      %dma_wait3A_65 = arith.constant 0 : i32
      %dma_wait3A_66 = arith.constant 0 : i32
      %dma_wait3A_67 = tpu.memref_slice %arg3[%dma_wait3A_65, %dma_wait3A_66] : memref<10240x16xf32, #tpu.memory_space<hbm>> -> memref<10240x16xf32, #tpu.memory_space<hbm>>
      tpu.wait_indirect_dma semaphore(%arg29 : memref<!tpu.dma_semaphore, #tpu.memory_space<semaphore_mem>>) src(%dma_wait3A_67 : memref<10240x16xf32, #tpu.memory_space<hbm>>) dst(%arg17 : memref<64x16xf32, #tpu.memory_space<vmem>>)
      %dma_wait3A_68 = arith.constant 0 : i32
      %dma_wait3A_69 = arith.constant 0 : i32
      %dma_wait3A_70 = tpu.memref_slice %arg4[%dma_wait3A_68, %dma_wait3A_69] : memref<10240x16xf32, #tpu.memory_space<hbm>> -> memref<10240x16xf32, #tpu.memory_space<hbm>>
      tpu.wait_indirect_dma semaphore(%arg29 : memref<!tpu.dma_semaphore, #tpu.memory_space<semaphore_mem>>) src(%dma_wait3A_70 : memref<10240x16xf32, #tpu.memory_space<hbm>>) dst(%arg20 : memref<64x16xf32, #tpu.memory_space<vmem>>)
      %dma_wait3A_71 = arith.constant 0 : i32
      %dma_wait3A_72 = arith.constant 0 : i32
      %dma_wait3A_73 = tpu.memref_slice %arg2[%dma_wait3A_71, %dma_wait3A_72] : memref<10240x128xf32, #tpu.memory_space<hbm>> -> memref<10240x128xf32, #tpu.memory_space<hbm>>
      tpu.wait_indirect_dma semaphore(%arg29 : memref<!tpu.dma_semaphore, #tpu.memory_space<semaphore_mem>>) src(%dma_wait3A_73 : memref<10240x128xf32, #tpu.memory_space<hbm>>) dst(%arg23 : memref<64x128xf32, #tpu.memory_space<vmem>>)
      %scan3A_74 = arith.constant 0 : i32
      %scan3A_75 = arith.constant 0 : i32
      %scan3A_76 = arith.constant 64 : i32
      %scan3A_77 = arith.addi %scan3A_75, %scan3A_76 : i32
      %scan3A_78 = arith.constant 1 : i32
      scf.for %scan3A_170 = %scan3A_75 to %scan3A_77 step %scan3A_78  : i32 {
        %get3A = arith.index_cast %scan3A_170 : i32 to index
        %get3A_171 = arith.constant 0 : index
        %get3A_172 = tpu.vector_load %arg17[%get3A, %get3A_171] {strides = array<i32>} : memref<64x16xf32, #tpu.memory_space<vmem>>, vector<1x16xf32>,
        %get3A_173 = vector.shape_cast %get3A_172 : vector<1x16xf32> to vector<16xf32>
        %get3A_174 = arith.index_cast %scan3A_170 : i32 to index
        %get3A_175 = arith.constant 0 : index
        %get3A_176 = tpu.vector_load %arg20[%get3A_174, %get3A_175] {strides = array<i32>} : memref<64x16xf32, #tpu.memory_space<vmem>>, vector<1x16xf32>,
        %get3A_177 = vector.shape_cast %get3A_176 : vector<1x16xf32> to vector<16xf32>
        %add3A_178 = arith.addf %get3A_173, %get3A_177 : vector<16xf32>
        %mul3A_179 = arith.constant 2.000000e-01 : f32
        %mul3A_180 = vector.broadcast %mul3A_179 : f32 to vector<16xf32>
        %mul3A_181 = arith.mulf %mul3A_180, %add3A_178 : vector<16xf32>
        %max3A = arith.maximumf %add3A_178, %mul3A_181 : vector<16xf32>
        %exp3A = math.exp %max3A : vector<16xf32>
        %swap3A = arith.index_cast %scan3A_170 : i32 to index
        %swap3A_182 = arith.constant 0 : index
        %swap3A_183 = tpu.vector_load %arg26[%swap3A, %swap3A_182] {strides = array<i32>} : memref<64x16xf32, #tpu.memory_space<vmem>>, vector<1x16xf32>,
        %swap3A_184 = vector.shape_cast %swap3A_183 : vector<1x16xf32> to vector<16xf32>
        %swap3A_185 = vector.shape_cast %exp3A : vector<16xf32> to vector<1x16xf32>
        tpu.vector_store %arg26[%swap3A, %swap3A_182], %swap3A_185 {strides = array<i32>} : memref<64x16xf32, #tpu.memory_space<vmem>>, vector<1x16xf32>,
        %get3A_186 = arith.index_cast %scan3A_170 : i32 to index
        %get3A_187 = arith.constant 0 : index
        %get3A_188 = tpu.vector_load %arg23[%get3A_186, %get3A_187] {strides = array<i32>} : memref<64x128xf32, #tpu.memory_space<vmem>>, vector<1x16xf32>,
        %get3A_189 = vector.shape_cast %get3A_188 : vector<1x16xf32> to vector<16xf32>
        %slice3A = vector.extract_strided_slice %exp3A {offsets = [0], sizes = [1], strides = [1]} : vector<16xf32> to vector<1xf32>
        %squeeze3A = vector.extract %slice3A[0] : f32 from vector<1xf32>
        %mul3A_190 = vector.broadcast %squeeze3A : f32 to vector<16xf32>
        %mul3A_191 = arith.mulf %get3A_189, %mul3A_190 : vector<16xf32>
        %swap3A_192 = arith.index_cast %scan3A_170 : i32 to index
        %swap3A_193 = arith.constant 0 : index
        %swap3A_194 = tpu.vector_load %arg23[%swap3A_192, %swap3A_193] {strides = array<i32>} : memref<64x128xf32, #tpu.memory_space<vmem>>, vector<1x16xf32>,
        %swap3A_195 = vector.shape_cast %swap3A_194 : vector<1x16xf32> to vector<16xf32>
        %swap3A_196 = vector.shape_cast %mul3A_191 : vector<16xf32> to vector<1x16xf32>
        tpu.vector_store %arg23[%swap3A_192, %swap3A_193], %swap3A_196 {strides = array<i32>} : memref<64x128xf32, #tpu.memory_space<vmem>>, vector<1x16xf32>,
        %get3A_197 = arith.index_cast %scan3A_170 : i32 to index
        %get3A_198 = arith.constant 16 : index
        %get3A_199 = tpu.vector_load %arg23[%get3A_197, %get3A_198] {strides = array<i32>} : memref<64x128xf32, #tpu.memory_space<vmem>>, vector<1x16xf32>,
        %get3A_200 = vector.shape_cast %get3A_199 : vector<1x16xf32> to vector<16xf32>
        %slice3A_201 = vector.extract_strided_slice %exp3A {offsets = [1], sizes = [1], strides = [1]} : vector<16xf32> to vector<1xf32>
        %squeeze3A_202 = vector.extract %slice3A_201[0] : f32 from vector<1xf32>
        %mul3A_203 = vector.broadcast %squeeze3A_202 : f32 to vector<16xf32>
        %mul3A_204 = arith.mulf %get3A_200, %mul3A_203 : vector<16xf32>
        %swap3A_205 = arith.index_cast %scan3A_170 : i32 to index
        %swap3A_206 = arith.constant 16 : index
        %swap3A_207 = tpu.vector_load %arg23[%swap3A_205, %swap3A_206] {strides = array<i32>} : memref<64x128xf32, #tpu.memory_space<vmem>>, vector<1x16xf32>,
        %swap3A_208 = vector.shape_cast %swap3A_207 : vector<1x16xf32> to vector<16xf32>
        %swap3A_209 = vector.shape_cast %mul3A_204 : vector<16xf32> to vector<1x16xf32>
        tpu.vector_store %arg23[%swap3A_205, %swap3A_206], %swap3A_209 {strides = array<i32>} : memref<64x128xf32, #tpu.memory_space<vmem>>, vector<1x16xf32>,
        %get3A_210 = arith.index_cast %scan3A_170 : i32 to index
        %get3A_211 = arith.constant 32 : index
        %get3A_212 = tpu.vector_load %arg23[%get3A_210, %get3A_211] {strides = array<i32>} : memref<64x128xf32, #tpu.memory_space<vmem>>, vector<1x16xf32>,
        %get3A_213 = vector.shape_cast %get3A_212 : vector<1x16xf32> to vector<16xf32>
        %slice3A_214 = vector.extract_strided_slice %exp3A {offsets = [2], sizes = [1], strides = [1]} : vector<16xf32> to vector<1xf32>
        %squeeze3A_215 = vector.extract %slice3A_214[0] : f32 from vector<1xf32>
        %mul3A_216 = vector.broadcast %squeeze3A_215 : f32 to vector<16xf32>
        %mul3A_217 = arith.mulf %get3A_213, %mul3A_216 : vector<16xf32>
        %swap3A_218 = arith.index_cast %scan3A_170 : i32 to index
        %swap3A_219 = arith.constant 32 : index
        %swap3A_220 = tpu.vector_load %arg23[%swap3A_218, %swap3A_219] {strides = array<i32>} : memref<64x128xf32, #tpu.memory_space<vmem>>, vector<1x16xf32>,
        %swap3A_221 = vector.shape_cast %swap3A_220 : vector<1x16xf32> to vector<16xf32>
        %swap3A_222 = vector.shape_cast %mul3A_217 : vector<16xf32> to vector<1x16xf32>
        tpu.vector_store %arg23[%swap3A_218, %swap3A_219], %swap3A_222 {strides = array<i32>} : memref<64x128xf32, #tpu.memory_space<vmem>>, vector<1x16xf32>,
        %get3A_223 = arith.index_cast %scan3A_170 : i32 to index
        %get3A_224 = arith.constant 48 : index
        %get3A_225 = tpu.vector_load %arg23[%get3A_223, %get3A_224] {strides = array<i32>} : memref<64x128xf32, #tpu.memory_space<vmem>>, vector<1x16xf32>,
        %get3A_226 = vector.shape_cast %get3A_225 : vector<1x16xf32> to vector<16xf32>
        %slice3A_227 = vector.extract_strided_slice %exp3A {offsets = [3], sizes = [1], strides = [1]} : vector<16xf32> to vector<1xf32>
        %squeeze3A_228 = vector.extract %slice3A_227[0] : f32 from vector<1xf32>
        %mul3A_229 = vector.broadcast %squeeze3A_228 : f32 to vector<16xf32>
        %mul3A_230 = arith.mulf %get3A_226, %mul3A_229 : vector<16xf32>
        %swap3A_231 = arith.index_cast %scan3A_170 : i32 to index
        %swap3A_232 = arith.constant 48 : index
        %swap3A_233 = tpu.vector_load %arg23[%swap3A_231, %swap3A_232] {strides = array<i32>} : memref<64x128xf32, #tpu.memory_space<vmem>>, vector<1x16xf32>,
        %swap3A_234 = vector.shape_cast %swap3A_233 : vector<1x16xf32> to vector<16xf32>
        %swap3A_235 = vector.shape_cast %mul3A_230 : vector<16xf32> to vector<1x16xf32>
        tpu.vector_store %arg23[%swap3A_231, %swap3A_232], %swap3A_235 {strides = array<i32>} : memref<64x128xf32, #tpu.memory_space<vmem>>, vector<1x16xf32>,
        %get3A_236 = arith.index_cast %scan3A_170 : i32 to index
        %get3A_237 = arith.constant 64 : index
        %get3A_238 = tpu.vector_load %arg23[%get3A_236, %get3A_237] {strides = array<i32>} : memref<64x128xf32, #tpu.memory_space<vmem>>, vector<1x16xf32>,
        %get3A_239 = vector.shape_cast %get3A_238 : vector<1x16xf32> to vector<16xf32>
        %slice3A_240 = vector.extract_strided_slice %exp3A {offsets = [4], sizes = [1], strides = [1]} : vector<16xf32> to vector<1xf32>
        %squeeze3A_241 = vector.extract %slice3A_240[0] : f32 from vector<1xf32>
        %mul3A_242 = vector.broadcast %squeeze3A_241 : f32 to vector<16xf32>
        %mul3A_243 = arith.mulf %get3A_239, %mul3A_242 : vector<16xf32>
        %swap3A_244 = arith.index_cast %scan3A_170 : i32 to index
        %swap3A_245 = arith.constant 64 : index
        %swap3A_246 = tpu.vector_load %arg23[%swap3A_244, %swap3A_245] {strides = array<i32>} : memref<64x128xf32, #tpu.memory_space<vmem>>, vector<1x16xf32>,
        %swap3A_247 = vector.shape_cast %swap3A_246 : vector<1x16xf32> to vector<16xf32>
        %swap3A_248 = vector.shape_cast %mul3A_243 : vector<16xf32> to vector<1x16xf32>
        tpu.vector_store %arg23[%swap3A_244, %swap3A_245], %swap3A_248 {strides = array<i32>} : memref<64x128xf32, #tpu.memory_space<vmem>>, vector<1x16xf32>,
        %get3A_249 = arith.index_cast %scan3A_170 : i32 to index
        %get3A_250 = arith.constant 80 : index
        %get3A_251 = tpu.vector_load %arg23[%get3A_249, %get3A_250] {strides = array<i32>} : memref<64x128xf32, #tpu.memory_space<vmem>>, vector<1x16xf32>,
        %get3A_252 = vector.shape_cast %get3A_251 : vector<1x16xf32> to vector<16xf32>
        %slice3A_253 = vector.extract_strided_slice %exp3A {offsets = [5], sizes = [1], strides = [1]} : vector<16xf32> to vector<1xf32>
        %squeeze3A_254 = vector.extract %slice3A_253[0] : f32 from vector<1xf32>
        %mul3A_255 = vector.broadcast %squeeze3A_254 : f32 to vector<16xf32>
        %mul3A_256 = arith.mulf %get3A_252, %mul3A_255 : vector<16xf32>
        %swap3A_257 = arith.index_cast %scan3A_170 : i32 to index
        %swap3A_258 = arith.constant 80 : index
        %swap3A_259 = tpu.vector_load %arg23[%swap3A_257, %swap3A_258] {strides = array<i32>} : memref<64x128xf32, #tpu.memory_space<vmem>>, vector<1x16xf32>,
        %swap3A_260 = vector.shape_cast %swap3A_259 : vector<1x16xf32> to vector<16xf32>
        %swap3A_261 = vector.shape_cast %mul3A_256 : vector<16xf32> to vector<1x16xf32>
        tpu.vector_store %arg23[%swap3A_257, %swap3A_258], %swap3A_261 {strides = array<i32>} : memref<64x128xf32, #tpu.memory_space<vmem>>, vector<1x16xf32>,
        %get3A_262 = arith.index_cast %scan3A_170 : i32 to index
        %get3A_263 = arith.constant 96 : index
        %get3A_264 = tpu.vector_load %arg23[%get3A_262, %get3A_263] {strides = array<i32>} : memref<64x128xf32, #tpu.memory_space<vmem>>, vector<1x16xf32>,
        %get3A_265 = vector.shape_cast %get3A_264 : vector<1x16xf32> to vector<16xf32>
        %slice3A_266 = vector.extract_strided_slice %exp3A {offsets = [6], sizes = [1], strides = [1]} : vector<16xf32> to vector<1xf32>
        %squeeze3A_267 = vector.extract %slice3A_266[0] : f32 from vector<1xf32>
        %mul3A_268 = vector.broadcast %squeeze3A_267 : f32 to vector<16xf32>
        %mul3A_269 = arith.mulf %get3A_265, %mul3A_268 : vector<16xf32>
        %swap3A_270 = arith.index_cast %scan3A_170 : i32 to index
        %swap3A_271 = arith.constant 96 : index
        %swap3A_272 = tpu.vector_load %arg23[%swap3A_270, %swap3A_271] {strides = array<i32>} : memref<64x128xf32, #tpu.memory_space<vmem>>, vector<1x16xf32>,
        %swap3A_273 = vector.shape_cast %swap3A_272 : vector<1x16xf32> to vector<16xf32>
        %swap3A_274 = vector.shape_cast %mul3A_269 : vector<16xf32> to vector<1x16xf32>
        tpu.vector_store %arg23[%swap3A_270, %swap3A_271], %swap3A_274 {strides = array<i32>} : memref<64x128xf32, #tpu.memory_space<vmem>>, vector<1x16xf32>,
        %get3A_275 = arith.index_cast %scan3A_170 : i32 to index
        %get3A_276 = arith.constant 112 : index
        %get3A_277 = tpu.vector_load %arg23[%get3A_275, %get3A_276] {strides = array<i32>} : memref<64x128xf32, #tpu.memory_space<vmem>>, vector<1x16xf32>,
        %get3A_278 = vector.shape_cast %get3A_277 : vector<1x16xf32> to vector<16xf32>
        %slice3A_279 = vector.extract_strided_slice %exp3A {offsets = [7], sizes = [1], strides = [1]} : vector<16xf32> to vector<1xf32>
        %squeeze3A_280 = vector.extract %slice3A_279[0] : f32 from vector<1xf32>
        %mul3A_281 = vector.broadcast %squeeze3A_280 : f32 to vector<16xf32>
        %mul3A_282 = arith.mulf %get3A_278, %mul3A_281 : vector<16xf32>
        %swap3A_283 = arith.index_cast %scan3A_170 : i32 to index
        %swap3A_284 = arith.constant 112 : index
        %swap3A_285 = tpu.vector_load %arg23[%swap3A_283, %swap3A_284] {strides = array<i32>} : memref<64x128xf32, #tpu.memory_space<vmem>>, vector<1x16xf32>,
        %swap3A_286 = vector.shape_cast %swap3A_285 : vector<1x16xf32> to vector<16xf32>
        %swap3A_287 = vector.shape_cast %mul3A_282 : vector<16xf32> to vector<1x16xf32>
        tpu.vector_store %arg23[%swap3A_283, %swap3A_284], %swap3A_287 {strides = array<i32>} : memref<64x128xf32, #tpu.memory_space<vmem>>, vector<1x16xf32>,
      }
      %scan3A_79 = arith.constant 64 : i32
      %dma_start3A_80 = arith.constant 0 : i32
      %dma_start3A_81 = arith.constant 0 : i32
      %dma_start3A_82 = tpu.memref_slice %arg36[%dma_start3A_80, %dma_start3A_81] : memref<10240x16xf32, #tpu.memory_space<vmem_shared>> -> memref<10240x16xf32, #tpu.memory_space<vmem_shared>>
      tpu.enqueue_indirect_dma source(%arg26 : memref<64x16xf32, #tpu.memory_space<vmem>>) target(%dma_start3A_82 : memref<10240x16xf32, #tpu.memory_space<vmem_shared>>) offsets(%arg14 : memref<64xi32, #tpu.memory_space<vmem>>) semaphore(%arg32 : memref<!tpu.dma_semaphore, #tpu.memory_space<semaphore_mem>>) {add = true}
      %dma_start3A_83 = arith.constant 0 : i32
      %dma_start3A_84 = arith.constant 0 : i32
      %dma_start3A_85 = tpu.memref_slice %arg35[%dma_start3A_83, %dma_start3A_84] : memref<10240x128xf32, #tpu.memory_space<vmem_shared>> -> memref<10240x128xf32, #tpu.memory_space<vmem_shared>>
      tpu.enqueue_indirect_dma source(%arg23 : memref<64x128xf32, #tpu.memory_space<vmem>>) target(%dma_start3A_85 : memref<10240x128xf32, #tpu.memory_space<vmem_shared>>) offsets(%arg14 : memref<64xi32, #tpu.memory_space<vmem>>) semaphore(%arg32 : memref<!tpu.dma_semaphore, #tpu.memory_space<semaphore_mem>>) {add = true}
      %mul3A_86 = arith.constant 3 : i32
      %mul3A_87 = arith.muli %scan3A_48, %mul3A_86 : i32
      %add3A_88 = arith.constant 1 : i32
      %add3A_89 = arith.addi %mul3A_87, %add3A_88 : i32
      %add3A_90 = arith.constant 1 : i32
      %add3A_91 = arith.addi %add3A_89, %add3A_90 : i32
      %lt3A_92 = arith.constant 168 : i32
      %lt3A_93 = arith.cmpi slt, %add3A_91, %lt3A_92 : i32
      %ge3A_94 = arith.constant 2 : i32
      %ge3A_95 = arith.cmpi sge, %add3A_89, %ge3A_94 : i32
      %and3A_96 = arith.andi %lt3A_93, %ge3A_95 : i1
      %convert_element_type3A_97 = arith.extui %and3A_96 : i1 to i32
      %cond3A_98 = arith.constant 0 : i32
      %cond3A_99 = arith.cmpi ne, %convert_element_type3A_97, %cond3A_98 : i32
      scf.if %cond3A_99 {
        %dma_wait3A_170 = arith.constant 0 : i32
        %dma_wait3A_171 = arith.constant 0 : i32
        %dma_wait3A_172 = tpu.memref_slice %arg36[%dma_wait3A_170, %dma_wait3A_171] : memref<10240x16xf32, #tpu.memory_space<vmem_shared>> -> memref<10240x16xf32, #tpu.memory_space<vmem_shared>>
        tpu.wait_indirect_dma semaphore(%arg34 : memref<!tpu.dma_semaphore, #tpu.memory_space<semaphore_mem>>) src(%arg28 : memref<64x16xf32, #tpu.memory_space<vmem>>) dst(%dma_wait3A_172 : memref<10240x16xf32, #tpu.memory_space<vmem_shared>>)
        %dma_wait3A_173 = arith.constant 0 : i32
        %dma_wait3A_174 = arith.constant 0 : i32
        %dma_wait3A_175 = tpu.memref_slice %arg35[%dma_wait3A_173, %dma_wait3A_174] : memref<10240x128xf32, #tpu.memory_space<vmem_shared>> -> memref<10240x128xf32, #tpu.memory_space<vmem_shared>>
        tpu.wait_indirect_dma semaphore(%arg34 : memref<!tpu.dma_semaphore, #tpu.memory_space<semaphore_mem>>) src(%arg25 : memref<64x128xf32, #tpu.memory_space<vmem>>) dst(%dma_wait3A_175 : memref<10240x128xf32, #tpu.memory_space<vmem_shared>>)
      } else {
      }
      %add3A_100 = arith.constant 1 : i32
      %add3A_101 = arith.addi %add3A_89, %add3A_100 : i32
      %lt3A_102 = arith.constant 168 : i32
      %lt3A_103 = arith.cmpi slt, %add3A_101, %lt3A_102 : i32
      %convert_element_type3A_104 = arith.extui %lt3A_103 : i1 to i32
      %cond3A_105 = arith.constant 0 : i32
      %cond3A_106 = arith.cmpi ne, %convert_element_type3A_104, %cond3A_105 : i32
      scf.if %cond3A_106 {
        %add3A_170 = arith.constant 1 : i32
        %add3A_171 = arith.addi %add3A_89, %add3A_170 : i32
        %mul3A_172 = arith.constant 64 : i32
        %mul3A_173 = arith.muli %add3A_171, %mul3A_172 : i32
        %add3A_174 = arith.addi %add3A, %mul3A_173 : i32
        "tpu.region"() ({
          %run_scoped3A = tpu.sem_alloc : memref<!tpu.dma_semaphore, #tpu.memory_space<semaphore_mem>>
          %dma_start3A_184 = tpu.memref_slice %arg5[%add3A_174] : memref<344064xi32, #tpu.memory_space<hbm>> -> memref<64xi32, #tpu.memory_space<hbm>>
          %dma_start3A_185 = tpu.memref_slice %arg5[%add3A_174] : memref<344064xi32, #tpu.memory_space<hbm>> -> memref<64xi32, #tpu.memory_space<hbm>>
          tpu.enqueue_dma source(%dma_start3A_185 : memref<64xi32, #tpu.memory_space<hbm>>) target(%arg13 : memref<64xi32, #tpu.memory_space<vmem>>) target_semaphore(%run_scoped3A : memref<!tpu.dma_semaphore, #tpu.memory_space<semaphore_mem>>)
          %dma_wait3A_186 = tpu.memref_slice %arg5[%add3A_174] : memref<344064xi32, #tpu.memory_space<hbm>> -> memref<64xi32, #tpu.memory_space<hbm>>
          %dma_wait3A_187 = tpu.memref_slice %arg5[%add3A_174] : memref<344064xi32, #tpu.memory_space<hbm>> -> memref<64xi32, #tpu.memory_space<hbm>>
          tpu.wait_dma2 semaphore(%run_scoped3A : memref<!tpu.dma_semaphore, #tpu.memory_space<semaphore_mem>>) src(%dma_wait3A_187 : memref<64xi32, #tpu.memory_space<hbm>>) dst(%arg13 : memref<64xi32, #tpu.memory_space<vmem>>)
          tpu.yield
        }) : () -> ()
        "tpu.region"() ({
          %run_scoped3A = tpu.sem_alloc : memref<!tpu.dma_semaphore, #tpu.memory_space<semaphore_mem>>
          %dma_start3A_184 = tpu.memref_slice %arg6[%add3A_174] : memref<344064xi32, #tpu.memory_space<hbm>> -> memref<64xi32, #tpu.memory_space<hbm>>
          %dma_start3A_185 = tpu.memref_slice %arg6[%add3A_174] : memref<344064xi32, #tpu.memory_space<hbm>> -> memref<64xi32, #tpu.memory_space<hbm>>
          tpu.enqueue_dma source(%dma_start3A_185 : memref<64xi32, #tpu.memory_space<hbm>>) target(%arg16 : memref<64xi32, #tpu.memory_space<vmem>>) target_semaphore(%run_scoped3A : memref<!tpu.dma_semaphore, #tpu.memory_space<semaphore_mem>>)
          %dma_wait3A_186 = tpu.memref_slice %arg6[%add3A_174] : memref<344064xi32, #tpu.memory_space<hbm>> -> memref<64xi32, #tpu.memory_space<hbm>>
          %dma_wait3A_187 = tpu.memref_slice %arg6[%add3A_174] : memref<344064xi32, #tpu.memory_space<hbm>> -> memref<64xi32, #tpu.memory_space<hbm>>
          tpu.wait_dma2 semaphore(%run_scoped3A : memref<!tpu.dma_semaphore, #tpu.memory_space<semaphore_mem>>) src(%dma_wait3A_187 : memref<64xi32, #tpu.memory_space<hbm>>) dst(%arg16 : memref<64xi32, #tpu.memory_space<vmem>>)
          tpu.yield
        }) : () -> ()
        %dma_start3A_175 = arith.constant 0 : i32
        %dma_start3A_176 = arith.constant 0 : i32
        %dma_start3A_177 = tpu.memref_slice %arg3[%dma_start3A_175, %dma_start3A_176] : memref<10240x16xf32, #tpu.memory_space<hbm>> -> memref<10240x16xf32, #tpu.memory_space<hbm>>
        tpu.enqueue_indirect_dma source(%dma_start3A_177 : memref<10240x16xf32, #tpu.memory_space<hbm>>) target(%arg19 : memref<64x16xf32, #tpu.memory_space<vmem>>) offsets(%arg13 : memref<64xi32, #tpu.memory_space<vmem>>) semaphore(%arg31 : memref<!tpu.dma_semaphore, #tpu.memory_space<semaphore_mem>>)
        %dma_start3A_178 = arith.constant 0 : i32
        %dma_start3A_179 = arith.constant 0 : i32
        %dma_start3A_180 = tpu.memref_slice %arg4[%dma_start3A_178, %dma_start3A_179] : memref<10240x16xf32, #tpu.memory_space<hbm>> -> memref<10240x16xf32, #tpu.memory_space<hbm>>
        tpu.enqueue_indirect_dma source(%dma_start3A_180 : memref<10240x16xf32, #tpu.memory_space<hbm>>) target(%arg22 : memref<64x16xf32, #tpu.memory_space<vmem>>) offsets(%arg16 : memref<64xi32, #tpu.memory_space<vmem>>) semaphore(%arg31 : memref<!tpu.dma_semaphore, #tpu.memory_space<semaphore_mem>>)
        %dma_start3A_181 = arith.constant 0 : i32
        %dma_start3A_182 = arith.constant 0 : i32
        %dma_start3A_183 = tpu.memref_slice %arg2[%dma_start3A_181, %dma_start3A_182] : memref<10240x128xf32, #tpu.memory_space<hbm>> -> memref<10240x128xf32, #tpu.memory_space<hbm>>
        tpu.enqueue_indirect_dma source(%dma_start3A_183 : memref<10240x128xf32, #tpu.memory_space<hbm>>) target(%arg25 : memref<64x128xf32, #tpu.memory_space<vmem>>) offsets(%arg13 : memref<64xi32, #tpu.memory_space<vmem>>) semaphore(%arg31 : memref<!tpu.dma_semaphore, #tpu.memory_space<semaphore_mem>>)
      } else {
      }
      %dma_wait3A_107 = arith.constant 0 : i32
      %dma_wait3A_108 = arith.constant 0 : i32
      %dma_wait3A_109 = tpu.memref_slice %arg3[%dma_wait3A_107, %dma_wait3A_108] : memref<10240x16xf32, #tpu.memory_space<hbm>> -> memref<10240x16xf32, #tpu.memory_space<hbm>>
      tpu.wait_indirect_dma semaphore(%arg30 : memref<!tpu.dma_semaphore, #tpu.memory_space<semaphore_mem>>) src(%dma_wait3A_109 : memref<10240x16xf32, #tpu.memory_space<hbm>>) dst(%arg18 : memref<64x16xf32, #tpu.memory_space<vmem>>)
      %dma_wait3A_110 = arith.constant 0 : i32
      %dma_wait3A_111 = arith.constant 0 : i32
      %dma_wait3A_112 = tpu.memref_slice %arg4[%dma_wait3A_110, %dma_wait3A_111] : memref<10240x16xf32, #tpu.memory_space<hbm>> -> memref<10240x16xf32, #tpu.memory_space<hbm>>
      tpu.wait_indirect_dma semaphore(%arg30 : memref<!tpu.dma_semaphore, #tpu.memory_space<semaphore_mem>>) src(%dma_wait3A_112 : memref<10240x16xf32, #tpu.memory_space<hbm>>) dst(%arg21 : memref<64x16xf32, #tpu.memory_space<vmem>>)
      %dma_wait3A_113 = arith.constant 0 : i32
      %dma_wait3A_114 = arith.constant 0 : i32
      %dma_wait3A_115 = tpu.memref_slice %arg2[%dma_wait3A_113, %dma_wait3A_114] : memref<10240x128xf32, #tpu.memory_space<hbm>> -> memref<10240x128xf32, #tpu.memory_space<hbm>>
      tpu.wait_indirect_dma semaphore(%arg30 : memref<!tpu.dma_semaphore, #tpu.memory_space<semaphore_mem>>) src(%dma_wait3A_115 : memref<10240x128xf32, #tpu.memory_space<hbm>>) dst(%arg24 : memref<64x128xf32, #tpu.memory_space<vmem>>)
      %scan3A_116 = arith.constant 0 : i32
      %scan3A_117 = arith.constant 0 : i32
      %scan3A_118 = arith.constant 64 : i32
      %scan3A_119 = arith.addi %scan3A_117, %scan3A_118 : i32
      %scan3A_120 = arith.constant 1 : i32
      scf.for %scan3A_170 = %scan3A_117 to %scan3A_119 step %scan3A_120  : i32 {
        %get3A = arith.index_cast %scan3A_170 : i32 to index
        %get3A_171 = arith.constant 0 : index
        %get3A_172 = tpu.vector_load %arg18[%get3A, %get3A_171] {strides = array<i32>} : memref<64x16xf32, #tpu.memory_space<vmem>>, vector<1x16xf32>,
        %get3A_173 = vector.shape_cast %get3A_172 : vector<1x16xf32> to vector<16xf32>
        %get3A_174 = arith.index_cast %scan3A_170 : i32 to index
        %get3A_175 = arith.constant 0 : index
        %get3A_176 = tpu.vector_load %arg21[%get3A_174, %get3A_175] {strides = array<i32>} : memref<64x16xf32, #tpu.memory_space<vmem>>, vector<1x16xf32>,
        %get3A_177 = vector.shape_cast %get3A_176 : vector<1x16xf32> to vector<16xf32>
        %add3A_178 = arith.addf %get3A_173, %get3A_177 : vector<16xf32>
        %mul3A_179 = arith.constant 2.000000e-01 : f32
        %mul3A_180 = vector.broadcast %mul3A_179 : f32 to vector<16xf32>
        %mul3A_181 = arith.mulf %mul3A_180, %add3A_178 : vector<16xf32>
        %max3A = arith.maximumf %add3A_178, %mul3A_181 : vector<16xf32>
        %exp3A = math.exp %max3A : vector<16xf32>
        %swap3A = arith.index_cast %scan3A_170 : i32 to index
        %swap3A_182 = arith.constant 0 : index
        %swap3A_183 = tpu.vector_load %arg27[%swap3A, %swap3A_182] {strides = array<i32>} : memref<64x16xf32, #tpu.memory_space<vmem>>, vector<1x16xf32>,
        %swap3A_184 = vector.shape_cast %swap3A_183 : vector<1x16xf32> to vector<16xf32>
        %swap3A_185 = vector.shape_cast %exp3A : vector<16xf32> to vector<1x16xf32>
        tpu.vector_store %arg27[%swap3A, %swap3A_182], %swap3A_185 {strides = array<i32>} : memref<64x16xf32, #tpu.memory_space<vmem>>, vector<1x16xf32>,
        %get3A_186 = arith.index_cast %scan3A_170 : i32 to index
        %get3A_187 = arith.constant 0 : index
        %get3A_188 = tpu.vector_load %arg24[%get3A_186, %get3A_187] {strides = array<i32>} : memref<64x128xf32, #tpu.memory_space<vmem>>, vector<1x16xf32>,
        %get3A_189 = vector.shape_cast %get3A_188 : vector<1x16xf32> to vector<16xf32>
        %slice3A = vector.extract_strided_slice %exp3A {offsets = [0], sizes = [1], strides = [1]} : vector<16xf32> to vector<1xf32>
        %squeeze3A = vector.extract %slice3A[0] : f32 from vector<1xf32>
        %mul3A_190 = vector.broadcast %squeeze3A : f32 to vector<16xf32>
        %mul3A_191 = arith.mulf %get3A_189, %mul3A_190 : vector<16xf32>
        %swap3A_192 = arith.index_cast %scan3A_170 : i32 to index
        %swap3A_193 = arith.constant 0 : index
        %swap3A_194 = tpu.vector_load %arg24[%swap3A_192, %swap3A_193] {strides = array<i32>} : memref<64x128xf32, #tpu.memory_space<vmem>>, vector<1x16xf32>,
        %swap3A_195 = vector.shape_cast %swap3A_194 : vector<1x16xf32> to vector<16xf32>
        %swap3A_196 = vector.shape_cast %mul3A_191 : vector<16xf32> to vector<1x16xf32>
        tpu.vector_store %arg24[%swap3A_192, %swap3A_193], %swap3A_196 {strides = array<i32>} : memref<64x128xf32, #tpu.memory_space<vmem>>, vector<1x16xf32>,
        %get3A_197 = arith.index_cast %scan3A_170 : i32 to index
        %get3A_198 = arith.constant 16 : index
        %get3A_199 = tpu.vector_load %arg24[%get3A_197, %get3A_198] {strides = array<i32>} : memref<64x128xf32, #tpu.memory_space<vmem>>, vector<1x16xf32>,
        %get3A_200 = vector.shape_cast %get3A_199 : vector<1x16xf32> to vector<16xf32>
        %slice3A_201 = vector.extract_strided_slice %exp3A {offsets = [1], sizes = [1], strides = [1]} : vector<16xf32> to vector<1xf32>
        %squeeze3A_202 = vector.extract %slice3A_201[0] : f32 from vector<1xf32>
        %mul3A_203 = vector.broadcast %squeeze3A_202 : f32 to vector<16xf32>
        %mul3A_204 = arith.mulf %get3A_200, %mul3A_203 : vector<16xf32>
        %swap3A_205 = arith.index_cast %scan3A_170 : i32 to index
        %swap3A_206 = arith.constant 16 : index
        %swap3A_207 = tpu.vector_load %arg24[%swap3A_205, %swap3A_206] {strides = array<i32>} : memref<64x128xf32, #tpu.memory_space<vmem>>, vector<1x16xf32>,
        %swap3A_208 = vector.shape_cast %swap3A_207 : vector<1x16xf32> to vector<16xf32>
        %swap3A_209 = vector.shape_cast %mul3A_204 : vector<16xf32> to vector<1x16xf32>
        tpu.vector_store %arg24[%swap3A_205, %swap3A_206], %swap3A_209 {strides = array<i32>} : memref<64x128xf32, #tpu.memory_space<vmem>>, vector<1x16xf32>,
        %get3A_210 = arith.index_cast %scan3A_170 : i32 to index
        %get3A_211 = arith.constant 32 : index
        %get3A_212 = tpu.vector_load %arg24[%get3A_210, %get3A_211] {strides = array<i32>} : memref<64x128xf32, #tpu.memory_space<vmem>>, vector<1x16xf32>,
        %get3A_213 = vector.shape_cast %get3A_212 : vector<1x16xf32> to vector<16xf32>
        %slice3A_214 = vector.extract_strided_slice %exp3A {offsets = [2], sizes = [1], strides = [1]} : vector<16xf32> to vector<1xf32>
        %squeeze3A_215 = vector.extract %slice3A_214[0] : f32 from vector<1xf32>
        %mul3A_216 = vector.broadcast %squeeze3A_215 : f32 to vector<16xf32>
        %mul3A_217 = arith.mulf %get3A_213, %mul3A_216 : vector<16xf32>
        %swap3A_218 = arith.index_cast %scan3A_170 : i32 to index
        %swap3A_219 = arith.constant 32 : index
        %swap3A_220 = tpu.vector_load %arg24[%swap3A_218, %swap3A_219] {strides = array<i32>} : memref<64x128xf32, #tpu.memory_space<vmem>>, vector<1x16xf32>,
        %swap3A_221 = vector.shape_cast %swap3A_220 : vector<1x16xf32> to vector<16xf32>
        %swap3A_222 = vector.shape_cast %mul3A_217 : vector<16xf32> to vector<1x16xf32>
        tpu.vector_store %arg24[%swap3A_218, %swap3A_219], %swap3A_222 {strides = array<i32>} : memref<64x128xf32, #tpu.memory_space<vmem>>, vector<1x16xf32>,
        %get3A_223 = arith.index_cast %scan3A_170 : i32 to index
        %get3A_224 = arith.constant 48 : index
        %get3A_225 = tpu.vector_load %arg24[%get3A_223, %get3A_224] {strides = array<i32>} : memref<64x128xf32, #tpu.memory_space<vmem>>, vector<1x16xf32>,
        %get3A_226 = vector.shape_cast %get3A_225 : vector<1x16xf32> to vector<16xf32>
        %slice3A_227 = vector.extract_strided_slice %exp3A {offsets = [3], sizes = [1], strides = [1]} : vector<16xf32> to vector<1xf32>
        %squeeze3A_228 = vector.extract %slice3A_227[0] : f32 from vector<1xf32>
        %mul3A_229 = vector.broadcast %squeeze3A_228 : f32 to vector<16xf32>
        %mul3A_230 = arith.mulf %get3A_226, %mul3A_229 : vector<16xf32>
        %swap3A_231 = arith.index_cast %scan3A_170 : i32 to index
        %swap3A_232 = arith.constant 48 : index
        %swap3A_233 = tpu.vector_load %arg24[%swap3A_231, %swap3A_232] {strides = array<i32>} : memref<64x128xf32, #tpu.memory_space<vmem>>, vector<1x16xf32>,
        %swap3A_234 = vector.shape_cast %swap3A_233 : vector<1x16xf32> to vector<16xf32>
        %swap3A_235 = vector.shape_cast %mul3A_230 : vector<16xf32> to vector<1x16xf32>
        tpu.vector_store %arg24[%swap3A_231, %swap3A_232], %swap3A_235 {strides = array<i32>} : memref<64x128xf32, #tpu.memory_space<vmem>>, vector<1x16xf32>,
        %get3A_236 = arith.index_cast %scan3A_170 : i32 to index
        %get3A_237 = arith.constant 64 : index
        %get3A_238 = tpu.vector_load %arg24[%get3A_236, %get3A_237] {strides = array<i32>} : memref<64x128xf32, #tpu.memory_space<vmem>>, vector<1x16xf32>,
        %get3A_239 = vector.shape_cast %get3A_238 : vector<1x16xf32> to vector<16xf32>
        %slice3A_240 = vector.extract_strided_slice %exp3A {offsets = [4], sizes = [1], strides = [1]} : vector<16xf32> to vector<1xf32>
        %squeeze3A_241 = vector.extract %slice3A_240[0] : f32 from vector<1xf32>
        %mul3A_242 = vector.broadcast %squeeze3A_241 : f32 to vector<16xf32>
        %mul3A_243 = arith.mulf %get3A_239, %mul3A_242 : vector<16xf32>
        %swap3A_244 = arith.index_cast %scan3A_170 : i32 to index
        %swap3A_245 = arith.constant 64 : index
        %swap3A_246 = tpu.vector_load %arg24[%swap3A_244, %swap3A_245] {strides = array<i32>} : memref<64x128xf32, #tpu.memory_space<vmem>>, vector<1x16xf32>,
        %swap3A_247 = vector.shape_cast %swap3A_246 : vector<1x16xf32> to vector<16xf32>
        %swap3A_248 = vector.shape_cast %mul3A_243 : vector<16xf32> to vector<1x16xf32>
        tpu.vector_store %arg24[%swap3A_244, %swap3A_245], %swap3A_248 {strides = array<i32>} : memref<64x128xf32, #tpu.memory_space<vmem>>, vector<1x16xf32>,
        %get3A_249 = arith.index_cast %scan3A_170 : i32 to index
        %get3A_250 = arith.constant 80 : index
        %get3A_251 = tpu.vector_load %arg24[%get3A_249, %get3A_250] {strides = array<i32>} : memref<64x128xf32, #tpu.memory_space<vmem>>, vector<1x16xf32>,
        %get3A_252 = vector.shape_cast %get3A_251 : vector<1x16xf32> to vector<16xf32>
        %slice3A_253 = vector.extract_strided_slice %exp3A {offsets = [5], sizes = [1], strides = [1]} : vector<16xf32> to vector<1xf32>
        %squeeze3A_254 = vector.extract %slice3A_253[0] : f32 from vector<1xf32>
        %mul3A_255 = vector.broadcast %squeeze3A_254 : f32 to vector<16xf32>
        %mul3A_256 = arith.mulf %get3A_252, %mul3A_255 : vector<16xf32>
        %swap3A_257 = arith.index_cast %scan3A_170 : i32 to index
        %swap3A_258 = arith.constant 80 : index
        %swap3A_259 = tpu.vector_load %arg24[%swap3A_257, %swap3A_258] {strides = array<i32>} : memref<64x128xf32, #tpu.memory_space<vmem>>, vector<1x16xf32>,
        %swap3A_260 = vector.shape_cast %swap3A_259 : vector<1x16xf32> to vector<16xf32>
        %swap3A_261 = vector.shape_cast %mul3A_256 : vector<16xf32> to vector<1x16xf32>
        tpu.vector_store %arg24[%swap3A_257, %swap3A_258], %swap3A_261 {strides = array<i32>} : memref<64x128xf32, #tpu.memory_space<vmem>>, vector<1x16xf32>,
        %get3A_262 = arith.index_cast %scan3A_170 : i32 to index
        %get3A_263 = arith.constant 96 : index
        %get3A_264 = tpu.vector_load %arg24[%get3A_262, %get3A_263] {strides = array<i32>} : memref<64x128xf32, #tpu.memory_space<vmem>>, vector<1x16xf32>,
        %get3A_265 = vector.shape_cast %get3A_264 : vector<1x16xf32> to vector<16xf32>
        %slice3A_266 = vector.extract_strided_slice %exp3A {offsets = [6], sizes = [1], strides = [1]} : vector<16xf32> to vector<1xf32>
        %squeeze3A_267 = vector.extract %slice3A_266[0] : f32 from vector<1xf32>
        %mul3A_268 = vector.broadcast %squeeze3A_267 : f32 to vector<16xf32>
        %mul3A_269 = arith.mulf %get3A_265, %mul3A_268 : vector<16xf32>
        %swap3A_270 = arith.index_cast %scan3A_170 : i32 to index
        %swap3A_271 = arith.constant 96 : index
        %swap3A_272 = tpu.vector_load %arg24[%swap3A_270, %swap3A_271] {strides = array<i32>} : memref<64x128xf32, #tpu.memory_space<vmem>>, vector<1x16xf32>,
        %swap3A_273 = vector.shape_cast %swap3A_272 : vector<1x16xf32> to vector<16xf32>
        %swap3A_274 = vector.shape_cast %mul3A_269 : vector<16xf32> to vector<1x16xf32>
        tpu.vector_store %arg24[%swap3A_270, %swap3A_271], %swap3A_274 {strides = array<i32>} : memref<64x128xf32, #tpu.memory_space<vmem>>, vector<1x16xf32>,
        %get3A_275 = arith.index_cast %scan3A_170 : i32 to index
        %get3A_276 = arith.constant 112 : index
        %get3A_277 = tpu.vector_load %arg24[%get3A_275, %get3A_276] {strides = array<i32>} : memref<64x128xf32, #tpu.memory_space<vmem>>, vector<1x16xf32>,
        %get3A_278 = vector.shape_cast %get3A_277 : vector<1x16xf32> to vector<16xf32>
        %slice3A_279 = vector.extract_strided_slice %exp3A {offsets = [7], sizes = [1], strides = [1]} : vector<16xf32> to vector<1xf32>
        %squeeze3A_280 = vector.extract %slice3A_279[0] : f32 from vector<1xf32>
        %mul3A_281 = vector.broadcast %squeeze3A_280 : f32 to vector<16xf32>
        %mul3A_282 = arith.mulf %get3A_278, %mul3A_281 : vector<16xf32>
        %swap3A_283 = arith.index_cast %scan3A_170 : i32 to index
        %swap3A_284 = arith.constant 112 : index
        %swap3A_285 = tpu.vector_load %arg24[%swap3A_283, %swap3A_284] {strides = array<i32>} : memref<64x128xf32, #tpu.memory_space<vmem>>, vector<1x16xf32>,
        %swap3A_286 = vector.shape_cast %swap3A_285 : vector<1x16xf32> to vector<16xf32>
        %swap3A_287 = vector.shape_cast %mul3A_282 : vector<16xf32> to vector<1x16xf32>
        tpu.vector_store %arg24[%swap3A_283, %swap3A_284], %swap3A_287 {strides = array<i32>} : memref<64x128xf32, #tpu.memory_space<vmem>>, vector<1x16xf32>,
      }
      %scan3A_121 = arith.constant 64 : i32
      %dma_start3A_122 = arith.constant 0 : i32
      %dma_start3A_123 = arith.constant 0 : i32
      %dma_start3A_124 = tpu.memref_slice %arg36[%dma_start3A_122, %dma_start3A_123] : memref<10240x16xf32, #tpu.memory_space<vmem_shared>> -> memref<10240x16xf32, #tpu.memory_space<vmem_shared>>
      tpu.enqueue_indirect_dma source(%arg27 : memref<64x16xf32, #tpu.memory_space<vmem>>) target(%dma_start3A_124 : memref<10240x16xf32, #tpu.memory_space<vmem_shared>>) offsets(%arg15 : memref<64xi32, #tpu.memory_space<vmem>>) semaphore(%arg33 : memref<!tpu.dma_semaphore, #tpu.memory_space<semaphore_mem>>) {add = true}
      %dma_start3A_125 = arith.constant 0 : i32
      %dma_start3A_126 = arith.constant 0 : i32
      %dma_start3A_127 = tpu.memref_slice %arg35[%dma_start3A_125, %dma_start3A_126] : memref<10240x128xf32, #tpu.memory_space<vmem_shared>> -> memref<10240x128xf32, #tpu.memory_space<vmem_shared>>
      tpu.enqueue_indirect_dma source(%arg24 : memref<64x128xf32, #tpu.memory_space<vmem>>) target(%dma_start3A_127 : memref<10240x128xf32, #tpu.memory_space<vmem_shared>>) offsets(%arg15 : memref<64xi32, #tpu.memory_space<vmem>>) semaphore(%arg33 : memref<!tpu.dma_semaphore, #tpu.memory_space<semaphore_mem>>) {add = true}
      %mul3A_128 = arith.constant 3 : i32
      %mul3A_129 = arith.muli %scan3A_48, %mul3A_128 : i32
      %add3A_130 = arith.constant 2 : i32
      %add3A_131 = arith.addi %mul3A_129, %add3A_130 : i32
      %add3A_132 = arith.constant 1 : i32
      %add3A_133 = arith.addi %add3A_131, %add3A_132 : i32
      %lt3A_134 = arith.constant 168 : i32
      %lt3A_135 = arith.cmpi slt, %add3A_133, %lt3A_134 : i32
      %ge3A_136 = arith.constant 2 : i32
      %ge3A_137 = arith.cmpi sge, %add3A_131, %ge3A_136 : i32
      %and3A_138 = arith.andi %lt3A_135, %ge3A_137 : i1
      %convert_element_type3A_139 = arith.extui %and3A_138 : i1 to i32
      %cond3A_140 = arith.constant 0 : i32
      %cond3A_141 = arith.cmpi ne, %convert_element_type3A_139, %cond3A_140 : i32
      scf.if %cond3A_141 {
        %dma_wait3A_170 = arith.constant 0 : i32
        %dma_wait3A_171 = arith.constant 0 : i32
        %dma_wait3A_172 = tpu.memref_slice %arg36[%dma_wait3A_170, %dma_wait3A_171] : memref<10240x16xf32, #tpu.memory_space<vmem_shared>> -> memref<10240x16xf32, #tpu.memory_space<vmem_shared>>
        tpu.wait_indirect_dma semaphore(%arg32 : memref<!tpu.dma_semaphore, #tpu.memory_space<semaphore_mem>>) src(%arg26 : memref<64x16xf32, #tpu.memory_space<vmem>>) dst(%dma_wait3A_172 : memref<10240x16xf32, #tpu.memory_space<vmem_shared>>)
        %dma_wait3A_173 = arith.constant 0 : i32
        %dma_wait3A_174 = arith.constant 0 : i32
        %dma_wait3A_175 = tpu.memref_slice %arg35[%dma_wait3A_173, %dma_wait3A_174] : memref<10240x128xf32, #tpu.memory_space<vmem_shared>> -> memref<10240x128xf32, #tpu.memory_space<vmem_shared>>
        tpu.wait_indirect_dma semaphore(%arg32 : memref<!tpu.dma_semaphore, #tpu.memory_space<semaphore_mem>>) src(%arg23 : memref<64x128xf32, #tpu.memory_space<vmem>>) dst(%dma_wait3A_175 : memref<10240x128xf32, #tpu.memory_space<vmem_shared>>)
      } else {
      }
      %add3A_142 = arith.constant 1 : i32
      %add3A_143 = arith.addi %add3A_131, %add3A_142 : i32
      %lt3A_144 = arith.constant 168 : i32
      %lt3A_145 = arith.cmpi slt, %add3A_143, %lt3A_144 : i32
      %convert_element_type3A_146 = arith.extui %lt3A_145 : i1 to i32
      %cond3A_147 = arith.constant 0 : i32
      %cond3A_148 = arith.cmpi ne, %convert_element_type3A_146, %cond3A_147 : i32
      scf.if %cond3A_148 {
        %add3A_170 = arith.constant 1 : i32
        %add3A_171 = arith.addi %add3A_131, %add3A_170 : i32
        %mul3A_172 = arith.constant 64 : i32
        %mul3A_173 = arith.muli %add3A_171, %mul3A_172 : i32
        %add3A_174 = arith.addi %add3A, %mul3A_173 : i32
        "tpu.region"() ({
          %run_scoped3A = tpu.sem_alloc : memref<!tpu.dma_semaphore, #tpu.memory_space<semaphore_mem>>
          %dma_start3A_184 = tpu.memref_slice %arg5[%add3A_174] : memref<344064xi32, #tpu.memory_space<hbm>> -> memref<64xi32, #tpu.memory_space<hbm>>
          %dma_start3A_185 = tpu.memref_slice %arg5[%add3A_174] : memref<344064xi32, #tpu.memory_space<hbm>> -> memref<64xi32, #tpu.memory_space<hbm>>
          tpu.enqueue_dma source(%dma_start3A_185 : memref<64xi32, #tpu.memory_space<hbm>>) target(%arg11 : memref<64xi32, #tpu.memory_space<vmem>>) target_semaphore(%run_scoped3A : memref<!tpu.dma_semaphore, #tpu.memory_space<semaphore_mem>>)
          %dma_wait3A_186 = tpu.memref_slice %arg5[%add3A_174] : memref<344064xi32, #tpu.memory_space<hbm>> -> memref<64xi32, #tpu.memory_space<hbm>>
          %dma_wait3A_187 = tpu.memref_slice %arg5[%add3A_174] : memref<344064xi32, #tpu.memory_space<hbm>> -> memref<64xi32, #tpu.memory_space<hbm>>
          tpu.wait_dma2 semaphore(%run_scoped3A : memref<!tpu.dma_semaphore, #tpu.memory_space<semaphore_mem>>) src(%dma_wait3A_187 : memref<64xi32, #tpu.memory_space<hbm>>) dst(%arg11 : memref<64xi32, #tpu.memory_space<vmem>>)
          tpu.yield
        }) : () -> ()
        "tpu.region"() ({
          %run_scoped3A = tpu.sem_alloc : memref<!tpu.dma_semaphore, #tpu.memory_space<semaphore_mem>>
          %dma_start3A_184 = tpu.memref_slice %arg6[%add3A_174] : memref<344064xi32, #tpu.memory_space<hbm>> -> memref<64xi32, #tpu.memory_space<hbm>>
          %dma_start3A_185 = tpu.memref_slice %arg6[%add3A_174] : memref<344064xi32, #tpu.memory_space<hbm>> -> memref<64xi32, #tpu.memory_space<hbm>>
          tpu.enqueue_dma source(%dma_start3A_185 : memref<64xi32, #tpu.memory_space<hbm>>) target(%arg14 : memref<64xi32, #tpu.memory_space<vmem>>) target_semaphore(%run_scoped3A : memref<!tpu.dma_semaphore, #tpu.memory_space<semaphore_mem>>)
          %dma_wait3A_186 = tpu.memref_slice %arg6[%add3A_174] : memref<344064xi32, #tpu.memory_space<hbm>> -> memref<64xi32, #tpu.memory_space<hbm>>
          %dma_wait3A_187 = tpu.memref_slice %arg6[%add3A_174] : memref<344064xi32, #tpu.memory_space<hbm>> -> memref<64xi32, #tpu.memory_space<hbm>>
          tpu.wait_dma2 semaphore(%run_scoped3A : memref<!tpu.dma_semaphore, #tpu.memory_space<semaphore_mem>>) src(%dma_wait3A_187 : memref<64xi32, #tpu.memory_space<hbm>>) dst(%arg14 : memref<64xi32, #tpu.memory_space<vmem>>)
          tpu.yield
        }) : () -> ()
        %dma_start3A_175 = arith.constant 0 : i32
        %dma_start3A_176 = arith.constant 0 : i32
        %dma_start3A_177 = tpu.memref_slice %arg3[%dma_start3A_175, %dma_start3A_176] : memref<10240x16xf32, #tpu.memory_space<hbm>> -> memref<10240x16xf32, #tpu.memory_space<hbm>>
        tpu.enqueue_indirect_dma source(%dma_start3A_177 : memref<10240x16xf32, #tpu.memory_space<hbm>>) target(%arg17 : memref<64x16xf32, #tpu.memory_space<vmem>>) offsets(%arg11 : memref<64xi32, #tpu.memory_space<vmem>>) semaphore(%arg29 : memref<!tpu.dma_semaphore, #tpu.memory_space<semaphore_mem>>)
        %dma_start3A_178 = arith.constant 0 : i32
        %dma_start3A_179 = arith.constant 0 : i32
        %dma_start3A_180 = tpu.memref_slice %arg4[%dma_start3A_178, %dma_start3A_179] : memref<10240x16xf32, #tpu.memory_space<hbm>> -> memref<10240x16xf32, #tpu.memory_space<hbm>>
        tpu.enqueue_indirect_dma source(%dma_start3A_180 : memref<10240x16xf32, #tpu.memory_space<hbm>>) target(%arg20 : memref<64x16xf32, #tpu.memory_space<vmem>>) offsets(%arg14 : memref<64xi32, #tpu.memory_space<vmem>>) semaphore(%arg29 : memref<!tpu.dma_semaphore, #tpu.memory_space<semaphore_mem>>)
        %dma_start3A_181 = arith.constant 0 : i32
        %dma_start3A_182 = arith.constant 0 : i32
        %dma_start3A_183 = tpu.memref_slice %arg2[%dma_start3A_181, %dma_start3A_182] : memref<10240x128xf32, #tpu.memory_space<hbm>> -> memref<10240x128xf32, #tpu.memory_space<hbm>>
        tpu.enqueue_indirect_dma source(%dma_start3A_183 : memref<10240x128xf32, #tpu.memory_space<hbm>>) target(%arg23 : memref<64x128xf32, #tpu.memory_space<vmem>>) offsets(%arg11 : memref<64xi32, #tpu.memory_space<vmem>>) semaphore(%arg29 : memref<!tpu.dma_semaphore, #tpu.memory_space<semaphore_mem>>)
      } else {
      }
      %dma_wait3A_149 = arith.constant 0 : i32
      %dma_wait3A_150 = arith.constant 0 : i32
      %dma_wait3A_151 = tpu.memref_slice %arg3[%dma_wait3A_149, %dma_wait3A_150] : memref<10240x16xf32, #tpu.memory_space<hbm>> -> memref<10240x16xf32, #tpu.memory_space<hbm>>
      tpu.wait_indirect_dma semaphore(%arg31 : memref<!tpu.dma_semaphore, #tpu.memory_space<semaphore_mem>>) src(%dma_wait3A_151 : memref<10240x16xf32, #tpu.memory_space<hbm>>) dst(%arg19 : memref<64x16xf32, #tpu.memory_space<vmem>>)
      %dma_wait3A_152 = arith.constant 0 : i32
      %dma_wait3A_153 = arith.constant 0 : i32
      %dma_wait3A_154 = tpu.memref_slice %arg4[%dma_wait3A_152, %dma_wait3A_153] : memref<10240x16xf32, #tpu.memory_space<hbm>> -> memref<10240x16xf32, #tpu.memory_space<hbm>>
      tpu.wait_indirect_dma semaphore(%arg31 : memref<!tpu.dma_semaphore, #tpu.memory_space<semaphore_mem>>) src(%dma_wait3A_154 : memref<10240x16xf32, #tpu.memory_space<hbm>>) dst(%arg22 : memref<64x16xf32, #tpu.memory_space<vmem>>)
      %dma_wait3A_155 = arith.constant 0 : i32
      %dma_wait3A_156 = arith.constant 0 : i32
      %dma_wait3A_157 = tpu.memref_slice %arg2[%dma_wait3A_155, %dma_wait3A_156] : memref<10240x128xf32, #tpu.memory_space<hbm>> -> memref<10240x128xf32, #tpu.memory_space<hbm>>
      tpu.wait_indirect_dma semaphore(%arg31 : memref<!tpu.dma_semaphore, #tpu.memory_space<semaphore_mem>>) src(%dma_wait3A_157 : memref<10240x128xf32, #tpu.memory_space<hbm>>) dst(%arg25 : memref<64x128xf32, #tpu.memory_space<vmem>>)
      %scan3A_158 = arith.constant 0 : i32
      %scan3A_159 = arith.constant 0 : i32
      %scan3A_160 = arith.constant 64 : i32
      %scan3A_161 = arith.addi %scan3A_159, %scan3A_160 : i32
      %scan3A_162 = arith.constant 1 : i32
      scf.for %scan3A_170 = %scan3A_159 to %scan3A_161 step %scan3A_162  : i32 {
        %get3A = arith.index_cast %scan3A_170 : i32 to index
        %get3A_171 = arith.constant 0 : index
        %get3A_172 = tpu.vector_load %arg19[%get3A, %get3A_171] {strides = array<i32>} : memref<64x16xf32, #tpu.memory_space<vmem>>, vector<1x16xf32>,
        %get3A_173 = vector.shape_cast %get3A_172 : vector<1x16xf32> to vector<16xf32>
        %get3A_174 = arith.index_cast %scan3A_170 : i32 to index
        %get3A_175 = arith.constant 0 : index
        %get3A_176 = tpu.vector_load %arg22[%get3A_174, %get3A_175] {strides = array<i32>} : memref<64x16xf32, #tpu.memory_space<vmem>>, vector<1x16xf32>,
        %get3A_177 = vector.shape_cast %get3A_176 : vector<1x16xf32> to vector<16xf32>
        %add3A_178 = arith.addf %get3A_173, %get3A_177 : vector<16xf32>
        %mul3A_179 = arith.constant 2.000000e-01 : f32
        %mul3A_180 = vector.broadcast %mul3A_179 : f32 to vector<16xf32>
        %mul3A_181 = arith.mulf %mul3A_180, %add3A_178 : vector<16xf32>
        %max3A = arith.maximumf %add3A_178, %mul3A_181 : vector<16xf32>
        %exp3A = math.exp %max3A : vector<16xf32>
        %swap3A = arith.index_cast %scan3A_170 : i32 to index
        %swap3A_182 = arith.constant 0 : index
        %swap3A_183 = tpu.vector_load %arg28[%swap3A, %swap3A_182] {strides = array<i32>} : memref<64x16xf32, #tpu.memory_space<vmem>>, vector<1x16xf32>,
        %swap3A_184 = vector.shape_cast %swap3A_183 : vector<1x16xf32> to vector<16xf32>
        %swap3A_185 = vector.shape_cast %exp3A : vector<16xf32> to vector<1x16xf32>
        tpu.vector_store %arg28[%swap3A, %swap3A_182], %swap3A_185 {strides = array<i32>} : memref<64x16xf32, #tpu.memory_space<vmem>>, vector<1x16xf32>,
        %get3A_186 = arith.index_cast %scan3A_170 : i32 to index
        %get3A_187 = arith.constant 0 : index
        %get3A_188 = tpu.vector_load %arg25[%get3A_186, %get3A_187] {strides = array<i32>} : memref<64x128xf32, #tpu.memory_space<vmem>>, vector<1x16xf32>,
        %get3A_189 = vector.shape_cast %get3A_188 : vector<1x16xf32> to vector<16xf32>
        %slice3A = vector.extract_strided_slice %exp3A {offsets = [0], sizes = [1], strides = [1]} : vector<16xf32> to vector<1xf32>
        %squeeze3A = vector.extract %slice3A[0] : f32 from vector<1xf32>
        %mul3A_190 = vector.broadcast %squeeze3A : f32 to vector<16xf32>
        %mul3A_191 = arith.mulf %get3A_189, %mul3A_190 : vector<16xf32>
        %swap3A_192 = arith.index_cast %scan3A_170 : i32 to index
        %swap3A_193 = arith.constant 0 : index
        %swap3A_194 = tpu.vector_load %arg25[%swap3A_192, %swap3A_193] {strides = array<i32>} : memref<64x128xf32, #tpu.memory_space<vmem>>, vector<1x16xf32>,
        %swap3A_195 = vector.shape_cast %swap3A_194 : vector<1x16xf32> to vector<16xf32>
        %swap3A_196 = vector.shape_cast %mul3A_191 : vector<16xf32> to vector<1x16xf32>
        tpu.vector_store %arg25[%swap3A_192, %swap3A_193], %swap3A_196 {strides = array<i32>} : memref<64x128xf32, #tpu.memory_space<vmem>>, vector<1x16xf32>,
        %get3A_197 = arith.index_cast %scan3A_170 : i32 to index
        %get3A_198 = arith.constant 16 : index
        %get3A_199 = tpu.vector_load %arg25[%get3A_197, %get3A_198] {strides = array<i32>} : memref<64x128xf32, #tpu.memory_space<vmem>>, vector<1x16xf32>,
        %get3A_200 = vector.shape_cast %get3A_199 : vector<1x16xf32> to vector<16xf32>
        %slice3A_201 = vector.extract_strided_slice %exp3A {offsets = [1], sizes = [1], strides = [1]} : vector<16xf32> to vector<1xf32>
        %squeeze3A_202 = vector.extract %slice3A_201[0] : f32 from vector<1xf32>
        %mul3A_203 = vector.broadcast %squeeze3A_202 : f32 to vector<16xf32>
        %mul3A_204 = arith.mulf %get3A_200, %mul3A_203 : vector<16xf32>
        %swap3A_205 = arith.index_cast %scan3A_170 : i32 to index
        %swap3A_206 = arith.constant 16 : index
        %swap3A_207 = tpu.vector_load %arg25[%swap3A_205, %swap3A_206] {strides = array<i32>} : memref<64x128xf32, #tpu.memory_space<vmem>>, vector<1x16xf32>,
        %swap3A_208 = vector.shape_cast %swap3A_207 : vector<1x16xf32> to vector<16xf32>
        %swap3A_209 = vector.shape_cast %mul3A_204 : vector<16xf32> to vector<1x16xf32>
        tpu.vector_store %arg25[%swap3A_205, %swap3A_206], %swap3A_209 {strides = array<i32>} : memref<64x128xf32, #tpu.memory_space<vmem>>, vector<1x16xf32>,
        %get3A_210 = arith.index_cast %scan3A_170 : i32 to index
        %get3A_211 = arith.constant 32 : index
        %get3A_212 = tpu.vector_load %arg25[%get3A_210, %get3A_211] {strides = array<i32>} : memref<64x128xf32, #tpu.memory_space<vmem>>, vector<1x16xf32>,
        %get3A_213 = vector.shape_cast %get3A_212 : vector<1x16xf32> to vector<16xf32>
        %slice3A_214 = vector.extract_strided_slice %exp3A {offsets = [2], sizes = [1], strides = [1]} : vector<16xf32> to vector<1xf32>
        %squeeze3A_215 = vector.extract %slice3A_214[0] : f32 from vector<1xf32>
        %mul3A_216 = vector.broadcast %squeeze3A_215 : f32 to vector<16xf32>
        %mul3A_217 = arith.mulf %get3A_213, %mul3A_216 : vector<16xf32>
        %swap3A_218 = arith.index_cast %scan3A_170 : i32 to index
        %swap3A_219 = arith.constant 32 : index
        %swap3A_220 = tpu.vector_load %arg25[%swap3A_218, %swap3A_219] {strides = array<i32>} : memref<64x128xf32, #tpu.memory_space<vmem>>, vector<1x16xf32>,
        %swap3A_221 = vector.shape_cast %swap3A_220 : vector<1x16xf32> to vector<16xf32>
        %swap3A_222 = vector.shape_cast %mul3A_217 : vector<16xf32> to vector<1x16xf32>
        tpu.vector_store %arg25[%swap3A_218, %swap3A_219], %swap3A_222 {strides = array<i32>} : memref<64x128xf32, #tpu.memory_space<vmem>>, vector<1x16xf32>,
        %get3A_223 = arith.index_cast %scan3A_170 : i32 to index
        %get3A_224 = arith.constant 48 : index
        %get3A_225 = tpu.vector_load %arg25[%get3A_223, %get3A_224] {strides = array<i32>} : memref<64x128xf32, #tpu.memory_space<vmem>>, vector<1x16xf32>,
        %get3A_226 = vector.shape_cast %get3A_225 : vector<1x16xf32> to vector<16xf32>
        %slice3A_227 = vector.extract_strided_slice %exp3A {offsets = [3], sizes = [1], strides = [1]} : vector<16xf32> to vector<1xf32>
        %squeeze3A_228 = vector.extract %slice3A_227[0] : f32 from vector<1xf32>
        %mul3A_229 = vector.broadcast %squeeze3A_228 : f32 to vector<16xf32>
        %mul3A_230 = arith.mulf %get3A_226, %mul3A_229 : vector<16xf32>
        %swap3A_231 = arith.index_cast %scan3A_170 : i32 to index
        %swap3A_232 = arith.constant 48 : index
        %swap3A_233 = tpu.vector_load %arg25[%swap3A_231, %swap3A_232] {strides = array<i32>} : memref<64x128xf32, #tpu.memory_space<vmem>>, vector<1x16xf32>,
        %swap3A_234 = vector.shape_cast %swap3A_233 : vector<1x16xf32> to vector<16xf32>
        %swap3A_235 = vector.shape_cast %mul3A_230 : vector<16xf32> to vector<1x16xf32>
        tpu.vector_store %arg25[%swap3A_231, %swap3A_232], %swap3A_235 {strides = array<i32>} : memref<64x128xf32, #tpu.memory_space<vmem>>, vector<1x16xf32>,
        %get3A_236 = arith.index_cast %scan3A_170 : i32 to index
        %get3A_237 = arith.constant 64 : index
        %get3A_238 = tpu.vector_load %arg25[%get3A_236, %get3A_237] {strides = array<i32>} : memref<64x128xf32, #tpu.memory_space<vmem>>, vector<1x16xf32>,
        %get3A_239 = vector.shape_cast %get3A_238 : vector<1x16xf32> to vector<16xf32>
        %slice3A_240 = vector.extract_strided_slice %exp3A {offsets = [4], sizes = [1], strides = [1]} : vector<16xf32> to vector<1xf32>
        %squeeze3A_241 = vector.extract %slice3A_240[0] : f32 from vector<1xf32>
        %mul3A_242 = vector.broadcast %squeeze3A_241 : f32 to vector<16xf32>
        %mul3A_243 = arith.mulf %get3A_239, %mul3A_242 : vector<16xf32>
        %swap3A_244 = arith.index_cast %scan3A_170 : i32 to index
        %swap3A_245 = arith.constant 64 : index
        %swap3A_246 = tpu.vector_load %arg25[%swap3A_244, %swap3A_245] {strides = array<i32>} : memref<64x128xf32, #tpu.memory_space<vmem>>, vector<1x16xf32>,
        %swap3A_247 = vector.shape_cast %swap3A_246 : vector<1x16xf32> to vector<16xf32>
        %swap3A_248 = vector.shape_cast %mul3A_243 : vector<16xf32> to vector<1x16xf32>
        tpu.vector_store %arg25[%swap3A_244, %swap3A_245], %swap3A_248 {strides = array<i32>} : memref<64x128xf32, #tpu.memory_space<vmem>>, vector<1x16xf32>,
        %get3A_249 = arith.index_cast %scan3A_170 : i32 to index
        %get3A_250 = arith.constant 80 : index
        %get3A_251 = tpu.vector_load %arg25[%get3A_249, %get3A_250] {strides = array<i32>} : memref<64x128xf32, #tpu.memory_space<vmem>>, vector<1x16xf32>,
        %get3A_252 = vector.shape_cast %get3A_251 : vector<1x16xf32> to vector<16xf32>
        %slice3A_253 = vector.extract_strided_slice %exp3A {offsets = [5], sizes = [1], strides = [1]} : vector<16xf32> to vector<1xf32>
        %squeeze3A_254 = vector.extract %slice3A_253[0] : f32 from vector<1xf32>
        %mul3A_255 = vector.broadcast %squeeze3A_254 : f32 to vector<16xf32>
        %mul3A_256 = arith.mulf %get3A_252, %mul3A_255 : vector<16xf32>
        %swap3A_257 = arith.index_cast %scan3A_170 : i32 to index
        %swap3A_258 = arith.constant 80 : index
        %swap3A_259 = tpu.vector_load %arg25[%swap3A_257, %swap3A_258] {strides = array<i32>} : memref<64x128xf32, #tpu.memory_space<vmem>>, vector<1x16xf32>,
        %swap3A_260 = vector.shape_cast %swap3A_259 : vector<1x16xf32> to vector<16xf32>
        %swap3A_261 = vector.shape_cast %mul3A_256 : vector<16xf32> to vector<1x16xf32>
        tpu.vector_store %arg25[%swap3A_257, %swap3A_258], %swap3A_261 {strides = array<i32>} : memref<64x128xf32, #tpu.memory_space<vmem>>, vector<1x16xf32>,
        %get3A_262 = arith.index_cast %scan3A_170 : i32 to index
        %get3A_263 = arith.constant 96 : index
        %get3A_264 = tpu.vector_load %arg25[%get3A_262, %get3A_263] {strides = array<i32>} : memref<64x128xf32, #tpu.memory_space<vmem>>, vector<1x16xf32>,
        %get3A_265 = vector.shape_cast %get3A_264 : vector<1x16xf32> to vector<16xf32>
        %slice3A_266 = vector.extract_strided_slice %exp3A {offsets = [6], sizes = [1], strides = [1]} : vector<16xf32> to vector<1xf32>
        %squeeze3A_267 = vector.extract %slice3A_266[0] : f32 from vector<1xf32>
        %mul3A_268 = vector.broadcast %squeeze3A_267 : f32 to vector<16xf32>
        %mul3A_269 = arith.mulf %get3A_265, %mul3A_268 : vector<16xf32>
        %swap3A_270 = arith.index_cast %scan3A_170 : i32 to index
        %swap3A_271 = arith.constant 96 : index
        %swap3A_272 = tpu.vector_load %arg25[%swap3A_270, %swap3A_271] {strides = array<i32>} : memref<64x128xf32, #tpu.memory_space<vmem>>, vector<1x16xf32>,
        %swap3A_273 = vector.shape_cast %swap3A_272 : vector<1x16xf32> to vector<16xf32>
        %swap3A_274 = vector.shape_cast %mul3A_269 : vector<16xf32> to vector<1x16xf32>
        tpu.vector_store %arg25[%swap3A_270, %swap3A_271], %swap3A_274 {strides = array<i32>} : memref<64x128xf32, #tpu.memory_space<vmem>>, vector<1x16xf32>,
        %get3A_275 = arith.index_cast %scan3A_170 : i32 to index
        %get3A_276 = arith.constant 112 : index
        %get3A_277 = tpu.vector_load %arg25[%get3A_275, %get3A_276] {strides = array<i32>} : memref<64x128xf32, #tpu.memory_space<vmem>>, vector<1x16xf32>,
        %get3A_278 = vector.shape_cast %get3A_277 : vector<1x16xf32> to vector<16xf32>
        %slice3A_279 = vector.extract_strided_slice %exp3A {offsets = [7], sizes = [1], strides = [1]} : vector<16xf32> to vector<1xf32>
        %squeeze3A_280 = vector.extract %slice3A_279[0] : f32 from vector<1xf32>
        %mul3A_281 = vector.broadcast %squeeze3A_280 : f32 to vector<16xf32>
        %mul3A_282 = arith.mulf %get3A_278, %mul3A_281 : vector<16xf32>
        %swap3A_283 = arith.index_cast %scan3A_170 : i32 to index
        %swap3A_284 = arith.constant 112 : index
        %swap3A_285 = tpu.vector_load %arg25[%swap3A_283, %swap3A_284] {strides = array<i32>} : memref<64x128xf32, #tpu.memory_space<vmem>>, vector<1x16xf32>,
        %swap3A_286 = vector.shape_cast %swap3A_285 : vector<1x16xf32> to vector<16xf32>
        %swap3A_287 = vector.shape_cast %mul3A_282 : vector<16xf32> to vector<1x16xf32>
        tpu.vector_store %arg25[%swap3A_283, %swap3A_284], %swap3A_287 {strides = array<i32>} : memref<64x128xf32, #tpu.memory_space<vmem>>, vector<1x16xf32>,
      }
      %scan3A_163 = arith.constant 64 : i32
      %dma_start3A_164 = arith.constant 0 : i32
      %dma_start3A_165 = arith.constant 0 : i32
      %dma_start3A_166 = tpu.memref_slice %arg36[%dma_start3A_164, %dma_start3A_165] : memref<10240x16xf32, #tpu.memory_space<vmem_shared>> -> memref<10240x16xf32, #tpu.memory_space<vmem_shared>>
      tpu.enqueue_indirect_dma source(%arg28 : memref<64x16xf32, #tpu.memory_space<vmem>>) target(%dma_start3A_166 : memref<10240x16xf32, #tpu.memory_space<vmem_shared>>) offsets(%arg16 : memref<64xi32, #tpu.memory_space<vmem>>) semaphore(%arg34 : memref<!tpu.dma_semaphore, #tpu.memory_space<semaphore_mem>>) {add = true}
      %dma_start3A_167 = arith.constant 0 : i32
      %dma_start3A_168 = arith.constant 0 : i32
      %dma_start3A_169 = tpu.memref_slice %arg35[%dma_start3A_167, %dma_start3A_168] : memref<10240x128xf32, #tpu.memory_space<vmem_shared>> -> memref<10240x128xf32, #tpu.memory_space<vmem_shared>>
      tpu.enqueue_indirect_dma source(%arg25 : memref<64x128xf32, #tpu.memory_space<vmem>>) target(%dma_start3A_169 : memref<10240x128xf32, #tpu.memory_space<vmem_shared>>) offsets(%arg16 : memref<64xi32, #tpu.memory_space<vmem>>) semaphore(%arg34 : memref<!tpu.dma_semaphore, #tpu.memory_space<semaphore_mem>>) {add = true}
    }
    %scan3A_21 = arith.constant 56 : i32
    %dma_wait3A = arith.constant 0 : i32
    %dma_wait3A_22 = arith.constant 0 : i32
    %dma_wait3A_23 = tpu.memref_slice %arg36[%dma_wait3A, %dma_wait3A_22] : memref<10240x16xf32, #tpu.memory_space<vmem_shared>> -> memref<10240x16xf32, #tpu.memory_space<vmem_shared>>
    tpu.wait_indirect_dma semaphore(%arg32 : memref<!tpu.dma_semaphore, #tpu.memory_space<semaphore_mem>>) src(%arg26 : memref<64x16xf32, #tpu.memory_space<vmem>>) dst(%dma_wait3A_23 : memref<10240x16xf32, #tpu.memory_space<vmem_shared>>)
    %dma_wait3A_24 = arith.constant 0 : i32
    %dma_wait3A_25 = arith.constant 0 : i32
    %dma_wait3A_26 = tpu.memref_slice %arg35[%dma_wait3A_24, %dma_wait3A_25] : memref<10240x128xf32, #tpu.memory_space<vmem_shared>> -> memref<10240x128xf32, #tpu.memory_space<vmem_shared>>
    tpu.wait_indirect_dma semaphore(%arg32 : memref<!tpu.dma_semaphore, #tpu.memory_space<semaphore_mem>>) src(%arg23 : memref<64x128xf32, #tpu.memory_space<vmem>>) dst(%dma_wait3A_26 : memref<10240x128xf32, #tpu.memory_space<vmem_shared>>)
    %dma_wait3A_27 = arith.constant 0 : i32
    %dma_wait3A_28 = arith.constant 0 : i32
    %dma_wait3A_29 = tpu.memref_slice %arg36[%dma_wait3A_27, %dma_wait3A_28] : memref<10240x16xf32, #tpu.memory_space<vmem_shared>> -> memref<10240x16xf32, #tpu.memory_space<vmem_shared>>
    tpu.wait_indirect_dma semaphore(%arg33 : memref<!tpu.dma_semaphore, #tpu.memory_space<semaphore_mem>>) src(%arg27 : memref<64x16xf32, #tpu.memory_space<vmem>>) dst(%dma_wait3A_29 : memref<10240x16xf32, #tpu.memory_space<vmem_shared>>)
    %dma_wait3A_30 = arith.constant 0 : i32
    %dma_wait3A_31 = arith.constant 0 : i32
    %dma_wait3A_32 = tpu.memref_slice %arg35[%dma_wait3A_30, %dma_wait3A_31] : memref<10240x128xf32, #tpu.memory_space<vmem_shared>> -> memref<10240x128xf32, #tpu.memory_space<vmem_shared>>
    tpu.wait_indirect_dma semaphore(%arg33 : memref<!tpu.dma_semaphore, #tpu.memory_space<semaphore_mem>>) src(%arg24 : memref<64x128xf32, #tpu.memory_space<vmem>>) dst(%dma_wait3A_32 : memref<10240x128xf32, #tpu.memory_space<vmem_shared>>)
    %dma_wait3A_33 = arith.constant 0 : i32
    %dma_wait3A_34 = arith.constant 0 : i32
    %dma_wait3A_35 = tpu.memref_slice %arg36[%dma_wait3A_33, %dma_wait3A_34] : memref<10240x16xf32, #tpu.memory_space<vmem_shared>> -> memref<10240x16xf32, #tpu.memory_space<vmem_shared>>
    tpu.wait_indirect_dma semaphore(%arg34 : memref<!tpu.dma_semaphore, #tpu.memory_space<semaphore_mem>>) src(%arg28 : memref<64x16xf32, #tpu.memory_space<vmem>>) dst(%dma_wait3A_35 : memref<10240x16xf32, #tpu.memory_space<vmem_shared>>)
    %dma_wait3A_36 = arith.constant 0 : i32
    %dma_wait3A_37 = arith.constant 0 : i32
    %dma_wait3A_38 = tpu.memref_slice %arg35[%dma_wait3A_36, %dma_wait3A_37] : memref<10240x128xf32, #tpu.memory_space<vmem_shared>> -> memref<10240x128xf32, #tpu.memory_space<vmem_shared>>
    tpu.wait_indirect_dma semaphore(%arg34 : memref<!tpu.dma_semaphore, #tpu.memory_space<semaphore_mem>>) src(%arg25 : memref<64x128xf32, #tpu.memory_space<vmem>>) dst(%dma_wait3A_38 : memref<10240x128xf32, #tpu.memory_space<vmem_shared>>)
    %barrier3A_39 = arith.constant 0 : index
    tpu.barrier barrier_id(%barrier3A_39)
    %mul3A_40 = arith.constant 640 : i32
    %mul3A_41 = arith.muli %arg1, %mul3A_40 : i32
    %mul3A_42 = arith.constant 640 : i32
    %mul3A_43 = arith.muli %arg1, %mul3A_42 : i32
    "tpu.region"() ({
      %run_scoped3A = tpu.sem_alloc : memref<!tpu.dma_semaphore, #tpu.memory_space<semaphore_mem>>
      %dma_start3A_48 = arith.constant 0 : i32
      %dma_start3A_49 = tpu.memref_slice %arg9[%arg0, %mul3A_43, %dma_start3A_48] : memref<2x10240x128xf32, #tpu.memory_space<hbm>> -> memref<1x640x128xf32, #tpu.memory_space<hbm>>
      %dma_start3A_50 = tpu.memref_squeeze %dma_start3A_49 : memref<1x640x128xf32, #tpu.memory_space<hbm>> -> memref<640x128xf32, #tpu.memory_space<hbm>>
      %dma_start3A_51 = arith.constant 0 : i32
      %dma_start3A_52 = tpu.memref_slice %arg35[%mul3A_41, %dma_start3A_51] : memref<10240x128xf32, #tpu.memory_space<vmem_shared>> -> memref<640x128xf32, #tpu.memory_space<vmem_shared>>
      tpu.enqueue_dma source(%dma_start3A_52 : memref<640x128xf32, #tpu.memory_space<vmem_shared>>) target(%dma_start3A_50 : memref<640x128xf32, #tpu.memory_space<hbm>>) target_semaphore(%run_scoped3A : memref<!tpu.dma_semaphore, #tpu.memory_space<semaphore_mem>>)
      %dma_wait3A_53 = arith.constant 0 : i32
      %dma_wait3A_54 = tpu.memref_slice %arg9[%arg0, %mul3A_43, %dma_wait3A_53] : memref<2x10240x128xf32, #tpu.memory_space<hbm>> -> memref<1x640x128xf32, #tpu.memory_space<hbm>>
      %dma_wait3A_55 = tpu.memref_squeeze %dma_wait3A_54 : memref<1x640x128xf32, #tpu.memory_space<hbm>> -> memref<640x128xf32, #tpu.memory_space<hbm>>
      %dma_wait3A_56 = arith.constant 0 : i32
      %dma_wait3A_57 = tpu.memref_slice %arg35[%mul3A_41, %dma_wait3A_56] : memref<10240x128xf32, #tpu.memory_space<vmem_shared>> -> memref<640x128xf32, #tpu.memory_space<vmem_shared>>
      tpu.wait_dma2 semaphore(%run_scoped3A : memref<!tpu.dma_semaphore, #tpu.memory_space<semaphore_mem>>) src(%dma_wait3A_57 : memref<640x128xf32, #tpu.memory_space<vmem_shared>>) dst(%dma_wait3A_55 : memref<640x128xf32, #tpu.memory_space<hbm>>)
      tpu.yield
    }) : () -> ()
    %mul3A_44 = arith.constant 640 : i32
    %mul3A_45 = arith.muli %arg1, %mul3A_44 : i32
    %mul3A_46 = arith.constant 640 : i32
    %mul3A_47 = arith.muli %arg1, %mul3A_46 : i32
    "tpu.region"() ({
      %run_scoped3A = tpu.sem_alloc : memref<!tpu.dma_semaphore, #tpu.memory_space<semaphore_mem>>
      %dma_start3A_48 = arith.constant 0 : i32
      %dma_start3A_49 = tpu.memref_slice %arg10[%arg0, %mul3A_47, %dma_start3A_48] : memref<2x10240x16xf32, #tpu.memory_space<hbm>> -> memref<1x640x16xf32, #tpu.memory_space<hbm>>
      %dma_start3A_50 = tpu.memref_squeeze %dma_start3A_49 : memref<1x640x16xf32, #tpu.memory_space<hbm>> -> memref<640x16xf32, #tpu.memory_space<hbm>>
      %dma_start3A_51 = arith.constant 0 : i32
      %dma_start3A_52 = tpu.memref_slice %arg36[%mul3A_45, %dma_start3A_51] : memref<10240x16xf32, #tpu.memory_space<vmem_shared>> -> memref<640x16xf32, #tpu.memory_space<vmem_shared>>
      tpu.enqueue_dma source(%dma_start3A_52 : memref<640x16xf32, #tpu.memory_space<vmem_shared>>) target(%dma_start3A_50 : memref<640x16xf32, #tpu.memory_space<hbm>>) target_semaphore(%run_scoped3A : memref<!tpu.dma_semaphore, #tpu.memory_space<semaphore_mem>>)
      %dma_wait3A_53 = arith.constant 0 : i32
      %dma_wait3A_54 = tpu.memref_slice %arg10[%arg0, %mul3A_47, %dma_wait3A_53] : memref<2x10240x16xf32, #tpu.memory_space<hbm>> -> memref<1x640x16xf32, #tpu.memory_space<hbm>>
      %dma_wait3A_55 = tpu.memref_squeeze %dma_wait3A_54 : memref<1x640x16xf32, #tpu.memory_space<hbm>> -> memref<640x16xf32, #tpu.memory_space<hbm>>
      %dma_wait3A_56 = arith.constant 0 : i32
      %dma_wait3A_57 = tpu.memref_slice %arg36[%mul3A_45, %dma_wait3A_56] : memref<10240x16xf32, #tpu.memory_space<vmem_shared>> -> memref<640x16xf32, #tpu.memory_space<vmem_shared>>
      tpu.wait_dma2 semaphore(%run_scoped3A : memref<!tpu.dma_semaphore, #tpu.memory_space<semaphore_mem>>) src(%dma_wait3A_57 : memref<640x16xf32, #tpu.memory_space<vmem_shared>>) dst(%dma_wait3A_55 : memref<640x16xf32, #tpu.memory_space<hbm>>)
      tpu.yield
    }) : () -> ()
    return
  }
}

#map = affine_map<(d0, d1) -> (0, 0)>
#map1 = affine_map<(d0, d1) -> (0)>
module attributes {stable_mosaic.version = 14 : i64} {
  func.func @_gather_body(%arg0: i32, %arg1: i32, %arg2: memref<10240x256xf32, #tpu.memory_space<hbm>>, %arg3: memref<15360xi32, #tpu.memory_space<hbm>>, %arg4: memref<15360x256xf32, #tpu.memory_space<hbm>>, %arg5: memref<120xi32, #tpu.memory_space<vmem>>, %arg6: memref<120x256xf32, #tpu.memory_space<vmem>>) attributes {dimension_semantics = [#tpu.dimension_semantics<core_parallel>, #tpu.dimension_semantics<subcore_parallel>], iteration_bounds = array<i64: 2, 16>, scalar_prefetch = 0 : i64, scratch_operands = 2 : i64, tpu.core_type = #tpu.core_type<sc_vector_subcore>, window_params = [{transform_indices = #map}, {transform_indices = #map1}, {transform_indices = #map}]} {
    %mul3A = arith.constant 16 : i32
    %mul3A_0 = arith.muli %arg0, %mul3A : i32
    %add3A = arith.addi %mul3A_0, %arg1 : i32
    %mul3A_1 = arith.constant 480 : i32
    %mul3A_2 = arith.muli %add3A, %mul3A_1 : i32
    %add3A_3 = arith.constant 0 : i32
    %add3A_4 = arith.addi %mul3A_2, %add3A_3 : i32
    "tpu.region"() ({
      %run_scoped3A = tpu.sem_alloc : memref<!tpu.dma_semaphore, #tpu.memory_space<semaphore_mem>>
      %dma_start3A = tpu.memref_slice %arg3[%add3A_4] : memref<15360xi32, #tpu.memory_space<hbm>> -> memref<120xi32, #tpu.memory_space<hbm>>
      %dma_start3A_11 = tpu.memref_slice %arg3[%add3A_4] : memref<15360xi32, #tpu.memory_space<hbm>> -> memref<120xi32, #tpu.memory_space<hbm>>
      tpu.enqueue_dma source(%dma_start3A_11 : memref<120xi32, #tpu.memory_space<hbm>>) target(%arg5 : memref<120xi32, #tpu.memory_space<vmem>>) target_semaphore(%run_scoped3A : memref<!tpu.dma_semaphore, #tpu.memory_space<semaphore_mem>>)
      %dma_wait3A = tpu.memref_slice %arg3[%add3A_4] : memref<15360xi32, #tpu.memory_space<hbm>> -> memref<120xi32, #tpu.memory_space<hbm>>
      %dma_wait3A_12 = tpu.memref_slice %arg3[%add3A_4] : memref<15360xi32, #tpu.memory_space<hbm>> -> memref<120xi32, #tpu.memory_space<hbm>>
      tpu.wait_dma2 semaphore(%run_scoped3A : memref<!tpu.dma_semaphore, #tpu.memory_space<semaphore_mem>>) src(%dma_wait3A_12 : memref<120xi32, #tpu.memory_space<hbm>>) dst(%arg5 : memref<120xi32, #tpu.memory_space<vmem>>)
      tpu.yield
    }) : () -> ()
    "tpu.region"() ({
      %run_scoped3A = tpu.sem_alloc : memref<!tpu.dma_semaphore, #tpu.memory_space<semaphore_mem>>
      %dma_start3A = arith.constant 0 : i32
      %dma_start3A_11 = arith.constant 0 : i32
      %dma_start3A_12 = tpu.memref_slice %arg2[%dma_start3A, %dma_start3A_11] : memref<10240x256xf32, #tpu.memory_space<hbm>> -> memref<10240x256xf32, #tpu.memory_space<hbm>>
      tpu.enqueue_indirect_dma source(%dma_start3A_12 : memref<10240x256xf32, #tpu.memory_space<hbm>>) target(%arg6 : memref<120x256xf32, #tpu.memory_space<vmem>>) offsets(%arg5 : memref<120xi32, #tpu.memory_space<vmem>>) semaphore(%run_scoped3A : memref<!tpu.dma_semaphore, #tpu.memory_space<semaphore_mem>>)
      %dma_wait3A = arith.constant 0 : i32
      %dma_wait3A_13 = arith.constant 0 : i32
      %dma_wait3A_14 = tpu.memref_slice %arg2[%dma_wait3A, %dma_wait3A_13] : memref<10240x256xf32, #tpu.memory_space<hbm>> -> memref<10240x256xf32, #tpu.memory_space<hbm>>
      tpu.wait_indirect_dma semaphore(%run_scoped3A : memref<!tpu.dma_semaphore, #tpu.memory_space<semaphore_mem>>) src(%dma_wait3A_14 : memref<10240x256xf32, #tpu.memory_space<hbm>>) dst(%arg6 : memref<120x256xf32, #tpu.memory_space<vmem>>)
      tpu.yield
    }) : () -> ()
    "tpu.region"() ({
      %run_scoped3A = tpu.sem_alloc : memref<!tpu.dma_semaphore, #tpu.memory_space<semaphore_mem>>
      %dma_start3A = arith.constant 0 : i32
      %dma_start3A_11 = tpu.memref_slice %arg4[%add3A_4, %dma_start3A] : memref<15360x256xf32, #tpu.memory_space<hbm>> -> memref<120x256xf32, #tpu.memory_space<hbm>>
      %dma_start3A_12 = arith.constant 0 : i32
      %dma_start3A_13 = tpu.memref_slice %arg4[%add3A_4, %dma_start3A_12] : memref<15360x256xf32, #tpu.memory_space<hbm>> -> memref<120x256xf32, #tpu.memory_space<hbm>>
      tpu.enqueue_dma source(%arg6 : memref<120x256xf32, #tpu.memory_space<vmem>>) target(%dma_start3A_13 : memref<120x256xf32, #tpu.memory_space<hbm>>) target_semaphore(%run_scoped3A : memref<!tpu.dma_semaphore, #tpu.memory_space<semaphore_mem>>)
      %dma_wait3A = arith.constant 0 : i32
      %dma_wait3A_14 = tpu.memref_slice %arg4[%add3A_4, %dma_wait3A] : memref<15360x256xf32, #tpu.memory_space<hbm>> -> memref<120x256xf32, #tpu.memory_space<hbm>>
      %dma_wait3A_15 = arith.constant 0 : i32
      %dma_wait3A_16 = tpu.memref_slice %arg4[%add3A_4, %dma_wait3A_15] : memref<15360x256xf32, #tpu.memory_space<hbm>> -> memref<120x256xf32, #tpu.memory_space<hbm>>
      tpu.wait_dma2 semaphore(%run_scoped3A : memref<!tpu.dma_semaphore, #tpu.memory_space<semaphore_mem>>) src(%arg6 : memref<120x256xf32, #tpu.memory_space<vmem>>) dst(%dma_wait3A_16 : memref<120x256xf32, #tpu.memory_space<hbm>>)
      tpu.yield
    }) : () -> ()
    %add3A_5 = arith.constant 120 : i32
    %add3A_6 = arith.addi %mul3A_2, %add3A_5 : i32
    "tpu.region"() ({
      %run_scoped3A = tpu.sem_alloc : memref<!tpu.dma_semaphore, #tpu.memory_space<semaphore_mem>>
      %dma_start3A = tpu.memref_slice %arg3[%add3A_6] : memref<15360xi32, #tpu.memory_space<hbm>> -> memref<120xi32, #tpu.memory_space<hbm>>
      %dma_start3A_11 = tpu.memref_slice %arg3[%add3A_6] : memref<15360xi32, #tpu.memory_space<hbm>> -> memref<120xi32, #tpu.memory_space<hbm>>
      tpu.enqueue_dma source(%dma_start3A_11 : memref<120xi32, #tpu.memory_space<hbm>>) target(%arg5 : memref<120xi32, #tpu.memory_space<vmem>>) target_semaphore(%run_scoped3A : memref<!tpu.dma_semaphore, #tpu.memory_space<semaphore_mem>>)
      %dma_wait3A = tpu.memref_slice %arg3[%add3A_6] : memref<15360xi32, #tpu.memory_space<hbm>> -> memref<120xi32, #tpu.memory_space<hbm>>
      %dma_wait3A_12 = tpu.memref_slice %arg3[%add3A_6] : memref<15360xi32, #tpu.memory_space<hbm>> -> memref<120xi32, #tpu.memory_space<hbm>>
      tpu.wait_dma2 semaphore(%run_scoped3A : memref<!tpu.dma_semaphore, #tpu.memory_space<semaphore_mem>>) src(%dma_wait3A_12 : memref<120xi32, #tpu.memory_space<hbm>>) dst(%arg5 : memref<120xi32, #tpu.memory_space<vmem>>)
      tpu.yield
    }) : () -> ()
    "tpu.region"() ({
      %run_scoped3A = tpu.sem_alloc : memref<!tpu.dma_semaphore, #tpu.memory_space<semaphore_mem>>
      %dma_start3A = arith.constant 0 : i32
      %dma_start3A_11 = arith.constant 0 : i32
      %dma_start3A_12 = tpu.memref_slice %arg2[%dma_start3A, %dma_start3A_11] : memref<10240x256xf32, #tpu.memory_space<hbm>> -> memref<10240x256xf32, #tpu.memory_space<hbm>>
      tpu.enqueue_indirect_dma source(%dma_start3A_12 : memref<10240x256xf32, #tpu.memory_space<hbm>>) target(%arg6 : memref<120x256xf32, #tpu.memory_space<vmem>>) offsets(%arg5 : memref<120xi32, #tpu.memory_space<vmem>>) semaphore(%run_scoped3A : memref<!tpu.dma_semaphore, #tpu.memory_space<semaphore_mem>>)
      %dma_wait3A = arith.constant 0 : i32
      %dma_wait3A_13 = arith.constant 0 : i32
      %dma_wait3A_14 = tpu.memref_slice %arg2[%dma_wait3A, %dma_wait3A_13] : memref<10240x256xf32, #tpu.memory_space<hbm>> -> memref<10240x256xf32, #tpu.memory_space<hbm>>
      tpu.wait_indirect_dma semaphore(%run_scoped3A : memref<!tpu.dma_semaphore, #tpu.memory_space<semaphore_mem>>) src(%dma_wait3A_14 : memref<10240x256xf32, #tpu.memory_space<hbm>>) dst(%arg6 : memref<120x256xf32, #tpu.memory_space<vmem>>)
      tpu.yield
    }) : () -> ()
    "tpu.region"() ({
      %run_scoped3A = tpu.sem_alloc : memref<!tpu.dma_semaphore, #tpu.memory_space<semaphore_mem>>
      %dma_start3A = arith.constant 0 : i32
      %dma_start3A_11 = tpu.memref_slice %arg4[%add3A_6, %dma_start3A] : memref<15360x256xf32, #tpu.memory_space<hbm>> -> memref<120x256xf32, #tpu.memory_space<hbm>>
      %dma_start3A_12 = arith.constant 0 : i32
      %dma_start3A_13 = tpu.memref_slice %arg4[%add3A_6, %dma_start3A_12] : memref<15360x256xf32, #tpu.memory_space<hbm>> -> memref<120x256xf32, #tpu.memory_space<hbm>>
      tpu.enqueue_dma source(%arg6 : memref<120x256xf32, #tpu.memory_space<vmem>>) target(%dma_start3A_13 : memref<120x256xf32, #tpu.memory_space<hbm>>) target_semaphore(%run_scoped3A : memref<!tpu.dma_semaphore, #tpu.memory_space<semaphore_mem>>)
      %dma_wait3A = arith.constant 0 : i32
      %dma_wait3A_14 = tpu.memref_slice %arg4[%add3A_6, %dma_wait3A] : memref<15360x256xf32, #tpu.memory_space<hbm>> -> memref<120x256xf32, #tpu.memory_space<hbm>>
      %dma_wait3A_15 = arith.constant 0 : i32
      %dma_wait3A_16 = tpu.memref_slice %arg4[%add3A_6, %dma_wait3A_15] : memref<15360x256xf32, #tpu.memory_space<hbm>> -> memref<120x256xf32, #tpu.memory_space<hbm>>
      tpu.wait_dma2 semaphore(%run_scoped3A : memref<!tpu.dma_semaphore, #tpu.memory_space<semaphore_mem>>) src(%arg6 : memref<120x256xf32, #tpu.memory_space<vmem>>) dst(%dma_wait3A_16 : memref<120x256xf32, #tpu.memory_space<hbm>>)
      tpu.yield
    }) : () -> ()
    %add3A_7 = arith.constant 240 : i32
    %add3A_8 = arith.addi %mul3A_2, %add3A_7 : i32
    "tpu.region"() ({
      %run_scoped3A = tpu.sem_alloc : memref<!tpu.dma_semaphore, #tpu.memory_space<semaphore_mem>>
      %dma_start3A = tpu.memref_slice %arg3[%add3A_8] : memref<15360xi32, #tpu.memory_space<hbm>> -> memref<120xi32, #tpu.memory_space<hbm>>
      %dma_start3A_11 = tpu.memref_slice %arg3[%add3A_8] : memref<15360xi32, #tpu.memory_space<hbm>> -> memref<120xi32, #tpu.memory_space<hbm>>
      tpu.enqueue_dma source(%dma_start3A_11 : memref<120xi32, #tpu.memory_space<hbm>>) target(%arg5 : memref<120xi32, #tpu.memory_space<vmem>>) target_semaphore(%run_scoped3A : memref<!tpu.dma_semaphore, #tpu.memory_space<semaphore_mem>>)
      %dma_wait3A = tpu.memref_slice %arg3[%add3A_8] : memref<15360xi32, #tpu.memory_space<hbm>> -> memref<120xi32, #tpu.memory_space<hbm>>
      %dma_wait3A_12 = tpu.memref_slice %arg3[%add3A_8] : memref<15360xi32, #tpu.memory_space<hbm>> -> memref<120xi32, #tpu.memory_space<hbm>>
      tpu.wait_dma2 semaphore(%run_scoped3A : memref<!tpu.dma_semaphore, #tpu.memory_space<semaphore_mem>>) src(%dma_wait3A_12 : memref<120xi32, #tpu.memory_space<hbm>>) dst(%arg5 : memref<120xi32, #tpu.memory_space<vmem>>)
      tpu.yield
    }) : () -> ()
    "tpu.region"() ({
      %run_scoped3A = tpu.sem_alloc : memref<!tpu.dma_semaphore, #tpu.memory_space<semaphore_mem>>
      %dma_start3A = arith.constant 0 : i32
      %dma_start3A_11 = arith.constant 0 : i32
      %dma_start3A_12 = tpu.memref_slice %arg2[%dma_start3A, %dma_start3A_11] : memref<10240x256xf32, #tpu.memory_space<hbm>> -> memref<10240x256xf32, #tpu.memory_space<hbm>>
      tpu.enqueue_indirect_dma source(%dma_start3A_12 : memref<10240x256xf32, #tpu.memory_space<hbm>>) target(%arg6 : memref<120x256xf32, #tpu.memory_space<vmem>>) offsets(%arg5 : memref<120xi32, #tpu.memory_space<vmem>>) semaphore(%run_scoped3A : memref<!tpu.dma_semaphore, #tpu.memory_space<semaphore_mem>>)
      %dma_wait3A = arith.constant 0 : i32
      %dma_wait3A_13 = arith.constant 0 : i32
      %dma_wait3A_14 = tpu.memref_slice %arg2[%dma_wait3A, %dma_wait3A_13] : memref<10240x256xf32, #tpu.memory_space<hbm>> -> memref<10240x256xf32, #tpu.memory_space<hbm>>
      tpu.wait_indirect_dma semaphore(%run_scoped3A : memref<!tpu.dma_semaphore, #tpu.memory_space<semaphore_mem>>) src(%dma_wait3A_14 : memref<10240x256xf32, #tpu.memory_space<hbm>>) dst(%arg6 : memref<120x256xf32, #tpu.memory_space<vmem>>)
      tpu.yield
    }) : () -> ()
    "tpu.region"() ({
      %run_scoped3A = tpu.sem_alloc : memref<!tpu.dma_semaphore, #tpu.memory_space<semaphore_mem>>
      %dma_start3A = arith.constant 0 : i32
      %dma_start3A_11 = tpu.memref_slice %arg4[%add3A_8, %dma_start3A] : memref<15360x256xf32, #tpu.memory_space<hbm>> -> memref<120x256xf32, #tpu.memory_space<hbm>>
      %dma_start3A_12 = arith.constant 0 : i32
      %dma_start3A_13 = tpu.memref_slice %arg4[%add3A_8, %dma_start3A_12] : memref<15360x256xf32, #tpu.memory_space<hbm>> -> memref<120x256xf32, #tpu.memory_space<hbm>>
      tpu.enqueue_dma source(%arg6 : memref<120x256xf32, #tpu.memory_space<vmem>>) target(%dma_start3A_13 : memref<120x256xf32, #tpu.memory_space<hbm>>) target_semaphore(%run_scoped3A : memref<!tpu.dma_semaphore, #tpu.memory_space<semaphore_mem>>)
      %dma_wait3A = arith.constant 0 : i32
      %dma_wait3A_14 = tpu.memref_slice %arg4[%add3A_8, %dma_wait3A] : memref<15360x256xf32, #tpu.memory_space<hbm>> -> memref<120x256xf32, #tpu.memory_space<hbm>>
      %dma_wait3A_15 = arith.constant 0 : i32
      %dma_wait3A_16 = tpu.memref_slice %arg4[%add3A_8, %dma_wait3A_15] : memref<15360x256xf32, #tpu.memory_space<hbm>> -> memref<120x256xf32, #tpu.memory_space<hbm>>
      tpu.wait_dma2 semaphore(%run_scoped3A : memref<!tpu.dma_semaphore, #tpu.memory_space<semaphore_mem>>) src(%arg6 : memref<120x256xf32, #tpu.memory_space<vmem>>) dst(%dma_wait3A_16 : memref<120x256xf32, #tpu.memory_space<hbm>>)
      tpu.yield
    }) : () -> ()
    %add3A_9 = arith.constant 360 : i32
    %add3A_10 = arith.addi %mul3A_2, %add3A_9 : i32
    "tpu.region"() ({
      %run_scoped3A = tpu.sem_alloc : memref<!tpu.dma_semaphore, #tpu.memory_space<semaphore_mem>>
      %dma_start3A = tpu.memref_slice %arg3[%add3A_10] : memref<15360xi32, #tpu.memory_space<hbm>> -> memref<120xi32, #tpu.memory_space<hbm>>
      %dma_start3A_11 = tpu.memref_slice %arg3[%add3A_10] : memref<15360xi32, #tpu.memory_space<hbm>> -> memref<120xi32, #tpu.memory_space<hbm>>
      tpu.enqueue_dma source(%dma_start3A_11 : memref<120xi32, #tpu.memory_space<hbm>>) target(%arg5 : memref<120xi32, #tpu.memory_space<vmem>>) target_semaphore(%run_scoped3A : memref<!tpu.dma_semaphore, #tpu.memory_space<semaphore_mem>>)
      %dma_wait3A = tpu.memref_slice %arg3[%add3A_10] : memref<15360xi32, #tpu.memory_space<hbm>> -> memref<120xi32, #tpu.memory_space<hbm>>
      %dma_wait3A_12 = tpu.memref_slice %arg3[%add3A_10] : memref<15360xi32, #tpu.memory_space<hbm>> -> memref<120xi32, #tpu.memory_space<hbm>>
      tpu.wait_dma2 semaphore(%run_scoped3A : memref<!tpu.dma_semaphore, #tpu.memory_space<semaphore_mem>>) src(%dma_wait3A_12 : memref<120xi32, #tpu.memory_space<hbm>>) dst(%arg5 : memref<120xi32, #tpu.memory_space<vmem>>)
      tpu.yield
    }) : () -> ()
    "tpu.region"() ({
      %run_scoped3A = tpu.sem_alloc : memref<!tpu.dma_semaphore, #tpu.memory_space<semaphore_mem>>
      %dma_start3A = arith.constant 0 : i32
      %dma_start3A_11 = arith.constant 0 : i32
      %dma_start3A_12 = tpu.memref_slice %arg2[%dma_start3A, %dma_start3A_11] : memref<10240x256xf32, #tpu.memory_space<hbm>> -> memref<10240x256xf32, #tpu.memory_space<hbm>>
      tpu.enqueue_indirect_dma source(%dma_start3A_12 : memref<10240x256xf32, #tpu.memory_space<hbm>>) target(%arg6 : memref<120x256xf32, #tpu.memory_space<vmem>>) offsets(%arg5 : memref<120xi32, #tpu.memory_space<vmem>>) semaphore(%run_scoped3A : memref<!tpu.dma_semaphore, #tpu.memory_space<semaphore_mem>>)
      %dma_wait3A = arith.constant 0 : i32
      %dma_wait3A_13 = arith.constant 0 : i32
      %dma_wait3A_14 = tpu.memref_slice %arg2[%dma_wait3A, %dma_wait3A_13] : memref<10240x256xf32, #tpu.memory_space<hbm>> -> memref<10240x256xf32, #tpu.memory_space<hbm>>
      tpu.wait_indirect_dma semaphore(%run_scoped3A : memref<!tpu.dma_semaphore, #tpu.memory_space<semaphore_mem>>) src(%dma_wait3A_14 : memref<10240x256xf32, #tpu.memory_space<hbm>>) dst(%arg6 : memref<120x256xf32, #tpu.memory_space<vmem>>)
      tpu.yield
    }) : () -> ()
    "tpu.region"() ({
      %run_scoped3A = tpu.sem_alloc : memref<!tpu.dma_semaphore, #tpu.memory_space<semaphore_mem>>
      %dma_start3A = arith.constant 0 : i32
      %dma_start3A_11 = tpu.memref_slice %arg4[%add3A_10, %dma_start3A] : memref<15360x256xf32, #tpu.memory_space<hbm>> -> memref<120x256xf32, #tpu.memory_space<hbm>>
      %dma_start3A_12 = arith.constant 0 : i32
      %dma_start3A_13 = tpu.memref_slice %arg4[%add3A_10, %dma_start3A_12] : memref<15360x256xf32, #tpu.memory_space<hbm>> -> memref<120x256xf32, #tpu.memory_space<hbm>>
      tpu.enqueue_dma source(%arg6 : memref<120x256xf32, #tpu.memory_space<vmem>>) target(%dma_start3A_13 : memref<120x256xf32, #tpu.memory_space<hbm>>) target_semaphore(%run_scoped3A : memref<!tpu.dma_semaphore, #tpu.memory_space<semaphore_mem>>)
      %dma_wait3A = arith.constant 0 : i32
      %dma_wait3A_14 = tpu.memref_slice %arg4[%add3A_10, %dma_wait3A] : memref<15360x256xf32, #tpu.memory_space<hbm>> -> memref<120x256xf32, #tpu.memory_space<hbm>>
      %dma_wait3A_15 = arith.constant 0 : i32
      %dma_wait3A_16 = tpu.memref_slice %arg4[%add3A_10, %dma_wait3A_15] : memref<15360x256xf32, #tpu.memory_space<hbm>> -> memref<120x256xf32, #tpu.memory_space<hbm>>
      tpu.wait_dma2 semaphore(%run_scoped3A : memref<!tpu.dma_semaphore, #tpu.memory_space<semaphore_mem>>) src(%arg6 : memref<120x256xf32, #tpu.memory_space<vmem>>) dst(%dma_wait3A_16 : memref<120x256xf32, #tpu.memory_space<hbm>>)
      tpu.yield
    }) : () -> ()
    return
  }
}

#map = affine_map<(d0, d1) -> (0, 0)>
#map1 = affine_map<(d0, d1) -> (0)>
#map2 = affine_map<(d0, d1) -> (0, 0, 0)>
module attributes {stable_mosaic.version = 14 : i64} {
  func.func @body(%arg0: i32, %arg1: i32, %arg2: memref<10240x128xf32, #tpu.memory_space<hbm>>, %arg3: memref<10240x16xf32, #tpu.memory_space<hbm>>, %arg4: memref<10240x16xf32, #tpu.memory_space<hbm>>, %arg5: memref<344064xi32, #tpu.memory_space<hbm>>, %arg6: memref<344064xi32, #tpu.memory_space<hbm>>, %arg7: memref<640x128xf32, #tpu.memory_space<hbm>>, %arg8: memref<640x16xf32, #tpu.memory_space<hbm>>, %arg9: memref<2x10240x128xf32, #tpu.memory_space<hbm>>, %arg10: memref<2x10240x16xf32, #tpu.memory_space<hbm>>, %arg11: memref<64xi32, #tpu.memory_space<vmem>>, %arg12: memref<64xi32, #tpu.memory_space<vmem>>, %arg13: memref<64xi32, #tpu.memory_space<vmem>>, %arg14: memref<64xi32, #tpu.memory_space<vmem>>, %arg15: memref<64xi32, #tpu.memory_space<vmem>>, %arg16: memref<64xi32, #tpu.memory_space<vmem>>, %arg17: memref<64x16xf32, #tpu.memory_space<vmem>>, %arg18: memref<64x16xf32, #tpu.memory_space<vmem>>, %arg19: memref<64x16xf32, #tpu.memory_space<vmem>>, %arg20: memref<64x16xf32, #tpu.memory_space<vmem>>, %arg21: memref<64x16xf32, #tpu.memory_space<vmem>>, %arg22: memref<64x16xf32, #tpu.memory_space<vmem>>, %arg23: memref<64x128xf32, #tpu.memory_space<vmem>>, %arg24: memref<64x128xf32, #tpu.memory_space<vmem>>, %arg25: memref<64x128xf32, #tpu.memory_space<vmem>>, %arg26: memref<64x16xf32, #tpu.memory_space<vmem>>, %arg27: memref<64x16xf32, #tpu.memory_space<vmem>>, %arg28: memref<64x16xf32, #tpu.memory_space<vmem>>, %arg29: memref<!tpu.dma_semaphore, #tpu.memory_space<semaphore_mem>>, %arg30: memref<!tpu.dma_semaphore, #tpu.memory_space<semaphore_mem>>, %arg31: memref<!tpu.dma_semaphore, #tpu.memory_space<semaphore_mem>>, %arg32: memref<!tpu.dma_semaphore, #tpu.memory_space<semaphore_mem>>, %arg33: memref<!tpu.dma_semaphore, #tpu.memory_space<semaphore_mem>>, %arg34: memref<!tpu.dma_semaphore, #tpu.memory_space<semaphore_mem>>, %arg35: memref<10240x128xf32, #tpu.memory_space<vmem_shared>>, %arg36: memref<10240x16xf32, #tpu.memory_space<vmem_shared>>) attributes {dimension_semantics = [#tpu.dimension_semantics<core_parallel>, #tpu.dimension_semantics<subcore_parallel>], iteration_bounds = array<i64: 2, 16>, scalar_prefetch = 0 : i64, scratch_operands = 26 : i64, tpu.core_type = #tpu.core_type<sc_vector_subcore>, window_params = [{transform_indices = #map}, {transform_indices = #map}, {transform_indices = #map}, {transform_indices = #map1}, {transform_indices = #map1}, {transform_indices = #map}, {transform_indices = #map}, {transform_indices = #map2}, {transform_indices = #map2}]} {
    %mul3A = arith.constant 640 : i32
    %mul3A_0 = arith.muli %arg1, %mul3A : i32
    "tpu.region"() ({
      %run_scoped3A = tpu.sem_alloc : memref<!tpu.dma_semaphore, #tpu.memory_space<semaphore_mem>>
      %dma_start3A_48 = arith.constant 0 : i32
      %dma_start3A_49 = tpu.memref_slice %arg35[%mul3A_0, %dma_start3A_48] : memref<10240x128xf32, #tpu.memory_space<vmem_shared>> -> memref<640x128xf32, #tpu.memory_space<vmem_shared>>
      tpu.enqueue_dma source(%arg7 : memref<640x128xf32, #tpu.memory_space<hbm>>) target(%dma_start3A_49 : memref<640x128xf32, #tpu.memory_space<vmem_shared>>) target_semaphore(%run_scoped3A : memref<!tpu.dma_semaphore, #tpu.memory_space<semaphore_mem>>)
      %dma_wait3A_50 = arith.constant 0 : i32
      %dma_wait3A_51 = tpu.memref_slice %arg35[%mul3A_0, %dma_wait3A_50] : memref<10240x128xf32, #tpu.memory_space<vmem_shared>> -> memref<640x128xf32, #tpu.memory_space<vmem_shared>>
      tpu.wait_dma2 semaphore(%run_scoped3A : memref<!tpu.dma_semaphore, #tpu.memory_space<semaphore_mem>>) src(%arg7 : memref<640x128xf32, #tpu.memory_space<hbm>>) dst(%dma_wait3A_51 : memref<640x128xf32, #tpu.memory_space<vmem_shared>>)
      tpu.yield
    }) : () -> ()
    %mul3A_1 = arith.constant 640 : i32
    %mul3A_2 = arith.muli %arg1, %mul3A_1 : i32
    "tpu.region"() ({
      %run_scoped3A = tpu.sem_alloc : memref<!tpu.dma_semaphore, #tpu.memory_space<semaphore_mem>>
      %dma_start3A_48 = arith.constant 0 : i32
      %dma_start3A_49 = tpu.memref_slice %arg36[%mul3A_2, %dma_start3A_48] : memref<10240x16xf32, #tpu.memory_space<vmem_shared>> -> memref<640x16xf32, #tpu.memory_space<vmem_shared>>
      tpu.enqueue_dma source(%arg8 : memref<640x16xf32, #tpu.memory_space<hbm>>) target(%dma_start3A_49 : memref<640x16xf32, #tpu.memory_space<vmem_shared>>) target_semaphore(%run_scoped3A : memref<!tpu.dma_semaphore, #tpu.memory_space<semaphore_mem>>)
      %dma_wait3A_50 = arith.constant 0 : i32
      %dma_wait3A_51 = tpu.memref_slice %arg36[%mul3A_2, %dma_wait3A_50] : memref<10240x16xf32, #tpu.memory_space<vmem_shared>> -> memref<640x16xf32, #tpu.memory_space<vmem_shared>>
      tpu.wait_dma2 semaphore(%run_scoped3A : memref<!tpu.dma_semaphore, #tpu.memory_space<semaphore_mem>>) src(%arg8 : memref<640x16xf32, #tpu.memory_space<hbm>>) dst(%dma_wait3A_51 : memref<640x16xf32, #tpu.memory_space<vmem_shared>>)
      tpu.yield
    }) : () -> ()
    %barrier3A = arith.constant 0 : index
    tpu.barrier barrier_id(%barrier3A)
    %mul3A_3 = arith.constant 172032 : i32
    %mul3A_4 = arith.muli %arg0, %mul3A_3 : i32
    %mul3A_5 = arith.constant 10752 : i32
    %mul3A_6 = arith.muli %arg1, %mul3A_5 : i32
    %add3A = arith.addi %mul3A_4, %mul3A_6 : i32
    %add3A_7 = arith.constant 0 : i32
    %add3A_8 = arith.addi %add3A, %add3A_7 : i32
    "tpu.region"() ({
      %run_scoped3A = tpu.sem_alloc : memref<!tpu.dma_semaphore, #tpu.memory_space<semaphore_mem>>
      %dma_start3A_48 = tpu.memref_slice %arg5[%add3A_8] : memref<344064xi32, #tpu.memory_space<hbm>> -> memref<64xi32, #tpu.memory_space<hbm>>
      %dma_start3A_49 = tpu.memref_slice %arg5[%add3A_8] : memref<344064xi32, #tpu.memory_space<hbm>> -> memref<64xi32, #tpu.memory_space<hbm>>
      tpu.enqueue_dma source(%dma_start3A_49 : memref<64xi32, #tpu.memory_space<hbm>>) target(%arg11 : memref<64xi32, #tpu.memory_space<vmem>>) target_semaphore(%run_scoped3A : memref<!tpu.dma_semaphore, #tpu.memory_space<semaphore_mem>>)
      %dma_wait3A_50 = tpu.memref_slice %arg5[%add3A_8] : memref<344064xi32, #tpu.memory_space<hbm>> -> memref<64xi32, #tpu.memory_space<hbm>>
      %dma_wait3A_51 = tpu.memref_slice %arg5[%add3A_8] : memref<344064xi32, #tpu.memory_space<hbm>> -> memref<64xi32, #tpu.memory_space<hbm>>
      tpu.wait_dma2 semaphore(%run_scoped3A : memref<!tpu.dma_semaphore, #tpu.memory_space<semaphore_mem>>) src(%dma_wait3A_51 : memref<64xi32, #tpu.memory_space<hbm>>) dst(%arg11 : memref<64xi32, #tpu.memory_space<vmem>>)
      tpu.yield
    }) : () -> ()
    "tpu.region"() ({
      %run_scoped3A = tpu.sem_alloc : memref<!tpu.dma_semaphore, #tpu.memory_space<semaphore_mem>>
      %dma_start3A_48 = tpu.memref_slice %arg6[%add3A_8] : memref<344064xi32, #tpu.memory_space<hbm>> -> memref<64xi32, #tpu.memory_space<hbm>>
      %dma_start3A_49 = tpu.memref_slice %arg6[%add3A_8] : memref<344064xi32, #tpu.memory_space<hbm>> -> memref<64xi32, #tpu.memory_space<hbm>>
      tpu.enqueue_dma source(%dma_start3A_49 : memref<64xi32, #tpu.memory_space<hbm>>) target(%arg14 : memref<64xi32, #tpu.memory_space<vmem>>) target_semaphore(%run_scoped3A : memref<!tpu.dma_semaphore, #tpu.memory_space<semaphore_mem>>)
      %dma_wait3A_50 = tpu.memref_slice %arg6[%add3A_8] : memref<344064xi32, #tpu.memory_space<hbm>> -> memref<64xi32, #tpu.memory_space<hbm>>
      %dma_wait3A_51 = tpu.memref_slice %arg6[%add3A_8] : memref<344064xi32, #tpu.memory_space<hbm>> -> memref<64xi32, #tpu.memory_space<hbm>>
      tpu.wait_dma2 semaphore(%run_scoped3A : memref<!tpu.dma_semaphore, #tpu.memory_space<semaphore_mem>>) src(%dma_wait3A_51 : memref<64xi32, #tpu.memory_space<hbm>>) dst(%arg14 : memref<64xi32, #tpu.memory_space<vmem>>)
      tpu.yield
    }) : () -> ()
    %dma_start3A = arith.constant 0 : i32
    %dma_start3A_9 = arith.constant 0 : i32
    %dma_start3A_10 = tpu.memref_slice %arg3[%dma_start3A, %dma_start3A_9] : memref<10240x16xf32, #tpu.memory_space<hbm>> -> memref<10240x16xf32, #tpu.memory_space<hbm>>
    tpu.enqueue_indirect_dma source(%dma_start3A_10 : memref<10240x16xf32, #tpu.memory_space<hbm>>) target(%arg17 : memref<64x16xf32, #tpu.memory_space<vmem>>) offsets(%arg11 : memref<64xi32, #tpu.memory_space<vmem>>) semaphore(%arg29 : memref<!tpu.dma_semaphore, #tpu.memory_space<semaphore_mem>>)
    %dma_start3A_11 = arith.constant 0 : i32
    %dma_start3A_12 = arith.constant 0 : i32
    %dma_start3A_13 = tpu.memref_slice %arg4[%dma_start3A_11, %dma_start3A_12] : memref<10240x16xf32, #tpu.memory_space<hbm>> -> memref<10240x16xf32, #tpu.memory_space<hbm>>
    tpu.enqueue_indirect_dma source(%dma_start3A_13 : memref<10240x16xf32, #tpu.memory_space<hbm>>) target(%arg20 : memref<64x16xf32, #tpu.memory_space<vmem>>) offsets(%arg14 : memref<64xi32, #tpu.memory_space<vmem>>) semaphore(%arg29 : memref<!tpu.dma_semaphore, #tpu.memory_space<semaphore_mem>>)
    %dma_start3A_14 = arith.constant 0 : i32
    %dma_start3A_15 = arith.constant 0 : i32
    %dma_start3A_16 = tpu.memref_slice %arg2[%dma_start3A_14, %dma_start3A_15] : memref<10240x128xf32, #tpu.memory_space<hbm>> -> memref<10240x128xf32, #tpu.memory_space<hbm>>
    tpu.enqueue_indirect_dma source(%dma_start3A_16 : memref<10240x128xf32, #tpu.memory_space<hbm>>) target(%arg23 : memref<64x128xf32, #tpu.memory_space<vmem>>) offsets(%arg11 : memref<64xi32, #tpu.memory_space<vmem>>) semaphore(%arg29 : memref<!tpu.dma_semaphore, #tpu.memory_space<semaphore_mem>>)
    %scan3A = arith.constant 0 : i32
    %scan3A_17 = arith.constant 0 : i32
    %scan3A_18 = arith.constant 56 : i32
    %scan3A_19 = arith.addi %scan3A_17, %scan3A_18 : i32
    %scan3A_20 = arith.constant 1 : i32
    scf.for %scan3A_48 = %scan3A_17 to %scan3A_19 step %scan3A_20  : i32 {
      %mul3A_49 = arith.constant 3 : i32
      %mul3A_50 = arith.muli %scan3A_48, %mul3A_49 : i32
      %add3A_51 = arith.constant 0 : i32
      %add3A_52 = arith.addi %mul3A_50, %add3A_51 : i32
      %add3A_53 = arith.constant 1 : i32
      %add3A_54 = arith.addi %add3A_52, %add3A_53 : i32
      %lt3A = arith.constant 168 : i32
      %lt3A_55 = arith.cmpi slt, %add3A_54, %lt3A : i32
      %ge3A = arith.constant 2 : i32
      %ge3A_56 = arith.cmpi sge, %add3A_52, %ge3A : i32
      %and3A = arith.andi %lt3A_55, %ge3A_56 : i1
      %convert_element_type3A = arith.extui %and3A : i1 to i32
      %cond3A = arith.constant 0 : i32
      %cond3A_57 = arith.cmpi ne, %convert_element_type3A, %cond3A : i32
      scf.if %cond3A_57 {
        %dma_wait3A_170 = arith.constant 0 : i32
        %dma_wait3A_171 = arith.constant 0 : i32
        %dma_wait3A_172 = tpu.memref_slice %arg36[%dma_wait3A_170, %dma_wait3A_171] : memref<10240x16xf32, #tpu.memory_space<vmem_shared>> -> memref<10240x16xf32, #tpu.memory_space<vmem_shared>>
        tpu.wait_indirect_dma semaphore(%arg33 : memref<!tpu.dma_semaphore, #tpu.memory_space<semaphore_mem>>) src(%arg27 : memref<64x16xf32, #tpu.memory_space<vmem>>) dst(%dma_wait3A_172 : memref<10240x16xf32, #tpu.memory_space<vmem_shared>>)
        %dma_wait3A_173 = arith.constant 0 : i32
        %dma_wait3A_174 = arith.constant 0 : i32
        %dma_wait3A_175 = tpu.memref_slice %arg35[%dma_wait3A_173, %dma_wait3A_174] : memref<10240x128xf32, #tpu.memory_space<vmem_shared>> -> memref<10240x128xf32, #tpu.memory_space<vmem_shared>>
        tpu.wait_indirect_dma semaphore(%arg33 : memref<!tpu.dma_semaphore, #tpu.memory_space<semaphore_mem>>) src(%arg24 : memref<64x128xf32, #tpu.memory_space<vmem>>) dst(%dma_wait3A_175 : memref<10240x128xf32, #tpu.memory_space<vmem_shared>>)
      } else {
      }
      %add3A_58 = arith.constant 1 : i32
      %add3A_59 = arith.addi %add3A_52, %add3A_58 : i32
      %lt3A_60 = arith.constant 168 : i32
      %lt3A_61 = arith.cmpi slt, %add3A_59, %lt3A_60 : i32
      %convert_element_type3A_62 = arith.extui %lt3A_61 : i1 to i32
      %cond3A_63 = arith.constant 0 : i32
      %cond3A_64 = arith.cmpi ne, %convert_element_type3A_62, %cond3A_63 : i32
      scf.if %cond3A_64 {
        %add3A_170 = arith.constant 1 : i32
        %add3A_171 = arith.addi %add3A_52, %add3A_170 : i32
        %mul3A_172 = arith.constant 64 : i32
        %mul3A_173 = arith.muli %add3A_171, %mul3A_172 : i32
        %add3A_174 = arith.addi %add3A, %mul3A_173 : i32
        "tpu.region"() ({
          %run_scoped3A = tpu.sem_alloc : memref<!tpu.dma_semaphore, #tpu.memory_space<semaphore_mem>>
          %dma_start3A_184 = tpu.memref_slice %arg5[%add3A_174] : memref<344064xi32, #tpu.memory_space<hbm>> -> memref<64xi32, #tpu.memory_space<hbm>>
          %dma_start3A_185 = tpu.memref_slice %arg5[%add3A_174] : memref<344064xi32, #tpu.memory_space<hbm>> -> memref<64xi32, #tpu.memory_space<hbm>>
          tpu.enqueue_dma source(%dma_start3A_185 : memref<64xi32, #tpu.memory_space<hbm>>) target(%arg12 : memref<64xi32, #tpu.memory_space<vmem>>) target_semaphore(%run_scoped3A : memref<!tpu.dma_semaphore, #tpu.memory_space<semaphore_mem>>)
          %dma_wait3A_186 = tpu.memref_slice %arg5[%add3A_174] : memref<344064xi32, #tpu.memory_space<hbm>> -> memref<64xi32, #tpu.memory_space<hbm>>
          %dma_wait3A_187 = tpu.memref_slice %arg5[%add3A_174] : memref<344064xi32, #tpu.memory_space<hbm>> -> memref<64xi32, #tpu.memory_space<hbm>>
          tpu.wait_dma2 semaphore(%run_scoped3A : memref<!tpu.dma_semaphore, #tpu.memory_space<semaphore_mem>>) src(%dma_wait3A_187 : memref<64xi32, #tpu.memory_space<hbm>>) dst(%arg12 : memref<64xi32, #tpu.memory_space<vmem>>)
          tpu.yield
        }) : () -> ()
        "tpu.region"() ({
          %run_scoped3A = tpu.sem_alloc : memref<!tpu.dma_semaphore, #tpu.memory_space<semaphore_mem>>
          %dma_start3A_184 = tpu.memref_slice %arg6[%add3A_174] : memref<344064xi32, #tpu.memory_space<hbm>> -> memref<64xi32, #tpu.memory_space<hbm>>
          %dma_start3A_185 = tpu.memref_slice %arg6[%add3A_174] : memref<344064xi32, #tpu.memory_space<hbm>> -> memref<64xi32, #tpu.memory_space<hbm>>
          tpu.enqueue_dma source(%dma_start3A_185 : memref<64xi32, #tpu.memory_space<hbm>>) target(%arg15 : memref<64xi32, #tpu.memory_space<vmem>>) target_semaphore(%run_scoped3A : memref<!tpu.dma_semaphore, #tpu.memory_space<semaphore_mem>>)
          %dma_wait3A_186 = tpu.memref_slice %arg6[%add3A_174] : memref<344064xi32, #tpu.memory_space<hbm>> -> memref<64xi32, #tpu.memory_space<hbm>>
          %dma_wait3A_187 = tpu.memref_slice %arg6[%add3A_174] : memref<344064xi32, #tpu.memory_space<hbm>> -> memref<64xi32, #tpu.memory_space<hbm>>
          tpu.wait_dma2 semaphore(%run_scoped3A : memref<!tpu.dma_semaphore, #tpu.memory_space<semaphore_mem>>) src(%dma_wait3A_187 : memref<64xi32, #tpu.memory_space<hbm>>) dst(%arg15 : memref<64xi32, #tpu.memory_space<vmem>>)
          tpu.yield
        }) : () -> ()
        %dma_start3A_175 = arith.constant 0 : i32
        %dma_start3A_176 = arith.constant 0 : i32
        %dma_start3A_177 = tpu.memref_slice %arg3[%dma_start3A_175, %dma_start3A_176] : memref<10240x16xf32, #tpu.memory_space<hbm>> -> memref<10240x16xf32, #tpu.memory_space<hbm>>
        tpu.enqueue_indirect_dma source(%dma_start3A_177 : memref<10240x16xf32, #tpu.memory_space<hbm>>) target(%arg18 : memref<64x16xf32, #tpu.memory_space<vmem>>) offsets(%arg12 : memref<64xi32, #tpu.memory_space<vmem>>) semaphore(%arg30 : memref<!tpu.dma_semaphore, #tpu.memory_space<semaphore_mem>>)
        %dma_start3A_178 = arith.constant 0 : i32
        %dma_start3A_179 = arith.constant 0 : i32
        %dma_start3A_180 = tpu.memref_slice %arg4[%dma_start3A_178, %dma_start3A_179] : memref<10240x16xf32, #tpu.memory_space<hbm>> -> memref<10240x16xf32, #tpu.memory_space<hbm>>
        tpu.enqueue_indirect_dma source(%dma_start3A_180 : memref<10240x16xf32, #tpu.memory_space<hbm>>) target(%arg21 : memref<64x16xf32, #tpu.memory_space<vmem>>) offsets(%arg15 : memref<64xi32, #tpu.memory_space<vmem>>) semaphore(%arg30 : memref<!tpu.dma_semaphore, #tpu.memory_space<semaphore_mem>>)
        %dma_start3A_181 = arith.constant 0 : i32
        %dma_start3A_182 = arith.constant 0 : i32
        %dma_start3A_183 = tpu.memref_slice %arg2[%dma_start3A_181, %dma_start3A_182] : memref<10240x128xf32, #tpu.memory_space<hbm>> -> memref<10240x128xf32, #tpu.memory_space<hbm>>
        tpu.enqueue_indirect_dma source(%dma_start3A_183 : memref<10240x128xf32, #tpu.memory_space<hbm>>) target(%arg24 : memref<64x128xf32, #tpu.memory_space<vmem>>) offsets(%arg12 : memref<64xi32, #tpu.memory_space<vmem>>) semaphore(%arg30 : memref<!tpu.dma_semaphore, #tpu.memory_space<semaphore_mem>>)
      } else {
      }
      %dma_wait3A_65 = arith.constant 0 : i32
      %dma_wait3A_66 = arith.constant 0 : i32
      %dma_wait3A_67 = tpu.memref_slice %arg3[%dma_wait3A_65, %dma_wait3A_66] : memref<10240x16xf32, #tpu.memory_space<hbm>> -> memref<10240x16xf32, #tpu.memory_space<hbm>>
      tpu.wait_indirect_dma semaphore(%arg29 : memref<!tpu.dma_semaphore, #tpu.memory_space<semaphore_mem>>) src(%dma_wait3A_67 : memref<10240x16xf32, #tpu.memory_space<hbm>>) dst(%arg17 : memref<64x16xf32, #tpu.memory_space<vmem>>)
      %dma_wait3A_68 = arith.constant 0 : i32
      %dma_wait3A_69 = arith.constant 0 : i32
      %dma_wait3A_70 = tpu.memref_slice %arg4[%dma_wait3A_68, %dma_wait3A_69] : memref<10240x16xf32, #tpu.memory_space<hbm>> -> memref<10240x16xf32, #tpu.memory_space<hbm>>
      tpu.wait_indirect_dma semaphore(%arg29 : memref<!tpu.dma_semaphore, #tpu.memory_space<semaphore_mem>>) src(%dma_wait3A_70 : memref<10240x16xf32, #tpu.memory_space<hbm>>) dst(%arg20 : memref<64x16xf32, #tpu.memory_space<vmem>>)
      %dma_wait3A_71 = arith.constant 0 : i32
      %dma_wait3A_72 = arith.constant 0 : i32
      %dma_wait3A_73 = tpu.memref_slice %arg2[%dma_wait3A_71, %dma_wait3A_72] : memref<10240x128xf32, #tpu.memory_space<hbm>> -> memref<10240x128xf32, #tpu.memory_space<hbm>>
      tpu.wait_indirect_dma semaphore(%arg29 : memref<!tpu.dma_semaphore, #tpu.memory_space<semaphore_mem>>) src(%dma_wait3A_73 : memref<10240x128xf32, #tpu.memory_space<hbm>>) dst(%arg23 : memref<64x128xf32, #tpu.memory_space<vmem>>)
      %scan3A_74 = arith.constant 0 : i32
      %scan3A_75 = arith.constant 0 : i32
      %scan3A_76 = arith.constant 64 : i32
      %scan3A_77 = arith.addi %scan3A_75, %scan3A_76 : i32
      %scan3A_78 = arith.constant 1 : i32
      scf.for %scan3A_170 = %scan3A_75 to %scan3A_77 step %scan3A_78  : i32 {
        %get3A = arith.index_cast %scan3A_170 : i32 to index
        %get3A_171 = arith.constant 0 : index
        %get3A_172 = tpu.vector_load %arg17[%get3A, %get3A_171] {strides = array<i32>} : memref<64x16xf32, #tpu.memory_space<vmem>>, vector<1x16xf32>,
        %get3A_173 = vector.shape_cast %get3A_172 : vector<1x16xf32> to vector<16xf32>
        %get3A_174 = arith.index_cast %scan3A_170 : i32 to index
        %get3A_175 = arith.constant 0 : index
        %get3A_176 = tpu.vector_load %arg20[%get3A_174, %get3A_175] {strides = array<i32>} : memref<64x16xf32, #tpu.memory_space<vmem>>, vector<1x16xf32>,
        %get3A_177 = vector.shape_cast %get3A_176 : vector<1x16xf32> to vector<16xf32>
        %add3A_178 = arith.addf %get3A_173, %get3A_177 : vector<16xf32>
        %mul3A_179 = arith.constant 2.000000e-01 : f32
        %mul3A_180 = vector.broadcast %mul3A_179 : f32 to vector<16xf32>
        %mul3A_181 = arith.mulf %mul3A_180, %add3A_178 : vector<16xf32>
        %max3A = arith.maximumf %add3A_178, %mul3A_181 : vector<16xf32>
        %exp3A = math.exp %max3A : vector<16xf32>
        %swap3A = arith.index_cast %scan3A_170 : i32 to index
        %swap3A_182 = arith.constant 0 : index
        %swap3A_183 = tpu.vector_load %arg26[%swap3A, %swap3A_182] {strides = array<i32>} : memref<64x16xf32, #tpu.memory_space<vmem>>, vector<1x16xf32>,
        %swap3A_184 = vector.shape_cast %swap3A_183 : vector<1x16xf32> to vector<16xf32>
        %swap3A_185 = vector.shape_cast %exp3A : vector<16xf32> to vector<1x16xf32>
        tpu.vector_store %arg26[%swap3A, %swap3A_182], %swap3A_185 {strides = array<i32>} : memref<64x16xf32, #tpu.memory_space<vmem>>, vector<1x16xf32>,
        %get3A_186 = arith.index_cast %scan3A_170 : i32 to index
        %get3A_187 = arith.constant 0 : index
        %get3A_188 = tpu.vector_load %arg23[%get3A_186, %get3A_187] {strides = array<i32>} : memref<64x128xf32, #tpu.memory_space<vmem>>, vector<1x16xf32>,
        %get3A_189 = vector.shape_cast %get3A_188 : vector<1x16xf32> to vector<16xf32>
        %slice3A = vector.extract_strided_slice %exp3A {offsets = [0], sizes = [1], strides = [1]} : vector<16xf32> to vector<1xf32>
        %squeeze3A = vector.extract %slice3A[0] : f32 from vector<1xf32>
        %mul3A_190 = vector.broadcast %squeeze3A : f32 to vector<16xf32>
        %mul3A_191 = arith.mulf %get3A_189, %mul3A_190 : vector<16xf32>
        %swap3A_192 = arith.index_cast %scan3A_170 : i32 to index
        %swap3A_193 = arith.constant 0 : index
        %swap3A_194 = tpu.vector_load %arg23[%swap3A_192, %swap3A_193] {strides = array<i32>} : memref<64x128xf32, #tpu.memory_space<vmem>>, vector<1x16xf32>,
        %swap3A_195 = vector.shape_cast %swap3A_194 : vector<1x16xf32> to vector<16xf32>
        %swap3A_196 = vector.shape_cast %mul3A_191 : vector<16xf32> to vector<1x16xf32>
        tpu.vector_store %arg23[%swap3A_192, %swap3A_193], %swap3A_196 {strides = array<i32>} : memref<64x128xf32, #tpu.memory_space<vmem>>, vector<1x16xf32>,
        %get3A_197 = arith.index_cast %scan3A_170 : i32 to index
        %get3A_198 = arith.constant 16 : index
        %get3A_199 = tpu.vector_load %arg23[%get3A_197, %get3A_198] {strides = array<i32>} : memref<64x128xf32, #tpu.memory_space<vmem>>, vector<1x16xf32>,
        %get3A_200 = vector.shape_cast %get3A_199 : vector<1x16xf32> to vector<16xf32>
        %slice3A_201 = vector.extract_strided_slice %exp3A {offsets = [1], sizes = [1], strides = [1]} : vector<16xf32> to vector<1xf32>
        %squeeze3A_202 = vector.extract %slice3A_201[0] : f32 from vector<1xf32>
        %mul3A_203 = vector.broadcast %squeeze3A_202 : f32 to vector<16xf32>
        %mul3A_204 = arith.mulf %get3A_200, %mul3A_203 : vector<16xf32>
        %swap3A_205 = arith.index_cast %scan3A_170 : i32 to index
        %swap3A_206 = arith.constant 16 : index
        %swap3A_207 = tpu.vector_load %arg23[%swap3A_205, %swap3A_206] {strides = array<i32>} : memref<64x128xf32, #tpu.memory_space<vmem>>, vector<1x16xf32>,
        %swap3A_208 = vector.shape_cast %swap3A_207 : vector<1x16xf32> to vector<16xf32>
        %swap3A_209 = vector.shape_cast %mul3A_204 : vector<16xf32> to vector<1x16xf32>
        tpu.vector_store %arg23[%swap3A_205, %swap3A_206], %swap3A_209 {strides = array<i32>} : memref<64x128xf32, #tpu.memory_space<vmem>>, vector<1x16xf32>,
        %get3A_210 = arith.index_cast %scan3A_170 : i32 to index
        %get3A_211 = arith.constant 32 : index
        %get3A_212 = tpu.vector_load %arg23[%get3A_210, %get3A_211] {strides = array<i32>} : memref<64x128xf32, #tpu.memory_space<vmem>>, vector<1x16xf32>,
        %get3A_213 = vector.shape_cast %get3A_212 : vector<1x16xf32> to vector<16xf32>
        %slice3A_214 = vector.extract_strided_slice %exp3A {offsets = [2], sizes = [1], strides = [1]} : vector<16xf32> to vector<1xf32>
        %squeeze3A_215 = vector.extract %slice3A_214[0] : f32 from vector<1xf32>
        %mul3A_216 = vector.broadcast %squeeze3A_215 : f32 to vector<16xf32>
        %mul3A_217 = arith.mulf %get3A_213, %mul3A_216 : vector<16xf32>
        %swap3A_218 = arith.index_cast %scan3A_170 : i32 to index
        %swap3A_219 = arith.constant 32 : index
        %swap3A_220 = tpu.vector_load %arg23[%swap3A_218, %swap3A_219] {strides = array<i32>} : memref<64x128xf32, #tpu.memory_space<vmem>>, vector<1x16xf32>,
        %swap3A_221 = vector.shape_cast %swap3A_220 : vector<1x16xf32> to vector<16xf32>
        %swap3A_222 = vector.shape_cast %mul3A_217 : vector<16xf32> to vector<1x16xf32>
        tpu.vector_store %arg23[%swap3A_218, %swap3A_219], %swap3A_222 {strides = array<i32>} : memref<64x128xf32, #tpu.memory_space<vmem>>, vector<1x16xf32>,
        %get3A_223 = arith.index_cast %scan3A_170 : i32 to index
        %get3A_224 = arith.constant 48 : index
        %get3A_225 = tpu.vector_load %arg23[%get3A_223, %get3A_224] {strides = array<i32>} : memref<64x128xf32, #tpu.memory_space<vmem>>, vector<1x16xf32>,
        %get3A_226 = vector.shape_cast %get3A_225 : vector<1x16xf32> to vector<16xf32>
        %slice3A_227 = vector.extract_strided_slice %exp3A {offsets = [3], sizes = [1], strides = [1]} : vector<16xf32> to vector<1xf32>
        %squeeze3A_228 = vector.extract %slice3A_227[0] : f32 from vector<1xf32>
        %mul3A_229 = vector.broadcast %squeeze3A_228 : f32 to vector<16xf32>
        %mul3A_230 = arith.mulf %get3A_226, %mul3A_229 : vector<16xf32>
        %swap3A_231 = arith.index_cast %scan3A_170 : i32 to index
        %swap3A_232 = arith.constant 48 : index
        %swap3A_233 = tpu.vector_load %arg23[%swap3A_231, %swap3A_232] {strides = array<i32>} : memref<64x128xf32, #tpu.memory_space<vmem>>, vector<1x16xf32>,
        %swap3A_234 = vector.shape_cast %swap3A_233 : vector<1x16xf32> to vector<16xf32>
        %swap3A_235 = vector.shape_cast %mul3A_230 : vector<16xf32> to vector<1x16xf32>
        tpu.vector_store %arg23[%swap3A_231, %swap3A_232], %swap3A_235 {strides = array<i32>} : memref<64x128xf32, #tpu.memory_space<vmem>>, vector<1x16xf32>,
        %get3A_236 = arith.index_cast %scan3A_170 : i32 to index
        %get3A_237 = arith.constant 64 : index
        %get3A_238 = tpu.vector_load %arg23[%get3A_236, %get3A_237] {strides = array<i32>} : memref<64x128xf32, #tpu.memory_space<vmem>>, vector<1x16xf32>,
        %get3A_239 = vector.shape_cast %get3A_238 : vector<1x16xf32> to vector<16xf32>
        %slice3A_240 = vector.extract_strided_slice %exp3A {offsets = [4], sizes = [1], strides = [1]} : vector<16xf32> to vector<1xf32>
        %squeeze3A_241 = vector.extract %slice3A_240[0] : f32 from vector<1xf32>
        %mul3A_242 = vector.broadcast %squeeze3A_241 : f32 to vector<16xf32>
        %mul3A_243 = arith.mulf %get3A_239, %mul3A_242 : vector<16xf32>
        %swap3A_244 = arith.index_cast %scan3A_170 : i32 to index
        %swap3A_245 = arith.constant 64 : index
        %swap3A_246 = tpu.vector_load %arg23[%swap3A_244, %swap3A_245] {strides = array<i32>} : memref<64x128xf32, #tpu.memory_space<vmem>>, vector<1x16xf32>,
        %swap3A_247 = vector.shape_cast %swap3A_246 : vector<1x16xf32> to vector<16xf32>
        %swap3A_248 = vector.shape_cast %mul3A_243 : vector<16xf32> to vector<1x16xf32>
        tpu.vector_store %arg23[%swap3A_244, %swap3A_245], %swap3A_248 {strides = array<i32>} : memref<64x128xf32, #tpu.memory_space<vmem>>, vector<1x16xf32>,
        %get3A_249 = arith.index_cast %scan3A_170 : i32 to index
        %get3A_250 = arith.constant 80 : index
        %get3A_251 = tpu.vector_load %arg23[%get3A_249, %get3A_250] {strides = array<i32>} : memref<64x128xf32, #tpu.memory_space<vmem>>, vector<1x16xf32>,
        %get3A_252 = vector.shape_cast %get3A_251 : vector<1x16xf32> to vector<16xf32>
        %slice3A_253 = vector.extract_strided_slice %exp3A {offsets = [5], sizes = [1], strides = [1]} : vector<16xf32> to vector<1xf32>
        %squeeze3A_254 = vector.extract %slice3A_253[0] : f32 from vector<1xf32>
        %mul3A_255 = vector.broadcast %squeeze3A_254 : f32 to vector<16xf32>
        %mul3A_256 = arith.mulf %get3A_252, %mul3A_255 : vector<16xf32>
        %swap3A_257 = arith.index_cast %scan3A_170 : i32 to index
        %swap3A_258 = arith.constant 80 : index
        %swap3A_259 = tpu.vector_load %arg23[%swap3A_257, %swap3A_258] {strides = array<i32>} : memref<64x128xf32, #tpu.memory_space<vmem>>, vector<1x16xf32>,
        %swap3A_260 = vector.shape_cast %swap3A_259 : vector<1x16xf32> to vector<16xf32>
        %swap3A_261 = vector.shape_cast %mul3A_256 : vector<16xf32> to vector<1x16xf32>
        tpu.vector_store %arg23[%swap3A_257, %swap3A_258], %swap3A_261 {strides = array<i32>} : memref<64x128xf32, #tpu.memory_space<vmem>>, vector<1x16xf32>,
        %get3A_262 = arith.index_cast %scan3A_170 : i32 to index
        %get3A_263 = arith.constant 96 : index
        %get3A_264 = tpu.vector_load %arg23[%get3A_262, %get3A_263] {strides = array<i32>} : memref<64x128xf32, #tpu.memory_space<vmem>>, vector<1x16xf32>,
        %get3A_265 = vector.shape_cast %get3A_264 : vector<1x16xf32> to vector<16xf32>
        %slice3A_266 = vector.extract_strided_slice %exp3A {offsets = [6], sizes = [1], strides = [1]} : vector<16xf32> to vector<1xf32>
        %squeeze3A_267 = vector.extract %slice3A_266[0] : f32 from vector<1xf32>
        %mul3A_268 = vector.broadcast %squeeze3A_267 : f32 to vector<16xf32>
        %mul3A_269 = arith.mulf %get3A_265, %mul3A_268 : vector<16xf32>
        %swap3A_270 = arith.index_cast %scan3A_170 : i32 to index
        %swap3A_271 = arith.constant 96 : index
        %swap3A_272 = tpu.vector_load %arg23[%swap3A_270, %swap3A_271] {strides = array<i32>} : memref<64x128xf32, #tpu.memory_space<vmem>>, vector<1x16xf32>,
        %swap3A_273 = vector.shape_cast %swap3A_272 : vector<1x16xf32> to vector<16xf32>
        %swap3A_274 = vector.shape_cast %mul3A_269 : vector<16xf32> to vector<1x16xf32>
        tpu.vector_store %arg23[%swap3A_270, %swap3A_271], %swap3A_274 {strides = array<i32>} : memref<64x128xf32, #tpu.memory_space<vmem>>, vector<1x16xf32>,
        %get3A_275 = arith.index_cast %scan3A_170 : i32 to index
        %get3A_276 = arith.constant 112 : index
        %get3A_277 = tpu.vector_load %arg23[%get3A_275, %get3A_276] {strides = array<i32>} : memref<64x128xf32, #tpu.memory_space<vmem>>, vector<1x16xf32>,
        %get3A_278 = vector.shape_cast %get3A_277 : vector<1x16xf32> to vector<16xf32>
        %slice3A_279 = vector.extract_strided_slice %exp3A {offsets = [7], sizes = [1], strides = [1]} : vector<16xf32> to vector<1xf32>
        %squeeze3A_280 = vector.extract %slice3A_279[0] : f32 from vector<1xf32>
        %mul3A_281 = vector.broadcast %squeeze3A_280 : f32 to vector<16xf32>
        %mul3A_282 = arith.mulf %get3A_278, %mul3A_281 : vector<16xf32>
        %swap3A_283 = arith.index_cast %scan3A_170 : i32 to index
        %swap3A_284 = arith.constant 112 : index
        %swap3A_285 = tpu.vector_load %arg23[%swap3A_283, %swap3A_284] {strides = array<i32>} : memref<64x128xf32, #tpu.memory_space<vmem>>, vector<1x16xf32>,
        %swap3A_286 = vector.shape_cast %swap3A_285 : vector<1x16xf32> to vector<16xf32>
        %swap3A_287 = vector.shape_cast %mul3A_282 : vector<16xf32> to vector<1x16xf32>
        tpu.vector_store %arg23[%swap3A_283, %swap3A_284], %swap3A_287 {strides = array<i32>} : memref<64x128xf32, #tpu.memory_space<vmem>>, vector<1x16xf32>,
      }
      %scan3A_79 = arith.constant 64 : i32
      %dma_start3A_80 = arith.constant 0 : i32
      %dma_start3A_81 = arith.constant 0 : i32
      %dma_start3A_82 = tpu.memref_slice %arg36[%dma_start3A_80, %dma_start3A_81] : memref<10240x16xf32, #tpu.memory_space<vmem_shared>> -> memref<10240x16xf32, #tpu.memory_space<vmem_shared>>
      tpu.enqueue_indirect_dma source(%arg26 : memref<64x16xf32, #tpu.memory_space<vmem>>) target(%dma_start3A_82 : memref<10240x16xf32, #tpu.memory_space<vmem_shared>>) offsets(%arg14 : memref<64xi32, #tpu.memory_space<vmem>>) semaphore(%arg32 : memref<!tpu.dma_semaphore, #tpu.memory_space<semaphore_mem>>) {add = true}
      %dma_start3A_83 = arith.constant 0 : i32
      %dma_start3A_84 = arith.constant 0 : i32
      %dma_start3A_85 = tpu.memref_slice %arg35[%dma_start3A_83, %dma_start3A_84] : memref<10240x128xf32, #tpu.memory_space<vmem_shared>> -> memref<10240x128xf32, #tpu.memory_space<vmem_shared>>
      tpu.enqueue_indirect_dma source(%arg23 : memref<64x128xf32, #tpu.memory_space<vmem>>) target(%dma_start3A_85 : memref<10240x128xf32, #tpu.memory_space<vmem_shared>>) offsets(%arg14 : memref<64xi32, #tpu.memory_space<vmem>>) semaphore(%arg32 : memref<!tpu.dma_semaphore, #tpu.memory_space<semaphore_mem>>) {add = true}
      %mul3A_86 = arith.constant 3 : i32
      %mul3A_87 = arith.muli %scan3A_48, %mul3A_86 : i32
      %add3A_88 = arith.constant 1 : i32
      %add3A_89 = arith.addi %mul3A_87, %add3A_88 : i32
      %add3A_90 = arith.constant 1 : i32
      %add3A_91 = arith.addi %add3A_89, %add3A_90 : i32
      %lt3A_92 = arith.constant 168 : i32
      %lt3A_93 = arith.cmpi slt, %add3A_91, %lt3A_92 : i32
      %ge3A_94 = arith.constant 2 : i32
      %ge3A_95 = arith.cmpi sge, %add3A_89, %ge3A_94 : i32
      %and3A_96 = arith.andi %lt3A_93, %ge3A_95 : i1
      %convert_element_type3A_97 = arith.extui %and3A_96 : i1 to i32
      %cond3A_98 = arith.constant 0 : i32
      %cond3A_99 = arith.cmpi ne, %convert_element_type3A_97, %cond3A_98 : i32
      scf.if %cond3A_99 {
        %dma_wait3A_170 = arith.constant 0 : i32
        %dma_wait3A_171 = arith.constant 0 : i32
        %dma_wait3A_172 = tpu.memref_slice %arg36[%dma_wait3A_170, %dma_wait3A_171] : memref<10240x16xf32, #tpu.memory_space<vmem_shared>> -> memref<10240x16xf32, #tpu.memory_space<vmem_shared>>
        tpu.wait_indirect_dma semaphore(%arg34 : memref<!tpu.dma_semaphore, #tpu.memory_space<semaphore_mem>>) src(%arg28 : memref<64x16xf32, #tpu.memory_space<vmem>>) dst(%dma_wait3A_172 : memref<10240x16xf32, #tpu.memory_space<vmem_shared>>)
        %dma_wait3A_173 = arith.constant 0 : i32
        %dma_wait3A_174 = arith.constant 0 : i32
        %dma_wait3A_175 = tpu.memref_slice %arg35[%dma_wait3A_173, %dma_wait3A_174] : memref<10240x128xf32, #tpu.memory_space<vmem_shared>> -> memref<10240x128xf32, #tpu.memory_space<vmem_shared>>
        tpu.wait_indirect_dma semaphore(%arg34 : memref<!tpu.dma_semaphore, #tpu.memory_space<semaphore_mem>>) src(%arg25 : memref<64x128xf32, #tpu.memory_space<vmem>>) dst(%dma_wait3A_175 : memref<10240x128xf32, #tpu.memory_space<vmem_shared>>)
      } else {
      }
      %add3A_100 = arith.constant 1 : i32
      %add3A_101 = arith.addi %add3A_89, %add3A_100 : i32
      %lt3A_102 = arith.constant 168 : i32
      %lt3A_103 = arith.cmpi slt, %add3A_101, %lt3A_102 : i32
      %convert_element_type3A_104 = arith.extui %lt3A_103 : i1 to i32
      %cond3A_105 = arith.constant 0 : i32
      %cond3A_106 = arith.cmpi ne, %convert_element_type3A_104, %cond3A_105 : i32
      scf.if %cond3A_106 {
        %add3A_170 = arith.constant 1 : i32
        %add3A_171 = arith.addi %add3A_89, %add3A_170 : i32
        %mul3A_172 = arith.constant 64 : i32
        %mul3A_173 = arith.muli %add3A_171, %mul3A_172 : i32
        %add3A_174 = arith.addi %add3A, %mul3A_173 : i32
        "tpu.region"() ({
          %run_scoped3A = tpu.sem_alloc : memref<!tpu.dma_semaphore, #tpu.memory_space<semaphore_mem>>
          %dma_start3A_184 = tpu.memref_slice %arg5[%add3A_174] : memref<344064xi32, #tpu.memory_space<hbm>> -> memref<64xi32, #tpu.memory_space<hbm>>
          %dma_start3A_185 = tpu.memref_slice %arg5[%add3A_174] : memref<344064xi32, #tpu.memory_space<hbm>> -> memref<64xi32, #tpu.memory_space<hbm>>
          tpu.enqueue_dma source(%dma_start3A_185 : memref<64xi32, #tpu.memory_space<hbm>>) target(%arg13 : memref<64xi32, #tpu.memory_space<vmem>>) target_semaphore(%run_scoped3A : memref<!tpu.dma_semaphore, #tpu.memory_space<semaphore_mem>>)
          %dma_wait3A_186 = tpu.memref_slice %arg5[%add3A_174] : memref<344064xi32, #tpu.memory_space<hbm>> -> memref<64xi32, #tpu.memory_space<hbm>>
          %dma_wait3A_187 = tpu.memref_slice %arg5[%add3A_174] : memref<344064xi32, #tpu.memory_space<hbm>> -> memref<64xi32, #tpu.memory_space<hbm>>
          tpu.wait_dma2 semaphore(%run_scoped3A : memref<!tpu.dma_semaphore, #tpu.memory_space<semaphore_mem>>) src(%dma_wait3A_187 : memref<64xi32, #tpu.memory_space<hbm>>) dst(%arg13 : memref<64xi32, #tpu.memory_space<vmem>>)
          tpu.yield
        }) : () -> ()
        "tpu.region"() ({
          %run_scoped3A = tpu.sem_alloc : memref<!tpu.dma_semaphore, #tpu.memory_space<semaphore_mem>>
          %dma_start3A_184 = tpu.memref_slice %arg6[%add3A_174] : memref<344064xi32, #tpu.memory_space<hbm>> -> memref<64xi32, #tpu.memory_space<hbm>>
          %dma_start3A_185 = tpu.memref_slice %arg6[%add3A_174] : memref<344064xi32, #tpu.memory_space<hbm>> -> memref<64xi32, #tpu.memory_space<hbm>>
          tpu.enqueue_dma source(%dma_start3A_185 : memref<64xi32, #tpu.memory_space<hbm>>) target(%arg16 : memref<64xi32, #tpu.memory_space<vmem>>) target_semaphore(%run_scoped3A : memref<!tpu.dma_semaphore, #tpu.memory_space<semaphore_mem>>)
          %dma_wait3A_186 = tpu.memref_slice %arg6[%add3A_174] : memref<344064xi32, #tpu.memory_space<hbm>> -> memref<64xi32, #tpu.memory_space<hbm>>
          %dma_wait3A_187 = tpu.memref_slice %arg6[%add3A_174] : memref<344064xi32, #tpu.memory_space<hbm>> -> memref<64xi32, #tpu.memory_space<hbm>>
          tpu.wait_dma2 semaphore(%run_scoped3A : memref<!tpu.dma_semaphore, #tpu.memory_space<semaphore_mem>>) src(%dma_wait3A_187 : memref<64xi32, #tpu.memory_space<hbm>>) dst(%arg16 : memref<64xi32, #tpu.memory_space<vmem>>)
          tpu.yield
        }) : () -> ()
        %dma_start3A_175 = arith.constant 0 : i32
        %dma_start3A_176 = arith.constant 0 : i32
        %dma_start3A_177 = tpu.memref_slice %arg3[%dma_start3A_175, %dma_start3A_176] : memref<10240x16xf32, #tpu.memory_space<hbm>> -> memref<10240x16xf32, #tpu.memory_space<hbm>>
        tpu.enqueue_indirect_dma source(%dma_start3A_177 : memref<10240x16xf32, #tpu.memory_space<hbm>>) target(%arg19 : memref<64x16xf32, #tpu.memory_space<vmem>>) offsets(%arg13 : memref<64xi32, #tpu.memory_space<vmem>>) semaphore(%arg31 : memref<!tpu.dma_semaphore, #tpu.memory_space<semaphore_mem>>)
        %dma_start3A_178 = arith.constant 0 : i32
        %dma_start3A_179 = arith.constant 0 : i32
        %dma_start3A_180 = tpu.memref_slice %arg4[%dma_start3A_178, %dma_start3A_179] : memref<10240x16xf32, #tpu.memory_space<hbm>> -> memref<10240x16xf32, #tpu.memory_space<hbm>>
        tpu.enqueue_indirect_dma source(%dma_start3A_180 : memref<10240x16xf32, #tpu.memory_space<hbm>>) target(%arg22 : memref<64x16xf32, #tpu.memory_space<vmem>>) offsets(%arg16 : memref<64xi32, #tpu.memory_space<vmem>>) semaphore(%arg31 : memref<!tpu.dma_semaphore, #tpu.memory_space<semaphore_mem>>)
        %dma_start3A_181 = arith.constant 0 : i32
        %dma_start3A_182 = arith.constant 0 : i32
        %dma_start3A_183 = tpu.memref_slice %arg2[%dma_start3A_181, %dma_start3A_182] : memref<10240x128xf32, #tpu.memory_space<hbm>> -> memref<10240x128xf32, #tpu.memory_space<hbm>>
        tpu.enqueue_indirect_dma source(%dma_start3A_183 : memref<10240x128xf32, #tpu.memory_space<hbm>>) target(%arg25 : memref<64x128xf32, #tpu.memory_space<vmem>>) offsets(%arg13 : memref<64xi32, #tpu.memory_space<vmem>>) semaphore(%arg31 : memref<!tpu.dma_semaphore, #tpu.memory_space<semaphore_mem>>)
      } else {
      }
      %dma_wait3A_107 = arith.constant 0 : i32
      %dma_wait3A_108 = arith.constant 0 : i32
      %dma_wait3A_109 = tpu.memref_slice %arg3[%dma_wait3A_107, %dma_wait3A_108] : memref<10240x16xf32, #tpu.memory_space<hbm>> -> memref<10240x16xf32, #tpu.memory_space<hbm>>
      tpu.wait_indirect_dma semaphore(%arg30 : memref<!tpu.dma_semaphore, #tpu.memory_space<semaphore_mem>>) src(%dma_wait3A_109 : memref<10240x16xf32, #tpu.memory_space<hbm>>) dst(%arg18 : memref<64x16xf32, #tpu.memory_space<vmem>>)
      %dma_wait3A_110 = arith.constant 0 : i32
      %dma_wait3A_111 = arith.constant 0 : i32
      %dma_wait3A_112 = tpu.memref_slice %arg4[%dma_wait3A_110, %dma_wait3A_111] : memref<10240x16xf32, #tpu.memory_space<hbm>> -> memref<10240x16xf32, #tpu.memory_space<hbm>>
      tpu.wait_indirect_dma semaphore(%arg30 : memref<!tpu.dma_semaphore, #tpu.memory_space<semaphore_mem>>) src(%dma_wait3A_112 : memref<10240x16xf32, #tpu.memory_space<hbm>>) dst(%arg21 : memref<64x16xf32, #tpu.memory_space<vmem>>)
      %dma_wait3A_113 = arith.constant 0 : i32
      %dma_wait3A_114 = arith.constant 0 : i32
      %dma_wait3A_115 = tpu.memref_slice %arg2[%dma_wait3A_113, %dma_wait3A_114] : memref<10240x128xf32, #tpu.memory_space<hbm>> -> memref<10240x128xf32, #tpu.memory_space<hbm>>
      tpu.wait_indirect_dma semaphore(%arg30 : memref<!tpu.dma_semaphore, #tpu.memory_space<semaphore_mem>>) src(%dma_wait3A_115 : memref<10240x128xf32, #tpu.memory_space<hbm>>) dst(%arg24 : memref<64x128xf32, #tpu.memory_space<vmem>>)
      %scan3A_116 = arith.constant 0 : i32
      %scan3A_117 = arith.constant 0 : i32
      %scan3A_118 = arith.constant 64 : i32
      %scan3A_119 = arith.addi %scan3A_117, %scan3A_118 : i32
      %scan3A_120 = arith.constant 1 : i32
      scf.for %scan3A_170 = %scan3A_117 to %scan3A_119 step %scan3A_120  : i32 {
        %get3A = arith.index_cast %scan3A_170 : i32 to index
        %get3A_171 = arith.constant 0 : index
        %get3A_172 = tpu.vector_load %arg18[%get3A, %get3A_171] {strides = array<i32>} : memref<64x16xf32, #tpu.memory_space<vmem>>, vector<1x16xf32>,
        %get3A_173 = vector.shape_cast %get3A_172 : vector<1x16xf32> to vector<16xf32>
        %get3A_174 = arith.index_cast %scan3A_170 : i32 to index
        %get3A_175 = arith.constant 0 : index
        %get3A_176 = tpu.vector_load %arg21[%get3A_174, %get3A_175] {strides = array<i32>} : memref<64x16xf32, #tpu.memory_space<vmem>>, vector<1x16xf32>,
        %get3A_177 = vector.shape_cast %get3A_176 : vector<1x16xf32> to vector<16xf32>
        %add3A_178 = arith.addf %get3A_173, %get3A_177 : vector<16xf32>
        %mul3A_179 = arith.constant 2.000000e-01 : f32
        %mul3A_180 = vector.broadcast %mul3A_179 : f32 to vector<16xf32>
        %mul3A_181 = arith.mulf %mul3A_180, %add3A_178 : vector<16xf32>
        %max3A = arith.maximumf %add3A_178, %mul3A_181 : vector<16xf32>
        %exp3A = math.exp %max3A : vector<16xf32>
        %swap3A = arith.index_cast %scan3A_170 : i32 to index
        %swap3A_182 = arith.constant 0 : index
        %swap3A_183 = tpu.vector_load %arg27[%swap3A, %swap3A_182] {strides = array<i32>} : memref<64x16xf32, #tpu.memory_space<vmem>>, vector<1x16xf32>,
        %swap3A_184 = vector.shape_cast %swap3A_183 : vector<1x16xf32> to vector<16xf32>
        %swap3A_185 = vector.shape_cast %exp3A : vector<16xf32> to vector<1x16xf32>
        tpu.vector_store %arg27[%swap3A, %swap3A_182], %swap3A_185 {strides = array<i32>} : memref<64x16xf32, #tpu.memory_space<vmem>>, vector<1x16xf32>,
        %get3A_186 = arith.index_cast %scan3A_170 : i32 to index
        %get3A_187 = arith.constant 0 : index
        %get3A_188 = tpu.vector_load %arg24[%get3A_186, %get3A_187] {strides = array<i32>} : memref<64x128xf32, #tpu.memory_space<vmem>>, vector<1x16xf32>,
        %get3A_189 = vector.shape_cast %get3A_188 : vector<1x16xf32> to vector<16xf32>
        %slice3A = vector.extract_strided_slice %exp3A {offsets = [0], sizes = [1], strides = [1]} : vector<16xf32> to vector<1xf32>
        %squeeze3A = vector.extract %slice3A[0] : f32 from vector<1xf32>
        %mul3A_190 = vector.broadcast %squeeze3A : f32 to vector<16xf32>
        %mul3A_191 = arith.mulf %get3A_189, %mul3A_190 : vector<16xf32>
        %swap3A_192 = arith.index_cast %scan3A_170 : i32 to index
        %swap3A_193 = arith.constant 0 : index
        %swap3A_194 = tpu.vector_load %arg24[%swap3A_192, %swap3A_193] {strides = array<i32>} : memref<64x128xf32, #tpu.memory_space<vmem>>, vector<1x16xf32>,
        %swap3A_195 = vector.shape_cast %swap3A_194 : vector<1x16xf32> to vector<16xf32>
        %swap3A_196 = vector.shape_cast %mul3A_191 : vector<16xf32> to vector<1x16xf32>
        tpu.vector_store %arg24[%swap3A_192, %swap3A_193], %swap3A_196 {strides = array<i32>} : memref<64x128xf32, #tpu.memory_space<vmem>>, vector<1x16xf32>,
        %get3A_197 = arith.index_cast %scan3A_170 : i32 to index
        %get3A_198 = arith.constant 16 : index
        %get3A_199 = tpu.vector_load %arg24[%get3A_197, %get3A_198] {strides = array<i32>} : memref<64x128xf32, #tpu.memory_space<vmem>>, vector<1x16xf32>,
        %get3A_200 = vector.shape_cast %get3A_199 : vector<1x16xf32> to vector<16xf32>
        %slice3A_201 = vector.extract_strided_slice %exp3A {offsets = [1], sizes = [1], strides = [1]} : vector<16xf32> to vector<1xf32>
        %squeeze3A_202 = vector.extract %slice3A_201[0] : f32 from vector<1xf32>
        %mul3A_203 = vector.broadcast %squeeze3A_202 : f32 to vector<16xf32>
        %mul3A_204 = arith.mulf %get3A_200, %mul3A_203 : vector<16xf32>
        %swap3A_205 = arith.index_cast %scan3A_170 : i32 to index
        %swap3A_206 = arith.constant 16 : index
        %swap3A_207 = tpu.vector_load %arg24[%swap3A_205, %swap3A_206] {strides = array<i32>} : memref<64x128xf32, #tpu.memory_space<vmem>>, vector<1x16xf32>,
        %swap3A_208 = vector.shape_cast %swap3A_207 : vector<1x16xf32> to vector<16xf32>
        %swap3A_209 = vector.shape_cast %mul3A_204 : vector<16xf32> to vector<1x16xf32>
        tpu.vector_store %arg24[%swap3A_205, %swap3A_206], %swap3A_209 {strides = array<i32>} : memref<64x128xf32, #tpu.memory_space<vmem>>, vector<1x16xf32>,
        %get3A_210 = arith.index_cast %scan3A_170 : i32 to index
        %get3A_211 = arith.constant 32 : index
        %get3A_212 = tpu.vector_load %arg24[%get3A_210, %get3A_211] {strides = array<i32>} : memref<64x128xf32, #tpu.memory_space<vmem>>, vector<1x16xf32>,
        %get3A_213 = vector.shape_cast %get3A_212 : vector<1x16xf32> to vector<16xf32>
        %slice3A_214 = vector.extract_strided_slice %exp3A {offsets = [2], sizes = [1], strides = [1]} : vector<16xf32> to vector<1xf32>
        %squeeze3A_215 = vector.extract %slice3A_214[0] : f32 from vector<1xf32>
        %mul3A_216 = vector.broadcast %squeeze3A_215 : f32 to vector<16xf32>
        %mul3A_217 = arith.mulf %get3A_213, %mul3A_216 : vector<16xf32>
        %swap3A_218 = arith.index_cast %scan3A_170 : i32 to index
        %swap3A_219 = arith.constant 32 : index
        %swap3A_220 = tpu.vector_load %arg24[%swap3A_218, %swap3A_219] {strides = array<i32>} : memref<64x128xf32, #tpu.memory_space<vmem>>, vector<1x16xf32>,
        %swap3A_221 = vector.shape_cast %swap3A_220 : vector<1x16xf32> to vector<16xf32>
        %swap3A_222 = vector.shape_cast %mul3A_217 : vector<16xf32> to vector<1x16xf32>
        tpu.vector_store %arg24[%swap3A_218, %swap3A_219], %swap3A_222 {strides = array<i32>} : memref<64x128xf32, #tpu.memory_space<vmem>>, vector<1x16xf32>,
        %get3A_223 = arith.index_cast %scan3A_170 : i32 to index
        %get3A_224 = arith.constant 48 : index
        %get3A_225 = tpu.vector_load %arg24[%get3A_223, %get3A_224] {strides = array<i32>} : memref<64x128xf32, #tpu.memory_space<vmem>>, vector<1x16xf32>,
        %get3A_226 = vector.shape_cast %get3A_225 : vector<1x16xf32> to vector<16xf32>
        %slice3A_227 = vector.extract_strided_slice %exp3A {offsets = [3], sizes = [1], strides = [1]} : vector<16xf32> to vector<1xf32>
        %squeeze3A_228 = vector.extract %slice3A_227[0] : f32 from vector<1xf32>
        %mul3A_229 = vector.broadcast %squeeze3A_228 : f32 to vector<16xf32>
        %mul3A_230 = arith.mulf %get3A_226, %mul3A_229 : vector<16xf32>
        %swap3A_231 = arith.index_cast %scan3A_170 : i32 to index
        %swap3A_232 = arith.constant 48 : index
        %swap3A_233 = tpu.vector_load %arg24[%swap3A_231, %swap3A_232] {strides = array<i32>} : memref<64x128xf32, #tpu.memory_space<vmem>>, vector<1x16xf32>,
        %swap3A_234 = vector.shape_cast %swap3A_233 : vector<1x16xf32> to vector<16xf32>
        %swap3A_235 = vector.shape_cast %mul3A_230 : vector<16xf32> to vector<1x16xf32>
        tpu.vector_store %arg24[%swap3A_231, %swap3A_232], %swap3A_235 {strides = array<i32>} : memref<64x128xf32, #tpu.memory_space<vmem>>, vector<1x16xf32>,
        %get3A_236 = arith.index_cast %scan3A_170 : i32 to index
        %get3A_237 = arith.constant 64 : index
        %get3A_238 = tpu.vector_load %arg24[%get3A_236, %get3A_237] {strides = array<i32>} : memref<64x128xf32, #tpu.memory_space<vmem>>, vector<1x16xf32>,
        %get3A_239 = vector.shape_cast %get3A_238 : vector<1x16xf32> to vector<16xf32>
        %slice3A_240 = vector.extract_strided_slice %exp3A {offsets = [4], sizes = [1], strides = [1]} : vector<16xf32> to vector<1xf32>
        %squeeze3A_241 = vector.extract %slice3A_240[0] : f32 from vector<1xf32>
        %mul3A_242 = vector.broadcast %squeeze3A_241 : f32 to vector<16xf32>
        %mul3A_243 = arith.mulf %get3A_239, %mul3A_242 : vector<16xf32>
        %swap3A_244 = arith.index_cast %scan3A_170 : i32 to index
        %swap3A_245 = arith.constant 64 : index
        %swap3A_246 = tpu.vector_load %arg24[%swap3A_244, %swap3A_245] {strides = array<i32>} : memref<64x128xf32, #tpu.memory_space<vmem>>, vector<1x16xf32>,
        %swap3A_247 = vector.shape_cast %swap3A_246 : vector<1x16xf32> to vector<16xf32>
        %swap3A_248 = vector.shape_cast %mul3A_243 : vector<16xf32> to vector<1x16xf32>
        tpu.vector_store %arg24[%swap3A_244, %swap3A_245], %swap3A_248 {strides = array<i32>} : memref<64x128xf32, #tpu.memory_space<vmem>>, vector<1x16xf32>,
        %get3A_249 = arith.index_cast %scan3A_170 : i32 to index
        %get3A_250 = arith.constant 80 : index
        %get3A_251 = tpu.vector_load %arg24[%get3A_249, %get3A_250] {strides = array<i32>} : memref<64x128xf32, #tpu.memory_space<vmem>>, vector<1x16xf32>,
        %get3A_252 = vector.shape_cast %get3A_251 : vector<1x16xf32> to vector<16xf32>
        %slice3A_253 = vector.extract_strided_slice %exp3A {offsets = [5], sizes = [1], strides = [1]} : vector<16xf32> to vector<1xf32>
        %squeeze3A_254 = vector.extract %slice3A_253[0] : f32 from vector<1xf32>
        %mul3A_255 = vector.broadcast %squeeze3A_254 : f32 to vector<16xf32>
        %mul3A_256 = arith.mulf %get3A_252, %mul3A_255 : vector<16xf32>
        %swap3A_257 = arith.index_cast %scan3A_170 : i32 to index
        %swap3A_258 = arith.constant 80 : index
        %swap3A_259 = tpu.vector_load %arg24[%swap3A_257, %swap3A_258] {strides = array<i32>} : memref<64x128xf32, #tpu.memory_space<vmem>>, vector<1x16xf32>,
        %swap3A_260 = vector.shape_cast %swap3A_259 : vector<1x16xf32> to vector<16xf32>
        %swap3A_261 = vector.shape_cast %mul3A_256 : vector<16xf32> to vector<1x16xf32>
        tpu.vector_store %arg24[%swap3A_257, %swap3A_258], %swap3A_261 {strides = array<i32>} : memref<64x128xf32, #tpu.memory_space<vmem>>, vector<1x16xf32>,
        %get3A_262 = arith.index_cast %scan3A_170 : i32 to index
        %get3A_263 = arith.constant 96 : index
        %get3A_264 = tpu.vector_load %arg24[%get3A_262, %get3A_263] {strides = array<i32>} : memref<64x128xf32, #tpu.memory_space<vmem>>, vector<1x16xf32>,
        %get3A_265 = vector.shape_cast %get3A_264 : vector<1x16xf32> to vector<16xf32>
        %slice3A_266 = vector.extract_strided_slice %exp3A {offsets = [6], sizes = [1], strides = [1]} : vector<16xf32> to vector<1xf32>
        %squeeze3A_267 = vector.extract %slice3A_266[0] : f32 from vector<1xf32>
        %mul3A_268 = vector.broadcast %squeeze3A_267 : f32 to vector<16xf32>
        %mul3A_269 = arith.mulf %get3A_265, %mul3A_268 : vector<16xf32>
        %swap3A_270 = arith.index_cast %scan3A_170 : i32 to index
        %swap3A_271 = arith.constant 96 : index
        %swap3A_272 = tpu.vector_load %arg24[%swap3A_270, %swap3A_271] {strides = array<i32>} : memref<64x128xf32, #tpu.memory_space<vmem>>, vector<1x16xf32>,
        %swap3A_273 = vector.shape_cast %swap3A_272 : vector<1x16xf32> to vector<16xf32>
        %swap3A_274 = vector.shape_cast %mul3A_269 : vector<16xf32> to vector<1x16xf32>
        tpu.vector_store %arg24[%swap3A_270, %swap3A_271], %swap3A_274 {strides = array<i32>} : memref<64x128xf32, #tpu.memory_space<vmem>>, vector<1x16xf32>,
        %get3A_275 = arith.index_cast %scan3A_170 : i32 to index
        %get3A_276 = arith.constant 112 : index
        %get3A_277 = tpu.vector_load %arg24[%get3A_275, %get3A_276] {strides = array<i32>} : memref<64x128xf32, #tpu.memory_space<vmem>>, vector<1x16xf32>,
        %get3A_278 = vector.shape_cast %get3A_277 : vector<1x16xf32> to vector<16xf32>
        %slice3A_279 = vector.extract_strided_slice %exp3A {offsets = [7], sizes = [1], strides = [1]} : vector<16xf32> to vector<1xf32>
        %squeeze3A_280 = vector.extract %slice3A_279[0] : f32 from vector<1xf32>
        %mul3A_281 = vector.broadcast %squeeze3A_280 : f32 to vector<16xf32>
        %mul3A_282 = arith.mulf %get3A_278, %mul3A_281 : vector<16xf32>
        %swap3A_283 = arith.index_cast %scan3A_170 : i32 to index
        %swap3A_284 = arith.constant 112 : index
        %swap3A_285 = tpu.vector_load %arg24[%swap3A_283, %swap3A_284] {strides = array<i32>} : memref<64x128xf32, #tpu.memory_space<vmem>>, vector<1x16xf32>,
        %swap3A_286 = vector.shape_cast %swap3A_285 : vector<1x16xf32> to vector<16xf32>
        %swap3A_287 = vector.shape_cast %mul3A_282 : vector<16xf32> to vector<1x16xf32>
        tpu.vector_store %arg24[%swap3A_283, %swap3A_284], %swap3A_287 {strides = array<i32>} : memref<64x128xf32, #tpu.memory_space<vmem>>, vector<1x16xf32>,
      }
      %scan3A_121 = arith.constant 64 : i32
      %dma_start3A_122 = arith.constant 0 : i32
      %dma_start3A_123 = arith.constant 0 : i32
      %dma_start3A_124 = tpu.memref_slice %arg36[%dma_start3A_122, %dma_start3A_123] : memref<10240x16xf32, #tpu.memory_space<vmem_shared>> -> memref<10240x16xf32, #tpu.memory_space<vmem_shared>>
      tpu.enqueue_indirect_dma source(%arg27 : memref<64x16xf32, #tpu.memory_space<vmem>>) target(%dma_start3A_124 : memref<10240x16xf32, #tpu.memory_space<vmem_shared>>) offsets(%arg15 : memref<64xi32, #tpu.memory_space<vmem>>) semaphore(%arg33 : memref<!tpu.dma_semaphore, #tpu.memory_space<semaphore_mem>>) {add = true}
      %dma_start3A_125 = arith.constant 0 : i32
      %dma_start3A_126 = arith.constant 0 : i32
      %dma_start3A_127 = tpu.memref_slice %arg35[%dma_start3A_125, %dma_start3A_126] : memref<10240x128xf32, #tpu.memory_space<vmem_shared>> -> memref<10240x128xf32, #tpu.memory_space<vmem_shared>>
      tpu.enqueue_indirect_dma source(%arg24 : memref<64x128xf32, #tpu.memory_space<vmem>>) target(%dma_start3A_127 : memref<10240x128xf32, #tpu.memory_space<vmem_shared>>) offsets(%arg15 : memref<64xi32, #tpu.memory_space<vmem>>) semaphore(%arg33 : memref<!tpu.dma_semaphore, #tpu.memory_space<semaphore_mem>>) {add = true}
      %mul3A_128 = arith.constant 3 : i32
      %mul3A_129 = arith.muli %scan3A_48, %mul3A_128 : i32
      %add3A_130 = arith.constant 2 : i32
      %add3A_131 = arith.addi %mul3A_129, %add3A_130 : i32
      %add3A_132 = arith.constant 1 : i32
      %add3A_133 = arith.addi %add3A_131, %add3A_132 : i32
      %lt3A_134 = arith.constant 168 : i32
      %lt3A_135 = arith.cmpi slt, %add3A_133, %lt3A_134 : i32
      %ge3A_136 = arith.constant 2 : i32
      %ge3A_137 = arith.cmpi sge, %add3A_131, %ge3A_136 : i32
      %and3A_138 = arith.andi %lt3A_135, %ge3A_137 : i1
      %convert_element_type3A_139 = arith.extui %and3A_138 : i1 to i32
      %cond3A_140 = arith.constant 0 : i32
      %cond3A_141 = arith.cmpi ne, %convert_element_type3A_139, %cond3A_140 : i32
      scf.if %cond3A_141 {
        %dma_wait3A_170 = arith.constant 0 : i32
        %dma_wait3A_171 = arith.constant 0 : i32
        %dma_wait3A_172 = tpu.memref_slice %arg36[%dma_wait3A_170, %dma_wait3A_171] : memref<10240x16xf32, #tpu.memory_space<vmem_shared>> -> memref<10240x16xf32, #tpu.memory_space<vmem_shared>>
        tpu.wait_indirect_dma semaphore(%arg32 : memref<!tpu.dma_semaphore, #tpu.memory_space<semaphore_mem>>) src(%arg26 : memref<64x16xf32, #tpu.memory_space<vmem>>) dst(%dma_wait3A_172 : memref<10240x16xf32, #tpu.memory_space<vmem_shared>>)
        %dma_wait3A_173 = arith.constant 0 : i32
        %dma_wait3A_174 = arith.constant 0 : i32
        %dma_wait3A_175 = tpu.memref_slice %arg35[%dma_wait3A_173, %dma_wait3A_174] : memref<10240x128xf32, #tpu.memory_space<vmem_shared>> -> memref<10240x128xf32, #tpu.memory_space<vmem_shared>>
        tpu.wait_indirect_dma semaphore(%arg32 : memref<!tpu.dma_semaphore, #tpu.memory_space<semaphore_mem>>) src(%arg23 : memref<64x128xf32, #tpu.memory_space<vmem>>) dst(%dma_wait3A_175 : memref<10240x128xf32, #tpu.memory_space<vmem_shared>>)
      } else {
      }
      %add3A_142 = arith.constant 1 : i32
      %add3A_143 = arith.addi %add3A_131, %add3A_142 : i32
      %lt3A_144 = arith.constant 168 : i32
      %lt3A_145 = arith.cmpi slt, %add3A_143, %lt3A_144 : i32
      %convert_element_type3A_146 = arith.extui %lt3A_145 : i1 to i32
      %cond3A_147 = arith.constant 0 : i32
      %cond3A_148 = arith.cmpi ne, %convert_element_type3A_146, %cond3A_147 : i32
      scf.if %cond3A_148 {
        %add3A_170 = arith.constant 1 : i32
        %add3A_171 = arith.addi %add3A_131, %add3A_170 : i32
        %mul3A_172 = arith.constant 64 : i32
        %mul3A_173 = arith.muli %add3A_171, %mul3A_172 : i32
        %add3A_174 = arith.addi %add3A, %mul3A_173 : i32
        "tpu.region"() ({
          %run_scoped3A = tpu.sem_alloc : memref<!tpu.dma_semaphore, #tpu.memory_space<semaphore_mem>>
          %dma_start3A_184 = tpu.memref_slice %arg5[%add3A_174] : memref<344064xi32, #tpu.memory_space<hbm>> -> memref<64xi32, #tpu.memory_space<hbm>>
          %dma_start3A_185 = tpu.memref_slice %arg5[%add3A_174] : memref<344064xi32, #tpu.memory_space<hbm>> -> memref<64xi32, #tpu.memory_space<hbm>>
          tpu.enqueue_dma source(%dma_start3A_185 : memref<64xi32, #tpu.memory_space<hbm>>) target(%arg11 : memref<64xi32, #tpu.memory_space<vmem>>) target_semaphore(%run_scoped3A : memref<!tpu.dma_semaphore, #tpu.memory_space<semaphore_mem>>)
          %dma_wait3A_186 = tpu.memref_slice %arg5[%add3A_174] : memref<344064xi32, #tpu.memory_space<hbm>> -> memref<64xi32, #tpu.memory_space<hbm>>
          %dma_wait3A_187 = tpu.memref_slice %arg5[%add3A_174] : memref<344064xi32, #tpu.memory_space<hbm>> -> memref<64xi32, #tpu.memory_space<hbm>>
          tpu.wait_dma2 semaphore(%run_scoped3A : memref<!tpu.dma_semaphore, #tpu.memory_space<semaphore_mem>>) src(%dma_wait3A_187 : memref<64xi32, #tpu.memory_space<hbm>>) dst(%arg11 : memref<64xi32, #tpu.memory_space<vmem>>)
          tpu.yield
        }) : () -> ()
        "tpu.region"() ({
          %run_scoped3A = tpu.sem_alloc : memref<!tpu.dma_semaphore, #tpu.memory_space<semaphore_mem>>
          %dma_start3A_184 = tpu.memref_slice %arg6[%add3A_174] : memref<344064xi32, #tpu.memory_space<hbm>> -> memref<64xi32, #tpu.memory_space<hbm>>
          %dma_start3A_185 = tpu.memref_slice %arg6[%add3A_174] : memref<344064xi32, #tpu.memory_space<hbm>> -> memref<64xi32, #tpu.memory_space<hbm>>
          tpu.enqueue_dma source(%dma_start3A_185 : memref<64xi32, #tpu.memory_space<hbm>>) target(%arg14 : memref<64xi32, #tpu.memory_space<vmem>>) target_semaphore(%run_scoped3A : memref<!tpu.dma_semaphore, #tpu.memory_space<semaphore_mem>>)
          %dma_wait3A_186 = tpu.memref_slice %arg6[%add3A_174] : memref<344064xi32, #tpu.memory_space<hbm>> -> memref<64xi32, #tpu.memory_space<hbm>>
          %dma_wait3A_187 = tpu.memref_slice %arg6[%add3A_174] : memref<344064xi32, #tpu.memory_space<hbm>> -> memref<64xi32, #tpu.memory_space<hbm>>
          tpu.wait_dma2 semaphore(%run_scoped3A : memref<!tpu.dma_semaphore, #tpu.memory_space<semaphore_mem>>) src(%dma_wait3A_187 : memref<64xi32, #tpu.memory_space<hbm>>) dst(%arg14 : memref<64xi32, #tpu.memory_space<vmem>>)
          tpu.yield
        }) : () -> ()
        %dma_start3A_175 = arith.constant 0 : i32
        %dma_start3A_176 = arith.constant 0 : i32
        %dma_start3A_177 = tpu.memref_slice %arg3[%dma_start3A_175, %dma_start3A_176] : memref<10240x16xf32, #tpu.memory_space<hbm>> -> memref<10240x16xf32, #tpu.memory_space<hbm>>
        tpu.enqueue_indirect_dma source(%dma_start3A_177 : memref<10240x16xf32, #tpu.memory_space<hbm>>) target(%arg17 : memref<64x16xf32, #tpu.memory_space<vmem>>) offsets(%arg11 : memref<64xi32, #tpu.memory_space<vmem>>) semaphore(%arg29 : memref<!tpu.dma_semaphore, #tpu.memory_space<semaphore_mem>>)
        %dma_start3A_178 = arith.constant 0 : i32
        %dma_start3A_179 = arith.constant 0 : i32
        %dma_start3A_180 = tpu.memref_slice %arg4[%dma_start3A_178, %dma_start3A_179] : memref<10240x16xf32, #tpu.memory_space<hbm>> -> memref<10240x16xf32, #tpu.memory_space<hbm>>
        tpu.enqueue_indirect_dma source(%dma_start3A_180 : memref<10240x16xf32, #tpu.memory_space<hbm>>) target(%arg20 : memref<64x16xf32, #tpu.memory_space<vmem>>) offsets(%arg14 : memref<64xi32, #tpu.memory_space<vmem>>) semaphore(%arg29 : memref<!tpu.dma_semaphore, #tpu.memory_space<semaphore_mem>>)
        %dma_start3A_181 = arith.constant 0 : i32
        %dma_start3A_182 = arith.constant 0 : i32
        %dma_start3A_183 = tpu.memref_slice %arg2[%dma_start3A_181, %dma_start3A_182] : memref<10240x128xf32, #tpu.memory_space<hbm>> -> memref<10240x128xf32, #tpu.memory_space<hbm>>
        tpu.enqueue_indirect_dma source(%dma_start3A_183 : memref<10240x128xf32, #tpu.memory_space<hbm>>) target(%arg23 : memref<64x128xf32, #tpu.memory_space<vmem>>) offsets(%arg11 : memref<64xi32, #tpu.memory_space<vmem>>) semaphore(%arg29 : memref<!tpu.dma_semaphore, #tpu.memory_space<semaphore_mem>>)
      } else {
      }
      %dma_wait3A_149 = arith.constant 0 : i32
      %dma_wait3A_150 = arith.constant 0 : i32
      %dma_wait3A_151 = tpu.memref_slice %arg3[%dma_wait3A_149, %dma_wait3A_150] : memref<10240x16xf32, #tpu.memory_space<hbm>> -> memref<10240x16xf32, #tpu.memory_space<hbm>>
      tpu.wait_indirect_dma semaphore(%arg31 : memref<!tpu.dma_semaphore, #tpu.memory_space<semaphore_mem>>) src(%dma_wait3A_151 : memref<10240x16xf32, #tpu.memory_space<hbm>>) dst(%arg19 : memref<64x16xf32, #tpu.memory_space<vmem>>)
      %dma_wait3A_152 = arith.constant 0 : i32
      %dma_wait3A_153 = arith.constant 0 : i32
      %dma_wait3A_154 = tpu.memref_slice %arg4[%dma_wait3A_152, %dma_wait3A_153] : memref<10240x16xf32, #tpu.memory_space<hbm>> -> memref<10240x16xf32, #tpu.memory_space<hbm>>
      tpu.wait_indirect_dma semaphore(%arg31 : memref<!tpu.dma_semaphore, #tpu.memory_space<semaphore_mem>>) src(%dma_wait3A_154 : memref<10240x16xf32, #tpu.memory_space<hbm>>) dst(%arg22 : memref<64x16xf32, #tpu.memory_space<vmem>>)
      %dma_wait3A_155 = arith.constant 0 : i32
      %dma_wait3A_156 = arith.constant 0 : i32
      %dma_wait3A_157 = tpu.memref_slice %arg2[%dma_wait3A_155, %dma_wait3A_156] : memref<10240x128xf32, #tpu.memory_space<hbm>> -> memref<10240x128xf32, #tpu.memory_space<hbm>>
      tpu.wait_indirect_dma semaphore(%arg31 : memref<!tpu.dma_semaphore, #tpu.memory_space<semaphore_mem>>) src(%dma_wait3A_157 : memref<10240x128xf32, #tpu.memory_space<hbm>>) dst(%arg25 : memref<64x128xf32, #tpu.memory_space<vmem>>)
      %scan3A_158 = arith.constant 0 : i32
      %scan3A_159 = arith.constant 0 : i32
      %scan3A_160 = arith.constant 64 : i32
      %scan3A_161 = arith.addi %scan3A_159, %scan3A_160 : i32
      %scan3A_162 = arith.constant 1 : i32
      scf.for %scan3A_170 = %scan3A_159 to %scan3A_161 step %scan3A_162  : i32 {
        %get3A = arith.index_cast %scan3A_170 : i32 to index
        %get3A_171 = arith.constant 0 : index
        %get3A_172 = tpu.vector_load %arg19[%get3A, %get3A_171] {strides = array<i32>} : memref<64x16xf32, #tpu.memory_space<vmem>>, vector<1x16xf32>,
        %get3A_173 = vector.shape_cast %get3A_172 : vector<1x16xf32> to vector<16xf32>
        %get3A_174 = arith.index_cast %scan3A_170 : i32 to index
        %get3A_175 = arith.constant 0 : index
        %get3A_176 = tpu.vector_load %arg22[%get3A_174, %get3A_175] {strides = array<i32>} : memref<64x16xf32, #tpu.memory_space<vmem>>, vector<1x16xf32>,
        %get3A_177 = vector.shape_cast %get3A_176 : vector<1x16xf32> to vector<16xf32>
        %add3A_178 = arith.addf %get3A_173, %get3A_177 : vector<16xf32>
        %mul3A_179 = arith.constant 2.000000e-01 : f32
        %mul3A_180 = vector.broadcast %mul3A_179 : f32 to vector<16xf32>
        %mul3A_181 = arith.mulf %mul3A_180, %add3A_178 : vector<16xf32>
        %max3A = arith.maximumf %add3A_178, %mul3A_181 : vector<16xf32>
        %exp3A = math.exp %max3A : vector<16xf32>
        %swap3A = arith.index_cast %scan3A_170 : i32 to index
        %swap3A_182 = arith.constant 0 : index
        %swap3A_183 = tpu.vector_load %arg28[%swap3A, %swap3A_182] {strides = array<i32>} : memref<64x16xf32, #tpu.memory_space<vmem>>, vector<1x16xf32>,
        %swap3A_184 = vector.shape_cast %swap3A_183 : vector<1x16xf32> to vector<16xf32>
        %swap3A_185 = vector.shape_cast %exp3A : vector<16xf32> to vector<1x16xf32>
        tpu.vector_store %arg28[%swap3A, %swap3A_182], %swap3A_185 {strides = array<i32>} : memref<64x16xf32, #tpu.memory_space<vmem>>, vector<1x16xf32>,
        %get3A_186 = arith.index_cast %scan3A_170 : i32 to index
        %get3A_187 = arith.constant 0 : index
        %get3A_188 = tpu.vector_load %arg25[%get3A_186, %get3A_187] {strides = array<i32>} : memref<64x128xf32, #tpu.memory_space<vmem>>, vector<1x16xf32>,
        %get3A_189 = vector.shape_cast %get3A_188 : vector<1x16xf32> to vector<16xf32>
        %slice3A = vector.extract_strided_slice %exp3A {offsets = [0], sizes = [1], strides = [1]} : vector<16xf32> to vector<1xf32>
        %squeeze3A = vector.extract %slice3A[0] : f32 from vector<1xf32>
        %mul3A_190 = vector.broadcast %squeeze3A : f32 to vector<16xf32>
        %mul3A_191 = arith.mulf %get3A_189, %mul3A_190 : vector<16xf32>
        %swap3A_192 = arith.index_cast %scan3A_170 : i32 to index
        %swap3A_193 = arith.constant 0 : index
        %swap3A_194 = tpu.vector_load %arg25[%swap3A_192, %swap3A_193] {strides = array<i32>} : memref<64x128xf32, #tpu.memory_space<vmem>>, vector<1x16xf32>,
        %swap3A_195 = vector.shape_cast %swap3A_194 : vector<1x16xf32> to vector<16xf32>
        %swap3A_196 = vector.shape_cast %mul3A_191 : vector<16xf32> to vector<1x16xf32>
        tpu.vector_store %arg25[%swap3A_192, %swap3A_193], %swap3A_196 {strides = array<i32>} : memref<64x128xf32, #tpu.memory_space<vmem>>, vector<1x16xf32>,
        %get3A_197 = arith.index_cast %scan3A_170 : i32 to index
        %get3A_198 = arith.constant 16 : index
        %get3A_199 = tpu.vector_load %arg25[%get3A_197, %get3A_198] {strides = array<i32>} : memref<64x128xf32, #tpu.memory_space<vmem>>, vector<1x16xf32>,
        %get3A_200 = vector.shape_cast %get3A_199 : vector<1x16xf32> to vector<16xf32>
        %slice3A_201 = vector.extract_strided_slice %exp3A {offsets = [1], sizes = [1], strides = [1]} : vector<16xf32> to vector<1xf32>
        %squeeze3A_202 = vector.extract %slice3A_201[0] : f32 from vector<1xf32>
        %mul3A_203 = vector.broadcast %squeeze3A_202 : f32 to vector<16xf32>
        %mul3A_204 = arith.mulf %get3A_200, %mul3A_203 : vector<16xf32>
        %swap3A_205 = arith.index_cast %scan3A_170 : i32 to index
        %swap3A_206 = arith.constant 16 : index
        %swap3A_207 = tpu.vector_load %arg25[%swap3A_205, %swap3A_206] {strides = array<i32>} : memref<64x128xf32, #tpu.memory_space<vmem>>, vector<1x16xf32>,
        %swap3A_208 = vector.shape_cast %swap3A_207 : vector<1x16xf32> to vector<16xf32>
        %swap3A_209 = vector.shape_cast %mul3A_204 : vector<16xf32> to vector<1x16xf32>
        tpu.vector_store %arg25[%swap3A_205, %swap3A_206], %swap3A_209 {strides = array<i32>} : memref<64x128xf32, #tpu.memory_space<vmem>>, vector<1x16xf32>,
        %get3A_210 = arith.index_cast %scan3A_170 : i32 to index
        %get3A_211 = arith.constant 32 : index
        %get3A_212 = tpu.vector_load %arg25[%get3A_210, %get3A_211] {strides = array<i32>} : memref<64x128xf32, #tpu.memory_space<vmem>>, vector<1x16xf32>,
        %get3A_213 = vector.shape_cast %get3A_212 : vector<1x16xf32> to vector<16xf32>
        %slice3A_214 = vector.extract_strided_slice %exp3A {offsets = [2], sizes = [1], strides = [1]} : vector<16xf32> to vector<1xf32>
        %squeeze3A_215 = vector.extract %slice3A_214[0] : f32 from vector<1xf32>
        %mul3A_216 = vector.broadcast %squeeze3A_215 : f32 to vector<16xf32>
        %mul3A_217 = arith.mulf %get3A_213, %mul3A_216 : vector<16xf32>
        %swap3A_218 = arith.index_cast %scan3A_170 : i32 to index
        %swap3A_219 = arith.constant 32 : index
        %swap3A_220 = tpu.vector_load %arg25[%swap3A_218, %swap3A_219] {strides = array<i32>} : memref<64x128xf32, #tpu.memory_space<vmem>>, vector<1x16xf32>,
        %swap3A_221 = vector.shape_cast %swap3A_220 : vector<1x16xf32> to vector<16xf32>
        %swap3A_222 = vector.shape_cast %mul3A_217 : vector<16xf32> to vector<1x16xf32>
        tpu.vector_store %arg25[%swap3A_218, %swap3A_219], %swap3A_222 {strides = array<i32>} : memref<64x128xf32, #tpu.memory_space<vmem>>, vector<1x16xf32>,
        %get3A_223 = arith.index_cast %scan3A_170 : i32 to index
        %get3A_224 = arith.constant 48 : index
        %get3A_225 = tpu.vector_load %arg25[%get3A_223, %get3A_224] {strides = array<i32>} : memref<64x128xf32, #tpu.memory_space<vmem>>, vector<1x16xf32>,
        %get3A_226 = vector.shape_cast %get3A_225 : vector<1x16xf32> to vector<16xf32>
        %slice3A_227 = vector.extract_strided_slice %exp3A {offsets = [3], sizes = [1], strides = [1]} : vector<16xf32> to vector<1xf32>
        %squeeze3A_228 = vector.extract %slice3A_227[0] : f32 from vector<1xf32>
        %mul3A_229 = vector.broadcast %squeeze3A_228 : f32 to vector<16xf32>
        %mul3A_230 = arith.mulf %get3A_226, %mul3A_229 : vector<16xf32>
        %swap3A_231 = arith.index_cast %scan3A_170 : i32 to index
        %swap3A_232 = arith.constant 48 : index
        %swap3A_233 = tpu.vector_load %arg25[%swap3A_231, %swap3A_232] {strides = array<i32>} : memref<64x128xf32, #tpu.memory_space<vmem>>, vector<1x16xf32>,
        %swap3A_234 = vector.shape_cast %swap3A_233 : vector<1x16xf32> to vector<16xf32>
        %swap3A_235 = vector.shape_cast %mul3A_230 : vector<16xf32> to vector<1x16xf32>
        tpu.vector_store %arg25[%swap3A_231, %swap3A_232], %swap3A_235 {strides = array<i32>} : memref<64x128xf32, #tpu.memory_space<vmem>>, vector<1x16xf32>,
        %get3A_236 = arith.index_cast %scan3A_170 : i32 to index
        %get3A_237 = arith.constant 64 : index
        %get3A_238 = tpu.vector_load %arg25[%get3A_236, %get3A_237] {strides = array<i32>} : memref<64x128xf32, #tpu.memory_space<vmem>>, vector<1x16xf32>,
        %get3A_239 = vector.shape_cast %get3A_238 : vector<1x16xf32> to vector<16xf32>
        %slice3A_240 = vector.extract_strided_slice %exp3A {offsets = [4], sizes = [1], strides = [1]} : vector<16xf32> to vector<1xf32>
        %squeeze3A_241 = vector.extract %slice3A_240[0] : f32 from vector<1xf32>
        %mul3A_242 = vector.broadcast %squeeze3A_241 : f32 to vector<16xf32>
        %mul3A_243 = arith.mulf %get3A_239, %mul3A_242 : vector<16xf32>
        %swap3A_244 = arith.index_cast %scan3A_170 : i32 to index
        %swap3A_245 = arith.constant 64 : index
        %swap3A_246 = tpu.vector_load %arg25[%swap3A_244, %swap3A_245] {strides = array<i32>} : memref<64x128xf32, #tpu.memory_space<vmem>>, vector<1x16xf32>,
        %swap3A_247 = vector.shape_cast %swap3A_246 : vector<1x16xf32> to vector<16xf32>
        %swap3A_248 = vector.shape_cast %mul3A_243 : vector<16xf32> to vector<1x16xf32>
        tpu.vector_store %arg25[%swap3A_244, %swap3A_245], %swap3A_248 {strides = array<i32>} : memref<64x128xf32, #tpu.memory_space<vmem>>, vector<1x16xf32>,
        %get3A_249 = arith.index_cast %scan3A_170 : i32 to index
        %get3A_250 = arith.constant 80 : index
        %get3A_251 = tpu.vector_load %arg25[%get3A_249, %get3A_250] {strides = array<i32>} : memref<64x128xf32, #tpu.memory_space<vmem>>, vector<1x16xf32>,
        %get3A_252 = vector.shape_cast %get3A_251 : vector<1x16xf32> to vector<16xf32>
        %slice3A_253 = vector.extract_strided_slice %exp3A {offsets = [5], sizes = [1], strides = [1]} : vector<16xf32> to vector<1xf32>
        %squeeze3A_254 = vector.extract %slice3A_253[0] : f32 from vector<1xf32>
        %mul3A_255 = vector.broadcast %squeeze3A_254 : f32 to vector<16xf32>
        %mul3A_256 = arith.mulf %get3A_252, %mul3A_255 : vector<16xf32>
        %swap3A_257 = arith.index_cast %scan3A_170 : i32 to index
        %swap3A_258 = arith.constant 80 : index
        %swap3A_259 = tpu.vector_load %arg25[%swap3A_257, %swap3A_258] {strides = array<i32>} : memref<64x128xf32, #tpu.memory_space<vmem>>, vector<1x16xf32>,
        %swap3A_260 = vector.shape_cast %swap3A_259 : vector<1x16xf32> to vector<16xf32>
        %swap3A_261 = vector.shape_cast %mul3A_256 : vector<16xf32> to vector<1x16xf32>
        tpu.vector_store %arg25[%swap3A_257, %swap3A_258], %swap3A_261 {strides = array<i32>} : memref<64x128xf32, #tpu.memory_space<vmem>>, vector<1x16xf32>,
        %get3A_262 = arith.index_cast %scan3A_170 : i32 to index
        %get3A_263 = arith.constant 96 : index
        %get3A_264 = tpu.vector_load %arg25[%get3A_262, %get3A_263] {strides = array<i32>} : memref<64x128xf32, #tpu.memory_space<vmem>>, vector<1x16xf32>,
        %get3A_265 = vector.shape_cast %get3A_264 : vector<1x16xf32> to vector<16xf32>
        %slice3A_266 = vector.extract_strided_slice %exp3A {offsets = [6], sizes = [1], strides = [1]} : vector<16xf32> to vector<1xf32>
        %squeeze3A_267 = vector.extract %slice3A_266[0] : f32 from vector<1xf32>
        %mul3A_268 = vector.broadcast %squeeze3A_267 : f32 to vector<16xf32>
        %mul3A_269 = arith.mulf %get3A_265, %mul3A_268 : vector<16xf32>
        %swap3A_270 = arith.index_cast %scan3A_170 : i32 to index
        %swap3A_271 = arith.constant 96 : index
        %swap3A_272 = tpu.vector_load %arg25[%swap3A_270, %swap3A_271] {strides = array<i32>} : memref<64x128xf32, #tpu.memory_space<vmem>>, vector<1x16xf32>,
        %swap3A_273 = vector.shape_cast %swap3A_272 : vector<1x16xf32> to vector<16xf32>
        %swap3A_274 = vector.shape_cast %mul3A_269 : vector<16xf32> to vector<1x16xf32>
        tpu.vector_store %arg25[%swap3A_270, %swap3A_271], %swap3A_274 {strides = array<i32>} : memref<64x128xf32, #tpu.memory_space<vmem>>, vector<1x16xf32>,
        %get3A_275 = arith.index_cast %scan3A_170 : i32 to index
        %get3A_276 = arith.constant 112 : index
        %get3A_277 = tpu.vector_load %arg25[%get3A_275, %get3A_276] {strides = array<i32>} : memref<64x128xf32, #tpu.memory_space<vmem>>, vector<1x16xf32>,
        %get3A_278 = vector.shape_cast %get3A_277 : vector<1x16xf32> to vector<16xf32>
        %slice3A_279 = vector.extract_strided_slice %exp3A {offsets = [7], sizes = [1], strides = [1]} : vector<16xf32> to vector<1xf32>
        %squeeze3A_280 = vector.extract %slice3A_279[0] : f32 from vector<1xf32>
        %mul3A_281 = vector.broadcast %squeeze3A_280 : f32 to vector<16xf32>
        %mul3A_282 = arith.mulf %get3A_278, %mul3A_281 : vector<16xf32>
        %swap3A_283 = arith.index_cast %scan3A_170 : i32 to index
        %swap3A_284 = arith.constant 112 : index
        %swap3A_285 = tpu.vector_load %arg25[%swap3A_283, %swap3A_284] {strides = array<i32>} : memref<64x128xf32, #tpu.memory_space<vmem>>, vector<1x16xf32>,
        %swap3A_286 = vector.shape_cast %swap3A_285 : vector<1x16xf32> to vector<16xf32>
        %swap3A_287 = vector.shape_cast %mul3A_282 : vector<16xf32> to vector<1x16xf32>
        tpu.vector_store %arg25[%swap3A_283, %swap3A_284], %swap3A_287 {strides = array<i32>} : memref<64x128xf32, #tpu.memory_space<vmem>>, vector<1x16xf32>,
      }
      %scan3A_163 = arith.constant 64 : i32
      %dma_start3A_164 = arith.constant 0 : i32
      %dma_start3A_165 = arith.constant 0 : i32
      %dma_start3A_166 = tpu.memref_slice %arg36[%dma_start3A_164, %dma_start3A_165] : memref<10240x16xf32, #tpu.memory_space<vmem_shared>> -> memref<10240x16xf32, #tpu.memory_space<vmem_shared>>
      tpu.enqueue_indirect_dma source(%arg28 : memref<64x16xf32, #tpu.memory_space<vmem>>) target(%dma_start3A_166 : memref<10240x16xf32, #tpu.memory_space<vmem_shared>>) offsets(%arg16 : memref<64xi32, #tpu.memory_space<vmem>>) semaphore(%arg34 : memref<!tpu.dma_semaphore, #tpu.memory_space<semaphore_mem>>) {add = true}
      %dma_start3A_167 = arith.constant 0 : i32
      %dma_start3A_168 = arith.constant 0 : i32
      %dma_start3A_169 = tpu.memref_slice %arg35[%dma_start3A_167, %dma_start3A_168] : memref<10240x128xf32, #tpu.memory_space<vmem_shared>> -> memref<10240x128xf32, #tpu.memory_space<vmem_shared>>
      tpu.enqueue_indirect_dma source(%arg25 : memref<64x128xf32, #tpu.memory_space<vmem>>) target(%dma_start3A_169 : memref<10240x128xf32, #tpu.memory_space<vmem_shared>>) offsets(%arg16 : memref<64xi32, #tpu.memory_space<vmem>>) semaphore(%arg34 : memref<!tpu.dma_semaphore, #tpu.memory_space<semaphore_mem>>) {add = true}
    }
    %scan3A_21 = arith.constant 56 : i32
    %dma_wait3A = arith.constant 0 : i32
    %dma_wait3A_22 = arith.constant 0 : i32
    %dma_wait3A_23 = tpu.memref_slice %arg36[%dma_wait3A, %dma_wait3A_22] : memref<10240x16xf32, #tpu.memory_space<vmem_shared>> -> memref<10240x16xf32, #tpu.memory_space<vmem_shared>>
    tpu.wait_indirect_dma semaphore(%arg32 : memref<!tpu.dma_semaphore, #tpu.memory_space<semaphore_mem>>) src(%arg26 : memref<64x16xf32, #tpu.memory_space<vmem>>) dst(%dma_wait3A_23 : memref<10240x16xf32, #tpu.memory_space<vmem_shared>>)
    %dma_wait3A_24 = arith.constant 0 : i32
    %dma_wait3A_25 = arith.constant 0 : i32
    %dma_wait3A_26 = tpu.memref_slice %arg35[%dma_wait3A_24, %dma_wait3A_25] : memref<10240x128xf32, #tpu.memory_space<vmem_shared>> -> memref<10240x128xf32, #tpu.memory_space<vmem_shared>>
    tpu.wait_indirect_dma semaphore(%arg32 : memref<!tpu.dma_semaphore, #tpu.memory_space<semaphore_mem>>) src(%arg23 : memref<64x128xf32, #tpu.memory_space<vmem>>) dst(%dma_wait3A_26 : memref<10240x128xf32, #tpu.memory_space<vmem_shared>>)
    %dma_wait3A_27 = arith.constant 0 : i32
    %dma_wait3A_28 = arith.constant 0 : i32
    %dma_wait3A_29 = tpu.memref_slice %arg36[%dma_wait3A_27, %dma_wait3A_28] : memref<10240x16xf32, #tpu.memory_space<vmem_shared>> -> memref<10240x16xf32, #tpu.memory_space<vmem_shared>>
    tpu.wait_indirect_dma semaphore(%arg33 : memref<!tpu.dma_semaphore, #tpu.memory_space<semaphore_mem>>) src(%arg27 : memref<64x16xf32, #tpu.memory_space<vmem>>) dst(%dma_wait3A_29 : memref<10240x16xf32, #tpu.memory_space<vmem_shared>>)
    %dma_wait3A_30 = arith.constant 0 : i32
    %dma_wait3A_31 = arith.constant 0 : i32
    %dma_wait3A_32 = tpu.memref_slice %arg35[%dma_wait3A_30, %dma_wait3A_31] : memref<10240x128xf32, #tpu.memory_space<vmem_shared>> -> memref<10240x128xf32, #tpu.memory_space<vmem_shared>>
    tpu.wait_indirect_dma semaphore(%arg33 : memref<!tpu.dma_semaphore, #tpu.memory_space<semaphore_mem>>) src(%arg24 : memref<64x128xf32, #tpu.memory_space<vmem>>) dst(%dma_wait3A_32 : memref<10240x128xf32, #tpu.memory_space<vmem_shared>>)
    %dma_wait3A_33 = arith.constant 0 : i32
    %dma_wait3A_34 = arith.constant 0 : i32
    %dma_wait3A_35 = tpu.memref_slice %arg36[%dma_wait3A_33, %dma_wait3A_34] : memref<10240x16xf32, #tpu.memory_space<vmem_shared>> -> memref<10240x16xf32, #tpu.memory_space<vmem_shared>>
    tpu.wait_indirect_dma semaphore(%arg34 : memref<!tpu.dma_semaphore, #tpu.memory_space<semaphore_mem>>) src(%arg28 : memref<64x16xf32, #tpu.memory_space<vmem>>) dst(%dma_wait3A_35 : memref<10240x16xf32, #tpu.memory_space<vmem_shared>>)
    %dma_wait3A_36 = arith.constant 0 : i32
    %dma_wait3A_37 = arith.constant 0 : i32
    %dma_wait3A_38 = tpu.memref_slice %arg35[%dma_wait3A_36, %dma_wait3A_37] : memref<10240x128xf32, #tpu.memory_space<vmem_shared>> -> memref<10240x128xf32, #tpu.memory_space<vmem_shared>>
    tpu.wait_indirect_dma semaphore(%arg34 : memref<!tpu.dma_semaphore, #tpu.memory_space<semaphore_mem>>) src(%arg25 : memref<64x128xf32, #tpu.memory_space<vmem>>) dst(%dma_wait3A_38 : memref<10240x128xf32, #tpu.memory_space<vmem_shared>>)
    %barrier3A_39 = arith.constant 0 : index
    tpu.barrier barrier_id(%barrier3A_39)
    %mul3A_40 = arith.constant 640 : i32
    %mul3A_41 = arith.muli %arg1, %mul3A_40 : i32
    %mul3A_42 = arith.constant 640 : i32
    %mul3A_43 = arith.muli %arg1, %mul3A_42 : i32
    "tpu.region"() ({
      %run_scoped3A = tpu.sem_alloc : memref<!tpu.dma_semaphore, #tpu.memory_space<semaphore_mem>>
      %dma_start3A_48 = arith.constant 0 : i32
      %dma_start3A_49 = tpu.memref_slice %arg9[%arg0, %mul3A_43, %dma_start3A_48] : memref<2x10240x128xf32, #tpu.memory_space<hbm>> -> memref<1x640x128xf32, #tpu.memory_space<hbm>>
      %dma_start3A_50 = tpu.memref_squeeze %dma_start3A_49 : memref<1x640x128xf32, #tpu.memory_space<hbm>> -> memref<640x128xf32, #tpu.memory_space<hbm>>
      %dma_start3A_51 = arith.constant 0 : i32
      %dma_start3A_52 = tpu.memref_slice %arg35[%mul3A_41, %dma_start3A_51] : memref<10240x128xf32, #tpu.memory_space<vmem_shared>> -> memref<640x128xf32, #tpu.memory_space<vmem_shared>>
      tpu.enqueue_dma source(%dma_start3A_52 : memref<640x128xf32, #tpu.memory_space<vmem_shared>>) target(%dma_start3A_50 : memref<640x128xf32, #tpu.memory_space<hbm>>) target_semaphore(%run_scoped3A : memref<!tpu.dma_semaphore, #tpu.memory_space<semaphore_mem>>)
      %dma_wait3A_53 = arith.constant 0 : i32
      %dma_wait3A_54 = tpu.memref_slice %arg9[%arg0, %mul3A_43, %dma_wait3A_53] : memref<2x10240x128xf32, #tpu.memory_space<hbm>> -> memref<1x640x128xf32, #tpu.memory_space<hbm>>
      %dma_wait3A_55 = tpu.memref_squeeze %dma_wait3A_54 : memref<1x640x128xf32, #tpu.memory_space<hbm>> -> memref<640x128xf32, #tpu.memory_space<hbm>>
      %dma_wait3A_56 = arith.constant 0 : i32
      %dma_wait3A_57 = tpu.memref_slice %arg35[%mul3A_41, %dma_wait3A_56] : memref<10240x128xf32, #tpu.memory_space<vmem_shared>> -> memref<640x128xf32, #tpu.memory_space<vmem_shared>>
      tpu.wait_dma2 semaphore(%run_scoped3A : memref<!tpu.dma_semaphore, #tpu.memory_space<semaphore_mem>>) src(%dma_wait3A_57 : memref<640x128xf32, #tpu.memory_space<vmem_shared>>) dst(%dma_wait3A_55 : memref<640x128xf32, #tpu.memory_space<hbm>>)
      tpu.yield
    }) : () -> ()
    %mul3A_44 = arith.constant 640 : i32
    %mul3A_45 = arith.muli %arg1, %mul3A_44 : i32
    %mul3A_46 = arith.constant 640 : i32
    %mul3A_47 = arith.muli %arg1, %mul3A_46 : i32
    "tpu.region"() ({
      %run_scoped3A = tpu.sem_alloc : memref<!tpu.dma_semaphore, #tpu.memory_space<semaphore_mem>>
      %dma_start3A_48 = arith.constant 0 : i32
      %dma_start3A_49 = tpu.memref_slice %arg10[%arg0, %mul3A_47, %dma_start3A_48] : memref<2x10240x16xf32, #tpu.memory_space<hbm>> -> memref<1x640x16xf32, #tpu.memory_space<hbm>>
      %dma_start3A_50 = tpu.memref_squeeze %dma_start3A_49 : memref<1x640x16xf32, #tpu.memory_space<hbm>> -> memref<640x16xf32, #tpu.memory_space<hbm>>
      %dma_start3A_51 = arith.constant 0 : i32
      %dma_start3A_52 = tpu.memref_slice %arg36[%mul3A_45, %dma_start3A_51] : memref<10240x16xf32, #tpu.memory_space<vmem_shared>> -> memref<640x16xf32, #tpu.memory_space<vmem_shared>>
      tpu.enqueue_dma source(%dma_start3A_52 : memref<640x16xf32, #tpu.memory_space<vmem_shared>>) target(%dma_start3A_50 : memref<640x16xf32, #tpu.memory_space<hbm>>) target_semaphore(%run_scoped3A : memref<!tpu.dma_semaphore, #tpu.memory_space<semaphore_mem>>)
      %dma_wait3A_53 = arith.constant 0 : i32
      %dma_wait3A_54 = tpu.memref_slice %arg10[%arg0, %mul3A_47, %dma_wait3A_53] : memref<2x10240x16xf32, #tpu.memory_space<hbm>> -> memref<1x640x16xf32, #tpu.memory_space<hbm>>
      %dma_wait3A_55 = tpu.memref_squeeze %dma_wait3A_54 : memref<1x640x16xf32, #tpu.memory_space<hbm>> -> memref<640x16xf32, #tpu.memory_space<hbm>>
      %dma_wait3A_56 = arith.constant 0 : i32
      %dma_wait3A_57 = tpu.memref_slice %arg36[%mul3A_45, %dma_wait3A_56] : memref<10240x16xf32, #tpu.memory_space<vmem_shared>> -> memref<640x16xf32, #tpu.memory_space<vmem_shared>>
      tpu.wait_dma2 semaphore(%run_scoped3A : memref<!tpu.dma_semaphore, #tpu.memory_space<semaphore_mem>>) src(%dma_wait3A_57 : memref<640x16xf32, #tpu.memory_space<vmem_shared>>) dst(%dma_wait3A_55 : memref<640x16xf32, #tpu.memory_space<hbm>>)
      tpu.yield
    }) : () -> ()
    return
  }
}

module attributes {stable_mosaic.version = 14 : i64} {
  func.func @_prep1_kernel(%arg0: i32, %arg1: memref<1280x128xf32, #tpu.memory_space<vmem>>, %arg2: memref<128x128xf32, #tpu.memory_space<vmem>>, %arg3: memref<128x16xf32, #tpu.memory_space<vmem>>, %arg4: memref<128x16xf32, #tpu.memory_space<vmem>>, %arg5: memref<1280x128xf32, #tpu.memory_space<vmem>>, %arg6: memref<1280x16xf32, #tpu.memory_space<vmem>>, %arg7: memref<1280x16xf32, #tpu.memory_space<vmem>>) attributes {dimension_semantics = [#tpu.dimension_semantics<arbitrary>], iteration_bounds = array<i64: 8>, scalar_prefetch = 0 : i64, scratch_operands = 0 : i64, tpu.core_type = #tpu.core_type<tc>, window_params = [{transform_indices = @transform_0, window_bounds = array<i64: 1280, 128>}, {pipeline_mode = #tpu.pipeline_mode<synchronous>, transform_indices = @transform_1, window_bounds = array<i64: 128, 128>}, {pipeline_mode = #tpu.pipeline_mode<synchronous>, transform_indices = @transform_2, window_bounds = array<i64: 128, 16>}, {pipeline_mode = #tpu.pipeline_mode<synchronous>, transform_indices = @transform_3, window_bounds = array<i64: 128, 16>}, {transform_indices = @transform_4, window_bounds = array<i64: 1280, 128>}, {transform_indices = @transform_5, window_bounds = array<i64: 1280, 16>}, {transform_indices = @transform_6, window_bounds = array<i64: 1280, 16>}]} {
    %get3A = arith.constant 0 : index
    %get3A_0 = arith.constant 0 : index
    %get3A_1 = vector.load %arg1[%get3A, %get3A_0] : memref<1280x128xf32, #tpu.memory_space<vmem>>, vector<1280x128xf32>
    %get3A_2 = arith.constant 0 : index
    %get3A_3 = arith.constant 0 : index
    %get3A_4 = vector.load %arg2[%get3A_2, %get3A_3] : memref<128x128xf32, #tpu.memory_space<vmem>>, vector<128x128xf32>
    %dot_general3A = arith.constant dense<0.000000e+00> : vector<1280x128xf32>
    %dot_general3A_5 = tpu.matmul %get3A_1, %get3A_4, %dot_general3A {dimension_numbers = #tpu.dot_dimension_numbers<[1], [0], [0], [1], [0, 0, 1, 1], [], []>, transpose_lhs_hint = false} : vector<1280x128xf32>, vector<128x128xf32>, vector<1280x128xf32> -> vector<1280x128xf32>
    %swap3A = arith.constant 0 : index
    %swap3A_6 = arith.constant 0 : index
    %swap3A_7 = vector.load %arg5[%swap3A, %swap3A_6] : memref<1280x128xf32, #tpu.memory_space<vmem>>, vector<1280x128xf32>
    tpu.vector_store %arg5[%swap3A, %swap3A_6], %dot_general3A_5 {strides = array<i32>} : memref<1280x128xf32, #tpu.memory_space<vmem>>, vector<1280x128xf32>,
    %get3A_8 = arith.constant 0 : index
    %get3A_9 = arith.constant 0 : index
    %get3A_10 = vector.load %arg3[%get3A_8, %get3A_9] : memref<128x16xf32, #tpu.memory_space<vmem>>, vector<128x16xf32>
    %dot_general3A_11 = arith.constant dense<0.000000e+00> : vector<1280x16xf32>
    %dot_general3A_12 = tpu.matmul %dot_general3A_5, %get3A_10, %dot_general3A_11 {dimension_numbers = #tpu.dot_dimension_numbers<[1], [0], [0], [1], [0, 0, 1, 1], [], []>, transpose_lhs_hint = false} : vector<1280x128xf32>, vector<128x16xf32>, vector<1280x16xf32> -> vector<1280x16xf32>
    %swap3A_13 = arith.constant 0 : index
    %swap3A_14 = arith.constant 0 : index
    %swap3A_15 = vector.load %arg6[%swap3A_13, %swap3A_14] : memref<1280x16xf32, #tpu.memory_space<vmem>>, vector<1280x16xf32>
    tpu.vector_store %arg6[%swap3A_13, %swap3A_14], %dot_general3A_12 {strides = array<i32>} : memref<1280x16xf32, #tpu.memory_space<vmem>>, vector<1280x16xf32>,
    %get3A_16 = arith.constant 0 : index
    %get3A_17 = arith.constant 0 : index
    %get3A_18 = vector.load %arg4[%get3A_16, %get3A_17] : memref<128x16xf32, #tpu.memory_space<vmem>>, vector<128x16xf32>
    %dot_general3A_19 = arith.constant dense<0.000000e+00> : vector<1280x16xf32>
    %dot_general3A_20 = tpu.matmul %dot_general3A_5, %get3A_18, %dot_general3A_19 {dimension_numbers = #tpu.dot_dimension_numbers<[1], [0], [0], [1], [0, 0, 1, 1], [], []>, transpose_lhs_hint = false} : vector<1280x128xf32>, vector<128x16xf32>, vector<1280x16xf32> -> vector<1280x16xf32>
    %swap3A_21 = arith.constant 0 : index
    %swap3A_22 = arith.constant 0 : index
    %swap3A_23 = vector.load %arg7[%swap3A_21, %swap3A_22] : memref<1280x16xf32, #tpu.memory_space<vmem>>, vector<1280x16xf32>
    tpu.vector_store %arg7[%swap3A_21, %swap3A_22], %dot_general3A_20 {strides = array<i32>} : memref<1280x16xf32, #tpu.memory_space<vmem>>, vector<1280x16xf32>,
    return
  }
  func.func @transform_0(%arg0: i32) -> (i32, i32) {
    %c0_i32 = arith.constant 0 : i32
    %c0_i32_0 = arith.constant 0 : i32
    return %arg0, %c0_i32 : i32, i32
  }
  func.func @transform_1(%arg0: i32) -> (i32, i32) {
    %c0_i32 = arith.constant 0 : i32
    %c0_i32_0 = arith.constant 0 : i32
    %c0_i32_1 = arith.constant 0 : i32
    return %c0_i32, %c0_i32_0 : i32, i32
  }
  func.func @transform_2(%arg0: i32) -> (i32, i32) {
    %c0_i32 = arith.constant 0 : i32
    %c0_i32_0 = arith.constant 0 : i32
    %c0_i32_1 = arith.constant 0 : i32
    return %c0_i32, %c0_i32_0 : i32, i32
  }
  func.func @transform_3(%arg0: i32) -> (i32, i32) {
    %c0_i32 = arith.constant 0 : i32
    %c0_i32_0 = arith.constant 0 : i32
    %c0_i32_1 = arith.constant 0 : i32
    return %c0_i32, %c0_i32_0 : i32, i32
  }
  func.func @transform_4(%arg0: i32) -> (i32, i32) {
    %c0_i32 = arith.constant 0 : i32
    %c0_i32_0 = arith.constant 0 : i32
    return %arg0, %c0_i32 : i32, i32
  }
  func.func @transform_5(%arg0: i32) -> (i32, i32) {
    %c0_i32 = arith.constant 0 : i32
    %c0_i32_0 = arith.constant 0 : i32
    return %arg0, %c0_i32 : i32, i32
  }
  func.func @transform_6(%arg0: i32) -> (i32, i32) {
    %c0_i32 = arith.constant 0 : i32
    %c0_i32_0 = arith.constant 0 : i32
    return %arg0, %c0_i32 : i32, i32
  }
}

module attributes {stable_mosaic.version = 14 : i64} {
  func.func @_mid_kernel(%arg0: i32, %arg1: memref<1280x128xf32, #tpu.memory_space<vmem>>, %arg2: memref<1280x128xf32, #tpu.memory_space<vmem>>, %arg3: memref<1280x16xf32, #tpu.memory_space<vmem>>, %arg4: memref<1280x16xf32, #tpu.memory_space<vmem>>, %arg5: memref<16x128xf32, #tpu.memory_space<vmem>>, %arg6: memref<1x128xf32, #tpu.memory_space<vmem>>, %arg7: memref<128x128xf32, #tpu.memory_space<vmem>>, %arg8: memref<128x16xf32, #tpu.memory_space<vmem>>, %arg9: memref<128x16xf32, #tpu.memory_space<vmem>>, %arg10: memref<1280x128xf32, #tpu.memory_space<vmem>>, %arg11: memref<1280x128xf32, #tpu.memory_space<vmem>>, %arg12: memref<1280x16xf32, #tpu.memory_space<vmem>>, %arg13: memref<1280x16xf32, #tpu.memory_space<vmem>>) attributes {dimension_semantics = [#tpu.dimension_semantics<arbitrary>], iteration_bounds = array<i64: 8>, scalar_prefetch = 0 : i64, scratch_operands = 0 : i64, tpu.core_type = #tpu.core_type<tc>, window_params = [{transform_indices = @transform_0, window_bounds = array<i64: 1280, 128>}, {transform_indices = @transform_1, window_bounds = array<i64: 1280, 128>}, {transform_indices = @transform_2, window_bounds = array<i64: 1280, 16>}, {transform_indices = @transform_3, window_bounds = array<i64: 1280, 16>}, {pipeline_mode = #tpu.pipeline_mode<synchronous>, transform_indices = @transform_4, window_bounds = array<i64: 16, 128>}, {pipeline_mode = #tpu.pipeline_mode<synchronous>, transform_indices = @transform_5, window_bounds = array<i64: 1, 128>}, {pipeline_mode = #tpu.pipeline_mode<synchronous>, transform_indices = @transform_6, window_bounds = array<i64: 128, 128>}, {pipeline_mode = #tpu.pipeline_mode<synchronous>, transform_indices = @transform_7, window_bounds = array<i64: 128, 16>}, {pipeline_mode = #tpu.pipeline_mode<synchronous>, transform_indices = @transform_8, window_bounds = array<i64: 128, 16>}, {transform_indices = @transform_9, window_bounds = array<i64: 1280, 128>}, {transform_indices = @transform_10, window_bounds = array<i64: 1280, 128>}, {transform_indices = @transform_11, window_bounds = array<i64: 1280, 16>}, {transform_indices = @transform_12, window_bounds = array<i64: 1280, 16>}]} {
    %get3A = arith.constant 0 : index
    %get3A_0 = arith.constant 0 : index
    %get3A_1 = vector.load %arg3[%get3A, %get3A_0] : memref<1280x16xf32, #tpu.memory_space<vmem>>, vector<1280x16xf32>
    %get3A_2 = arith.constant 0 : index
    %get3A_3 = arith.constant 0 : index
    %get3A_4 = vector.load %arg4[%get3A_2, %get3A_3] : memref<1280x16xf32, #tpu.memory_space<vmem>>, vector<1280x16xf32>
    %add3A = arith.addf %get3A_1, %get3A_4 : vector<1280x16xf32>
    %get3A_5 = arith.constant 0 : index
    %get3A_6 = arith.constant 0 : index
    %get3A_7 = vector.load %arg5[%get3A_5, %get3A_6] : memref<16x128xf32, #tpu.memory_space<vmem>>, vector<16x128xf32>
    %dot_general3A = arith.constant dense<0.000000e+00> : vector<1280x128xf32>
    %dot_general3A_8 = tpu.matmul %add3A, %get3A_7, %dot_general3A {dimension_numbers = #tpu.dot_dimension_numbers<[1], [0], [0], [1], [0, 0, 1, 1], [], []>, transpose_lhs_hint = false} : vector<1280x16xf32>, vector<16x128xf32>, vector<1280x128xf32> -> vector<1280x128xf32>
    %get3A_9 = arith.constant 0 : index
    %get3A_10 = arith.constant 0 : index
    %get3A_11 = vector.load %arg1[%get3A_9, %get3A_10] : memref<1280x128xf32, #tpu.memory_space<vmem>>, vector<1280x128xf32>
    %get3A_12 = arith.constant 0 : index
    %get3A_13 = arith.constant 0 : index
    %get3A_14 = vector.load %arg2[%get3A_12, %get3A_13] : memref<1280x128xf32, #tpu.memory_space<vmem>>, vector<1280x128xf32>
    %add3A_15 = arith.addf %get3A_11, %get3A_14 : vector<1280x128xf32>
    %add3A_16 = arith.constant 1.000000e-16 : f32
    %add3A_17 = vector.broadcast %add3A_16 : f32 to vector<1280x128xf32>
    %add3A_18 = arith.addf %dot_general3A_8, %add3A_17 : vector<1280x128xf32>
    %div3A = arith.divf %add3A_15, %add3A_18 : vector<1280x128xf32>
    %get3A_19 = arith.constant 0 : index
    %get3A_20 = arith.constant 0 : index
    %get3A_21 = vector.load %arg6[%get3A_19, %get3A_20] : memref<1x128xf32, #tpu.memory_space<vmem>>, vector<1x128xf32>
    %add3A_22 = vector.broadcast %get3A_21 : vector<1x128xf32> to vector<1280x128xf32>
    %add3A_23 = arith.addf %div3A, %add3A_22 : vector<1280x128xf32>
    %gt3A = arith.constant 0.000000e+00 : f32
    %gt3A_24 = vector.broadcast %gt3A : f32 to vector<1280x128xf32>
    %gt3A_25 = arith.cmpf ogt, %add3A_23, %gt3A_24 : vector<1280x128xf32>
    %exp3A = math.exp %add3A_23 : vector<1280x128xf32>
    %sub3A = arith.constant 1.000000e+00 : f32
    %sub3A_26 = vector.broadcast %sub3A : f32 to vector<1280x128xf32>
    %sub3A_27 = arith.subf %exp3A, %sub3A_26 : vector<1280x128xf32>
    %select_n3A = arith.select %gt3A_25, %add3A_23, %sub3A_27 : vector<1280x128xi1>, vector<1280x128xf32>
    %swap3A = arith.constant 0 : index
    %swap3A_28 = arith.constant 0 : index
    %swap3A_29 = vector.load %arg10[%swap3A, %swap3A_28] : memref<1280x128xf32, #tpu.memory_space<vmem>>, vector<1280x128xf32>
    tpu.vector_store %arg10[%swap3A, %swap3A_28], %select_n3A {strides = array<i32>} : memref<1280x128xf32, #tpu.memory_space<vmem>>, vector<1280x128xf32>,
    %get3A_30 = arith.constant 0 : index
    %get3A_31 = arith.constant 0 : index
    %get3A_32 = vector.load %arg7[%get3A_30, %get3A_31] : memref<128x128xf32, #tpu.memory_space<vmem>>, vector<128x128xf32>
    %dot_general3A_33 = arith.constant dense<0.000000e+00> : vector<1280x128xf32>
    %dot_general3A_34 = tpu.matmul %select_n3A, %get3A_32, %dot_general3A_33 {dimension_numbers = #tpu.dot_dimension_numbers<[1], [0], [0], [1], [0, 0, 1, 1], [], []>, transpose_lhs_hint = false} : vector<1280x128xf32>, vector<128x128xf32>, vector<1280x128xf32> -> vector<1280x128xf32>
    %swap3A_35 = arith.constant 0 : index
    %swap3A_36 = arith.constant 0 : index
    %swap3A_37 = vector.load %arg11[%swap3A_35, %swap3A_36] : memref<1280x128xf32, #tpu.memory_space<vmem>>, vector<1280x128xf32>
    tpu.vector_store %arg11[%swap3A_35, %swap3A_36], %dot_general3A_34 {strides = array<i32>} : memref<1280x128xf32, #tpu.memory_space<vmem>>, vector<1280x128xf32>,
    %get3A_38 = arith.constant 0 : index
    %get3A_39 = arith.constant 0 : index
    %get3A_40 = vector.load %arg8[%get3A_38, %get3A_39] : memref<128x16xf32, #tpu.memory_space<vmem>>, vector<128x16xf32>
    %dot_general3A_41 = arith.constant dense<0.000000e+00> : vector<1280x16xf32>
    %dot_general3A_42 = tpu.matmul %dot_general3A_34, %get3A_40, %dot_general3A_41 {dimension_numbers = #tpu.dot_dimension_numbers<[1], [0], [0], [1], [0, 0, 1, 1], [], []>, transpose_lhs_hint = false} : vector<1280x128xf32>, vector<128x16xf32>, vector<1280x16xf32> -> vector<1280x16xf32>
    %swap3A_43 = arith.constant 0 : index
    %swap3A_44 = arith.constant 0 : index
    %swap3A_45 = vector.load %arg12[%swap3A_43, %swap3A_44] : memref<1280x16xf32, #tpu.memory_space<vmem>>, vector<1280x16xf32>
    tpu.vector_store %arg12[%swap3A_43, %swap3A_44], %dot_general3A_42 {strides = array<i32>} : memref<1280x16xf32, #tpu.memory_space<vmem>>, vector<1280x16xf32>,
    %get3A_46 = arith.constant 0 : index
    %get3A_47 = arith.constant 0 : index
    %get3A_48 = vector.load %arg9[%get3A_46, %get3A_47] : memref<128x16xf32, #tpu.memory_space<vmem>>, vector<128x16xf32>
    %dot_general3A_49 = arith.constant dense<0.000000e+00> : vector<1280x16xf32>
    %dot_general3A_50 = tpu.matmul %dot_general3A_34, %get3A_48, %dot_general3A_49 {dimension_numbers = #tpu.dot_dimension_numbers<[1], [0], [0], [1], [0, 0, 1, 1], [], []>, transpose_lhs_hint = false} : vector<1280x128xf32>, vector<128x16xf32>, vector<1280x16xf32> -> vector<1280x16xf32>
    %swap3A_51 = arith.constant 0 : index
    %swap3A_52 = arith.constant 0 : index
    %swap3A_53 = vector.load %arg13[%swap3A_51, %swap3A_52] : memref<1280x16xf32, #tpu.memory_space<vmem>>, vector<1280x16xf32>
    tpu.vector_store %arg13[%swap3A_51, %swap3A_52], %dot_general3A_50 {strides = array<i32>} : memref<1280x16xf32, #tpu.memory_space<vmem>>, vector<1280x16xf32>,
    return
  }
  func.func @transform_0(%arg0: i32) -> (i32, i32) {
    %c0_i32 = arith.constant 0 : i32
    %c0_i32_0 = arith.constant 0 : i32
    return %arg0, %c0_i32 : i32, i32
  }
  func.func @transform_1(%arg0: i32) -> (i32, i32) {
    %c0_i32 = arith.constant 0 : i32
    %c0_i32_0 = arith.constant 0 : i32
    return %arg0, %c0_i32 : i32, i32
  }
  func.func @transform_2(%arg0: i32) -> (i32, i32) {
    %c0_i32 = arith.constant 0 : i32
    %c0_i32_0 = arith.constant 0 : i32
    return %arg0, %c0_i32 : i32, i32
  }
  func.func @transform_3(%arg0: i32) -> (i32, i32) {
    %c0_i32 = arith.constant 0 : i32
    %c0_i32_0 = arith.constant 0 : i32
    return %arg0, %c0_i32 : i32, i32
  }
  func.func @transform_4(%arg0: i32) -> (i32, i32) {
    %c0_i32 = arith.constant 0 : i32
    %c0_i32_0 = arith.constant 0 : i32
    %c0_i32_1 = arith.constant 0 : i32
    return %c0_i32, %c0_i32_0 : i32, i32
  }
  func.func @transform_5(%arg0: i32) -> (i32, i32) {
    %c0_i32 = arith.constant 0 : i32
    %c0_i32_0 = arith.constant 0 : i32
    %c0_i32_1 = arith.constant 0 : i32
    return %c0_i32, %c0_i32_0 : i32, i32
  }
  func.func @transform_6(%arg0: i32) -> (i32, i32) {
    %c0_i32 = arith.constant 0 : i32
    %c0_i32_0 = arith.constant 0 : i32
    %c0_i32_1 = arith.constant 0 : i32
    return %c0_i32, %c0_i32_0 : i32, i32
  }
  func.func @transform_7(%arg0: i32) -> (i32, i32) {
    %c0_i32 = arith.constant 0 : i32
    %c0_i32_0 = arith.constant 0 : i32
    %c0_i32_1 = arith.constant 0 : i32
    return %c0_i32, %c0_i32_0 : i32, i32
  }
  func.func @transform_8(%arg0: i32) -> (i32, i32) {
    %c0_i32 = arith.constant 0 : i32
    %c0_i32_0 = arith.constant 0 : i32
    %c0_i32_1 = arith.constant 0 : i32
    return %c0_i32, %c0_i32_0 : i32, i32
  }
  func.func @transform_9(%arg0: i32) -> (i32, i32) {
    %c0_i32 = arith.constant 0 : i32
    %c0_i32_0 = arith.constant 0 : i32
    return %arg0, %c0_i32 : i32, i32
  }
  func.func @transform_10(%arg0: i32) -> (i32, i32) {
    %c0_i32 = arith.constant 0 : i32
    %c0_i32_0 = arith.constant 0 : i32
    return %arg0, %c0_i32 : i32, i32
  }
  func.func @transform_11(%arg0: i32) -> (i32, i32) {
    %c0_i32 = arith.constant 0 : i32
    %c0_i32_0 = arith.constant 0 : i32
    return %arg0, %c0_i32 : i32, i32
  }
  func.func @transform_12(%arg0: i32) -> (i32, i32) {
    %c0_i32 = arith.constant 0 : i32
    %c0_i32_0 = arith.constant 0 : i32
    return %arg0, %c0_i32 : i32, i32
  }
}

module attributes {stable_mosaic.version = 14 : i64} {
  func.func @_final_kernel(%arg0: i32, %arg1: memref<1280x128xf32, #tpu.memory_space<vmem>>, %arg2: memref<1280x128xf32, #tpu.memory_space<vmem>>, %arg3: memref<1280x128xf32, #tpu.memory_space<vmem>>, %arg4: memref<1280x16xf32, #tpu.memory_space<vmem>>, %arg5: memref<1280x16xf32, #tpu.memory_space<vmem>>, %arg6: memref<16x128xf32, #tpu.memory_space<vmem>>, %arg7: memref<1x128xf32, #tpu.memory_space<vmem>>, %arg8: memref<1280x256xf32, #tpu.memory_space<vmem>>) attributes {dimension_semantics = [#tpu.dimension_semantics<arbitrary>], iteration_bounds = array<i64: 8>, scalar_prefetch = 0 : i64, scratch_operands = 0 : i64, tpu.core_type = #tpu.core_type<tc>, window_params = [{transform_indices = @transform_0, window_bounds = array<i64: 1280, 128>}, {transform_indices = @transform_1, window_bounds = array<i64: 1280, 128>}, {transform_indices = @transform_2, window_bounds = array<i64: 1280, 128>}, {transform_indices = @transform_3, window_bounds = array<i64: 1280, 16>}, {transform_indices = @transform_4, window_bounds = array<i64: 1280, 16>}, {pipeline_mode = #tpu.pipeline_mode<synchronous>, transform_indices = @transform_5, window_bounds = array<i64: 16, 128>}, {pipeline_mode = #tpu.pipeline_mode<synchronous>, transform_indices = @transform_6, window_bounds = array<i64: 1, 128>}, {transform_indices = @transform_7, window_bounds = array<i64: 1280, 256>}]} {
    %get3A = arith.constant 0 : index
    %get3A_0 = arith.constant 0 : index
    %get3A_1 = vector.load %arg4[%get3A, %get3A_0] : memref<1280x16xf32, #tpu.memory_space<vmem>>, vector<1280x16xf32>
    %get3A_2 = arith.constant 0 : index
    %get3A_3 = arith.constant 0 : index
    %get3A_4 = vector.load %arg5[%get3A_2, %get3A_3] : memref<1280x16xf32, #tpu.memory_space<vmem>>, vector<1280x16xf32>
    %add3A = arith.addf %get3A_1, %get3A_4 : vector<1280x16xf32>
    %get3A_5 = arith.constant 0 : index
    %get3A_6 = arith.constant 0 : index
    %get3A_7 = vector.load %arg6[%get3A_5, %get3A_6] : memref<16x128xf32, #tpu.memory_space<vmem>>, vector<16x128xf32>
    %dot_general3A = arith.constant dense<0.000000e+00> : vector<1280x128xf32>
    %dot_general3A_8 = tpu.matmul %add3A, %get3A_7, %dot_general3A {dimension_numbers = #tpu.dot_dimension_numbers<[1], [0], [0], [1], [0, 0, 1, 1], [], []>, transpose_lhs_hint = false} : vector<1280x16xf32>, vector<16x128xf32>, vector<1280x128xf32> -> vector<1280x128xf32>
    %get3A_9 = arith.constant 0 : index
    %get3A_10 = arith.constant 0 : index
    %get3A_11 = vector.load %arg2[%get3A_9, %get3A_10] : memref<1280x128xf32, #tpu.memory_space<vmem>>, vector<1280x128xf32>
    %get3A_12 = arith.constant 0 : index
    %get3A_13 = arith.constant 0 : index
    %get3A_14 = vector.load %arg3[%get3A_12, %get3A_13] : memref<1280x128xf32, #tpu.memory_space<vmem>>, vector<1280x128xf32>
    %add3A_15 = arith.addf %get3A_11, %get3A_14 : vector<1280x128xf32>
    %add3A_16 = arith.constant 1.000000e-16 : f32
    %add3A_17 = vector.broadcast %add3A_16 : f32 to vector<1280x128xf32>
    %add3A_18 = arith.addf %dot_general3A_8, %add3A_17 : vector<1280x128xf32>
    %div3A = arith.divf %add3A_15, %add3A_18 : vector<1280x128xf32>
    %get3A_19 = arith.constant 0 : index
    %get3A_20 = arith.constant 0 : index
    %get3A_21 = vector.load %arg7[%get3A_19, %get3A_20] : memref<1x128xf32, #tpu.memory_space<vmem>>, vector<1x128xf32>
    %add3A_22 = vector.broadcast %get3A_21 : vector<1x128xf32> to vector<1280x128xf32>
    %add3A_23 = arith.addf %div3A, %add3A_22 : vector<1280x128xf32>
    %get3A_24 = arith.constant 0 : index
    %get3A_25 = arith.constant 0 : index
    %get3A_26 = vector.load %arg1[%get3A_24, %get3A_25] : memref<1280x128xf32, #tpu.memory_space<vmem>>, vector<1280x128xf32>
    %swap3A = arith.constant 0 : index
    %swap3A_27 = arith.constant 0 : index
    %swap3A_28 = vector.load %arg8[%swap3A, %swap3A_27] : memref<1280x256xf32, #tpu.memory_space<vmem>>, vector<1280x128xf32>
    tpu.vector_store %arg8[%swap3A, %swap3A_27], %get3A_26 {strides = array<i32>} : memref<1280x256xf32, #tpu.memory_space<vmem>>, vector<1280x128xf32>,
    %swap3A_29 = arith.constant 0 : index
    %swap3A_30 = arith.constant 128 : index
    %swap3A_31 = vector.load %arg8[%swap3A_29, %swap3A_30] : memref<1280x256xf32, #tpu.memory_space<vmem>>, vector<1280x128xf32>
    tpu.vector_store %arg8[%swap3A_29, %swap3A_30], %add3A_23 {strides = array<i32>} : memref<1280x256xf32, #tpu.memory_space<vmem>>, vector<1280x128xf32>,
    return
  }
  func.func @transform_0(%arg0: i32) -> (i32, i32) {
    %c0_i32 = arith.constant 0 : i32
    %c0_i32_0 = arith.constant 0 : i32
    return %arg0, %c0_i32 : i32, i32
  }
  func.func @transform_1(%arg0: i32) -> (i32, i32) {
    %c0_i32 = arith.constant 0 : i32
    %c0_i32_0 = arith.constant 0 : i32
    return %arg0, %c0_i32 : i32, i32
  }
  func.func @transform_2(%arg0: i32) -> (i32, i32) {
    %c0_i32 = arith.constant 0 : i32
    %c0_i32_0 = arith.constant 0 : i32
    return %arg0, %c0_i32 : i32, i32
  }
  func.func @transform_3(%arg0: i32) -> (i32, i32) {
    %c0_i32 = arith.constant 0 : i32
    %c0_i32_0 = arith.constant 0 : i32
    return %arg0, %c0_i32 : i32, i32
  }
  func.func @transform_4(%arg0: i32) -> (i32, i32) {
    %c0_i32 = arith.constant 0 : i32
    %c0_i32_0 = arith.constant 0 : i32
    return %arg0, %c0_i32 : i32, i32
  }
  func.func @transform_5(%arg0: i32) -> (i32, i32) {
    %c0_i32 = arith.constant 0 : i32
    %c0_i32_0 = arith.constant 0 : i32
    %c0_i32_1 = arith.constant 0 : i32
    return %c0_i32, %c0_i32_0 : i32, i32
  }
  func.func @transform_6(%arg0: i32) -> (i32, i32) {
    %c0_i32 = arith.constant 0 : i32
    %c0_i32_0 = arith.constant 0 : i32
    %c0_i32_1 = arith.constant 0 : i32
    return %c0_i32, %c0_i32_0 : i32, i32
  }
  func.func @transform_7(%arg0: i32) -> (i32, i32) {
    %c0_i32 = arith.constant 0 : i32
    %c0_i32_0 = arith.constant 0 : i32
    return %arg0, %c0_i32 : i32, i32
  }
}

module attributes {stable_mosaic.version = 14 : i64} {
  func.func @_loss_kernel(%arg0: memref<320x16x256xf32, #tpu.memory_space<vmem>>, %arg1: memref<320x16x256xf32, #tpu.memory_space<vmem>>, %arg2: memref<320x16x256xf32, #tpu.memory_space<vmem>>, %arg3: memref<320x16xf32, #tpu.memory_space<vmem>>, %arg4: memref<320x16xf32, #tpu.memory_space<vmem>>, %arg5: memref<1x1xf32, #tpu.memory_space<vmem>>) attributes {dimension_semantics = [], scalar_prefetch = 0 : i64, scratch_operands = 0 : i64, tpu.core_type = #tpu.core_type<tc>} {
    %get3A = arith.constant 0 : index
    %get3A_0 = arith.constant 0 : index
    %get3A_1 = arith.constant 0 : index
    %get3A_2 = vector.load %arg0[%get3A, %get3A_0, %get3A_1] : memref<320x16x256xf32, #tpu.memory_space<vmem>>, vector<320x16x256xf32>
    %get3A_3 = arith.constant 0 : index
    %get3A_4 = arith.constant 0 : index
    %get3A_5 = arith.constant 0 : index
    %get3A_6 = vector.load %arg1[%get3A_3, %get3A_4, %get3A_5] : memref<320x16x256xf32, #tpu.memory_space<vmem>>, vector<320x16x256xf32>
    %get3A_7 = arith.constant 0 : index
    %get3A_8 = arith.constant 0 : index
    %get3A_9 = arith.constant 0 : index
    %get3A_10 = vector.load %arg2[%get3A_7, %get3A_8, %get3A_9] : memref<320x16x256xf32, #tpu.memory_space<vmem>>, vector<320x16x256xf32>
    %get3A_11 = arith.constant 0 : index
    %get3A_12 = arith.constant 0 : index
    %get3A_13 = vector.load %arg3[%get3A_11, %get3A_12] : memref<320x16xf32, #tpu.memory_space<vmem>>, vector<320x16xf32>
    %get3A_14 = arith.constant 0 : index
    %get3A_15 = arith.constant 0 : index
    %get3A_16 = vector.load %arg4[%get3A_14, %get3A_15] : memref<320x16xf32, #tpu.memory_space<vmem>>, vector<320x16xf32>
    %mul3A = arith.mulf %get3A_2, %get3A_2 : vector<320x16x256xf32>
    %reduce_sum3A = arith.constant dense<0.000000e+00> : vector<320x16xf32>
    %reduce_sum3A_17 = vector.multi_reduction <add>, %mul3A, %reduce_sum3A [2] : vector<320x16x256xf32> to vector<320x16xf32>
    %sqrt3A = math.sqrt %reduce_sum3A_17 : vector<320x16xf32>
    %max3A = arith.constant 9.99999993E-9 : f32
    %max3A_18 = vector.broadcast %max3A : f32 to vector<320x16xf32>
    %max3A_19 = arith.maximumf %sqrt3A, %max3A_18 : vector<320x16xf32>
    %div3A = arith.constant 1.000000e+00 : f32
    %div3A_20 = vector.broadcast %div3A : f32 to vector<320x16xf32>
    %div3A_21 = arith.divf %div3A_20, %max3A_19 : vector<320x16xf32>
    %mul3A_22 = arith.mulf %get3A_6, %get3A_6 : vector<320x16x256xf32>
    %reduce_sum3A_23 = arith.constant dense<0.000000e+00> : vector<320x16xf32>
    %reduce_sum3A_24 = vector.multi_reduction <add>, %mul3A_22, %reduce_sum3A_23 [2] : vector<320x16x256xf32> to vector<320x16xf32>
    %sqrt3A_25 = math.sqrt %reduce_sum3A_24 : vector<320x16xf32>
    %max3A_26 = arith.constant 9.99999993E-9 : f32
    %max3A_27 = vector.broadcast %max3A_26 : f32 to vector<320x16xf32>
    %max3A_28 = arith.maximumf %sqrt3A_25, %max3A_27 : vector<320x16xf32>
    %div3A_29 = arith.constant 1.000000e+00 : f32
    %div3A_30 = vector.broadcast %div3A_29 : f32 to vector<320x16xf32>
    %div3A_31 = arith.divf %div3A_30, %max3A_28 : vector<320x16xf32>
    %mul3A_32 = arith.mulf %get3A_10, %get3A_10 : vector<320x16x256xf32>
    %reduce_sum3A_33 = arith.constant dense<0.000000e+00> : vector<320x16xf32>
    %reduce_sum3A_34 = vector.multi_reduction <add>, %mul3A_32, %reduce_sum3A_33 [2] : vector<320x16x256xf32> to vector<320x16xf32>
    %sqrt3A_35 = math.sqrt %reduce_sum3A_34 : vector<320x16xf32>
    %max3A_36 = arith.constant 9.99999993E-9 : f32
    %max3A_37 = vector.broadcast %max3A_36 : f32 to vector<320x16xf32>
    %max3A_38 = arith.maximumf %sqrt3A_35, %max3A_37 : vector<320x16xf32>
    %div3A_39 = arith.constant 1.000000e+00 : f32
    %div3A_40 = vector.broadcast %div3A_39 : f32 to vector<320x16xf32>
    %div3A_41 = arith.divf %div3A_40, %max3A_38 : vector<320x16xf32>
    %mul3A_42 = arith.mulf %get3A_2, %get3A_6 : vector<320x16x256xf32>
    %reduce_sum3A_43 = arith.constant dense<0.000000e+00> : vector<320x16xf32>
    %reduce_sum3A_44 = vector.multi_reduction <add>, %mul3A_42, %reduce_sum3A_43 [2] : vector<320x16x256xf32> to vector<320x16xf32>
    %mul3A_45 = arith.mulf %reduce_sum3A_44, %div3A_21 : vector<320x16xf32>
    %mul3A_46 = arith.mulf %mul3A_45, %div3A_31 : vector<320x16xf32>
    %mul3A_47 = arith.constant 14.2857141 : f32
    %mul3A_48 = vector.broadcast %mul3A_47 : f32 to vector<320x16xf32>
    %mul3A_49 = arith.mulf %mul3A_46, %mul3A_48 : vector<320x16xf32>
    %mul3A_50 = arith.mulf %get3A_2, %get3A_10 : vector<320x16x256xf32>
    %reduce_sum3A_51 = arith.constant dense<0.000000e+00> : vector<320x16xf32>
    %reduce_sum3A_52 = vector.multi_reduction <add>, %mul3A_50, %reduce_sum3A_51 [2] : vector<320x16x256xf32> to vector<320x16xf32>
    %mul3A_53 = arith.mulf %reduce_sum3A_52, %div3A_21 : vector<320x16xf32>
    %mul3A_54 = arith.mulf %mul3A_53, %div3A_41 : vector<320x16xf32>
    %mul3A_55 = arith.constant 14.2857141 : f32
    %mul3A_56 = vector.broadcast %mul3A_55 : f32 to vector<320x16xf32>
    %mul3A_57 = arith.mulf %mul3A_54, %mul3A_56 : vector<320x16xf32>
    %exp3A = math.exp %mul3A_49 : vector<320x16xf32>
    %mul3A_58 = arith.mulf %exp3A, %get3A_13 : vector<320x16xf32>
    %reduce_sum3A_59 = arith.constant dense<0.000000e+00> : vector<320xf32>
    %reduce_sum3A_60 = vector.multi_reduction <add>, %mul3A_58, %reduce_sum3A_59 [1] : vector<320x16xf32> to vector<320xf32>
    %exp3A_61 = math.exp %mul3A_57 : vector<320x16xf32>
    %mul3A_62 = arith.mulf %exp3A_61, %get3A_16 : vector<320x16xf32>
    %reduce_sum3A_63 = arith.constant dense<0.000000e+00> : vector<320xf32>
    %reduce_sum3A_64 = vector.multi_reduction <add>, %mul3A_62, %reduce_sum3A_63 [1] : vector<320x16xf32> to vector<320xf32>
    %add3A = arith.addf %reduce_sum3A_60, %reduce_sum3A_64 : vector<320xf32>
    %log3A = math.log %add3A : vector<320xf32>
    %log3A_65 = math.log %reduce_sum3A_60 : vector<320xf32>
    %sub3A = arith.subf %log3A, %log3A_65 : vector<320xf32>
    %reduce_sum3A_66 = vector.shape_cast %sub3A : vector<320xf32> to vector<1x320xf32>
    %reduce_sum3A_67 = arith.constant dense<0.000000e+00> : vector<1xf32>
    %reduce_sum3A_68 = vector.multi_reduction <add>, %reduce_sum3A_66, %reduce_sum3A_67 [1] : vector<1x320xf32> to vector<1xf32>
    %reduce_sum3A_69 = vector.shape_cast %reduce_sum3A_68 : vector<1xf32> to vector<1x1xf32>
    %reduce_sum3A_70 = vector.extract %reduce_sum3A_69[0, 0] : f32 from vector<1x1xf32>
    %reshape3A = vector.broadcast %reduce_sum3A_70 : f32 to vector<1x1xf32>
    %swap3A = arith.constant 0 : index
    %swap3A_71 = arith.constant 0 : index
    %swap3A_72 = vector.load %arg5[%swap3A, %swap3A_71] : memref<1x1xf32, #tpu.memory_space<vmem>>, vector<1x1xf32>
    tpu.vector_store %arg5[%swap3A, %swap3A_71], %reshape3A {strides = array<i32>} : memref<1x1xf32, #tpu.memory_space<vmem>>, vector<1x1xf32>,
    return
  }
}

</mosaic_0001>

<sc_bundles>
// kernel: kernel.12.cloned.1.call-start
scs
__scs_entry_jumppad:
0x0: {  	(pc) =	sbr.rel $0x88, $3  }
0x1: {  	(tag) =	ssettag $0x0;
	lr =	simm.s32 $0x1  }
0x2: {  	[smem:$0x3F96] =	sst lr;
	_ =	strace $0xD0000000  }
0x3: {  	_ = 	snop  }
0x4: {  	_ = 	snop  }
0x5: {  	_ = 	snop  }
0x6: {  	_ = 	snop  }
0x7: {  	_ = 	snop  }
__scs_overlays_trampoline_lowered:
0x8: {  	[smem:$0x3FA5] =	sst s0  }
0x9: {  	[smem:$0x3FA6] =	sst s1  }
0xa: {  	[smem:$0x3FA7] =	sst s2  }
0xb: {  	[smem:$0x3FA8] =	sst s3  }
0xc: {  	[smem:$0x3FA9] =	sst s4  }
0xd: {  	[smem:$0x3FAA] =	sst s5  }
0xe: {  	[smem:$0x3FAB] =	sst s6  }
0xf: {  	[smem:$0x3FAC] =	sst s7  }
0x10: {  	[smem:$0x3FAD] =	sst s8  }
0x11: {  	[smem:$0x3FAE] =	sst s9;
	s0 =	simm.s32 @!p0 $0x0  }
0x12: {  	s1 =	sld [smem:$0x3F94];
	s0 =	simm.s32 @p0 $0x1  }
0x13: {  	[smem:$0x3FAF] =	sst s0;
	s0 =	simm.s32 @!p1 $0x0  }
0x14: {  	s2 =	sld [smem:$0x3F93];
	s0 =	simm.s32 @p1 $0x1  }
0x15: {  	[smem:$0x3FB0] =	sst s0;
	s0 =	simm.s32 @!p2 $0x0  }
0x16: {  	s3 =	sld [smem:$0x3FDB];
	s0 =	simm.s32 @p2 $0x1  }
0x17: {  	s4 =	simm.s32 $0x1BF5;
	[smem:$0x3FB2] =	sst s0  }
0x18: {  	s0 =	sld [smem:$0x3F95];
	_ =	swait.ge [sflag:s4], $0x0  }
0x19: {  	s7 =	sld [smem:$0x3F96]  }
0x1a: {  	s8 =	sadd.s32 $0xFFFFE003, lr  }
0x1b: {  	s9 =	sadd.s32 $0xFFFFFEF7, lr;
	s5 =	simm.s32 $0xFFFFFFFF;
	p2 =	slt.u32 s8, $0xFFFFF086  }
0x1c: {  	p1 =	slt.u32 s9, $0xF7A;
	s5 =	simm.s32 @!p2 $0x0  }
0x1d: {  	s5 =	simm.s32 @p1 $0x1;
	p0 =	seq.s32 s7, s2  }
0x1e: {  	s7 =	smul.u32 @!p0 $0xF7A, s2;
	p2 =	seq.s32 @!p0 s5, $0x0  }
0x1f: {  	s9 =	smul.u32 $0xF7A, s1;
	s8 =	simm.s32 @!p0 $0x1BF5;
	p2 =	por !p2, p0  }
0x20: {  	[sflag:s8] =	ssyncset.s32 @!p0 $0xFFFFF086;
	s6 =	sadd.s32 @!p0 s3, s7;
	s7 =	simm.s32 @!p0 $0x108  }
0x21: {  	s3 =	sadd.s32 s3, s9;
	s6 =	sadd.s32 @!p0 $0x88, s6;
	s7 =	simm.s32 @p2 $0x1082  }
0x22: {  	[simem:s7], [sflag:s8] =	dma.local @!p0 [hbm:s6], $0xF7A  }
0x23: {  	s9 =	sor.u32 $0xD0000000, s2;
	s6 =	simm.s32 $0x108;
	_ =	swait.ge @!p0 [sflag:s8], $0x0  }
0x24: {  	s3 =	sadd.s32 $0x88, s3;
	s6 =	simm.s32 @!p1 $0x1082;
	[sflag:s4] =	ssyncset.s32 $0xFFFFF086  }
0x25: {  	[simem:s6], [sflag:s4] =	dma.local [hbm:s3], $0xF7A  }
0x26: {  	[smem:$0x3F96] =	sst s1;
	(tag) =	ssettag s2;
	_ =	strace s9  }
0x27: {  	s1 =	sld [smem:$0x3FA6]  }
0x28: {  	s2 =	sld [smem:$0x3FA7]  }
0x29: {  	s4 =	sld [smem:$0x3FA9]  }
0x2a: {  	p0 =	seq.s32 s5, $0x0;
	s5 =	sld [smem:$0x3FAA]  }
0x2b: {  	s6 =	sld [smem:$0x3FAB]  }
0x2c: {  	s7 =	sld [smem:$0x3FAC]  }
0x2d: {  	s3 =	simm.s32 $0x108;
	s8 =	sld [smem:$0x3FAD]  }
0x2e: {  	s3 =	simm.s32 @!p0 $0x1082;
	s9 =	sld [smem:$0x3FAE]  }
0x2f: {  	lr =	sadd.s32 s0, s3;
	s0 =	sld [smem:$0x3FA5]  }
0x30: {  	s3 =	sld [smem:$0x3FA8]  }
0x31: {  	[smem:$0x3FB1] =	sst s10  }
0x32: {  	s10 =	sld [smem:$0x3FAF];
	_ =	sdelay $0x3  }
0x33: {  	p0 =	seq.s32 s10, $0x1;
	s10 =	sld [smem:$0x3FB1];
	_ =	sdelay $0x3  }
0x34: {  	[smem:$0x3FB1] =	sst s10  }
0x35: {  	s10 =	sld [smem:$0x3FB0];
	_ =	sdelay $0x3  }
0x36: {  	p1 =	seq.s32 s10, $0x1;
	s10 =	sld [smem:$0x3FB1];
	_ =	sdelay $0x3  }
0x37: {  	[smem:$0x3FB1] =	sst s10  }
0x38: {  	s10 =	sld [smem:$0x3FB2]  }
0x39: {  	_ = 	snop;
	(pc) =	sbr.ind lr, $3  }
0x3a: {  	_ = 	snop  }
0x3b: {  	_ = 	snop  }
0x3c: {  	p2 =	seq.s32 s10, $0x1;
	s10 =	sld [smem:$0x3FB1]  }
0x3d: {  	_ =	shalt  }
0x3e: {  	_ =	shalt  }
0x3f: {  	_ =	shalt  }
0x40: {  	_ =	shalt  }
0x41: {  	_ =	shalt  }
0x42: {  	_ =	shalt  }
0x43: {  	_ =	shalt  }
0x44: {  	_ =	shalt  }
0x45: {  	_ =	shalt  }
0x46: {  	_ =	shalt  }
0x47: {  	_ =	shalt  }
0x48: {  	_ =	shalt  }
0x49: {  	_ =	shalt  }
0x4a: {  	_ =	shalt  }
0x4b: {  	_ =	shalt  }
0x4c: {  	_ =	shalt  }
0x4d: {  	_ =	shalt  }
0x4e: {  	_ =	shalt  }
0x4f: {  	_ =	shalt  }
0x50: {  	_ =	shalt  }
0x51: {  	_ =	shalt  }
0x52: {  	_ =	shalt  }
0x53: {  	_ =	shalt  }
0x54: {  	_ =	shalt  }
0x55: {  	_ =	shalt  }
0x56: {  	_ =	shalt  }
0x57: {  	_ =	shalt  }
0x58: {  	_ =	shalt  }
0x59: {  	_ =	shalt  }
0x5a: {  	_ =	shalt  }
0x5b: {  	_ =	shalt  }
0x5c: {  	_ =	shalt  }
0x5d: {  	_ =	shalt  }
0x5e: {  	_ =	shalt  }
0x5f: {  	_ =	shalt  }
0x60: {  	_ =	shalt  }
0x61: {  	_ =	shalt  }
0x62: {  	_ =	shalt  }
0x63: {  	_ =	shalt  }
0x64: {  	_ =	shalt  }
0x65: {  	_ =	shalt  }
0x66: {  	_ =	shalt  }
0x67: {  	_ =	shalt  }
0x68: {  	_ =	shalt  }
0x69: {  	_ =	shalt  }
0x6a: {  	_ =	shalt  }
0x6b: {  	_ =	shalt  }
0x6c: {  	_ =	shalt  }
0x6d: {  	_ =	shalt  }
0x6e: {  	_ =	shalt  }
0x6f: {  	_ =	shalt  }
0x70: {  	_ =	shalt  }
0x71: {  	_ =	shalt  }
0x72: {  	_ =	shalt  }
0x73: {  	_ =	shalt  }
0x74: {  	_ =	shalt  }
0x75: {  	_ =	shalt  }
0x76: {  	_ =	shalt  }
0x77: {  	_ =	shalt  }
0x78: {  	_ =	shalt  }
0x79: {  	_ =	shalt  }
0x7a: {  	_ =	shalt  }
0x7b: {  	_ =	shalt  }
0x7c: {  	_ =	shalt  }
0x7d: {  	_ =	shalt  }
0x7e: {  	_ =	shalt  }
0x7f: {  	_ =	shalt  }
0x80: {  	_ =	shalt  }
0x81: {  	_ =	shalt  }
0x82: {  	_ =	shalt  }
0x83: {  	_ =	shalt  }
0x84: {  	_ =	shalt  }
0x85: {  	_ =	shalt  }
0x86: {  	_ =	shalt  }
0x87: {  	_ =	shalt  }
.Lfunc_end0:
.L_simem_size_0:
called_computation.1_lowered:
.L_overlay_start_0:
0x88: {  	s2 =	sld [smem:$0x3FD9]  }
0x89: {  	s3 =	sld [smem:$0x3FFE];
	_ =	sdelay $0x1  }
0x8a: {  	s1 =	srdreg.scid  }
0x8b: {  	s0 =	sand.u32 $0x1, s1  }
0x8c: {  	s16 =	sshll.u32 s0, $0xA;
	s2 =	sadd.s32 s3, s2  }
0x8d: {  	s2 =	sadd.s32 s2, s16  }
0x8e: {  	[smem:$0x3FBD] =	sst s2  }
0x8f: {  	_ = 	snop  }
0x90: {  	(tm) =	ssettm $0x1  }
0x91: {  	s17 =	sld [smem:$0x3FFB];
	_ =	sdelay $0x3  }
0x92: {  	_ =	strace s17  }
0x93: {  	s2 =	sld [smem:$0x3FFC];
	_ =	sdelay $0x3  }
0x94: {  	_ =	strace s2  }
0x95: {  	s2 =	sld [smem:$0x3FFD];
	_ =	sdelay $0x3  }
0x96: {  	_ =	strace s2  }
0x97: {  	_ =	strace $0x8FFFFFFF  }
0x98: {  	s18 =	sld [smem:$0x3FDB];
	_ =	sdelay $0x1  }
0x99: {  	s19 =	simm.s32 $_scs_section_size  }
0x9a: {  	s4 =	simm.s32 $_size__tile_overlayer_lowered;
	s5 =	simm.s32 $_tile_overlayer_lowered  }
0x9b: {  	s22 =	simm.s32 $0x1BFF;
	s21 =	sshll.u32 s5, $0x1;
	s2 =	sadd.s32 s19, s18  }
0x9c: {  	s6 =	simm.s32 $0x0;
	s20 =	sshll.u32 s4, $0x1;
	s4 =	sadd.s32 s21, s2  }
0x9d: {  	[timem:s6], [sflag:s22] =	dma.local [hbm:s4], s20  }
0x9e: {  	_ =	swait.ge [sflag:s22], s20  }
0x9f: {  	s3 =	ssub.s32 $0x0, s20;
	[sflag:s22] =	ssyncset.done $0x0  }
0xa0: {  	[sflag:s22] =	ssyncadd.s32 s3;
	_ =	sdelay $0x1  }
0xa1: {  	s23 =	simm.s32 $0x1B8B  }
0xa2: {  	_ =	swait.ge [sflag:s23], $0x1  }
0xa3: {  	[sflag:s23] =	ssyncset.done $0x0  }
0xa4: {  	s25 =	simm.s32 $0x1B8E;
	s24 =	sld [smem:$0x3FFE];
	[sflag:s23] =	ssyncadd.s32 $0xFFFFFFFF  }
0xa5: {  	s26 =	simm.s32 $execute0_lowered;
	[smem:$0x3FD2] =	sst s25  }
0xa6: {  	s4 =	sshll.u32 s26, $0x1;
	_ =	strace $0x80000049;
	[dreg:$0x1] =	wrdreg $0xFFFFFFFF  }
0xa7: {  	s28 =	simm.s32 $_size_execute0_lowered;
	s2 =	sadd.s32 s2, s4;
	[dreg:$0x0] =	wrdreg $0x0  }
0xa8: {  	s4 =	sshll.u32 s28, $0x1;
	[dreg:$0x2] =	wrdreg s2  }
0xa9: {  	[dreg:$0x3] =	wrdreg s4  }
0xaa: {  	[dreg:$0x4] =	wrdreg $0xC0  }
0xab: {  	_ =	task [dreg:s6], $0x5FFFF  }
0xac: {  	[dreg:$0x1] =	wrdreg $0xFFFFFFFF  }
0xad: {  	[dreg:$0x0] =	wrdreg $0x60  }
0xae: {  	[dreg:$0x2] =	wrdreg s24  }
0xaf: {  	[dreg:$0x3] =	wrdreg $0x85800  }
0xb0: {  	[dreg:$0x4] =	wrdreg $0x1C5800  }
0xb1: {  	[dreg:$0x5] =	wrdreg $0x9  }
0xb2: {  	_ =	task.clear_ibuf [dreg:s6], $0x6FFFF;
	_ =	strace $0x90000049  }
0xb3: {  	s29 =	simm.s32 $0x9;
	_ =	strace $0x8000004B  }
0xb4: {  	_ =	swait.ge [sflag:s29], $0x1  }
0xb5: {  	[sflag:s29] =	ssyncadd.s32 $0xFFFFFFFF  }
0xb6: {  	_ =	strace $0x9000004B  }
0xb7: {  	_ =	sfence  }
0xb8: {  	s30 =	sld [smem:$0x0];
	_ =	sdelay $0x2  }
0xb9: {  	s31 =	sshll.u32 s1, $0xD;
	s1 =	sshrl.u32 s1, $0x2  }
0xba: {  	s3 =	sand.u32 $0x4000, s31;
	s1 =	sadd.s32 s1, s30  }
0xbb: {  	s0 =	sor.u32 s3, s0;
	s1 =	sshll.u32 s1, $0x11  }
0xbc: {  	s0 =	sor.u32 s1, s0  }
0xbd: {  	s0 =	sadd.s32 $0x8F2B, s0  }
0xbe: {  	[sflag:s0] =	ssyncadd.remote.s32 $0x1  }
0xbf: {  	_ =	sfence.sel $0xFFFF  }
0xc0: {  	[dreg:$0x0] =	wrdreg $0xFFFFFFFF;
	(pc) =	sbr.abs _section_cstart, $3  }
0xc1: {  	[dreg:$0x1] =	wrdreg $0xFFFFFFFF  }
0xc2: {  	_ =	task.clear_ibuf [dreg:s6], $0x2FFFF;
	_ =	strace $0x9FFFFFFF  }
0xc3: {  	(tm) =	ssettm $0x7FFFFFFF  }
tec
execute0_lowered:
.L_overlay_start_1:
0x0: {  	(tag) =	ssettag $0x1  }
0x1: {  	s0 =	rddreg [dreg:$0x0]  }
0x2: {  	s1 =	rddreg [dreg:$0x1]  }
0x3: {  	s2 =	rddreg [dreg:$0x2]  }
0x4: {  	s3 =	simm.s32 $0x0;
	s21 =	srdreg.scid;
	s16 =	stileid.u32  }
0x5: {  	s29 =	simm.s32 $0x1980;
	s30 =	simm.s32 $0x100;
	s19 =	simm.s32 $0x2  }
0x6: {  	s20 =	simm.s32 $0x7D80;
	[smem:$0x7FF] =	sst s3;
	s5 =	sadd.s32 $0x4400, s0  }
0x7: {  	s3 =	sand.u32 $0x1, s21;
	s4 =	smul.u32 $0x14000, s16;
	s6 =	sadd.s32 $0x31400, s0  }
0x8: {  	s7 =	sadd.s32 $0x2C400, s0;
	s8 =	sadd.s32 $0x40C00, s0;
	s11 =	smul.u32 $0x2800, s16  }
0x9: {  	s9 =	sadd.s32 $0x36400, s0;
	s12 =	sadd.s32 $0x4B400, s0;
	s14 =	smul.u32 $0x2A00, s16  }
0xa: {  	s13 =	sadd.s32 $0x4DC00, s0;
	s25 =	sshll.u32 s16, $0x6;
	s10 =	smul.u32 $0x140000, s3  }
0xb: {  	_ =	strace $0x8000004A;
	[dreg:$0x4] =	wrdreg s12;
	s22 =	smul.u32 $0x28000, s3  }
0xc: {  	s21 =	simm.s32 $0x3;
	[dreg:$0x5] =	wrdreg s13;
	s23 =	smul.u32 $0x2A000, s3  }
0xd: {  	s3 =	ssub.s32 $0x2, s3;
	s13 =	sor.u32 $0x1C07, s25;
	s25 =	simm.s32 $0x40  }
0xe: {  	s15 =	sshrl.u32 s3, $0x1;
	[dreg:$0x6] =	wrdreg s13;
	s10 =	sadd.s32 s4, s10  }
0xf: {  	s12 =	sadd.s32 s11, s22;
	s3 =	ssub.s32 s3, s15;
	s24 =	sadd.s32 s14, s23  }
0x10: {  	s4 =	sadd.s32 s4, s1;
	s11 =	sadd.s32 s11, s2;
	s23 =	simm.s32 $0x7  }
0x11: {  	s15 =	simm.s32 $0x5980;
	s22 =	simm.s32 $0x0;
	s10 =	sshrl.u32 s10, $0x3  }
0x12: {  	s12 =	sshrl.u32 s12, $0x3;
	s14 =	sshrl.u32 s24, $0x3;
	[dreg:$0x7] =	wrdreg s11  }
0x13: {  	s16 =	sor.u32 $0x40, s24;
	s17 =	sor.u32 $0x80, s24;
	s18 =	sor.u32 $0xC0, s24  }
0x14: {  	s31 =	smax.u32 s3, $0x1;
	s24 =	simm.s32 $0xC0;
	s3 =	simm.s32 $0x3980  }
0x15: {  	s11 =	simm.s32 $0x140;
	s26 =	sadd.s32 s8, s14;
	[dreg:$0xc] =	wrdreg s31  }
0x16: {  	s10 =	sadd.s32 s10, s0;
	s28 =	sadd.s32 s9, s14;
	[dreg:$0x8] =	wrdreg s26  }
0x17: {  	s0 =	sadd.s32 s12, s0;
	s12 =	sshrl.u32 s4, $0x3;
	[dreg:$0x9] =	wrdreg s28  }
0x18: {  	s14 =	simm.s32 $0x1580;
	s10 =	sadd.s32 $0x58200, s10;
	[dreg:$0xd] =	wrdreg s12  }
0x19: {  	s4 =	simm.s32 $0x8180;
	s0 =	sadd.s32 $0x4E200, s0;
	[dreg:$0xa] =	wrdreg s10  }
0x1a: {  	s26 =	simm.s32 $0x1;
	[dreg:$0xb] =	wrdreg s0;
	s10 =	simm.s32 $0x80  }
.LBB2_1:
0x1b: {  	[dreg:$0xe] =	wrdreg s22  }
0x1c: {  	s0 =	rddreg [dreg:$0x4]  }
0x1d: {  	[spmem:s12], [sflag:s13] =	dma.local [hbm:s0], $0x2800  }
0x1e: {  	_ =	swait.ge [sflag:s23], $0x2800  }
0x1f: {  	s22 =	rddreg [dreg:$0x7]  }
0x20: {  	[sflag:s23] =	ssyncset.done $0x0;
	s31 =	rddreg [dreg:$0x5];
	s28 =	sshrl.u32 s22, $0x3  }
0x21: {  	[sflag:s23] =	ssyncadd.s32 $0xFFFFD800;
	[dreg:$0xf] =	wrdreg s28  }
0x22: {  	[spmem:s28], [sflag:s13] =	dma.local [hbm:s31], $0x500  }
0x23: {  	_ =	swait.ge [sflag:s23], $0x500  }
0x24: {  	[sflag:s23] =	ssyncset.done $0x0  }
0x25: {  	[sflag:s23] =	ssyncadd.s32 $0xFFFFFB00  }
0x26: {  	[bflag:$0x0] =	sbarrier.arrive $0xFFFF  }
0x27: {  	s0 =	simm.s32 $0x0;
	s13 =	rddreg [dreg:$0x8]  }
0x28: {  	[tilespmem:s0], [sflag:$0x7] =	stream.linear.gather [hbm4b:s13+s0], $0x40, $0x38;
	[tilespmem:$0x1ED80] =	vst v63  }
0x29: {  	_ =	swait.ge [sflag:s23], $0x40  }
0x2a: {  	[sflag:s23] =	ssyncset.done $0x0  }
0x2b: {  	s22 =	rddreg [dreg:$0x9];
	[sflag:s23] =	ssyncadd.s32 $0xFFFFFFC0  }
0x2c: {  	[tilespmem:s24], [sflag:$0x7] =	stream.linear.gather [hbm4b:s22+s0], $0x40, $0x38;
	[tilespmem:$0x1ED80] =	vst v63  }
0x2d: {  	_ =	swait.ge [sflag:s23], $0x40  }
0x2e: {  	[sflag:s23] =	ssyncset.done $0x0  }
0x2f: {  	s28 =	simm.s32 $0x180;
	[sflag:s23] =	ssyncadd.s32 $0xFFFFFFC0  }
0x30: {  	[tilespmem:s28], [sflag:$0x1] =	stream.indirect.gather [hbm4b:s6+s25], $0x10, s0, s25, $0xb8;
	[tilespmem:$0x1ED80] =	vst v63  }
0x31: {  	s31 =	simm.s32 $0xD80  }
0x32: {  	[tilespmem:s31], [sflag:$0x1] =	stream.indirect.gather [hbm4b:s7+s25], $0x10, s24, s25, $0xb8;
	[tilespmem:$0x1ED80] =	vst v63  }
0x33: {  	s12 =	simm.s32 $0x0  }
0x34: {  	[tilespmem:s29], [sflag:$0x1] =	stream.indirect.gather [hbm4b:s5+s25], $0x80, s0, s25, $0xb8;
	[tilespmem:$0x1ED80] =	vst v63  }
.LBB2_2:
0x35: {  	p0 =	seq.s32 s12, $0x0  }
0x36: {  	s0 =	simm.s32 @!p0 $0x5  }
0x37: {  	_ =	swait.ge @!p0 [sflag:s0], $0x400  }
0x38: {  	s22 =	smul.u32 $0xC0, s12;
	[sflag:s0] =	ssyncset.done @!p0 $0x0  }
0x39: {  	[sflag:s0] =	ssyncadd.s32 @!p0 $0xFFFFFC00  }
0x3a: {  	s28 =	sadd.s32 s22, s16;
	_ =	swait.ge @!p0 [sflag:s0], $0x2000  }
0x3b: {  	s28 =	sshrl.u32 s28, $0x3;
	[sflag:s0] =	ssyncset.done @!p0 $0x0  }
0x3c: {  	s31 =	simm.s32 $0x0;
	s13 =	sadd.s32 s8, s28;
	[sflag:s0] =	ssyncadd.s32 @!p0 $0xFFFFE000  }
0x3d: {  	[tilespmem:s25], [sflag:$0x7] =	stream.linear.gather [hbm4b:s13+s31], $0x40, $0x38;
	[tilespmem:$0x1ED80] =	vst v63  }
0x3e: {  	_ =	swait.ge [sflag:s23], $0x40  }
0x3f: {  	[sflag:s23] =	ssyncset.done $0x0  }
0x40: {  	s13 =	sadd.s32 s9, s28;
	[sflag:s23] =	ssyncadd.s32 $0xFFFFFFC0  }
0x41: {  	[tilespmem:s30], [sflag:$0x7] =	stream.linear.gather [hbm4b:s13+s31], $0x40, $0x38;
	[tilespmem:$0x1ED80] =	vst v63  }
0x42: {  	_ =	swait.ge [sflag:s23], $0x40  }
0x43: {  	[sflag:s23] =	ssyncset.done $0x0  }
0x44: {  	s13 =	simm.s32 $0x580;
	[sflag:s23] =	ssyncadd.s32 $0xFFFFFFC0  }
0x45: {  	[tilespmem:s13], [sflag:$0x2] =	stream.indirect.gather [hbm4b:s6+s25], $0x10, s25, s25, $0xb8;
	[tilespmem:$0x1ED80] =	vst v63  }
0x46: {  	s13 =	simm.s32 $0x1180  }
0x47: {  	[tilespmem:s13], [sflag:$0x2] =	stream.indirect.gather [hbm4b:s7+s25], $0x10, s30, s25, $0xb8;
	[tilespmem:$0x1ED80] =	vst v63  }
0x48: {  	_ = 	snop  }
0x49: {  	[tilespmem:s3], [sflag:$0x2] =	stream.indirect.gather [hbm4b:s5+s25], $0x80, s25, s25, $0xb8;
	[tilespmem:$0x1ED80] =	vst v63  }
0x4a: {  	_ =	swait.ge [sflag:s26], $0x400  }
0x4b: {  	[sflag:s26] =	ssyncset.done $0x0  }
0x4c: {  	[sflag:s26] =	ssyncadd.s32 $0xFFFFFC00  }
0x4d: {  	_ =	swait.ge [sflag:s26], $0x400  }
0x4e: {  	[sflag:s26] =	ssyncset.done $0x0  }
0x4f: {  	[sflag:s26] =	ssyncadd.s32 $0xFFFFFC00  }
0x50: {  	_ =	swait.ge [sflag:s26], $0x2000  }
0x51: {  	[sflag:s26] =	ssyncset.done $0x0  }
0x52: {  	s13 =	simm.s32 $0x0;
	[sflag:s26] =	ssyncadd.s32 $0xFFFFE000  }
0x53: {  	v0 =	vld [tilespmem:s13+$0x180]  }
0x54: {  	v1 =	vld [tilespmem:s13+$0xD80];
	_ =	sdelay $0x4  }
0x55: {  	v0 =	vadd.f32 v1, v0;
	_ =	sdelay $0x1  }
0x56: {  	v1 =	vmul.f32 $2.000000030e-01, v0;
	_ =	sdelay $0x1  }
0x57: {  	v0 =	vmax.f32 v0, v1  }
0x58: {  	v0 =	vmul.f32 $1.442695020e+00, v0;
	_ =	sdelay $0x1  }
0x59: {  	(erf) = vpow2.f32 v0;
	_ =	sdelay $0x8  }
0x5a: {  	v0 =	vpop (erf)  }
0x5b: {  	s31 =	simm.s32 $0x19C0;
	[tilespmem:s13+$0x7980] =	vst v0  }
0x5c: {  	v8 =	vld [tilespmem:s31+$0x30]  }
0x5d: {  	v6 =	vld [tilespmem:s31+$0xFFFFFFE0]  }
0x5e: {  	v5 =	vld [tilespmem:s31+$0x10]  }
0x5f: {  	v10 =	vbroadcast v0, $0x7;
	v3 =	vld [tilespmem:s31+$0x20]  }
0x60: {  	v1 =	vbroadcast v0, $0x6;
	v9 =	vbroadcast v0, $0x2;
	v4 =	vld [tilespmem:s31+$0xFFFFFFD0]  }
0x61: {  	s0 =	simm.s32 $0x40;
	s28 =	simm.s32 $0x19C0;
	v7 =	vbroadcast v0, $0x5;
	v2 =	vld [tilespmem:s31+$0x0];
	v8 =	vmul.f32 v8, v10  }
.LBB2_3:
0x62: {  	p1 =	sne.s32 s0, $0xFC0  }
0x63: {  	v6 =	vmul.f32 v9, v6;
	v9 =	vld [tilespmem:s31+$0xFFFFFFF0];
	s28 =	sadd.s32 $0x80, s28;
	s13 =	smov.u32 s0;
	s0 =	sadd.s32 $0x40, s0  }
0x64: {  	v11 =	vbroadcast v0, $0x1;
	v10 =	vld [tilespmem:s31+$0xFFFFFFC0];
	v5 =	vmul.f32 v5, v7;
	[tilespmem:s31+$0x30] =	vst v8  }
0x65: {  	[tilespmem:s31+$0xFFFFFFE0] =	vst v6;
	v6 =	vbroadcast v0, $0x4;
	v1 =	vmul.f32 v3, v1  }
0x66: {  	v3 =	vmul.f32 v11, v4;
	v4 =	vbroadcast v0, $0x3;
	[tilespmem:s31+$0x10] =	vst v5  }
0x67: {  	v0 =	vbroadcast v0, $0x0;
	v2 =	vmul.f32 v2, v6;
	[tilespmem:s31+$0x20] =	vst v1  }
0x68: {  	[tilespmem:s31+$0xFFFFFFD0] =	vst v3;
	v1 =	vmul.f32 v9, v4  }
0x69: {  	v0 =	vmul.f32 v0, v10;
	[tilespmem:s31+$0x0] =	vst v2  }
0x6a: {  	[tilespmem:s31+$0xFFFFFFF0] =	vst v1  }
0x6b: {  	s13 =	sshra.s32 s13, $0x2;
	[tilespmem:s31+$0xFFFFFFC0] =	vst v0;
	s31 =	smov.u32 s28  }
0x6c: {  	v0 =	vld [tilespmem:s13+$0x180]  }
0x6d: {  	v1 =	vld [tilespmem:s13+$0xD80];
	_ =	sdelay $0x4  }
0x6e: {  	v0 =	vadd.f32 v1, v0;
	_ =	sdelay $0x1  }
0x6f: {  	v1 =	vmul.f32 $2.000000030e-01, v0;
	_ =	sdelay $0x1  }
0x70: {  	v0 =	vmax.f32 v0, v1  }
0x71: {  	v0 =	vmul.f32 $1.442695020e+00, v0;
	_ =	sdelay $0x1  }
0x72: {  	(erf) = vpow2.f32 v0;
	_ =	sdelay $0x8  }
0x73: {  	v0 =	vpop (erf)  }
0x74: {  	[tilespmem:s13+$0x7980] =	vst v0;
	v1 =	vbroadcast v0, $0x6  }
0x75: {  	v8 =	vld [tilespmem:s28+$0x30]  }
.Ltmp0:
0x76: {  	v6 =	vld [tilespmem:s28+$0xFFFFFFE0];
	(pc) =	sbr.rel @p1 .LBB2_3-.Ltmp0, $4  }
0x77: {  	v10 =	vbroadcast v0, $0x7;
	v5 =	vld [tilespmem:s28+$0x10]  }
0x78: {  	v3 =	vld [tilespmem:s28+$0x20]  }
0x79: {  	v9 =	vbroadcast v0, $0x2;
	v4 =	vld [tilespmem:s28+$0xFFFFFFD0]  }
0x7a: {  	v7 =	vbroadcast v0, $0x5;
	v2 =	vld [tilespmem:s28+$0x0];
	v8 =	vmul.f32 v8, v10  }
0x7b: {  	v6 =	vmul.f32 v9, v6;
	v9 =	vld [tilespmem:s31+$0xFFFFFFF0]  }
0x7c: {  	v10 =	vld [tilespmem:s31+$0xFFFFFFC0];
	v11 =	vbroadcast v0, $0x1;
	v5 =	vmul.f32 v5, v7;
	[tilespmem:s31+$0x30] =	vst v8  }
0x7d: {  	[tilespmem:s31+$0xFFFFFFE0] =	vst v6;
	v6 =	vbroadcast v0, $0x4;
	v1 =	vmul.f32 v3, v1  }
0x7e: {  	v3 =	vmul.f32 v11, v4;
	v4 =	vbroadcast v0, $0x3;
	[tilespmem:s31+$0x10] =	vst v5  }
0x7f: {  	v0 =	vbroadcast v0, $0x0;
	v2 =	vmul.f32 v2, v6;
	[tilespmem:s31+$0x20] =	vst v1  }
0x80: {  	[tilespmem:s31+$0xFFFFFFD0] =	vst v3;
	v1 =	vmul.f32 v9, v4  }
0x81: {  	v0 =	vmul.f32 v0, v10;
	[tilespmem:s31+$0x0] =	vst v2  }
0x82: {  	[tilespmem:s31+$0xFFFFFFF0] =	vst v1  }
0x83: {  	s0 =	simm.s32 $0x7980;
	[tilespmem:s31+$0xFFFFFFC0] =	vst v0  }
0x84: {  	[spmem:s2] =	stream.indirect.scatter.add.f32 [tilespmem:s0], [sflag:$0x4], $0x10, s24, s25, $0xb8;
	[tilespmem:$0x1ED80] =	vst v63  }
0x85: {  	s0 =	simm.s32 @!p0 $0x6  }
0x86: {  	[spmem:s1] =	stream.indirect.scatter.add.f32 [tilespmem:s29], [sflag:$0x4], $0x80, s24, s25, $0xb8;
	[tilespmem:$0x1ED80] =	vst v63  }
0x87: {  	_ =	swait.ge @!p0 [sflag:s0], $0x400  }
0x88: {  	[sflag:s0] =	ssyncset.done @!p0 $0x0  }
0x89: {  	[sflag:s0] =	ssyncadd.s32 @!p0 $0xFFFFFC00  }
0x8a: {  	s13 =	sadd.s32 s22, s17;
	_ =	swait.ge @!p0 [sflag:s0], $0x2000  }
0x8b: {  	s13 =	sshrl.u32 s13, $0x3;
	[sflag:s0] =	ssyncset.done @!p0 $0x0  }
0x8c: {  	s28 =	simm.s32 $0x0;
	[sflag:s0] =	ssyncadd.s32 @!p0 $0xFFFFE000;
	s0 =	sadd.s32 s8, s13  }
0x8d: {  	[tilespmem:s10], [sflag:$0x7] =	stream.linear.gather [hbm4b:s0+s28], $0x40, $0x38;
	[tilespmem:$0x1ED80] =	vst v63  }
0x8e: {  	_ =	swait.ge [sflag:s23], $0x40  }
0x8f: {  	[sflag:s23] =	ssyncset.done $0x0  }
0x90: {  	s13 =	sadd.s32 s9, s13;
	[sflag:s23] =	ssyncadd.s32 $0xFFFFFFC0  }
0x91: {  	[tilespmem:s11], [sflag:$0x7] =	stream.linear.gather [hbm4b:s13+s28], $0x40, $0x38;
	[tilespmem:$0x1ED80] =	vst v63  }
0x92: {  	_ =	swait.ge [sflag:s23], $0x40  }
0x93: {  	[sflag:s23] =	ssyncset.done $0x0  }
0x94: {  	s13 =	simm.s32 $0x980;
	[sflag:s23] =	ssyncadd.s32 $0xFFFFFFC0  }
0x95: {  	[tilespmem:s13], [sflag:$0x3] =	stream.indirect.gather [hbm4b:s6+s25], $0x10, s10, s25, $0xb8;
	[tilespmem:$0x1ED80] =	vst v63  }
0x96: {  	_ = 	snop  }
0x97: {  	[tilespmem:s14], [sflag:$0x3] =	stream.indirect.gather [hbm4b:s7+s25], $0x10, s11, s25, $0xb8;
	[tilespmem:$0x1ED80] =	vst v63  }
0x98: {  	_ = 	snop  }
0x99: {  	[tilespmem:s15], [sflag:$0x3] =	stream.indirect.gather [hbm4b:s5+s25], $0x80, s10, s25, $0xb8;
	[tilespmem:$0x1ED80] =	vst v63  }
0x9a: {  	_ =	swait.ge [sflag:s19], $0x400  }
0x9b: {  	[sflag:s19] =	ssyncset.done $0x0  }
0x9c: {  	[sflag:s19] =	ssyncadd.s32 $0xFFFFFC00  }
0x9d: {  	_ =	swait.ge [sflag:s19], $0x400  }
0x9e: {  	[sflag:s19] =	ssyncset.done $0x0  }
0x9f: {  	[sflag:s19] =	ssyncadd.s32 $0xFFFFFC00  }
0xa0: {  	_ =	swait.ge [sflag:s19], $0x2000  }
0xa1: {  	[sflag:s19] =	ssyncset.done $0x0  }
0xa2: {  	s13 =	simm.s32 $0x0;
	[sflag:s19] =	ssyncadd.s32 $0xFFFFE000  }
0xa3: {  	v0 =	vld [tilespmem:s13+$0x580]  }
0xa4: {  	v1 =	vld [tilespmem:s13+$0x1180];
	_ =	sdelay $0x4  }
0xa5: {  	v0 =	vadd.f32 v1, v0;
	_ =	sdelay $0x1  }
0xa6: {  	v1 =	vmul.f32 $2.000000030e-01, v0;
	_ =	sdelay $0x1  }
0xa7: {  	v0 =	vmax.f32 v0, v1  }
0xa8: {  	v0 =	vmul.f32 $1.442695020e+00, v0;
	_ =	sdelay $0x1  }
0xa9: {  	(erf) = vpow2.f32 v0;
	_ =	sdelay $0x8  }
0xaa: {  	v0 =	vpop (erf)  }
0xab: {  	s31 =	simm.s32 $0x39C0;
	[tilespmem:s13+$0x7D80] =	vst v0  }
0xac: {  	v8 =	vld [tilespmem:s31+$0x30]  }
0xad: {  	v6 =	vld [tilespmem:s31+$0xFFFFFFE0]  }
0xae: {  	v5 =	vld [tilespmem:s31+$0x10]  }
0xaf: {  	v10 =	vbroadcast v0, $0x7;
	v3 =	vld [tilespmem:s31+$0x20]  }
0xb0: {  	v1 =	vbroadcast v0, $0x6;
	v9 =	vbroadcast v0, $0x2;
	v4 =	vld [tilespmem:s31+$0xFFFFFFD0]  }
0xb1: {  	s0 =	simm.s32 $0x40;
	s28 =	simm.s32 $0x39C0;
	v7 =	vbroadcast v0, $0x5;
	v2 =	vld [tilespmem:s31+$0x0];
	v8 =	vmul.f32 v8, v10  }
.LBB2_5:
0xb2: {  	p0 =	sne.s32 s0, $0xFC0  }
0xb3: {  	v6 =	vmul.f32 v9, v6;
	v9 =	vld [tilespmem:s31+$0xFFFFFFF0];
	s28 =	sadd.s32 $0x80, s28;
	s13 =	smov.u32 s0;
	s0 =	sadd.s32 $0x40, s0  }
0xb4: {  	v11 =	vbroadcast v0, $0x1;
	v10 =	vld [tilespmem:s31+$0xFFFFFFC0];
	v5 =	vmul.f32 v5, v7;
	[tilespmem:s31+$0x30] =	vst v8  }
0xb5: {  	[tilespmem:s31+$0xFFFFFFE0] =	vst v6;
	v6 =	vbroadcast v0, $0x4;
	v1 =	vmul.f32 v3, v1  }
0xb6: {  	v3 =	vmul.f32 v11, v4;
	v4 =	vbroadcast v0, $0x3;
	[tilespmem:s31+$0x10] =	vst v5  }
0xb7: {  	v0 =	vbroadcast v0, $0x0;
	v2 =	vmul.f32 v2, v6;
	[tilespmem:s31+$0x20] =	vst v1  }
0xb8: {  	[tilespmem:s31+$0xFFFFFFD0] =	vst v3;
	v1 =	vmul.f32 v9, v4  }
0xb9: {  	v0 =	vmul.f32 v0, v10;
	[tilespmem:s31+$0x0] =	vst v2  }
0xba: {  	[tilespmem:s31+$0xFFFFFFF0] =	vst v1  }
0xbb: {  	s13 =	sshra.s32 s13, $0x2;
	[tilespmem:s31+$0xFFFFFFC0] =	vst v0;
	s31 =	smov.u32 s28  }
0xbc: {  	v0 =	vld [tilespmem:s13+$0x580]  }
0xbd: {  	v1 =	vld [tilespmem:s13+$0x1180];
	_ =	sdelay $0x4  }
0xbe: {  	v0 =	vadd.f32 v1, v0;
	_ =	sdelay $0x1  }
0xbf: {  	v1 =	vmul.f32 $2.000000030e-01, v0;
	_ =	sdelay $0x1  }
0xc0: {  	v0 =	vmax.f32 v0, v1  }
0xc1: {  	v0 =	vmul.f32 $1.442695020e+00, v0;
	_ =	sdelay $0x1  }
0xc2: {  	(erf) = vpow2.f32 v0;
	_ =	sdelay $0x8  }
0xc3: {  	v0 =	vpop (erf)  }
0xc4: {  	[tilespmem:s13+$0x7D80] =	vst v0;
	v1 =	vbroadcast v0, $0x6  }
0xc5: {  	v8 =	vld [tilespmem:s28+$0x30]  }
.Ltmp1:
0xc6: {  	v6 =	vld [tilespmem:s28+$0xFFFFFFE0];
	(pc) =	sbr.rel @p0 .LBB2_5-.Ltmp1, $4  }
0xc7: {  	v10 =	vbroadcast v0, $0x7;
	v5 =	vld [tilespmem:s28+$0x10]  }
0xc8: {  	v3 =	vld [tilespmem:s28+$0x20]  }
0xc9: {  	v9 =	vbroadcast v0, $0x2;
	v4 =	vld [tilespmem:s28+$0xFFFFFFD0]  }
0xca: {  	v7 =	vbroadcast v0, $0x5;
	v2 =	vld [tilespmem:s28+$0x0];
	v8 =	vmul.f32 v8, v10  }
0xcb: {  	v6 =	vmul.f32 v9, v6;
	v9 =	vld [tilespmem:s31+$0xFFFFFFF0]  }
0xcc: {  	v10 =	vld [tilespmem:s31+$0xFFFFFFC0];
	v11 =	vbroadcast v0, $0x1;
	v5 =	vmul.f32 v5, v7;
	[tilespmem:s31+$0x30] =	vst v8  }
0xcd: {  	[tilespmem:s31+$0xFFFFFFE0] =	vst v6;
	v6 =	vbroadcast v0, $0x4;
	v1 =	vmul.f32 v3, v1  }
0xce: {  	v3 =	vmul.f32 v11, v4;
	v4 =	vbroadcast v0, $0x3;
	[tilespmem:s31+$0x10] =	vst v5  }
0xcf: {  	v0 =	vbroadcast v0, $0x0;
	v2 =	vmul.f32 v2, v6;
	[tilespmem:s31+$0x20] =	vst v1  }
0xd0: {  	[tilespmem:s31+$0xFFFFFFD0] =	vst v3;
	v1 =	vmul.f32 v9, v4  }
0xd1: {  	v0 =	vmul.f32 v0, v10;
	[tilespmem:s31+$0x0] =	vst v2  }
0xd2: {  	[tilespmem:s31+$0xFFFFFFF0] =	vst v1  }
0xd3: {  	p0 =	seq.s32 s12, $0x37;
	[tilespmem:s31+$0xFFFFFFC0] =	vst v0  }
0xd4: {  	[spmem:s2] =	stream.indirect.scatter.add.f32 [tilespmem:s20], [sflag:$0x5], $0x10, s30, s25, $0xb8;
	[tilespmem:$0x1ED80] =	vst v63  }
0xd5: {  	s0 =	simm.s32 @!p0 $0x4  }
0xd6: {  	[spmem:s1] =	stream.indirect.scatter.add.f32 [tilespmem:s3], [sflag:$0x5], $0x80, s30, s25, $0xb8;
	[tilespmem:$0x1ED80] =	vst v63  }
0xd7: {  	_ =	swait.ge @!p0 [sflag:s0], $0x400  }
0xd8: {  	[sflag:s0] =	ssyncset.done @!p0 $0x0  }
0xd9: {  	[sflag:s0] =	ssyncadd.s32 @!p0 $0xFFFFFC00  }
0xda: {  	s13 =	sadd.s32 @!p0 s22, s18;
	_ =	swait.ge @!p0 [sflag:s0], $0x2000  }
0xdb: {  	s13 =	sshrl.u32 @!p0 s13, $0x3;
	[sflag:s0] =	ssyncset.done @!p0 $0x0  }
0xdc: {  	s22 =	simm.s32 @!p0 $0x0;
	[sflag:s0] =	ssyncadd.s32 @!p0 $0xFFFFE000;
	s0 =	sadd.s32 @!p0 s8, s13  }
0xdd: {  	[tilespmem:s22], [sflag:$0x7] =	stream.linear.gather @!p0 [hbm4b:s0+s22], $0x40, $0x38;
	[tilespmem:$0x1ED80] =	vst v63  }
0xde: {  	s0 =	simm.s32 @!p0 $0x7  }
0xdf: {  	_ =	swait.ge @!p0 [sflag:s0], $0x40  }
0xe0: {  	[sflag:s0] =	ssyncset.done @!p0 $0x0  }
0xe1: {  	s28 =	simm.s32 @!p0 $0xC0;
	s13 =	sadd.s32 @!p0 s9, s13;
	[sflag:s0] =	ssyncadd.s32 @!p0 $0xFFFFFFC0  }
0xe2: {  	[tilespmem:s28], [sflag:$0x7] =	stream.linear.gather @!p0 [hbm4b:s13+s22], $0x40, $0x38;
	[tilespmem:$0x1ED80] =	vst v63  }
0xe3: {  	_ =	swait.ge @!p0 [sflag:s0], $0x40  }
0xe4: {  	[sflag:s0] =	ssyncset.done @!p0 $0x0  }
0xe5: {  	s13 =	simm.s32 @!p0 $0x180;
	[sflag:s0] =	ssyncadd.s32 @!p0 $0xFFFFFFC0;
	s0 =	simm.s32 @!p0 $0x40  }
0xe6: {  	[tilespmem:s13], [sflag:$0x1] =	stream.indirect.gather @!p0 [hbm4b:s6+s0], $0x10, s22, s0, $0xb8;
	[tilespmem:$0x1ED80] =	vst v63  }
0xe7: {  	s13 =	simm.s32 @!p0 $0xD80  }
0xe8: {  	[tilespmem:s13], [sflag:$0x1] =	stream.indirect.gather @!p0 [hbm4b:s7+s0], $0x10, s28, s0, $0xb8;
	[tilespmem:$0x1ED80] =	vst v63  }
0xe9: {  	s13 =	simm.s32 @!p0 $0x1980  }
0xea: {  	[tilespmem:s13], [sflag:$0x1] =	stream.indirect.gather @!p0 [hbm4b:s5+s0], $0x80, s22, s0, $0xb8;
	[tilespmem:$0x1ED80] =	vst v63  }
0xeb: {  	_ =	swait.ge [sflag:s21], $0x400  }
0xec: {  	[sflag:s21] =	ssyncset.done $0x0  }
0xed: {  	[sflag:s21] =	ssyncadd.s32 $0xFFFFFC00  }
0xee: {  	_ =	swait.ge [sflag:s21], $0x400  }
0xef: {  	[sflag:s21] =	ssyncset.done $0x0  }
0xf0: {  	[sflag:s21] =	ssyncadd.s32 $0xFFFFFC00  }
0xf1: {  	_ =	swait.ge [sflag:s21], $0x2000  }
0xf2: {  	[sflag:s21] =	ssyncset.done $0x0  }
0xf3: {  	s31 =	simm.s32 $0x0;
	[sflag:s21] =	ssyncadd.s32 $0xFFFFE000  }
0xf4: {  	v0 =	vld [tilespmem:s31+$0x980]  }
0xf5: {  	v1 =	vld [tilespmem:s31+$0x1580];
	_ =	sdelay $0x4  }
0xf6: {  	v0 =	vadd.f32 v1, v0;
	_ =	sdelay $0x1  }
0xf7: {  	v1 =	vmul.f32 $2.000000030e-01, v0;
	_ =	sdelay $0x1  }
0xf8: {  	v0 =	vmax.f32 v0, v1  }
0xf9: {  	v0 =	vmul.f32 $1.442695020e+00, v0;
	_ =	sdelay $0x1  }
0xfa: {  	(erf) = vpow2.f32 v0;
	_ =	sdelay $0x8  }
0xfb: {  	v0 =	vpop (erf)  }
0xfc: {  	s22 =	simm.s32 $0x59C0;
	[tilespmem:s31+$0x8180] =	vst v0  }
0xfd: {  	v8 =	vld [tilespmem:s22+$0x30]  }
0xfe: {  	v6 =	vld [tilespmem:s22+$0xFFFFFFE0]  }
0xff: {  	v5 =	vld [tilespmem:s22+$0x10]  }
0x100: {  	v10 =	vbroadcast v0, $0x7;
	v3 =	vld [tilespmem:s22+$0x20]  }
0x101: {  	v1 =	vbroadcast v0, $0x6;
	v9 =	vbroadcast v0, $0x2;
	v4 =	vld [tilespmem:s22+$0xFFFFFFD0]  }
0x102: {  	s28 =	simm.s32 $0x59C0;
	s0 =	simm.s32 $0x40;
	v7 =	vbroadcast v0, $0x5;
	v2 =	vld [tilespmem:s22+$0x0];
	v8 =	vmul.f32 v8, v10  }
.LBB2_7:
0x103: {  	p0 =	sne.s32 s0, $0xFC0  }
0x104: {  	v6 =	vmul.f32 v9, v6;
	v9 =	vld [tilespmem:s22+$0xFFFFFFF0];
	s28 =	sadd.s32 $0x80, s28;
	s13 =	smov.u32 s0;
	s0 =	sadd.s32 $0x40, s0  }
0x105: {  	v11 =	vbroadcast v0, $0x1;
	v10 =	vld [tilespmem:s22+$0xFFFFFFC0];
	v5 =	vmul.f32 v5, v7;
	[tilespmem:s22+$0x30] =	vst v8  }
0x106: {  	[tilespmem:s22+$0xFFFFFFE0] =	vst v6;
	v6 =	vbroadcast v0, $0x4;
	v1 =	vmul.f32 v3, v1  }
0x107: {  	v3 =	vmul.f32 v11, v4;
	v4 =	vbroadcast v0, $0x3;
	[tilespmem:s22+$0x10] =	vst v5  }
0x108: {  	v0 =	vbroadcast v0, $0x0;
	v2 =	vmul.f32 v2, v6;
	[tilespmem:s22+$0x20] =	vst v1  }
0x109: {  	[tilespmem:s22+$0xFFFFFFD0] =	vst v3;
	v1 =	vmul.f32 v9, v4  }
0x10a: {  	v0 =	vmul.f32 v0, v10;
	[tilespmem:s22+$0x0] =	vst v2  }
0x10b: {  	[tilespmem:s22+$0xFFFFFFF0] =	vst v1  }
0x10c: {  	s13 =	sshra.s32 s13, $0x2;
	[tilespmem:s22+$0xFFFFFFC0] =	vst v0;
	s22 =	smov.u32 s28  }
0x10d: {  	v0 =	vld [tilespmem:s13+$0x980]  }
0x10e: {  	v1 =	vld [tilespmem:s13+$0x1580];
	_ =	sdelay $0x4  }
0x10f: {  	v0 =	vadd.f32 v1, v0;
	_ =	sdelay $0x1  }
0x110: {  	v1 =	vmul.f32 $2.000000030e-01, v0;
	_ =	sdelay $0x1  }
0x111: {  	v0 =	vmax.f32 v0, v1  }
0x112: {  	v0 =	vmul.f32 $1.442695020e+00, v0;
	_ =	sdelay $0x1  }
0x113: {  	(erf) = vpow2.f32 v0;
	_ =	sdelay $0x8  }
0x114: {  	v0 =	vpop (erf)  }
0x115: {  	[tilespmem:s13+$0x8180] =	vst v0;
	v1 =	vbroadcast v0, $0x6  }
0x116: {  	v8 =	vld [tilespmem:s28+$0x30]  }
.Ltmp2:
0x117: {  	v6 =	vld [tilespmem:s28+$0xFFFFFFE0];
	(pc) =	sbr.rel @p0 .LBB2_7-.Ltmp2, $4  }
0x118: {  	v10 =	vbroadcast v0, $0x7;
	v5 =	vld [tilespmem:s28+$0x10]  }
0x119: {  	v3 =	vld [tilespmem:s28+$0x20]  }
0x11a: {  	v9 =	vbroadcast v0, $0x2;
	v4 =	vld [tilespmem:s28+$0xFFFFFFD0]  }
0x11b: {  	v7 =	vbroadcast v0, $0x5;
	v2 =	vld [tilespmem:s28+$0x0];
	v8 =	vmul.f32 v8, v10  }
0x11c: {  	v6 =	vmul.f32 v9, v6;
	v58 =	vld [tilespmem:s22+$0xFFFFFFF0]  }
0x11d: {  	v10 =	vld [tilespmem:s22+$0xFFFFFFC0];
	v11 =	vbroadcast v0, $0x1;
	v5 =	vmul.f32 v5, v7;
	[tilespmem:s22+$0x30] =	vst v8  }
0x11e: {  	v59 =	vbroadcast v0, $0x4;
	[tilespmem:s22+$0xFFFFFFE0] =	vst v6;
	v1 =	vmul.f32 v3, v1  }
0x11f: {  	v61 =	vbroadcast v0, $0x3;
	v60 =	vmul.f32 v11, v4;
	[tilespmem:s22+$0x10] =	vst v5  }
0x120: {  	v62 =	vbroadcast v0, $0x0;
	v2 =	vmul.f32 v2, v59;
	[tilespmem:s22+$0x20] =	vst v1  }
0x121: {  	s12 =	sadd.s32 $0x1, s12;
	[tilespmem:s22+$0xFFFFFFD0] =	vst v60;
	v63 =	vmul.f32 v58, v61  }
0x122: {  	p0 =	sne.s32 s12, $0x38;
	v0 =	vmul.f32 v62, v10;
	[tilespmem:s22+$0x0] =	vst v2  }
.Ltmp3:
0x123: {  	[tilespmem:s22+$0xFFFFFFF0] =	vst v63;
	(pc) =	sbr.rel @p0 .LBB2_2-.Ltmp3, $4  }
0x124: {  	[tilespmem:s22+$0xFFFFFFC0] =	vst v0  }
0x125: {  	[spmem:s2] =	stream.indirect.scatter.add.f32 [tilespmem:s4], [sflag:$0x6], $0x10, s11, s25, $0xb8;
	[tilespmem:$0x1ED80] =	vst v63  }
0x126: {  	_ = 	snop  }
0x127: {  	[spmem:s1] =	stream.indirect.scatter.add.f32 [tilespmem:s15], [sflag:$0x6], $0x80, s11, s25, $0xb8;
	[tilespmem:$0x1ED80] =	vst v63  }
0x128: {  	s0 =	simm.s32 $0x4  }
0x129: {  	_ =	swait.ge [sflag:s0], $0x400  }
0x12a: {  	[sflag:s0] =	ssyncset.done $0x0  }
0x12b: {  	[sflag:s0] =	ssyncadd.s32 $0xFFFFFC00  }
0x12c: {  	_ =	swait.ge [sflag:s0], $0x2000  }
0x12d: {  	[sflag:s0] =	ssyncset.done $0x0  }
0x12e: {  	s13 =	simm.s32 $0x5;
	[sflag:s0] =	ssyncadd.s32 $0xFFFFE000  }
0x12f: {  	_ =	swait.ge [sflag:s13], $0x400  }
0x130: {  	[sflag:s13] =	ssyncset.done $0x0  }
0x131: {  	[sflag:s13] =	ssyncadd.s32 $0xFFFFFC00  }
0x132: {  	_ =	swait.ge [sflag:s13], $0x2000  }
0x133: {  	[sflag:s13] =	ssyncset.done $0x0  }
0x134: {  	s22 =	simm.s32 $0x6;
	[sflag:s13] =	ssyncadd.s32 $0xFFFFE000  }
0x135: {  	_ =	swait.ge [sflag:s22], $0x400  }
0x136: {  	[sflag:s22] =	ssyncset.done $0x0  }
0x137: {  	[sflag:s22] =	ssyncadd.s32 $0xFFFFFC00  }
0x138: {  	_ =	swait.ge [sflag:s22], $0x2000  }
0x139: {  	[sflag:s22] =	ssyncset.done $0x0  }
0x13a: {  	[sflag:s22] =	ssyncadd.s32 $0xFFFFE000  }
0x13b: {  	[bflag:$0x0] =	sbarrier.arrive $0xFFFF  }
0x13c: {  	s13 =	rddreg [dreg:$0x6]  }
0x13d: {  	s28 =	rddreg [dreg:$0xa]  }
0x13e: {  	s12 =	rddreg [dreg:$0xd]  }
0x13f: {  	[hbm:s28], [sflag:s13] =	dma.local [spmem:s12], $0x2800  }
0x140: {  	_ =	swait.ge [sflag:s23], $0x2800  }
0x141: {  	[sflag:s23] =	ssyncset.done $0x0;
	s31 =	rddreg [dreg:$0xb]  }
0x142: {  	s22 =	rddreg [dreg:$0xf];
	[sflag:s23] =	ssyncadd.s32 $0xFFFFD800  }
0x143: {  	[hbm:s31], [sflag:s13] =	dma.local [spmem:s22], $0x500  }
0x144: {  	_ =	swait.ge [sflag:s23], $0x500  }
0x145: {  	s28 =	rddreg [dreg:$0xe]  }
0x146: {  	s31 =	rddreg [dreg:$0xc];
	s22 =	sadd.s32 $0x1, s28  }
0x147: {  	p0 =	sne.s32 s22, s31  }
.Ltmp4:
0x148: {  	_ = 	snop;
	(pc) =	sbr.rel @p0 .LBB2_1-.Ltmp4, $3  }
0x149: {  	_ =	sdelay $0x1  }
0x14a: {  	[sflag:s23] =	ssyncset.done $0x0  }
0x14b: {  	[sflag:s23] =	ssyncadd.s32 $0xFFFFFB00  }
0x14c: {  	_ =	sfence.sel $0x180000  }
0x14d: {  	[bflag:$0x0] =	sbarrier.arrive $0xFFFF  }
0x14e: {  	_ =	strace $0x9000004A  }
0x14f: {  	s0 =	stileid.u32;
	[bflag:$0x2] =	sbarrier.arrive $0xFFFF  }
0x150: {  	p0 =	sne.s32 s0, $0x0;
	s0 =	rddreg [dreg:$0x3]  }
0x151: {  	s0 =	sadd.s32 @!p0 $0x100000, s0  }
0x152: {  	[sflag:s0] =	ssyncadd.tile.s32 @!p0 $0x1;
	_ =	shalt  }
.Lfunc_end2:
_tile_overlayer_lowered:
.L_overlay_start_2:
0x153: {  	(tag) =	ssettag $0x2  }
0x154: {  	s0 =	rddreg [dreg:$0x0];
	s2 =	stileid.u32  }
0x155: {  	s1 =	rddreg [dreg:$0x1];
	p0 =	sne.s32 s2, $0x0  }
0x156: {  	s3 =	rddreg [dreg:$0x2];
	[bflag:$0x3] =	sbarrier.arrive $0xFFFF;
	s2 =	simm.s32 @!p0 $0x1C07  }
0x157: {  	[timem:s3], [sflag:s2] =	dma.local @!p0 [hbm:s0], s1  }
0x158: {  	s0 =	simm.s32 @!p0 $0x7  }
0x159: {  	_ =	swait.ge @!p0 [sflag:s0], s1  }
0x15a: {  	s1 =	ssub.s32 @!p0 $0x0, s1;
	[sflag:s0] =	ssyncset.done @!p0 $0x0  }
0x15b: {  	[sflag:s0] =	ssyncadd.s32 @!p0 s1  }
0x15c: {  	[bflag:$0x3] =	sbarrier.arrive $0xFFFF  }
0x15d: {  	_ =	shalt  }

// kernel: kernel.15.cloned.1.call-start
scs
__scs_entry_jumppad:
0x0: {  	(pc) =	sbr.rel $0x88, $3  }
0x1: {  	(tag) =	ssettag $0x0;
	lr =	simm.s32 $0x1  }
0x2: {  	[smem:$0x3F96] =	sst lr;
	_ =	strace $0xD0000000  }
0x3: {  	_ = 	snop  }
0x4: {  	_ = 	snop  }
0x5: {  	_ = 	snop  }
0x6: {  	_ = 	snop  }
0x7: {  	_ = 	snop  }
__scs_overlays_trampoline_lowered:
0x8: {  	[smem:$0x3FA5] =	sst s0  }
0x9: {  	[smem:$0x3FA6] =	sst s1  }
0xa: {  	[smem:$0x3FA7] =	sst s2  }
0xb: {  	[smem:$0x3FA8] =	sst s3  }
0xc: {  	[smem:$0x3FA9] =	sst s4  }
0xd: {  	[smem:$0x3FAA] =	sst s5  }
0xe: {  	[smem:$0x3FAB] =	sst s6  }
0xf: {  	[smem:$0x3FAC] =	sst s7  }
0x10: {  	[smem:$0x3FAD] =	sst s8  }
0x11: {  	[smem:$0x3FAE] =	sst s9;
	s0 =	simm.s32 @!p0 $0x0  }
0x12: {  	s1 =	sld [smem:$0x3F94];
	s0 =	simm.s32 @p0 $0x1  }
0x13: {  	[smem:$0x3FAF] =	sst s0;
	s0 =	simm.s32 @!p1 $0x0  }
0x14: {  	s2 =	sld [smem:$0x3F93];
	s0 =	simm.s32 @p1 $0x1  }
0x15: {  	[smem:$0x3FB0] =	sst s0;
	s0 =	simm.s32 @!p2 $0x0  }
0x16: {  	s3 =	sld [smem:$0x3FDB];
	s0 =	simm.s32 @p2 $0x1  }
0x17: {  	s4 =	simm.s32 $0x1BF5;
	[smem:$0x3FB2] =	sst s0  }
0x18: {  	s0 =	sld [smem:$0x3F95];
	_ =	swait.ge [sflag:s4], $0x0  }
0x19: {  	s7 =	sld [smem:$0x3F96]  }
0x1a: {  	s8 =	sadd.s32 $0xFFFFE003, lr  }
0x1b: {  	s9 =	sadd.s32 $0xFFFFFEF7, lr;
	s5 =	simm.s32 $0xFFFFFFFF;
	p2 =	slt.u32 s8, $0xFFFFF086  }
0x1c: {  	p1 =	slt.u32 s9, $0xF7A;
	s5 =	simm.s32 @!p2 $0x0  }
0x1d: {  	s5 =	simm.s32 @p1 $0x1;
	p0 =	seq.s32 s7, s2  }
0x1e: {  	s7 =	smul.u32 @!p0 $0xF7A, s2;
	p2 =	seq.s32 @!p0 s5, $0x0  }
0x1f: {  	s9 =	smul.u32 $0xF7A, s1;
	s8 =	simm.s32 @!p0 $0x1BF5;
	p2 =	por !p2, p0  }
0x20: {  	[sflag:s8] =	ssyncset.s32 @!p0 $0xFFFFF086;
	s6 =	sadd.s32 @!p0 s3, s7;
	s7 =	simm.s32 @!p0 $0x108  }
0x21: {  	s3 =	sadd.s32 s3, s9;
	s6 =	sadd.s32 @!p0 $0x88, s6;
	s7 =	simm.s32 @p2 $0x1082  }
0x22: {  	[simem:s7], [sflag:s8] =	dma.local @!p0 [hbm:s6], $0xF7A  }
0x23: {  	s9 =	sor.u32 $0xD0000000, s2;
	s6 =	simm.s32 $0x108;
	_ =	swait.ge @!p0 [sflag:s8], $0x0  }
0x24: {  	s3 =	sadd.s32 $0x88, s3;
	s6 =	simm.s32 @!p1 $0x1082;
	[sflag:s4] =	ssyncset.s32 $0xFFFFF086  }
0x25: {  	[simem:s6], [sflag:s4] =	dma.local [hbm:s3], $0xF7A  }
0x26: {  	[smem:$0x3F96] =	sst s1;
	(tag) =	ssettag s2;
	_ =	strace s9  }
0x27: {  	s1 =	sld [smem:$0x3FA6]  }
0x28: {  	s2 =	sld [smem:$0x3FA7]  }
0x29: {  	s4 =	sld [smem:$0x3FA9]  }
0x2a: {  	p0 =	seq.s32 s5, $0x0;
	s5 =	sld [smem:$0x3FAA]  }
0x2b: {  	s6 =	sld [smem:$0x3FAB]  }
0x2c: {  	s7 =	sld [smem:$0x3FAC]  }
0x2d: {  	s3 =	simm.s32 $0x108;
	s8 =	sld [smem:$0x3FAD]  }
0x2e: {  	s3 =	simm.s32 @!p0 $0x1082;
	s9 =	sld [smem:$0x3FAE]  }
0x2f: {  	lr =	sadd.s32 s0, s3;
	s0 =	sld [smem:$0x3FA5]  }
0x30: {  	s3 =	sld [smem:$0x3FA8]  }
0x31: {  	[smem:$0x3FB1] =	sst s10  }
0x32: {  	s10 =	sld [smem:$0x3FAF];
	_ =	sdelay $0x3  }
0x33: {  	p0 =	seq.s32 s10, $0x1;
	s10 =	sld [smem:$0x3FB1];
	_ =	sdelay $0x3  }
0x34: {  	[smem:$0x3FB1] =	sst s10  }
0x35: {  	s10 =	sld [smem:$0x3FB0];
	_ =	sdelay $0x3  }
0x36: {  	p1 =	seq.s32 s10, $0x1;
	s10 =	sld [smem:$0x3FB1];
	_ =	sdelay $0x3  }
0x37: {  	[smem:$0x3FB1] =	sst s10  }
0x38: {  	s10 =	sld [smem:$0x3FB2]  }
0x39: {  	_ = 	snop;
	(pc) =	sbr.ind lr, $3  }
0x3a: {  	_ = 	snop  }
0x3b: {  	_ = 	snop  }
0x3c: {  	p2 =	seq.s32 s10, $0x1;
	s10 =	sld [smem:$0x3FB1]  }
0x3d: {  	_ =	shalt  }
0x3e: {  	_ =	shalt  }
0x3f: {  	_ =	shalt  }
0x40: {  	_ =	shalt  }
0x41: {  	_ =	shalt  }
0x42: {  	_ =	shalt  }
0x43: {  	_ =	shalt  }
0x44: {  	_ =	shalt  }
0x45: {  	_ =	shalt  }
0x46: {  	_ =	shalt  }
0x47: {  	_ =	shalt  }
0x48: {  	_ =	shalt  }
0x49: {  	_ =	shalt  }
0x4a: {  	_ =	shalt  }
0x4b: {  	_ =	shalt  }
0x4c: {  	_ =	shalt  }
0x4d: {  	_ =	shalt  }
0x4e: {  	_ =	shalt  }
0x4f: {  	_ =	shalt  }
0x50: {  	_ =	shalt  }
0x51: {  	_ =	shalt  }
0x52: {  	_ =	shalt  }
0x53: {  	_ =	shalt  }
0x54: {  	_ =	shalt  }
0x55: {  	_ =	shalt  }
0x56: {  	_ =	shalt  }
0x57: {  	_ =	shalt  }
0x58: {  	_ =	shalt  }
0x59: {  	_ =	shalt  }
0x5a: {  	_ =	shalt  }
0x5b: {  	_ =	shalt  }
0x5c: {  	_ =	shalt  }
0x5d: {  	_ =	shalt  }
0x5e: {  	_ =	shalt  }
0x5f: {  	_ =	shalt  }
0x60: {  	_ =	shalt  }
0x61: {  	_ =	shalt  }
0x62: {  	_ =	shalt  }
0x63: {  	_ =	shalt  }
0x64: {  	_ =	shalt  }
0x65: {  	_ =	shalt  }
0x66: {  	_ =	shalt  }
0x67: {  	_ =	shalt  }
0x68: {  	_ =	shalt  }
0x69: {  	_ =	shalt  }
0x6a: {  	_ =	shalt  }
0x6b: {  	_ =	shalt  }
0x6c: {  	_ =	shalt  }
0x6d: {  	_ =	shalt  }
0x6e: {  	_ =	shalt  }
0x6f: {  	_ =	shalt  }
0x70: {  	_ =	shalt  }
0x71: {  	_ =	shalt  }
0x72: {  	_ =	shalt  }
0x73: {  	_ =	shalt  }
0x74: {  	_ =	shalt  }
0x75: {  	_ =	shalt  }
0x76: {  	_ =	shalt  }
0x77: {  	_ =	shalt  }
0x78: {  	_ =	shalt  }
0x79: {  	_ =	shalt  }
0x7a: {  	_ =	shalt  }
0x7b: {  	_ =	shalt  }
0x7c: {  	_ =	shalt  }
0x7d: {  	_ =	shalt  }
0x7e: {  	_ =	shalt  }
0x7f: {  	_ =	shalt  }
0x80: {  	_ =	shalt  }
0x81: {  	_ =	shalt  }
0x82: {  	_ =	shalt  }
0x83: {  	_ =	shalt  }
0x84: {  	_ =	shalt  }
0x85: {  	_ =	shalt  }
0x86: {  	_ =	shalt  }
0x87: {  	_ =	shalt  }
.Lfunc_end0:
.L_simem_size_0:
called_computation.2_lowered:
.L_overlay_start_0:
0x88: {  	s2 =	sld [smem:$0x3FD9]  }
0x89: {  	s3 =	sld [smem:$0x3FFE];
	_ =	sdelay $0x1  }
0x8a: {  	s1 =	srdreg.scid  }
0x8b: {  	s0 =	sand.u32 $0x1, s1  }
0x8c: {  	s16 =	sshll.u32 s0, $0xA;
	s2 =	sadd.s32 s3, s2  }
0x8d: {  	s2 =	sadd.s32 s2, s16  }
0x8e: {  	[smem:$0x3FBD] =	sst s2  }
0x8f: {  	_ = 	snop  }
0x90: {  	(tm) =	ssettm $0x1  }
0x91: {  	s17 =	sld [smem:$0x3FFB];
	_ =	sdelay $0x3  }
0x92: {  	_ =	strace s17  }
0x93: {  	s2 =	sld [smem:$0x3FFC];
	_ =	sdelay $0x3  }
0x94: {  	_ =	strace s2  }
0x95: {  	s2 =	sld [smem:$0x3FFD];
	_ =	sdelay $0x3  }
0x96: {  	_ =	strace s2  }
0x97: {  	_ =	strace $0x8FFFFFFF  }
0x98: {  	s18 =	sld [smem:$0x3FDB];
	_ =	sdelay $0x1  }
0x99: {  	s19 =	simm.s32 $_scs_section_size  }
0x9a: {  	s4 =	simm.s32 $_size__tile_overlayer_lowered;
	s5 =	simm.s32 $_tile_overlayer_lowered  }
0x9b: {  	s22 =	simm.s32 $0x1BFF;
	s21 =	sshll.u32 s5, $0x1;
	s2 =	sadd.s32 s19, s18  }
0x9c: {  	s6 =	simm.s32 $0x0;
	s20 =	sshll.u32 s4, $0x1;
	s4 =	sadd.s32 s21, s2  }
0x9d: {  	[timem:s6], [sflag:s22] =	dma.local [hbm:s4], s20  }
0x9e: {  	_ =	swait.ge [sflag:s22], s20  }
0x9f: {  	s3 =	ssub.s32 $0x0, s20;
	[sflag:s22] =	ssyncset.done $0x0  }
0xa0: {  	[sflag:s22] =	ssyncadd.s32 s3;
	_ =	sdelay $0x1  }
0xa1: {  	s23 =	simm.s32 $0x1B8B  }
0xa2: {  	_ =	swait.ge [sflag:s23], $0x1  }
0xa3: {  	[sflag:s23] =	ssyncset.done $0x0  }
0xa4: {  	s25 =	simm.s32 $0x1B8E;
	s24 =	sld [smem:$0x3FFE];
	[sflag:s23] =	ssyncadd.s32 $0xFFFFFFFF  }
0xa5: {  	s26 =	simm.s32 $execute0_lowered;
	[smem:$0x3FD2] =	sst s25  }
0xa6: {  	s4 =	sshll.u32 s26, $0x1;
	_ =	strace $0x8000004C;
	[dreg:$0x1] =	wrdreg $0xFFFFFFFF  }
0xa7: {  	s28 =	simm.s32 $_size_execute0_lowered;
	s2 =	sadd.s32 s2, s4;
	[dreg:$0x0] =	wrdreg $0x0  }
0xa8: {  	s4 =	sshll.u32 s28, $0x1;
	[dreg:$0x2] =	wrdreg s2  }
0xa9: {  	[dreg:$0x3] =	wrdreg s4  }
0xaa: {  	[dreg:$0x4] =	wrdreg $0xC0  }
0xab: {  	_ =	task [dreg:s6], $0x5FFFF  }
0xac: {  	[dreg:$0x1] =	wrdreg $0xFFFFFFFF  }
0xad: {  	[dreg:$0x0] =	wrdreg $0x60  }
0xae: {  	[dreg:$0x2] =	wrdreg s24  }
0xaf: {  	[dreg:$0x3] =	wrdreg $0x9  }
0xb0: {  	_ =	task.clear_ibuf [dreg:s6], $0x4FFFF;
	_ =	strace $0x9000004C  }
0xb1: {  	s29 =	simm.s32 $0x9;
	_ =	strace $0x8000004E  }
0xb2: {  	_ =	swait.ge [sflag:s29], $0x1  }
0xb3: {  	[sflag:s29] =	ssyncadd.s32 $0xFFFFFFFF  }
0xb4: {  	_ =	strace $0x9000004E  }
0xb5: {  	_ =	sfence  }
0xb6: {  	s30 =	sld [smem:$0x0];
	_ =	sdelay $0x2  }
0xb7: {  	s31 =	sshll.u32 s1, $0xD;
	s1 =	sshrl.u32 s1, $0x2  }
0xb8: {  	s3 =	sand.u32 $0x4000, s31;
	s1 =	sadd.s32 s1, s30  }
0xb9: {  	s0 =	sor.u32 s3, s0;
	s1 =	sshll.u32 s1, $0x11  }
0xba: {  	s0 =	sor.u32 s1, s0  }
0xbb: {  	s0 =	sadd.s32 $0x8F2B, s0  }
0xbc: {  	[sflag:s0] =	ssyncadd.remote.s32 $0x1  }
0xbd: {  	_ =	sfence.sel $0xFFFF  }
0xbe: {  	[dreg:$0x0] =	wrdreg $0xFFFFFFFF;
	(pc) =	sbr.abs _section_cstart, $3  }
0xbf: {  	[dreg:$0x1] =	wrdreg $0xFFFFFFFF  }
0xc0: {  	_ =	task.clear_ibuf [dreg:s6], $0x2FFFF;
	_ =	strace $0x9FFFFFFF  }
0xc1: {  	(tm) =	ssettm $0x7FFFFFFF  }
tec
execute0_lowered:
.L_overlay_start_1:
0x0: {  	(tag) =	ssettag $0x1  }
0x1: {  	s4 =	rddreg [dreg:$0x0];
	s1 =	srdreg.scid  }
0x2: {  	s0 =	rddreg [dreg:$0x1];
	s2 =	simm.s32 $0x0;
	s15 =	simm.s32 $0x880  }
0x3: {  	s16 =	simm.s32 $0x1080;
	s17 =	simm.s32 $0x1880;
	s18 =	simm.s32 $0x2080  }
0x4: {  	s19 =	simm.s32 $0x2880;
	s20 =	simm.s32 $0x3080;
	s21 =	simm.s32 $0x3880  }
0x5: {  	s22 =	simm.s32 $0x4080;
	s23 =	simm.s32 $0x4880;
	s28 =	simm.s32 $0x6880  }
0x6: {  	s29 =	simm.s32 $0x7080;
	s5 =	sand.u32 $0x1, s1;
	[smem:$0x7FF] =	sst s2  }
0x7: {  	s1 =	stileid.u32;
	s3 =	sadd.s32 $0x2C400, s4;
	s6 =	sshll.u32 s5, $0x4  }
0x8: {  	s10 =	sadd.s32 $0xA8200, s4;
	s5 =	ssub.s32 $0x2, s5;
	s6 =	sor.u32 s1, s6  }
0x9: {  	s11 =	sadd.s32 $0xA8A00, s4;
	s24 =	sshrl.u32 s5, $0x1;
	s8 =	smul.u32 $0x1E0, s6  }
0xa: {  	_ =	strace $0x8000004D;
	s6 =	smul.u32 $0x3C00, s6;
	s12 =	ssub.s32 s5, s24  }
0xb: {  	s24 =	simm.s32 $0x5080;
	s12 =	smax.u32 s12, $0x1;
	s25 =	sshrl.u32 s8, $0x3  }
0xc: {  	s7 =	sadd.s32 $0x78, s8;
	s5 =	sadd.s32 s11, s6;
	s9 =	sadd.s32 $0xF0, s8  }
0xd: {  	s14 =	sadd.s32 $0x168, s8;
	s4 =	sadd.s32 s10, s25;
	s26 =	sshrl.u32 s7, $0x3  }
0xe: {  	s7 =	sshll.u32 s7, $0x5;
	s13 =	sshrl.u32 s9, $0x3;
	s9 =	sshll.u32 s9, $0x5  }
0xf: {  	s30 =	sshrl.u32 s14, $0x3;
	s31 =	sshll.u32 s14, $0x5;
	s14 =	simm.s32 $0x80  }
0x10: {  	v2 =	vlaneseq.u32;
	s25 =	simm.s32 $0x5880;
	s6 =	sadd.s32 s10, s26;
	s7 =	sadd.s32 s11, s7  }
0x11: {  	vm0 =	vmmov $0xffff;
	v1 =	vshrl.u32 v2, $0x3;
	s8 =	sadd.s32 s10, s13;
	s9 =	sadd.s32 s11, s9;
	s10 =	sadd.s32 s10, s30  }
0x12: {  	v0 =	vand.u32 $0x7, v2;
	v2 =	vor.u32 $0x8, v2;
	v1 =	vmul.u32 $0x8, v1;
	s11 =	sadd.s32 s11, s31;
	s13 =	simm.s32 $0x1;
	s26 =	simm.s32 $0x6080  }
.LBB2_1:
0x13: {  	[tilespmem:s2], [sflag:$0x1] =	stream.linear.gather [hbm4b:s4+s2], $0x78, $0x38;
	[tilespmem:$0x7880] =	vst v63  }
0x14: {  	_ =	swait.ge [sflag:s13], $0x78  }
0x15: {  	[sflag:s13] =	ssyncset.done $0x0  }
0x16: {  	[sflag:s13] =	ssyncadd.s32 $0xFFFFFF88  }
0x17: {  	v3 =	vld [tilespmem:$0x0];
	_ =	sdelay $0x4  }
0x18: {  	v4 =	vshll.u32 v3, $0x1  }
0x19: {  	v3 =	vand.u32 $0x7, v3;
	v4 =	vand.u32 $0xFFFFFFF0, v4  }
0x1a: {  	v3 =	vor.u32 v3, v4  }
0x1b: {  	v4 =	vperm.xlane v3, v0;
	_ =	sdelay $0x1  }
0x1c: {  	v3 =	vperm.xlane v3, v2;
	v4 =	vadd.s32 v1, v4;
	_ =	sdelay $0x1  }
0x1d: {  	v3 =	vadd.s32 v1, v3;
	_ =	sdelay $0x2  }
0x1e: {  	[tilespmem:s14], [sflag:$0x1] =	stream.indirect_vreg.gather [hbm4b:s3+s2], $0x80, v4, vm0, $0xb8;
	[tilespmem:$0x7880] =	vst v63  }
0x1f: {  	_ = 	snop  }
0x20: {  	[tilespmem:s15], [sflag:$0x1] =	stream.indirect_vreg.gather [hbm4b:s3+s2], $0x80, v3, vm0, $0xb8;
	[tilespmem:$0x7880] =	vst v63  }
0x21: {  	v3 =	vld [tilespmem:$0x10];
	_ =	sdelay $0x4  }
0x22: {  	v33 =	vshll.u32 v3, $0x1  }
0x23: {  	v3 =	vand.u32 $0x7, v3;
	v4 =	vand.u32 $0xFFFFFFF0, v33  }
0x24: {  	v3 =	vor.u32 v3, v4  }
0x25: {  	v4 =	vperm.xlane v3, v0;
	_ =	sdelay $0x1  }
0x26: {  	v3 =	vperm.xlane v3, v2;
	v4 =	vadd.s32 v1, v4;
	_ =	sdelay $0x1  }
0x27: {  	v3 =	vadd.s32 v1, v3;
	_ =	sdelay $0x2  }
0x28: {  	[tilespmem:s16], [sflag:$0x1] =	stream.indirect_vreg.gather [hbm4b:s3+s2], $0x80, v4, vm0, $0xb8;
	[tilespmem:$0x7880] =	vst v63  }
0x29: {  	_ = 	snop  }
0x2a: {  	[tilespmem:s17], [sflag:$0x1] =	stream.indirect_vreg.gather [hbm4b:s3+s2], $0x80, v3, vm0, $0xb8;
	[tilespmem:$0x7880] =	vst v63  }
0x2b: {  	v3 =	vld [tilespmem:$0x20];
	_ =	sdelay $0x4  }
0x2c: {  	v34 =	vshll.u32 v3, $0x1  }
0x2d: {  	v3 =	vand.u32 $0x7, v3;
	v4 =	vand.u32 $0xFFFFFFF0, v34  }
0x2e: {  	v3 =	vor.u32 v3, v4  }
0x2f: {  	v4 =	vperm.xlane v3, v0;
	_ =	sdelay $0x1  }
0x30: {  	v3 =	vperm.xlane v3, v2;
	v4 =	vadd.s32 v1, v4;
	_ =	sdelay $0x1  }
0x31: {  	v3 =	vadd.s32 v1, v3;
	_ =	sdelay $0x2  }
0x32: {  	[tilespmem:s18], [sflag:$0x1] =	stream.indirect_vreg.gather [hbm4b:s3+s2], $0x80, v4, vm0, $0xb8;
	[tilespmem:$0x7880] =	vst v63  }
0x33: {  	_ = 	snop  }
0x34: {  	[tilespmem:s19], [sflag:$0x1] =	stream.indirect_vreg.gather [hbm4b:s3+s2], $0x80, v3, vm0, $0xb8;
	[tilespmem:$0x7880] =	vst v63  }
0x35: {  	v3 =	vld [tilespmem:$0x30];
	_ =	sdelay $0x4  }
0x36: {  	v35 =	vshll.u32 v3, $0x1  }
0x37: {  	v3 =	vand.u32 $0x7, v3;
	v4 =	vand.u32 $0xFFFFFFF0, v35  }
0x38: {  	v3 =	vor.u32 v3, v4  }
0x39: {  	v4 =	vperm.xlane v3, v0;
	_ =	sdelay $0x1  }
0x3a: {  	v3 =	vperm.xlane v3, v2;
	v4 =	vadd.s32 v1, v4;
	_ =	sdelay $0x1  }
0x3b: {  	v3 =	vadd.s32 v1, v3;
	_ =	sdelay $0x2  }
0x3c: {  	[tilespmem:s20], [sflag:$0x1] =	stream.indirect_vreg.gather [hbm4b:s3+s2], $0x80, v4, vm0, $0xb8;
	[tilespmem:$0x7880] =	vst v63  }
0x3d: {  	_ = 	snop  }
0x3e: {  	[tilespmem:s21], [sflag:$0x1] =	stream.indirect_vreg.gather [hbm4b:s3+s2], $0x80, v3, vm0, $0xb8;
	[tilespmem:$0x7880] =	vst v63  }
0x3f: {  	v3 =	vld [tilespmem:$0x40];
	_ =	sdelay $0x4  }
0x40: {  	v36 =	vshll.u32 v3, $0x1  }
0x41: {  	v3 =	vand.u32 $0x7, v3;
	v4 =	vand.u32 $0xFFFFFFF0, v36  }
0x42: {  	v3 =	vor.u32 v3, v4  }
0x43: {  	v4 =	vperm.xlane v3, v0;
	_ =	sdelay $0x1  }
0x44: {  	v3 =	vperm.xlane v3, v2;
	v4 =	vadd.s32 v1, v4;
	_ =	sdelay $0x1  }
0x45: {  	v3 =	vadd.s32 v1, v3;
	_ =	sdelay $0x2  }
0x46: {  	[tilespmem:s22], [sflag:$0x1] =	stream.indirect_vreg.gather [hbm4b:s3+s2], $0x80, v4, vm0, $0xb8;
	[tilespmem:$0x7880] =	vst v63  }
0x47: {  	_ = 	snop  }
0x48: {  	[tilespmem:s23], [sflag:$0x1] =	stream.indirect_vreg.gather [hbm4b:s3+s2], $0x80, v3, vm0, $0xb8;
	[tilespmem:$0x7880] =	vst v63  }
0x49: {  	v3 =	vld [tilespmem:$0x50];
	_ =	sdelay $0x4  }
0x4a: {  	v37 =	vshll.u32 v3, $0x1  }
0x4b: {  	v3 =	vand.u32 $0x7, v3;
	v4 =	vand.u32 $0xFFFFFFF0, v37  }
0x4c: {  	v3 =	vor.u32 v3, v4  }
0x4d: {  	v4 =	vperm.xlane v3, v0;
	_ =	sdelay $0x1  }
0x4e: {  	v3 =	vperm.xlane v3, v2;
	v4 =	vadd.s32 v1, v4;
	_ =	sdelay $0x1  }
0x4f: {  	v3 =	vadd.s32 v1, v3;
	_ =	sdelay $0x2  }
0x50: {  	[tilespmem:s24], [sflag:$0x1] =	stream.indirect_vreg.gather [hbm4b:s3+s2], $0x80, v4, vm0, $0xb8;
	[tilespmem:$0x7880] =	vst v63  }
0x51: {  	_ = 	snop  }
0x52: {  	[tilespmem:s25], [sflag:$0x1] =	stream.indirect_vreg.gather [hbm4b:s3+s2], $0x80, v3, vm0, $0xb8;
	[tilespmem:$0x7880] =	vst v63  }
0x53: {  	v3 =	vld [tilespmem:$0x60];
	_ =	sdelay $0x4  }
0x54: {  	v38 =	vshll.u32 v3, $0x1  }
0x55: {  	v3 =	vand.u32 $0x7, v3;
	v4 =	vand.u32 $0xFFFFFFF0, v38  }
0x56: {  	v3 =	vor.u32 v3, v4  }
0x57: {  	v4 =	vperm.xlane v3, v0;
	_ =	sdelay $0x1  }
0x58: {  	v3 =	vperm.xlane v3, v2;
	v4 =	vadd.s32 v1, v4;
	_ =	sdelay $0x1  }
0x59: {  	v3 =	vadd.s32 v1, v3;
	_ =	sdelay $0x2  }
0x5a: {  	[tilespmem:s26], [sflag:$0x1] =	stream.indirect_vreg.gather [hbm4b:s3+s2], $0x80, v4, vm0, $0xb8;
	[tilespmem:$0x7880] =	vst v63  }
0x5b: {  	_ = 	snop  }
0x5c: {  	[tilespmem:s28], [sflag:$0x1] =	stream.indirect_vreg.gather [hbm4b:s3+s2], $0x80, v3, vm0, $0xb8;
	[tilespmem:$0x7880] =	vst v63  }
0x5d: {  	v3 =	vld.msk [tilespmem:$0x70], $0xff;
	_ =	sdelay $0x4  }
0x5e: {  	v39 =	vshll.u32 v3, $0x1  }
0x5f: {  	v3 =	vand.u32 $0x7, v3;
	v4 =	vand.u32 $0xFFFFFFF0, v39  }
0x60: {  	v3 =	vor.u32 v3, v4  }
0x61: {  	v3 =	vperm.xlane v3, v0;
	_ =	sdelay $0x1  }
0x62: {  	v3 =	vadd.s32 v1, v3;
	_ =	sdelay $0x4  }
0x63: {  	[tilespmem:s29], [sflag:$0x1] =	stream.indirect_vreg.gather [hbm4b:s3+s2], $0x80, v3, vm0, $0xb8;
	[tilespmem:$0x7880] =	vst v63  }
0x64: {  	_ =	swait.ge [sflag:s13], $0x7800  }
0x65: {  	[sflag:s13] =	ssyncset.done $0x0  }
0x66: {  	[sflag:s13] =	ssyncadd.s32 $0xFFFF8800  }
0x67: {  	[hbm4b:s5+s2] =	stream.linear.scatter [tilespmem:s14], [sflag:$0x1], $0x7800, $0x38;
	[tilespmem:$0x7880] =	vst v63  }
0x68: {  	_ =	swait.ge [sflag:s13], $0x7800  }
0x69: {  	[sflag:s13] =	ssyncset.done $0x0  }
0x6a: {  	[sflag:s13] =	ssyncadd.s32 $0xFFFF8800  }
0x6b: {  	[tilespmem:s2], [sflag:$0x1] =	stream.linear.gather [hbm4b:s6+s2], $0x78, $0x38;
	[tilespmem:$0x7880] =	vst v63  }
0x6c: {  	_ =	swait.ge [sflag:s13], $0x78  }
0x6d: {  	[sflag:s13] =	ssyncset.done $0x0  }
0x6e: {  	[sflag:s13] =	ssyncadd.s32 $0xFFFFFF88  }
0x6f: {  	v3 =	vld [tilespmem:$0x0];
	_ =	sdelay $0x4  }
0x70: {  	v40 =	vshll.u32 v3, $0x1  }
0x71: {  	v3 =	vand.u32 $0x7, v3;
	v4 =	vand.u32 $0xFFFFFFF0, v40  }
0x72: {  	v3 =	vor.u32 v3, v4  }
0x73: {  	v4 =	vperm.xlane v3, v0;
	_ =	sdelay $0x1  }
0x74: {  	v3 =	vperm.xlane v3, v2;
	v4 =	vadd.s32 v1, v4;
	_ =	sdelay $0x1  }
0x75: {  	v3 =	vadd.s32 v1, v3;
	_ =	sdelay $0x2  }
0x76: {  	[tilespmem:s14], [sflag:$0x1] =	stream.indirect_vreg.gather [hbm4b:s3+s2], $0x80, v4, vm0, $0xb8;
	[tilespmem:$0x7880] =	vst v63  }
0x77: {  	_ = 	snop  }
0x78: {  	[tilespmem:s15], [sflag:$0x1] =	stream.indirect_vreg.gather [hbm4b:s3+s2], $0x80, v3, vm0, $0xb8;
	[tilespmem:$0x7880] =	vst v63  }
0x79: {  	v3 =	vld [tilespmem:$0x10];
	_ =	sdelay $0x4  }
0x7a: {  	v41 =	vshll.u32 v3, $0x1  }
0x7b: {  	v3 =	vand.u32 $0x7, v3;
	v4 =	vand.u32 $0xFFFFFFF0, v41  }
0x7c: {  	v3 =	vor.u32 v3, v4  }
0x7d: {  	v4 =	vperm.xlane v3, v0;
	_ =	sdelay $0x1  }
0x7e: {  	v3 =	vperm.xlane v3, v2;
	v4 =	vadd.s32 v1, v4;
	_ =	sdelay $0x1  }
0x7f: {  	v3 =	vadd.s32 v1, v3;
	_ =	sdelay $0x2  }
0x80: {  	[tilespmem:s16], [sflag:$0x1] =	stream.indirect_vreg.gather [hbm4b:s3+s2], $0x80, v4, vm0, $0xb8;
	[tilespmem:$0x7880] =	vst v63  }
0x81: {  	_ = 	snop  }
0x82: {  	[tilespmem:s17], [sflag:$0x1] =	stream.indirect_vreg.gather [hbm4b:s3+s2], $0x80, v3, vm0, $0xb8;
	[tilespmem:$0x7880] =	vst v63  }
0x83: {  	v3 =	vld [tilespmem:$0x20];
	_ =	sdelay $0x4  }
0x84: {  	v42 =	vshll.u32 v3, $0x1  }
0x85: {  	v3 =	vand.u32 $0x7, v3;
	v4 =	vand.u32 $0xFFFFFFF0, v42  }
0x86: {  	v3 =	vor.u32 v3, v4  }
0x87: {  	v4 =	vperm.xlane v3, v0;
	_ =	sdelay $0x1  }
0x88: {  	v3 =	vperm.xlane v3, v2;
	v4 =	vadd.s32 v1, v4;
	_ =	sdelay $0x1  }
0x89: {  	v3 =	vadd.s32 v1, v3;
	_ =	sdelay $0x2  }
0x8a: {  	[tilespmem:s18], [sflag:$0x1] =	stream.indirect_vreg.gather [hbm4b:s3+s2], $0x80, v4, vm0, $0xb8;
	[tilespmem:$0x7880] =	vst v63  }
0x8b: {  	_ = 	snop  }
0x8c: {  	[tilespmem:s19], [sflag:$0x1] =	stream.indirect_vreg.gather [hbm4b:s3+s2], $0x80, v3, vm0, $0xb8;
	[tilespmem:$0x7880] =	vst v63  }
0x8d: {  	v3 =	vld [tilespmem:$0x30];
	_ =	sdelay $0x4  }
0x8e: {  	v43 =	vshll.u32 v3, $0x1  }
0x8f: {  	v3 =	vand.u32 $0x7, v3;
	v4 =	vand.u32 $0xFFFFFFF0, v43  }
0x90: {  	v3 =	vor.u32 v3, v4  }
0x91: {  	v4 =	vperm.xlane v3, v0;
	_ =	sdelay $0x1  }
0x92: {  	v3 =	vperm.xlane v3, v2;
	v4 =	vadd.s32 v1, v4;
	_ =	sdelay $0x1  }
0x93: {  	v3 =	vadd.s32 v1, v3;
	_ =	sdelay $0x2  }
0x94: {  	[tilespmem:s20], [sflag:$0x1] =	stream.indirect_vreg.gather [hbm4b:s3+s2], $0x80, v4, vm0, $0xb8;
	[tilespmem:$0x7880] =	vst v63  }
0x95: {  	_ = 	snop  }
0x96: {  	[tilespmem:s21], [sflag:$0x1] =	stream.indirect_vreg.gather [hbm4b:s3+s2], $0x80, v3, vm0, $0xb8;
	[tilespmem:$0x7880] =	vst v63  }
0x97: {  	v3 =	vld [tilespmem:$0x40];
	_ =	sdelay $0x4  }
0x98: {  	v44 =	vshll.u32 v3, $0x1  }
0x99: {  	v3 =	vand.u32 $0x7, v3;
	v4 =	vand.u32 $0xFFFFFFF0, v44  }
0x9a: {  	v3 =	vor.u32 v3, v4  }
0x9b: {  	v4 =	vperm.xlane v3, v0;
	_ =	sdelay $0x1  }
0x9c: {  	v3 =	vperm.xlane v3, v2;
	v4 =	vadd.s32 v1, v4;
	_ =	sdelay $0x1  }
0x9d: {  	v3 =	vadd.s32 v1, v3;
	_ =	sdelay $0x2  }
0x9e: {  	[tilespmem:s22], [sflag:$0x1] =	stream.indirect_vreg.gather [hbm4b:s3+s2], $0x80, v4, vm0, $0xb8;
	[tilespmem:$0x7880] =	vst v63  }
0x9f: {  	_ = 	snop  }
0xa0: {  	[tilespmem:s23], [sflag:$0x1] =	stream.indirect_vreg.gather [hbm4b:s3+s2], $0x80, v3, vm0, $0xb8;
	[tilespmem:$0x7880] =	vst v63  }
0xa1: {  	v3 =	vld [tilespmem:$0x50];
	_ =	sdelay $0x4  }
0xa2: {  	v45 =	vshll.u32 v3, $0x1  }
0xa3: {  	v3 =	vand.u32 $0x7, v3;
	v4 =	vand.u32 $0xFFFFFFF0, v45  }
0xa4: {  	v3 =	vor.u32 v3, v4  }
0xa5: {  	v4 =	vperm.xlane v3, v0;
	_ =	sdelay $0x1  }
0xa6: {  	v3 =	vperm.xlane v3, v2;
	v4 =	vadd.s32 v1, v4;
	_ =	sdelay $0x1  }
0xa7: {  	v3 =	vadd.s32 v1, v3;
	_ =	sdelay $0x2  }
0xa8: {  	[tilespmem:s24], [sflag:$0x1] =	stream.indirect_vreg.gather [hbm4b:s3+s2], $0x80, v4, vm0, $0xb8;
	[tilespmem:$0x7880] =	vst v63  }
0xa9: {  	_ = 	snop  }
0xaa: {  	[tilespmem:s25], [sflag:$0x1] =	stream.indirect_vreg.gather [hbm4b:s3+s2], $0x80, v3, vm0, $0xb8;
	[tilespmem:$0x7880] =	vst v63  }
0xab: {  	v3 =	vld [tilespmem:$0x60];
	_ =	sdelay $0x4  }
0xac: {  	v46 =	vshll.u32 v3, $0x1  }
0xad: {  	v3 =	vand.u32 $0x7, v3;
	v4 =	vand.u32 $0xFFFFFFF0, v46  }
0xae: {  	v3 =	vor.u32 v3, v4  }
0xaf: {  	v4 =	vperm.xlane v3, v0;
	_ =	sdelay $0x1  }
0xb0: {  	v3 =	vperm.xlane v3, v2;
	v4 =	vadd.s32 v1, v4;
	_ =	sdelay $0x1  }
0xb1: {  	v3 =	vadd.s32 v1, v3;
	_ =	sdelay $0x2  }
0xb2: {  	[tilespmem:s26], [sflag:$0x1] =	stream.indirect_vreg.gather [hbm4b:s3+s2], $0x80, v4, vm0, $0xb8;
	[tilespmem:$0x7880] =	vst v63  }
0xb3: {  	_ = 	snop  }
0xb4: {  	[tilespmem:s28], [sflag:$0x1] =	stream.indirect_vreg.gather [hbm4b:s3+s2], $0x80, v3, vm0, $0xb8;
	[tilespmem:$0x7880] =	vst v63  }
0xb5: {  	v3 =	vld.msk [tilespmem:$0x70], $0xff;
	_ =	sdelay $0x4  }
0xb6: {  	v47 =	vshll.u32 v3, $0x1  }
0xb7: {  	v3 =	vand.u32 $0x7, v3;
	v4 =	vand.u32 $0xFFFFFFF0, v47  }
0xb8: {  	v3 =	vor.u32 v3, v4  }
0xb9: {  	v3 =	vperm.xlane v3, v0;
	_ =	sdelay $0x1  }
0xba: {  	v3 =	vadd.s32 v1, v3;
	_ =	sdelay $0x4  }
0xbb: {  	[tilespmem:s29], [sflag:$0x1] =	stream.indirect_vreg.gather [hbm4b:s3+s2], $0x80, v3, vm0, $0xb8;
	[tilespmem:$0x7880] =	vst v63  }
0xbc: {  	_ =	swait.ge [sflag:s13], $0x7800  }
0xbd: {  	[sflag:s13] =	ssyncset.done $0x0  }
0xbe: {  	[sflag:s13] =	ssyncadd.s32 $0xFFFF8800  }
0xbf: {  	[hbm4b:s7+s2] =	stream.linear.scatter [tilespmem:s14], [sflag:$0x1], $0x7800, $0x38;
	[tilespmem:$0x7880] =	vst v63  }
0xc0: {  	_ =	swait.ge [sflag:s13], $0x7800  }
0xc1: {  	[sflag:s13] =	ssyncset.done $0x0  }
0xc2: {  	[sflag:s13] =	ssyncadd.s32 $0xFFFF8800  }
0xc3: {  	[tilespmem:s2], [sflag:$0x1] =	stream.linear.gather [hbm4b:s8+s2], $0x78, $0x38;
	[tilespmem:$0x7880] =	vst v63  }
0xc4: {  	_ =	swait.ge [sflag:s13], $0x78  }
0xc5: {  	[sflag:s13] =	ssyncset.done $0x0  }
0xc6: {  	[sflag:s13] =	ssyncadd.s32 $0xFFFFFF88  }
0xc7: {  	v3 =	vld [tilespmem:$0x0];
	_ =	sdelay $0x4  }
0xc8: {  	v48 =	vshll.u32 v3, $0x1  }
0xc9: {  	v3 =	vand.u32 $0x7, v3;
	v4 =	vand.u32 $0xFFFFFFF0, v48  }
0xca: {  	v3 =	vor.u32 v3, v4  }
0xcb: {  	v4 =	vperm.xlane v3, v0;
	_ =	sdelay $0x1  }
0xcc: {  	v3 =	vperm.xlane v3, v2;
	v4 =	vadd.s32 v1, v4;
	_ =	sdelay $0x1  }
0xcd: {  	v3 =	vadd.s32 v1, v3;
	_ =	sdelay $0x2  }
0xce: {  	[tilespmem:s14], [sflag:$0x1] =	stream.indirect_vreg.gather [hbm4b:s3+s2], $0x80, v4, vm0, $0xb8;
	[tilespmem:$0x7880] =	vst v63  }
0xcf: {  	_ = 	snop  }
0xd0: {  	[tilespmem:s15], [sflag:$0x1] =	stream.indirect_vreg.gather [hbm4b:s3+s2], $0x80, v3, vm0, $0xb8;
	[tilespmem:$0x7880] =	vst v63  }
0xd1: {  	v3 =	vld [tilespmem:$0x10];
	_ =	sdelay $0x4  }
0xd2: {  	v49 =	vshll.u32 v3, $0x1  }
0xd3: {  	v3 =	vand.u32 $0x7, v3;
	v4 =	vand.u32 $0xFFFFFFF0, v49  }
0xd4: {  	v3 =	vor.u32 v3, v4  }
0xd5: {  	v4 =	vperm.xlane v3, v0;
	_ =	sdelay $0x1  }
0xd6: {  	v3 =	vperm.xlane v3, v2;
	v4 =	vadd.s32 v1, v4;
	_ =	sdelay $0x1  }
0xd7: {  	v3 =	vadd.s32 v1, v3;
	_ =	sdelay $0x2  }
0xd8: {  	[tilespmem:s16], [sflag:$0x1] =	stream.indirect_vreg.gather [hbm4b:s3+s2], $0x80, v4, vm0, $0xb8;
	[tilespmem:$0x7880] =	vst v63  }
0xd9: {  	_ = 	snop  }
0xda: {  	[tilespmem:s17], [sflag:$0x1] =	stream.indirect_vreg.gather [hbm4b:s3+s2], $0x80, v3, vm0, $0xb8;
	[tilespmem:$0x7880] =	vst v63  }
0xdb: {  	v3 =	vld [tilespmem:$0x20];
	_ =	sdelay $0x4  }
0xdc: {  	v50 =	vshll.u32 v3, $0x1  }
0xdd: {  	v3 =	vand.u32 $0x7, v3;
	v4 =	vand.u32 $0xFFFFFFF0, v50  }
0xde: {  	v3 =	vor.u32 v3, v4  }
0xdf: {  	v4 =	vperm.xlane v3, v0;
	_ =	sdelay $0x1  }
0xe0: {  	v3 =	vperm.xlane v3, v2;
	v4 =	vadd.s32 v1, v4;
	_ =	sdelay $0x1  }
0xe1: {  	v3 =	vadd.s32 v1, v3;
	_ =	sdelay $0x2  }
0xe2: {  	[tilespmem:s18], [sflag:$0x1] =	stream.indirect_vreg.gather [hbm4b:s3+s2], $0x80, v4, vm0, $0xb8;
	[tilespmem:$0x7880] =	vst v63  }
0xe3: {  	_ = 	snop  }
0xe4: {  	[tilespmem:s19], [sflag:$0x1] =	stream.indirect_vreg.gather [hbm4b:s3+s2], $0x80, v3, vm0, $0xb8;
	[tilespmem:$0x7880] =	vst v63  }
0xe5: {  	v3 =	vld [tilespmem:$0x30];
	_ =	sdelay $0x4  }
0xe6: {  	v51 =	vshll.u32 v3, $0x1  }
0xe7: {  	v3 =	vand.u32 $0x7, v3;
	v4 =	vand.u32 $0xFFFFFFF0, v51  }
0xe8: {  	v3 =	vor.u32 v3, v4  }
0xe9: {  	v4 =	vperm.xlane v3, v0;
	_ =	sdelay $0x1  }
0xea: {  	v3 =	vperm.xlane v3, v2;
	v4 =	vadd.s32 v1, v4;
	_ =	sdelay $0x1  }
0xeb: {  	v3 =	vadd.s32 v1, v3;
	_ =	sdelay $0x2  }
0xec: {  	[tilespmem:s20], [sflag:$0x1] =	stream.indirect_vreg.gather [hbm4b:s3+s2], $0x80, v4, vm0, $0xb8;
	[tilespmem:$0x7880] =	vst v63  }
0xed: {  	_ = 	snop  }
0xee: {  	[tilespmem:s21], [sflag:$0x1] =	stream.indirect_vreg.gather [hbm4b:s3+s2], $0x80, v3, vm0, $0xb8;
	[tilespmem:$0x7880] =	vst v63  }
0xef: {  	v3 =	vld [tilespmem:$0x40];
	_ =	sdelay $0x4  }
0xf0: {  	v52 =	vshll.u32 v3, $0x1  }
0xf1: {  	v3 =	vand.u32 $0x7, v3;
	v4 =	vand.u32 $0xFFFFFFF0, v52  }
0xf2: {  	v3 =	vor.u32 v3, v4  }
0xf3: {  	v4 =	vperm.xlane v3, v0;
	_ =	sdelay $0x1  }
0xf4: {  	v3 =	vperm.xlane v3, v2;
	v4 =	vadd.s32 v1, v4;
	_ =	sdelay $0x1  }
0xf5: {  	v3 =	vadd.s32 v1, v3;
	_ =	sdelay $0x2  }
0xf6: {  	[tilespmem:s22], [sflag:$0x1] =	stream.indirect_vreg.gather [hbm4b:s3+s2], $0x80, v4, vm0, $0xb8;
	[tilespmem:$0x7880] =	vst v63  }
0xf7: {  	_ = 	snop  }
0xf8: {  	[tilespmem:s23], [sflag:$0x1] =	stream.indirect_vreg.gather [hbm4b:s3+s2], $0x80, v3, vm0, $0xb8;
	[tilespmem:$0x7880] =	vst v63  }
0xf9: {  	v3 =	vld [tilespmem:$0x50];
	_ =	sdelay $0x4  }
0xfa: {  	v53 =	vshll.u32 v3, $0x1  }
0xfb: {  	v3 =	vand.u32 $0x7, v3;
	v4 =	vand.u32 $0xFFFFFFF0, v53  }
0xfc: {  	v3 =	vor.u32 v3, v4  }
0xfd: {  	v4 =	vperm.xlane v3, v0;
	_ =	sdelay $0x1  }
0xfe: {  	v3 =	vperm.xlane v3, v2;
	v4 =	vadd.s32 v1, v4;
	_ =	sdelay $0x1  }
0xff: {  	v3 =	vadd.s32 v1, v3;
	_ =	sdelay $0x2  }
0x100: {  	[tilespmem:s24], [sflag:$0x1] =	stream.indirect_vreg.gather [hbm4b:s3+s2], $0x80, v4, vm0, $0xb8;
	[tilespmem:$0x7880] =	vst v63  }
0x101: {  	_ = 	snop  }
0x102: {  	[tilespmem:s25], [sflag:$0x1] =	stream.indirect_vreg.gather [hbm4b:s3+s2], $0x80, v3, vm0, $0xb8;
	[tilespmem:$0x7880] =	vst v63  }
0x103: {  	v3 =	vld [tilespmem:$0x60];
	_ =	sdelay $0x4  }
0x104: {  	v54 =	vshll.u32 v3, $0x1  }
0x105: {  	v3 =	vand.u32 $0x7, v3;
	v4 =	vand.u32 $0xFFFFFFF0, v54  }
0x106: {  	v3 =	vor.u32 v3, v4  }
0x107: {  	v4 =	vperm.xlane v3, v0;
	_ =	sdelay $0x1  }
0x108: {  	v3 =	vperm.xlane v3, v2;
	v4 =	vadd.s32 v1, v4;
	_ =	sdelay $0x1  }
0x109: {  	v3 =	vadd.s32 v1, v3;
	_ =	sdelay $0x2  }
0x10a: {  	[tilespmem:s26], [sflag:$0x1] =	stream.indirect_vreg.gather [hbm4b:s3+s2], $0x80, v4, vm0, $0xb8;
	[tilespmem:$0x7880] =	vst v63  }
0x10b: {  	_ = 	snop  }
0x10c: {  	[tilespmem:s28], [sflag:$0x1] =	stream.indirect_vreg.gather [hbm4b:s3+s2], $0x80, v3, vm0, $0xb8;
	[tilespmem:$0x7880] =	vst v63  }
0x10d: {  	v3 =	vld.msk [tilespmem:$0x70], $0xff;
	_ =	sdelay $0x4  }
0x10e: {  	v55 =	vshll.u32 v3, $0x1  }
0x10f: {  	v3 =	vand.u32 $0x7, v3;
	v4 =	vand.u32 $0xFFFFFFF0, v55  }
0x110: {  	v3 =	vor.u32 v3, v4  }
0x111: {  	v3 =	vperm.xlane v3, v0;
	_ =	sdelay $0x1  }
0x112: {  	v3 =	vadd.s32 v1, v3;
	_ =	sdelay $0x4  }
0x113: {  	[tilespmem:s29], [sflag:$0x1] =	stream.indirect_vreg.gather [hbm4b:s3+s2], $0x80, v3, vm0, $0xb8;
	[tilespmem:$0x7880] =	vst v63  }
0x114: {  	_ =	swait.ge [sflag:s13], $0x7800  }
0x115: {  	[sflag:s13] =	ssyncset.done $0x0  }
0x116: {  	[sflag:s13] =	ssyncadd.s32 $0xFFFF8800  }
0x117: {  	[hbm4b:s9+s2] =	stream.linear.scatter [tilespmem:s14], [sflag:$0x1], $0x7800, $0x38;
	[tilespmem:$0x7880] =	vst v63  }
0x118: {  	_ =	swait.ge [sflag:s13], $0x7800  }
0x119: {  	[sflag:s13] =	ssyncset.done $0x0  }
0x11a: {  	[sflag:s13] =	ssyncadd.s32 $0xFFFF8800  }
0x11b: {  	[tilespmem:s2], [sflag:$0x1] =	stream.linear.gather [hbm4b:s10+s2], $0x78, $0x38;
	[tilespmem:$0x7880] =	vst v63  }
0x11c: {  	_ =	swait.ge [sflag:s13], $0x78  }
0x11d: {  	[sflag:s13] =	ssyncset.done $0x0  }
0x11e: {  	[sflag:s13] =	ssyncadd.s32 $0xFFFFFF88  }
0x11f: {  	v3 =	vld [tilespmem:$0x0];
	_ =	sdelay $0x4  }
0x120: {  	v56 =	vshll.u32 v3, $0x1  }
0x121: {  	v3 =	vand.u32 $0x7, v3;
	v4 =	vand.u32 $0xFFFFFFF0, v56  }
0x122: {  	v3 =	vor.u32 v3, v4  }
0x123: {  	v4 =	vperm.xlane v3, v0;
	_ =	sdelay $0x1  }
0x124: {  	v3 =	vperm.xlane v3, v2;
	v4 =	vadd.s32 v1, v4;
	_ =	sdelay $0x1  }
0x125: {  	v3 =	vadd.s32 v1, v3;
	_ =	sdelay $0x2  }
0x126: {  	[tilespmem:s14], [sflag:$0x1] =	stream.indirect_vreg.gather [hbm4b:s3+s2], $0x80, v4, vm0, $0xb8;
	[tilespmem:$0x7880] =	vst v63  }
0x127: {  	_ = 	snop  }
0x128: {  	[tilespmem:s15], [sflag:$0x1] =	stream.indirect_vreg.gather [hbm4b:s3+s2], $0x80, v3, vm0, $0xb8;
	[tilespmem:$0x7880] =	vst v63  }
0x129: {  	v3 =	vld [tilespmem:$0x10];
	_ =	sdelay $0x4  }
0x12a: {  	v57 =	vshll.u32 v3, $0x1  }
0x12b: {  	v3 =	vand.u32 $0x7, v3;
	v4 =	vand.u32 $0xFFFFFFF0, v57  }
0x12c: {  	v3 =	vor.u32 v3, v4  }
0x12d: {  	v4 =	vperm.xlane v3, v0;
	_ =	sdelay $0x1  }
0x12e: {  	v3 =	vperm.xlane v3, v2;
	v4 =	vadd.s32 v1, v4;
	_ =	sdelay $0x1  }
0x12f: {  	v3 =	vadd.s32 v1, v3;
	_ =	sdelay $0x2  }
0x130: {  	[tilespmem:s16], [sflag:$0x1] =	stream.indirect_vreg.gather [hbm4b:s3+s2], $0x80, v4, vm0, $0xb8;
	[tilespmem:$0x7880] =	vst v63  }
0x131: {  	_ = 	snop  }
0x132: {  	[tilespmem:s17], [sflag:$0x1] =	stream.indirect_vreg.gather [hbm4b:s3+s2], $0x80, v3, vm0, $0xb8;
	[tilespmem:$0x7880] =	vst v63  }
0x133: {  	v3 =	vld [tilespmem:$0x20];
	_ =	sdelay $0x4  }
0x134: {  	v58 =	vshll.u32 v3, $0x1  }
0x135: {  	v3 =	vand.u32 $0x7, v3;
	v4 =	vand.u32 $0xFFFFFFF0, v58  }
0x136: {  	v3 =	vor.u32 v3, v4  }
0x137: {  	v4 =	vperm.xlane v3, v0;
	_ =	sdelay $0x1  }
0x138: {  	v3 =	vperm.xlane v3, v2;
	v4 =	vadd.s32 v1, v4;
	_ =	sdelay $0x1  }
0x139: {  	v3 =	vadd.s32 v1, v3;
	_ =	sdelay $0x2  }
0x13a: {  	[tilespmem:s18], [sflag:$0x1] =	stream.indirect_vreg.gather [hbm4b:s3+s2], $0x80, v4, vm0, $0xb8;
	[tilespmem:$0x7880] =	vst v63  }
0x13b: {  	_ = 	snop  }
0x13c: {  	[tilespmem:s19], [sflag:$0x1] =	stream.indirect_vreg.gather [hbm4b:s3+s2], $0x80, v3, vm0, $0xb8;
	[tilespmem:$0x7880] =	vst v63  }
0x13d: {  	v3 =	vld [tilespmem:$0x30];
	_ =	sdelay $0x4  }
0x13e: {  	v59 =	vshll.u32 v3, $0x1  }
0x13f: {  	v3 =	vand.u32 $0x7, v3;
	v4 =	vand.u32 $0xFFFFFFF0, v59  }
0x140: {  	v3 =	vor.u32 v3, v4  }
0x141: {  	v4 =	vperm.xlane v3, v0;
	_ =	sdelay $0x1  }
0x142: {  	v3 =	vperm.xlane v3, v2;
	v4 =	vadd.s32 v1, v4;
	_ =	sdelay $0x1  }
0x143: {  	v3 =	vadd.s32 v1, v3;
	_ =	sdelay $0x2  }
0x144: {  	[tilespmem:s20], [sflag:$0x1] =	stream.indirect_vreg.gather [hbm4b:s3+s2], $0x80, v4, vm0, $0xb8;
	[tilespmem:$0x7880] =	vst v63  }
0x145: {  	_ = 	snop  }
0x146: {  	[tilespmem:s21], [sflag:$0x1] =	stream.indirect_vreg.gather [hbm4b:s3+s2], $0x80, v3, vm0, $0xb8;
	[tilespmem:$0x7880] =	vst v63  }
0x147: {  	v3 =	vld [tilespmem:$0x40];
	_ =	sdelay $0x4  }
0x148: {  	v60 =	vshll.u32 v3, $0x1  }
0x149: {  	v3 =	vand.u32 $0x7, v3;
	v4 =	vand.u32 $0xFFFFFFF0, v60  }
0x14a: {  	v3 =	vor.u32 v3, v4  }
0x14b: {  	v4 =	vperm.xlane v3, v0;
	_ =	sdelay $0x1  }
0x14c: {  	v3 =	vperm.xlane v3, v2;
	v4 =	vadd.s32 v1, v4;
	_ =	sdelay $0x1  }
0x14d: {  	v3 =	vadd.s32 v1, v3;
	_ =	sdelay $0x2  }
0x14e: {  	[tilespmem:s22], [sflag:$0x1] =	stream.indirect_vreg.gather [hbm4b:s3+s2], $0x80, v4, vm0, $0xb8;
	[tilespmem:$0x7880] =	vst v63  }
0x14f: {  	_ = 	snop  }
0x150: {  	[tilespmem:s23], [sflag:$0x1] =	stream.indirect_vreg.gather [hbm4b:s3+s2], $0x80, v3, vm0, $0xb8;
	[tilespmem:$0x7880] =	vst v63  }
0x151: {  	v3 =	vld [tilespmem:$0x50];
	_ =	sdelay $0x4  }
0x152: {  	v61 =	vshll.u32 v3, $0x1  }
0x153: {  	v3 =	vand.u32 $0x7, v3;
	v4 =	vand.u32 $0xFFFFFFF0, v61  }
0x154: {  	v3 =	vor.u32 v3, v4  }
0x155: {  	v4 =	vperm.xlane v3, v0;
	_ =	sdelay $0x1  }
0x156: {  	v3 =	vperm.xlane v3, v2;
	v4 =	vadd.s32 v1, v4;
	_ =	sdelay $0x1  }
0x157: {  	v3 =	vadd.s32 v1, v3;
	_ =	sdelay $0x2  }
0x158: {  	[tilespmem:s24], [sflag:$0x1] =	stream.indirect_vreg.gather [hbm4b:s3+s2], $0x80, v4, vm0, $0xb8;
	[tilespmem:$0x7880] =	vst v63  }
0x159: {  	_ = 	snop  }
0x15a: {  	[tilespmem:s25], [sflag:$0x1] =	stream.indirect_vreg.gather [hbm4b:s3+s2], $0x80, v3, vm0, $0xb8;
	[tilespmem:$0x7880] =	vst v63  }
0x15b: {  	v3 =	vld [tilespmem:$0x60];
	_ =	sdelay $0x4  }
0x15c: {  	v62 =	vshll.u32 v3, $0x1  }
0x15d: {  	v3 =	vand.u32 $0x7, v3;
	v4 =	vand.u32 $0xFFFFFFF0, v62  }
0x15e: {  	v3 =	vor.u32 v3, v4  }
0x15f: {  	v4 =	vperm.xlane v3, v0;
	_ =	sdelay $0x1  }
0x160: {  	v3 =	vperm.xlane v3, v2;
	v4 =	vadd.s32 v1, v4;
	_ =	sdelay $0x1  }
0x161: {  	v3 =	vadd.s32 v1, v3;
	_ =	sdelay $0x2  }
0x162: {  	[tilespmem:s26], [sflag:$0x1] =	stream.indirect_vreg.gather [hbm4b:s3+s2], $0x80, v4, vm0, $0xb8;
	[tilespmem:$0x7880] =	vst v63  }
0x163: {  	_ = 	snop  }
0x164: {  	[tilespmem:s28], [sflag:$0x1] =	stream.indirect_vreg.gather [hbm4b:s3+s2], $0x80, v3, vm0, $0xb8;
	[tilespmem:$0x7880] =	vst v63  }
0x165: {  	v3 =	vld.msk [tilespmem:$0x70], $0xff;
	_ =	sdelay $0x4  }
0x166: {  	v63 =	vshll.u32 v3, $0x1  }
0x167: {  	v3 =	vand.u32 $0x7, v3;
	v4 =	vand.u32 $0xFFFFFFF0, v63  }
0x168: {  	v3 =	vor.u32 v3, v4  }
0x169: {  	v3 =	vperm.xlane v3, v0;
	_ =	sdelay $0x1  }
0x16a: {  	v3 =	vadd.s32 v1, v3;
	_ =	sdelay $0x4  }
0x16b: {  	[tilespmem:s29], [sflag:$0x1] =	stream.indirect_vreg.gather [hbm4b:s3+s2], $0x80, v3, vm0, $0xb8;
	[tilespmem:$0x7880] =	vst v63  }
0x16c: {  	_ =	swait.ge [sflag:s13], $0x7800  }
0x16d: {  	p0 =	sne.s32 s12, $0x1;
	[sflag:s13] =	ssyncset.done $0x0  }
.Ltmp0:
0x16e: {  	[sflag:s13] =	ssyncadd.s32 $0xFFFF8800;
	(pc) =	sbr.rel @p0 .LBB2_1-.Ltmp0, $4  }
0x16f: {  	[hbm4b:s11+s2] =	stream.linear.scatter [tilespmem:s14], [sflag:$0x1], $0x7800, $0x38;
	[tilespmem:$0x7880] =	vst v63  }
0x170: {  	_ =	swait.ge [sflag:s13], $0x7800  }
0x171: {  	[sflag:s13] =	ssyncset.done $0x0  }
0x172: {  	s12 =	sadd.s32 $0xFFFFFFFF, s12;
	[sflag:s13] =	ssyncadd.s32 $0xFFFF8800  }
0x173: {  	_ =	sfence.sel $0x180000  }
0x174: {  	[bflag:$0x0] =	sbarrier.arrive $0xFFFF  }
0x175: {  	p0 =	sne.s32 s1, $0x0;
	_ =	strace $0x9000004D  }
0x176: {  	s0 =	sadd.s32 @!p0 $0x100000, s0;
	[bflag:$0x2] =	sbarrier.arrive $0xFFFF  }
0x177: {  	[sflag:s0] =	ssyncadd.tile.s32 @!p0 $0x1;
	_ =	shalt  }
.Lfunc_end2:
_tile_overlayer_lowered:
.L_overlay_start_2:
0x178: {  	(tag) =	ssettag $0x2  }
0x179: {  	s0 =	rddreg [dreg:$0x0];
	s2 =	stileid.u32  }
0x17a: {  	s1 =	rddreg [dreg:$0x1];
	p0 =	sne.s32 s2, $0x0  }
0x17b: {  	s3 =	rddreg [dreg:$0x2];
	[bflag:$0x3] =	sbarrier.arrive $0xFFFF;
	s2 =	simm.s32 @!p0 $0x1C01  }
0x17c: {  	[timem:s3], [sflag:s2] =	dma.local @!p0 [hbm:s0], s1  }
0x17d: {  	s0 =	simm.s32 @!p0 $0x1  }
0x17e: {  	_ =	swait.ge @!p0 [sflag:s0], s1  }
0x17f: {  	s1 =	ssub.s32 @!p0 $0x0, s1;
	[sflag:s0] =	ssyncset.done @!p0 $0x0  }
0x180: {  	[sflag:s0] =	ssyncadd.s32 @!p0 s1  }
0x181: {  	[bflag:$0x3] =	sbarrier.arrive $0xFFFF  }
0x182: {  	_ =	shalt  }

// kernel: kernel.9.cloned.1.call-start
scs
__scs_entry_jumppad:
0x0: {  	(pc) =	sbr.rel $0x88, $3  }
0x1: {  	(tag) =	ssettag $0x0;
	lr =	simm.s32 $0x1  }
0x2: {  	[smem:$0x3F96] =	sst lr;
	_ =	strace $0xD0000000  }
0x3: {  	_ = 	snop  }
0x4: {  	_ = 	snop  }
0x5: {  	_ = 	snop  }
0x6: {  	_ = 	snop  }
0x7: {  	_ = 	snop  }
__scs_overlays_trampoline_lowered:
0x8: {  	[smem:$0x3FA5] =	sst s0  }
0x9: {  	[smem:$0x3FA6] =	sst s1  }
0xa: {  	[smem:$0x3FA7] =	sst s2  }
0xb: {  	[smem:$0x3FA8] =	sst s3  }
0xc: {  	[smem:$0x3FA9] =	sst s4  }
0xd: {  	[smem:$0x3FAA] =	sst s5  }
0xe: {  	[smem:$0x3FAB] =	sst s6  }
0xf: {  	[smem:$0x3FAC] =	sst s7  }
0x10: {  	[smem:$0x3FAD] =	sst s8  }
0x11: {  	[smem:$0x3FAE] =	sst s9;
	s0 =	simm.s32 @!p0 $0x0  }
0x12: {  	s1 =	sld [smem:$0x3F94];
	s0 =	simm.s32 @p0 $0x1  }
0x13: {  	[smem:$0x3FAF] =	sst s0;
	s0 =	simm.s32 @!p1 $0x0  }
0x14: {  	s2 =	sld [smem:$0x3F93];
	s0 =	simm.s32 @p1 $0x1  }
0x15: {  	[smem:$0x3FB0] =	sst s0;
	s0 =	simm.s32 @!p2 $0x0  }
0x16: {  	s3 =	sld [smem:$0x3FDB];
	s0 =	simm.s32 @p2 $0x1  }
0x17: {  	s4 =	simm.s32 $0x1BF5;
	[smem:$0x3FB2] =	sst s0  }
0x18: {  	s0 =	sld [smem:$0x3F95];
	_ =	swait.ge [sflag:s4], $0x0  }
0x19: {  	s7 =	sld [smem:$0x3F96]  }
0x1a: {  	s8 =	sadd.s32 $0xFFFFE003, lr  }
0x1b: {  	s9 =	sadd.s32 $0xFFFFFEF7, lr;
	s5 =	simm.s32 $0xFFFFFFFF;
	p2 =	slt.u32 s8, $0xFFFFF086  }
0x1c: {  	p1 =	slt.u32 s9, $0xF7A;
	s5 =	simm.s32 @!p2 $0x0  }
0x1d: {  	s5 =	simm.s32 @p1 $0x1;
	p0 =	seq.s32 s7, s2  }
0x1e: {  	s7 =	smul.u32 @!p0 $0xF7A, s2;
	p2 =	seq.s32 @!p0 s5, $0x0  }
0x1f: {  	s9 =	smul.u32 $0xF7A, s1;
	s8 =	simm.s32 @!p0 $0x1BF5;
	p2 =	por !p2, p0  }
0x20: {  	[sflag:s8] =	ssyncset.s32 @!p0 $0xFFFFF086;
	s6 =	sadd.s32 @!p0 s3, s7;
	s7 =	simm.s32 @!p0 $0x108  }
0x21: {  	s3 =	sadd.s32 s3, s9;
	s6 =	sadd.s32 @!p0 $0x88, s6;
	s7 =	simm.s32 @p2 $0x1082  }
0x22: {  	[simem:s7], [sflag:s8] =	dma.local @!p0 [hbm:s6], $0xF7A  }
0x23: {  	s9 =	sor.u32 $0xD0000000, s2;
	s6 =	simm.s32 $0x108;
	_ =	swait.ge @!p0 [sflag:s8], $0x0  }
0x24: {  	s3 =	sadd.s32 $0x88, s3;
	s6 =	simm.s32 @!p1 $0x1082;
	[sflag:s4] =	ssyncset.s32 $0xFFFFF086  }
0x25: {  	[simem:s6], [sflag:s4] =	dma.local [hbm:s3], $0xF7A  }
0x26: {  	[smem:$0x3F96] =	sst s1;
	(tag) =	ssettag s2;
	_ =	strace s9  }
0x27: {  	s1 =	sld [smem:$0x3FA6]  }
0x28: {  	s2 =	sld [smem:$0x3FA7]  }
0x29: {  	s4 =	sld [smem:$0x3FA9]  }
0x2a: {  	p0 =	seq.s32 s5, $0x0;
	s5 =	sld [smem:$0x3FAA]  }
0x2b: {  	s6 =	sld [smem:$0x3FAB]  }
0x2c: {  	s7 =	sld [smem:$0x3FAC]  }
0x2d: {  	s3 =	simm.s32 $0x108;
	s8 =	sld [smem:$0x3FAD]  }
0x2e: {  	s3 =	simm.s32 @!p0 $0x1082;
	s9 =	sld [smem:$0x3FAE]  }
0x2f: {  	lr =	sadd.s32 s0, s3;
	s0 =	sld [smem:$0x3FA5]  }
0x30: {  	s3 =	sld [smem:$0x3FA8]  }
0x31: {  	[smem:$0x3FB1] =	sst s10  }
0x32: {  	s10 =	sld [smem:$0x3FAF];
	_ =	sdelay $0x3  }
0x33: {  	p0 =	seq.s32 s10, $0x1;
	s10 =	sld [smem:$0x3FB1];
	_ =	sdelay $0x3  }
0x34: {  	[smem:$0x3FB1] =	sst s10  }
0x35: {  	s10 =	sld [smem:$0x3FB0];
	_ =	sdelay $0x3  }
0x36: {  	p1 =	seq.s32 s10, $0x1;
	s10 =	sld [smem:$0x3FB1];
	_ =	sdelay $0x3  }
0x37: {  	[smem:$0x3FB1] =	sst s10  }
0x38: {  	s10 =	sld [smem:$0x3FB2]  }
0x39: {  	_ = 	snop;
	(pc) =	sbr.ind lr, $3  }
0x3a: {  	_ = 	snop  }
0x3b: {  	_ = 	snop  }
0x3c: {  	p2 =	seq.s32 s10, $0x1;
	s10 =	sld [smem:$0x3FB1]  }
0x3d: {  	_ =	shalt  }
0x3e: {  	_ =	shalt  }
0x3f: {  	_ =	shalt  }
0x40: {  	_ =	shalt  }
0x41: {  	_ =	shalt  }
0x42: {  	_ =	shalt  }
0x43: {  	_ =	shalt  }
0x44: {  	_ =	shalt  }
0x45: {  	_ =	shalt  }
0x46: {  	_ =	shalt  }
0x47: {  	_ =	shalt  }
0x48: {  	_ =	shalt  }
0x49: {  	_ =	shalt  }
0x4a: {  	_ =	shalt  }
0x4b: {  	_ =	shalt  }
0x4c: {  	_ =	shalt  }
0x4d: {  	_ =	shalt  }
0x4e: {  	_ =	shalt  }
0x4f: {  	_ =	shalt  }
0x50: {  	_ =	shalt  }
0x51: {  	_ =	shalt  }
0x52: {  	_ =	shalt  }
0x53: {  	_ =	shalt  }
0x54: {  	_ =	shalt  }
0x55: {  	_ =	shalt  }
0x56: {  	_ =	shalt  }
0x57: {  	_ =	shalt  }
0x58: {  	_ =	shalt  }
0x59: {  	_ =	shalt  }
0x5a: {  	_ =	shalt  }
0x5b: {  	_ =	shalt  }
0x5c: {  	_ =	shalt  }
0x5d: {  	_ =	shalt  }
0x5e: {  	_ =	shalt  }
0x5f: {  	_ =	shalt  }
0x60: {  	_ =	shalt  }
0x61: {  	_ =	shalt  }
0x62: {  	_ =	shalt  }
0x63: {  	_ =	shalt  }
0x64: {  	_ =	shalt  }
0x65: {  	_ =	shalt  }
0x66: {  	_ =	shalt  }
0x67: {  	_ =	shalt  }
0x68: {  	_ =	shalt  }
0x69: {  	_ =	shalt  }
0x6a: {  	_ =	shalt  }
0x6b: {  	_ =	shalt  }
0x6c: {  	_ =	shalt  }
0x6d: {  	_ =	shalt  }
0x6e: {  	_ =	shalt  }
0x6f: {  	_ =	shalt  }
0x70: {  	_ =	shalt  }
0x71: {  	_ =	shalt  }
0x72: {  	_ =	shalt  }
0x73: {  	_ =	shalt  }
0x74: {  	_ =	shalt  }
0x75: {  	_ =	shalt  }
0x76: {  	_ =	shalt  }
0x77: {  	_ =	shalt  }
0x78: {  	_ =	shalt  }
0x79: {  	_ =	shalt  }
0x7a: {  	_ =	shalt  }
0x7b: {  	_ =	shalt  }
0x7c: {  	_ =	shalt  }
0x7d: {  	_ =	shalt  }
0x7e: {  	_ =	shalt  }
0x7f: {  	_ =	shalt  }
0x80: {  	_ =	shalt  }
0x81: {  	_ =	shalt  }
0x82: {  	_ =	shalt  }
0x83: {  	_ =	shalt  }
0x84: {  	_ =	shalt  }
0x85: {  	_ =	shalt  }
0x86: {  	_ =	shalt  }
0x87: {  	_ =	shalt  }
.Lfunc_end0:
.L_simem_size_0:
called_computation_lowered:
.L_overlay_start_0:
0x88: {  	s2 =	sld [smem:$0x3FD9]  }
0x89: {  	s3 =	sld [smem:$0x3FFE];
	_ =	sdelay $0x1  }
0x8a: {  	s1 =	srdreg.scid  }
0x8b: {  	s0 =	sand.u32 $0x1, s1  }
0x8c: {  	s16 =	sshll.u32 s0, $0xA;
	s2 =	sadd.s32 s3, s2  }
0x8d: {  	s2 =	sadd.s32 s2, s16  }
0x8e: {  	[smem:$0x3FBD] =	sst s2  }
0x8f: {  	_ = 	snop  }
0x90: {  	(tm) =	ssettm $0x1  }
0x91: {  	s17 =	sld [smem:$0x3FFB];
	_ =	sdelay $0x3  }
0x92: {  	_ =	strace s17  }
0x93: {  	s2 =	sld [smem:$0x3FFC];
	_ =	sdelay $0x3  }
0x94: {  	_ =	strace s2  }
0x95: {  	s2 =	sld [smem:$0x3FFD];
	_ =	sdelay $0x3  }
0x96: {  	_ =	strace s2  }
0x97: {  	_ =	strace $0x8FFFFFFF  }
0x98: {  	s18 =	sld [smem:$0x3FDB];
	_ =	sdelay $0x1  }
0x99: {  	s19 =	simm.s32 $_scs_section_size  }
0x9a: {  	s4 =	simm.s32 $_size__tile_overlayer_lowered;
	s5 =	simm.s32 $_tile_overlayer_lowered  }
0x9b: {  	s22 =	simm.s32 $0x1BFF;
	s21 =	sshll.u32 s5, $0x1;
	s2 =	sadd.s32 s19, s18  }
0x9c: {  	s6 =	simm.s32 $0x0;
	s20 =	sshll.u32 s4, $0x1;
	s4 =	sadd.s32 s21, s2  }
0x9d: {  	[timem:s6], [sflag:s22] =	dma.local [hbm:s4], s20  }
0x9e: {  	_ =	swait.ge [sflag:s22], s20  }
0x9f: {  	s3 =	ssub.s32 $0x0, s20;
	[sflag:s22] =	ssyncset.done $0x0  }
0xa0: {  	[sflag:s22] =	ssyncadd.s32 s3;
	_ =	sdelay $0x1  }
0xa1: {  	s23 =	simm.s32 $0x1B8B  }
0xa2: {  	_ =	swait.ge [sflag:s23], $0x1  }
0xa3: {  	[sflag:s23] =	ssyncset.done $0x0  }
0xa4: {  	s25 =	simm.s32 $0x1B8E;
	s24 =	sld [smem:$0x3FFE];
	[sflag:s23] =	ssyncadd.s32 $0xFFFFFFFF  }
0xa5: {  	s26 =	simm.s32 $execute0_lowered;
	[smem:$0x3FD2] =	sst s25  }
0xa6: {  	s4 =	sshll.u32 s26, $0x1;
	_ =	strace $0x80000046;
	[dreg:$0x1] =	wrdreg $0xFFFFFFFF  }
0xa7: {  	s28 =	simm.s32 $_size_execute0_lowered;
	s2 =	sadd.s32 s2, s4;
	[dreg:$0x0] =	wrdreg $0x0  }
0xa8: {  	s4 =	sshll.u32 s28, $0x1;
	[dreg:$0x2] =	wrdreg s2  }
0xa9: {  	[dreg:$0x3] =	wrdreg s4  }
0xaa: {  	[dreg:$0x4] =	wrdreg $0xC0  }
0xab: {  	_ =	task [dreg:s6], $0x5FFFF  }
0xac: {  	[dreg:$0x1] =	wrdreg $0xFFFFFFFF  }
0xad: {  	[dreg:$0x0] =	wrdreg $0x60  }
0xae: {  	[dreg:$0x2] =	wrdreg s24  }
0xaf: {  	[dreg:$0x3] =	wrdreg $0x85800  }
0xb0: {  	[dreg:$0x4] =	wrdreg $0x1C5800  }
0xb1: {  	[dreg:$0x5] =	wrdreg $0x9  }
0xb2: {  	_ =	task.clear_ibuf [dreg:s6], $0x6FFFF;
	_ =	strace $0x90000046  }
0xb3: {  	s29 =	simm.s32 $0x9;
	_ =	strace $0x80000048  }
0xb4: {  	_ =	swait.ge [sflag:s29], $0x1  }
0xb5: {  	[sflag:s29] =	ssyncadd.s32 $0xFFFFFFFF  }
0xb6: {  	_ =	strace $0x90000048  }
0xb7: {  	_ =	sfence  }
0xb8: {  	s30 =	sld [smem:$0x0];
	_ =	sdelay $0x2  }
0xb9: {  	s31 =	sshll.u32 s1, $0xD;
	s1 =	sshrl.u32 s1, $0x2  }
0xba: {  	s3 =	sand.u32 $0x4000, s31;
	s1 =	sadd.s32 s1, s30  }
0xbb: {  	s0 =	sor.u32 s3, s0;
	s1 =	sshll.u32 s1, $0x11  }
0xbc: {  	s0 =	sor.u32 s1, s0  }
0xbd: {  	s0 =	sadd.s32 $0x8F2B, s0  }
0xbe: {  	[sflag:s0] =	ssyncadd.remote.s32 $0x1  }
0xbf: {  	_ =	sfence.sel $0xFFFF  }
0xc0: {  	[dreg:$0x0] =	wrdreg $0xFFFFFFFF;
	(pc) =	sbr.abs _section_cstart, $3  }
0xc1: {  	[dreg:$0x1] =	wrdreg $0xFFFFFFFF  }
0xc2: {  	_ =	task.clear_ibuf [dreg:s6], $0x2FFFF;
	_ =	strace $0x9FFFFFFF  }
0xc3: {  	(tm) =	ssettm $0x7FFFFFFF  }
tec
execute0_lowered:
.L_overlay_start_1:
0x0: {  	(tag) =	ssettag $0x1  }
0x1: {  	s0 =	rddreg [dreg:$0x0]  }
0x2: {  	s1 =	rddreg [dreg:$0x1]  }
0x3: {  	s2 =	rddreg [dreg:$0x2]  }
0x4: {  	s3 =	simm.s32 $0x0;
	s21 =	srdreg.scid;
	s16 =	stileid.u32  }
0x5: {  	s29 =	simm.s32 $0x1980;
	s30 =	simm.s32 $0x100;
	s19 =	simm.s32 $0x2  }
0x6: {  	s20 =	simm.s32 $0x7D80;
	[smem:$0x7FF] =	sst s3;
	s5 =	sadd.s32 $0x4400, s0  }
0x7: {  	s3 =	sand.u32 $0x1, s21;
	s4 =	smul.u32 $0x14000, s16;
	s6 =	sadd.s32 $0x31400, s0  }
0x8: {  	s7 =	sadd.s32 $0x2C400, s0;
	s8 =	sadd.s32 $0x40C00, s0;
	s11 =	smul.u32 $0x2800, s16  }
0x9: {  	s9 =	sadd.s32 $0x36400, s0;
	s12 =	sadd.s32 $0x4B400, s0;
	s14 =	smul.u32 $0x2A00, s16  }
0xa: {  	s13 =	sadd.s32 $0x4DC00, s0;
	s25 =	sshll.u32 s16, $0x6;
	s10 =	smul.u32 $0x140000, s3  }
0xb: {  	_ =	strace $0x80000047;
	[dreg:$0x4] =	wrdreg s12;
	s22 =	smul.u32 $0x28000, s3  }
0xc: {  	s21 =	simm.s32 $0x3;
	[dreg:$0x5] =	wrdreg s13;
	s23 =	smul.u32 $0x2A000, s3  }
0xd: {  	s3 =	ssub.s32 $0x2, s3;
	s13 =	sor.u32 $0x1C07, s25;
	s25 =	simm.s32 $0x40  }
0xe: {  	s15 =	sshrl.u32 s3, $0x1;
	[dreg:$0x6] =	wrdreg s13;
	s10 =	sadd.s32 s4, s10  }
0xf: {  	s12 =	sadd.s32 s11, s22;
	s3 =	ssub.s32 s3, s15;
	s24 =	sadd.s32 s14, s23  }
0x10: {  	s4 =	sadd.s32 s4, s1;
	s11 =	sadd.s32 s11, s2;
	s23 =	simm.s32 $0x7  }
0x11: {  	s15 =	simm.s32 $0x5980;
	s22 =	simm.s32 $0x0;
	s10 =	sshrl.u32 s10, $0x3  }
0x12: {  	s12 =	sshrl.u32 s12, $0x3;
	s14 =	sshrl.u32 s24, $0x3;
	[dreg:$0x7] =	wrdreg s11  }
0x13: {  	s16 =	sor.u32 $0x40, s24;
	s17 =	sor.u32 $0x80, s24;
	s18 =	sor.u32 $0xC0, s24  }
0x14: {  	s31 =	smax.u32 s3, $0x1;
	s24 =	simm.s32 $0xC0;
	s3 =	simm.s32 $0x3980  }
0x15: {  	s11 =	simm.s32 $0x140;
	s26 =	sadd.s32 s8, s14;
	[dreg:$0xc] =	wrdreg s31  }
0x16: {  	s10 =	sadd.s32 s10, s0;
	s28 =	sadd.s32 s9, s14;
	[dreg:$0x8] =	wrdreg s26  }
0x17: {  	s0 =	sadd.s32 s12, s0;
	s12 =	sshrl.u32 s4, $0x3;
	[dreg:$0x9] =	wrdreg s28  }
0x18: {  	s14 =	simm.s32 $0x1580;
	s10 =	sadd.s32 $0x58200, s10;
	[dreg:$0xd] =	wrdreg s12  }
0x19: {  	s4 =	simm.s32 $0x8180;
	s0 =	sadd.s32 $0x4E200, s0;
	[dreg:$0xa] =	wrdreg s10  }
0x1a: {  	s26 =	simm.s32 $0x1;
	[dreg:$0xb] =	wrdreg s0;
	s10 =	simm.s32 $0x80  }
.LBB2_1:
0x1b: {  	[dreg:$0xe] =	wrdreg s22  }
0x1c: {  	s0 =	rddreg [dreg:$0x4]  }
0x1d: {  	[spmem:s12], [sflag:s13] =	dma.local [hbm:s0], $0x2800  }
0x1e: {  	_ =	swait.ge [sflag:s23], $0x2800  }
0x1f: {  	s22 =	rddreg [dreg:$0x7]  }
0x20: {  	[sflag:s23] =	ssyncset.done $0x0;
	s31 =	rddreg [dreg:$0x5];
	s28 =	sshrl.u32 s22, $0x3  }
0x21: {  	[sflag:s23] =	ssyncadd.s32 $0xFFFFD800;
	[dreg:$0xf] =	wrdreg s28  }
0x22: {  	[spmem:s28], [sflag:s13] =	dma.local [hbm:s31], $0x500  }
0x23: {  	_ =	swait.ge [sflag:s23], $0x500  }
0x24: {  	[sflag:s23] =	ssyncset.done $0x0  }
0x25: {  	[sflag:s23] =	ssyncadd.s32 $0xFFFFFB00  }
0x26: {  	[bflag:$0x0] =	sbarrier.arrive $0xFFFF  }
0x27: {  	s0 =	simm.s32 $0x0;
	s13 =	rddreg [dreg:$0x8]  }
0x28: {  	[tilespmem:s0], [sflag:$0x7] =	stream.linear.gather [hbm4b:s13+s0], $0x40, $0x38;
	[tilespmem:$0x1ED80] =	vst v63  }
0x29: {  	_ =	swait.ge [sflag:s23], $0x40  }
0x2a: {  	[sflag:s23] =	ssyncset.done $0x0  }
0x2b: {  	s22 =	rddreg [dreg:$0x9];
	[sflag:s23] =	ssyncadd.s32 $0xFFFFFFC0  }
0x2c: {  	[tilespmem:s24], [sflag:$0x7] =	stream.linear.gather [hbm4b:s22+s0], $0x40, $0x38;
	[tilespmem:$0x1ED80] =	vst v63  }
0x2d: {  	_ =	swait.ge [sflag:s23], $0x40  }
0x2e: {  	[sflag:s23] =	ssyncset.done $0x0  }
0x2f: {  	s28 =	simm.s32 $0x180;
	[sflag:s23] =	ssyncadd.s32 $0xFFFFFFC0  }
0x30: {  	[tilespmem:s28], [sflag:$0x1] =	stream.indirect.gather [hbm4b:s6+s25], $0x10, s0, s25, $0xb8;
	[tilespmem:$0x1ED80] =	vst v63  }
0x31: {  	s31 =	simm.s32 $0xD80  }
0x32: {  	[tilespmem:s31], [sflag:$0x1] =	stream.indirect.gather [hbm4b:s7+s25], $0x10, s24, s25, $0xb8;
	[tilespmem:$0x1ED80] =	vst v63  }
0x33: {  	s12 =	simm.s32 $0x0  }
0x34: {  	[tilespmem:s29], [sflag:$0x1] =	stream.indirect.gather [hbm4b:s5+s25], $0x80, s0, s25, $0xb8;
	[tilespmem:$0x1ED80] =	vst v63  }
.LBB2_2:
0x35: {  	p0 =	seq.s32 s12, $0x0  }
0x36: {  	s0 =	simm.s32 @!p0 $0x5  }
0x37: {  	_ =	swait.ge @!p0 [sflag:s0], $0x400  }
0x38: {  	s22 =	smul.u32 $0xC0, s12;
	[sflag:s0] =	ssyncset.done @!p0 $0x0  }
0x39: {  	[sflag:s0] =	ssyncadd.s32 @!p0 $0xFFFFFC00  }
0x3a: {  	s28 =	sadd.s32 s22, s16;
	_ =	swait.ge @!p0 [sflag:s0], $0x2000  }
0x3b: {  	s28 =	sshrl.u32 s28, $0x3;
	[sflag:s0] =	ssyncset.done @!p0 $0x0  }
0x3c: {  	s31 =	simm.s32 $0x0;
	s13 =	sadd.s32 s8, s28;
	[sflag:s0] =	ssyncadd.s32 @!p0 $0xFFFFE000  }
0x3d: {  	[tilespmem:s25], [sflag:$0x7] =	stream.linear.gather [hbm4b:s13+s31], $0x40, $0x38;
	[tilespmem:$0x1ED80] =	vst v63  }
0x3e: {  	_ =	swait.ge [sflag:s23], $0x40  }
0x3f: {  	[sflag:s23] =	ssyncset.done $0x0  }
0x40: {  	s13 =	sadd.s32 s9, s28;
	[sflag:s23] =	ssyncadd.s32 $0xFFFFFFC0  }
0x41: {  	[tilespmem:s30], [sflag:$0x7] =	stream.linear.gather [hbm4b:s13+s31], $0x40, $0x38;
	[tilespmem:$0x1ED80] =	vst v63  }
0x42: {  	_ =	swait.ge [sflag:s23], $0x40  }
0x43: {  	[sflag:s23] =	ssyncset.done $0x0  }
0x44: {  	s13 =	simm.s32 $0x580;
	[sflag:s23] =	ssyncadd.s32 $0xFFFFFFC0  }
0x45: {  	[tilespmem:s13], [sflag:$0x2] =	stream.indirect.gather [hbm4b:s6+s25], $0x10, s25, s25, $0xb8;
	[tilespmem:$0x1ED80] =	vst v63  }
0x46: {  	s13 =	simm.s32 $0x1180  }
0x47: {  	[tilespmem:s13], [sflag:$0x2] =	stream.indirect.gather [hbm4b:s7+s25], $0x10, s30, s25, $0xb8;
	[tilespmem:$0x1ED80] =	vst v63  }
0x48: {  	_ = 	snop  }
0x49: {  	[tilespmem:s3], [sflag:$0x2] =	stream.indirect.gather [hbm4b:s5+s25], $0x80, s25, s25, $0xb8;
	[tilespmem:$0x1ED80] =	vst v63  }
0x4a: {  	_ =	swait.ge [sflag:s26], $0x400  }
0x4b: {  	[sflag:s26] =	ssyncset.done $0x0  }
0x4c: {  	[sflag:s26] =	ssyncadd.s32 $0xFFFFFC00  }
0x4d: {  	_ =	swait.ge [sflag:s26], $0x400  }
0x4e: {  	[sflag:s26] =	ssyncset.done $0x0  }
0x4f: {  	[sflag:s26] =	ssyncadd.s32 $0xFFFFFC00  }
0x50: {  	_ =	swait.ge [sflag:s26], $0x2000  }
0x51: {  	[sflag:s26] =	ssyncset.done $0x0  }
0x52: {  	s13 =	simm.s32 $0x0;
	[sflag:s26] =	ssyncadd.s32 $0xFFFFE000  }
0x53: {  	v0 =	vld [tilespmem:s13+$0x180]  }
0x54: {  	v1 =	vld [tilespmem:s13+$0xD80];
	_ =	sdelay $0x4  }
0x55: {  	v0 =	vadd.f32 v1, v0;
	_ =	sdelay $0x1  }
0x56: {  	v1 =	vmul.f32 $2.000000030e-01, v0;
	_ =	sdelay $0x1  }
0x57: {  	v0 =	vmax.f32 v0, v1  }
0x58: {  	v0 =	vmul.f32 $1.442695020e+00, v0;
	_ =	sdelay $0x1  }
0x59: {  	(erf) = vpow2.f32 v0;
	_ =	sdelay $0x8  }
0x5a: {  	v0 =	vpop (erf)  }
0x5b: {  	s31 =	simm.s32 $0x19C0;
	[tilespmem:s13+$0x7980] =	vst v0  }
0x5c: {  	v8 =	vld [tilespmem:s31+$0x30]  }
0x5d: {  	v6 =	vld [tilespmem:s31+$0xFFFFFFE0]  }
0x5e: {  	v5 =	vld [tilespmem:s31+$0x10]  }
0x5f: {  	v10 =	vbroadcast v0, $0x7;
	v3 =	vld [tilespmem:s31+$0x20]  }
0x60: {  	v1 =	vbroadcast v0, $0x6;
	v9 =	vbroadcast v0, $0x2;
	v4 =	vld [tilespmem:s31+$0xFFFFFFD0]  }
0x61: {  	s0 =	simm.s32 $0x40;
	s28 =	simm.s32 $0x19C0;
	v7 =	vbroadcast v0, $0x5;
	v2 =	vld [tilespmem:s31+$0x0];
	v8 =	vmul.f32 v8, v10  }
.LBB2_3:
0x62: {  	p1 =	sne.s32 s0, $0xFC0  }
0x63: {  	v6 =	vmul.f32 v9, v6;
	v9 =	vld [tilespmem:s31+$0xFFFFFFF0];
	s28 =	sadd.s32 $0x80, s28;
	s13 =	smov.u32 s0;
	s0 =	sadd.s32 $0x40, s0  }
0x64: {  	v11 =	vbroadcast v0, $0x1;
	v10 =	vld [tilespmem:s31+$0xFFFFFFC0];
	v5 =	vmul.f32 v5, v7;
	[tilespmem:s31+$0x30] =	vst v8  }
0x65: {  	[tilespmem:s31+$0xFFFFFFE0] =	vst v6;
	v6 =	vbroadcast v0, $0x4;
	v1 =	vmul.f32 v3, v1  }
0x66: {  	v3 =	vmul.f32 v11, v4;
	v4 =	vbroadcast v0, $0x3;
	[tilespmem:s31+$0x10] =	vst v5  }
0x67: {  	v0 =	vbroadcast v0, $0x0;
	v2 =	vmul.f32 v2, v6;
	[tilespmem:s31+$0x20] =	vst v1  }
0x68: {  	[tilespmem:s31+$0xFFFFFFD0] =	vst v3;
	v1 =	vmul.f32 v9, v4  }
0x69: {  	v0 =	vmul.f32 v0, v10;
	[tilespmem:s31+$0x0] =	vst v2  }
0x6a: {  	[tilespmem:s31+$0xFFFFFFF0] =	vst v1  }
0x6b: {  	s13 =	sshra.s32 s13, $0x2;
	[tilespmem:s31+$0xFFFFFFC0] =	vst v0;
	s31 =	smov.u32 s28  }
0x6c: {  	v0 =	vld [tilespmem:s13+$0x180]  }
0x6d: {  	v1 =	vld [tilespmem:s13+$0xD80];
	_ =	sdelay $0x4  }
0x6e: {  	v0 =	vadd.f32 v1, v0;
	_ =	sdelay $0x1  }
0x6f: {  	v1 =	vmul.f32 $2.000000030e-01, v0;
	_ =	sdelay $0x1  }
0x70: {  	v0 =	vmax.f32 v0, v1  }
0x71: {  	v0 =	vmul.f32 $1.442695020e+00, v0;
	_ =	sdelay $0x1  }
0x72: {  	(erf) = vpow2.f32 v0;
	_ =	sdelay $0x8  }
0x73: {  	v0 =	vpop (erf)  }
0x74: {  	[tilespmem:s13+$0x7980] =	vst v0;
	v1 =	vbroadcast v0, $0x6  }
0x75: {  	v8 =	vld [tilespmem:s28+$0x30]  }
.Ltmp0:
0x76: {  	v6 =	vld [tilespmem:s28+$0xFFFFFFE0];
	(pc) =	sbr.rel @p1 .LBB2_3-.Ltmp0, $4  }
0x77: {  	v10 =	vbroadcast v0, $0x7;
	v5 =	vld [tilespmem:s28+$0x10]  }
0x78: {  	v3 =	vld [tilespmem:s28+$0x20]  }
0x79: {  	v9 =	vbroadcast v0, $0x2;
	v4 =	vld [tilespmem:s28+$0xFFFFFFD0]  }
0x7a: {  	v7 =	vbroadcast v0, $0x5;
	v2 =	vld [tilespmem:s28+$0x0];
	v8 =	vmul.f32 v8, v10  }
0x7b: {  	v6 =	vmul.f32 v9, v6;
	v9 =	vld [tilespmem:s31+$0xFFFFFFF0]  }
0x7c: {  	v10 =	vld [tilespmem:s31+$0xFFFFFFC0];
	v11 =	vbroadcast v0, $0x1;
	v5 =	vmul.f32 v5, v7;
	[tilespmem:s31+$0x30] =	vst v8  }
0x7d: {  	[tilespmem:s31+$0xFFFFFFE0] =	vst v6;
	v6 =	vbroadcast v0, $0x4;
	v1 =	vmul.f32 v3, v1  }
0x7e: {  	v3 =	vmul.f32 v11, v4;
	v4 =	vbroadcast v0, $0x3;
	[tilespmem:s31+$0x10] =	vst v5  }
0x7f: {  	v0 =	vbroadcast v0, $0x0;
	v2 =	vmul.f32 v2, v6;
	[tilespmem:s31+$0x20] =	vst v1  }
0x80: {  	[tilespmem:s31+$0xFFFFFFD0] =	vst v3;
	v1 =	vmul.f32 v9, v4  }
0x81: {  	v0 =	vmul.f32 v0, v10;
	[tilespmem:s31+$0x0] =	vst v2  }
0x82: {  	[tilespmem:s31+$0xFFFFFFF0] =	vst v1  }
0x83: {  	s0 =	simm.s32 $0x7980;
	[tilespmem:s31+$0xFFFFFFC0] =	vst v0  }
0x84: {  	[spmem:s2] =	stream.indirect.scatter.add.f32 [tilespmem:s0], [sflag:$0x4], $0x10, s24, s25, $0xb8;
	[tilespmem:$0x1ED80] =	vst v63  }
0x85: {  	s0 =	simm.s32 @!p0 $0x6  }
0x86: {  	[spmem:s1] =	stream.indirect.scatter.add.f32 [tilespmem:s29], [sflag:$0x4], $0x80, s24, s25, $0xb8;
	[tilespmem:$0x1ED80] =	vst v63  }
0x87: {  	_ =	swait.ge @!p0 [sflag:s0], $0x400  }
0x88: {  	[sflag:s0] =	ssyncset.done @!p0 $0x0  }
0x89: {  	[sflag:s0] =	ssyncadd.s32 @!p0 $0xFFFFFC00  }
0x8a: {  	s13 =	sadd.s32 s22, s17;
	_ =	swait.ge @!p0 [sflag:s0], $0x2000  }
0x8b: {  	s13 =	sshrl.u32 s13, $0x3;
	[sflag:s0] =	ssyncset.done @!p0 $0x0  }
0x8c: {  	s28 =	simm.s32 $0x0;
	[sflag:s0] =	ssyncadd.s32 @!p0 $0xFFFFE000;
	s0 =	sadd.s32 s8, s13  }
0x8d: {  	[tilespmem:s10], [sflag:$0x7] =	stream.linear.gather [hbm4b:s0+s28], $0x40, $0x38;
	[tilespmem:$0x1ED80] =	vst v63  }
0x8e: {  	_ =	swait.ge [sflag:s23], $0x40  }
0x8f: {  	[sflag:s23] =	ssyncset.done $0x0  }
0x90: {  	s13 =	sadd.s32 s9, s13;
	[sflag:s23] =	ssyncadd.s32 $0xFFFFFFC0  }
0x91: {  	[tilespmem:s11], [sflag:$0x7] =	stream.linear.gather [hbm4b:s13+s28], $0x40, $0x38;
	[tilespmem:$0x1ED80] =	vst v63  }
0x92: {  	_ =	swait.ge [sflag:s23], $0x40  }
0x93: {  	[sflag:s23] =	ssyncset.done $0x0  }
0x94: {  	s13 =	simm.s32 $0x980;
	[sflag:s23] =	ssyncadd.s32 $0xFFFFFFC0  }
0x95: {  	[tilespmem:s13], [sflag:$0x3] =	stream.indirect.gather [hbm4b:s6+s25], $0x10, s10, s25, $0xb8;
	[tilespmem:$0x1ED80] =	vst v63  }
0x96: {  	_ = 	snop  }
0x97: {  	[tilespmem:s14], [sflag:$0x3] =	stream.indirect.gather [hbm4b:s7+s25], $0x10, s11, s25, $0xb8;
	[tilespmem:$0x1ED80] =	vst v63  }
0x98: {  	_ = 	snop  }
0x99: {  	[tilespmem:s15], [sflag:$0x3] =	stream.indirect.gather [hbm4b:s5+s25], $0x80, s10, s25, $0xb8;
	[tilespmem:$0x1ED80] =	vst v63  }
0x9a: {  	_ =	swait.ge [sflag:s19], $0x400  }
0x9b: {  	[sflag:s19] =	ssyncset.done $0x0  }
0x9c: {  	[sflag:s19] =	ssyncadd.s32 $0xFFFFFC00  }
0x9d: {  	_ =	swait.ge [sflag:s19], $0x400  }
0x9e: {  	[sflag:s19] =	ssyncset.done $0x0  }
0x9f: {  	[sflag:s19] =	ssyncadd.s32 $0xFFFFFC00  }
0xa0: {  	_ =	swait.ge [sflag:s19], $0x2000  }
0xa1: {  	[sflag:s19] =	ssyncset.done $0x0  }
0xa2: {  	s13 =	simm.s32 $0x0;
	[sflag:s19] =	ssyncadd.s32 $0xFFFFE000  }
0xa3: {  	v0 =	vld [tilespmem:s13+$0x580]  }
0xa4: {  	v1 =	vld [tilespmem:s13+$0x1180];
	_ =	sdelay $0x4  }
0xa5: {  	v0 =	vadd.f32 v1, v0;
	_ =	sdelay $0x1  }
0xa6: {  	v1 =	vmul.f32 $2.000000030e-01, v0;
	_ =	sdelay $0x1  }
0xa7: {  	v0 =	vmax.f32 v0, v1  }
0xa8: {  	v0 =	vmul.f32 $1.442695020e+00, v0;
	_ =	sdelay $0x1  }
0xa9: {  	(erf) = vpow2.f32 v0;
	_ =	sdelay $0x8  }
0xaa: {  	v0 =	vpop (erf)  }
0xab: {  	s31 =	simm.s32 $0x39C0;
	[tilespmem:s13+$0x7D80] =	vst v0  }
0xac: {  	v8 =	vld [tilespmem:s31+$0x30]  }
0xad: {  	v6 =	vld [tilespmem:s31+$0xFFFFFFE0]  }
0xae: {  	v5 =	vld [tilespmem:s31+$0x10]  }
0xaf: {  	v10 =	vbroadcast v0, $0x7;
	v3 =	vld [tilespmem:s31+$0x20]  }
0xb0: {  	v1 =	vbroadcast v0, $0x6;
	v9 =	vbroadcast v0, $0x2;
	v4 =	vld [tilespmem:s31+$0xFFFFFFD0]  }
0xb1: {  	s0 =	simm.s32 $0x40;
	s28 =	simm.s32 $0x39C0;
	v7 =	vbroadcast v0, $0x5;
	v2 =	vld [tilespmem:s31+$0x0];
	v8 =	vmul.f32 v8, v10  }
.LBB2_5:
0xb2: {  	p0 =	sne.s32 s0, $0xFC0  }
0xb3: {  	v6 =	vmul.f32 v9, v6;
	v9 =	vld [tilespmem:s31+$0xFFFFFFF0];
	s28 =	sadd.s32 $0x80, s28;
	s13 =	smov.u32 s0;
	s0 =	sadd.s32 $0x40, s0  }
0xb4: {  	v11 =	vbroadcast v0, $0x1;
	v10 =	vld [tilespmem:s31+$0xFFFFFFC0];
	v5 =	vmul.f32 v5, v7;
	[tilespmem:s31+$0x30] =	vst v8  }
0xb5: {  	[tilespmem:s31+$0xFFFFFFE0] =	vst v6;
	v6 =	vbroadcast v0, $0x4;
	v1 =	vmul.f32 v3, v1  }
0xb6: {  	v3 =	vmul.f32 v11, v4;
	v4 =	vbroadcast v0, $0x3;
	[tilespmem:s31+$0x10] =	vst v5  }
0xb7: {  	v0 =	vbroadcast v0, $0x0;
	v2 =	vmul.f32 v2, v6;
	[tilespmem:s31+$0x20] =	vst v1  }
0xb8: {  	[tilespmem:s31+$0xFFFFFFD0] =	vst v3;
	v1 =	vmul.f32 v9, v4  }
0xb9: {  	v0 =	vmul.f32 v0, v10;
	[tilespmem:s31+$0x0] =	vst v2  }
0xba: {  	[tilespmem:s31+$0xFFFFFFF0] =	vst v1  }
0xbb: {  	s13 =	sshra.s32 s13, $0x2;
	[tilespmem:s31+$0xFFFFFFC0] =	vst v0;
	s31 =	smov.u32 s28  }
0xbc: {  	v0 =	vld [tilespmem:s13+$0x580]  }
0xbd: {  	v1 =	vld [tilespmem:s13+$0x1180];
	_ =	sdelay $0x4  }
0xbe: {  	v0 =	vadd.f32 v1, v0;
	_ =	sdelay $0x1  }
0xbf: {  	v1 =	vmul.f32 $2.000000030e-01, v0;
	_ =	sdelay $0x1  }
0xc0: {  	v0 =	vmax.f32 v0, v1  }
0xc1: {  	v0 =	vmul.f32 $1.442695020e+00, v0;
	_ =	sdelay $0x1  }
0xc2: {  	(erf) = vpow2.f32 v0;
	_ =	sdelay $0x8  }
0xc3: {  	v0 =	vpop (erf)  }
0xc4: {  	[tilespmem:s13+$0x7D80] =	vst v0;
	v1 =	vbroadcast v0, $0x6  }
0xc5: {  	v8 =	vld [tilespmem:s28+$0x30]  }
.Ltmp1:
0xc6: {  	v6 =	vld [tilespmem:s28+$0xFFFFFFE0];
	(pc) =	sbr.rel @p0 .LBB2_5-.Ltmp1, $4  }
0xc7: {  	v10 =	vbroadcast v0, $0x7;
	v5 =	vld [tilespmem:s28+$0x10]  }
0xc8: {  	v3 =	vld [tilespmem:s28+$0x20]  }
0xc9: {  	v9 =	vbroadcast v0, $0x2;
	v4 =	vld [tilespmem:s28+$0xFFFFFFD0]  }
0xca: {  	v7 =	vbroadcast v0, $0x5;
	v2 =	vld [tilespmem:s28+$0x0];
	v8 =	vmul.f32 v8, v10  }
0xcb: {  	v6 =	vmul.f32 v9, v6;
	v9 =	vld [tilespmem:s31+$0xFFFFFFF0]  }
0xcc: {  	v10 =	vld [tilespmem:s31+$0xFFFFFFC0];
	v11 =	vbroadcast v0, $0x1;
	v5 =	vmul.f32 v5, v7;
	[tilespmem:s31+$0x30] =	vst v8  }
0xcd: {  	[tilespmem:s31+$0xFFFFFFE0] =	vst v6;
	v6 =	vbroadcast v0, $0x4;
	v1 =	vmul.f32 v3, v1  }
0xce: {  	v3 =	vmul.f32 v11, v4;
	v4 =	vbroadcast v0, $0x3;
	[tilespmem:s31+$0x10] =	vst v5  }
0xcf: {  	v0 =	vbroadcast v0, $0x0;
	v2 =	vmul.f32 v2, v6;
	[tilespmem:s31+$0x20] =	vst v1  }
0xd0: {  	[tilespmem:s31+$0xFFFFFFD0] =	vst v3;
	v1 =	vmul.f32 v9, v4  }
0xd1: {  	v0 =	vmul.f32 v0, v10;
	[tilespmem:s31+$0x0] =	vst v2  }
0xd2: {  	[tilespmem:s31+$0xFFFFFFF0] =	vst v1  }
0xd3: {  	p0 =	seq.s32 s12, $0x37;
	[tilespmem:s31+$0xFFFFFFC0] =	vst v0  }
0xd4: {  	[spmem:s2] =	stream.indirect.scatter.add.f32 [tilespmem:s20], [sflag:$0x5], $0x10, s30, s25, $0xb8;
	[tilespmem:$0x1ED80] =	vst v63  }
0xd5: {  	s0 =	simm.s32 @!p0 $0x4  }
0xd6: {  	[spmem:s1] =	stream.indirect.scatter.add.f32 [tilespmem:s3], [sflag:$0x5], $0x80, s30, s25, $0xb8;
	[tilespmem:$0x1ED80] =	vst v63  }
0xd7: {  	_ =	swait.ge @!p0 [sflag:s0], $0x400  }
0xd8: {  	[sflag:s0] =	ssyncset.done @!p0 $0x0  }
0xd9: {  	[sflag:s0] =	ssyncadd.s32 @!p0 $0xFFFFFC00  }
0xda: {  	s13 =	sadd.s32 @!p0 s22, s18;
	_ =	swait.ge @!p0 [sflag:s0], $0x2000  }
0xdb: {  	s13 =	sshrl.u32 @!p0 s13, $0x3;
	[sflag:s0] =	ssyncset.done @!p0 $0x0  }
0xdc: {  	s22 =	simm.s32 @!p0 $0x0;
	[sflag:s0] =	ssyncadd.s32 @!p0 $0xFFFFE000;
	s0 =	sadd.s32 @!p0 s8, s13  }
0xdd: {  	[tilespmem:s22], [sflag:$0x7] =	stream.linear.gather @!p0 [hbm4b:s0+s22], $0x40, $0x38;
	[tilespmem:$0x1ED80] =	vst v63  }
0xde: {  	s0 =	simm.s32 @!p0 $0x7  }
0xdf: {  	_ =	swait.ge @!p0 [sflag:s0], $0x40  }
0xe0: {  	[sflag:s0] =	ssyncset.done @!p0 $0x0  }
0xe1: {  	s28 =	simm.s32 @!p0 $0xC0;
	s13 =	sadd.s32 @!p0 s9, s13;
	[sflag:s0] =	ssyncadd.s32 @!p0 $0xFFFFFFC0  }
0xe2: {  	[tilespmem:s28], [sflag:$0x7] =	stream.linear.gather @!p0 [hbm4b:s13+s22], $0x40, $0x38;
	[tilespmem:$0x1ED80] =	vst v63  }
0xe3: {  	_ =	swait.ge @!p0 [sflag:s0], $0x40  }
0xe4: {  	[sflag:s0] =	ssyncset.done @!p0 $0x0  }
0xe5: {  	s13 =	simm.s32 @!p0 $0x180;
	[sflag:s0] =	ssyncadd.s32 @!p0 $0xFFFFFFC0;
	s0 =	simm.s32 @!p0 $0x40  }
0xe6: {  	[tilespmem:s13], [sflag:$0x1] =	stream.indirect.gather @!p0 [hbm4b:s6+s0], $0x10, s22, s0, $0xb8;
	[tilespmem:$0x1ED80] =	vst v63  }
0xe7: {  	s13 =	simm.s32 @!p0 $0xD80  }
0xe8: {  	[tilespmem:s13], [sflag:$0x1] =	stream.indirect.gather @!p0 [hbm4b:s7+s0], $0x10, s28, s0, $0xb8;
	[tilespmem:$0x1ED80] =	vst v63  }
0xe9: {  	s13 =	simm.s32 @!p0 $0x1980  }
0xea: {  	[tilespmem:s13], [sflag:$0x1] =	stream.indirect.gather @!p0 [hbm4b:s5+s0], $0x80, s22, s0, $0xb8;
	[tilespmem:$0x1ED80] =	vst v63  }
0xeb: {  	_ =	swait.ge [sflag:s21], $0x400  }
0xec: {  	[sflag:s21] =	ssyncset.done $0x0  }
0xed: {  	[sflag:s21] =	ssyncadd.s32 $0xFFFFFC00  }
0xee: {  	_ =	swait.ge [sflag:s21], $0x400  }
0xef: {  	[sflag:s21] =	ssyncset.done $0x0  }
0xf0: {  	[sflag:s21] =	ssyncadd.s32 $0xFFFFFC00  }
0xf1: {  	_ =	swait.ge [sflag:s21], $0x2000  }
0xf2: {  	[sflag:s21] =	ssyncset.done $0x0  }
0xf3: {  	s31 =	simm.s32 $0x0;
	[sflag:s21] =	ssyncadd.s32 $0xFFFFE000  }
0xf4: {  	v0 =	vld [tilespmem:s31+$0x980]  }
0xf5: {  	v1 =	vld [tilespmem:s31+$0x1580];
	_ =	sdelay $0x4  }
0xf6: {  	v0 =	vadd.f32 v1, v0;
	_ =	sdelay $0x1  }
0xf7: {  	v1 =	vmul.f32 $2.000000030e-01, v0;
	_ =	sdelay $0x1  }
0xf8: {  	v0 =	vmax.f32 v0, v1  }
0xf9: {  	v0 =	vmul.f32 $1.442695020e+00, v0;
	_ =	sdelay $0x1  }
0xfa: {  	(erf) = vpow2.f32 v0;
	_ =	sdelay $0x8  }
0xfb: {  	v0 =	vpop (erf)  }
0xfc: {  	s22 =	simm.s32 $0x59C0;
	[tilespmem:s31+$0x8180] =	vst v0  }
0xfd: {  	v8 =	vld [tilespmem:s22+$0x30]  }
0xfe: {  	v6 =	vld [tilespmem:s22+$0xFFFFFFE0]  }
0xff: {  	v5 =	vld [tilespmem:s22+$0x10]  }
0x100: {  	v10 =	vbroadcast v0, $0x7;
	v3 =	vld [tilespmem:s22+$0x20]  }
0x101: {  	v1 =	vbroadcast v0, $0x6;
	v9 =	vbroadcast v0, $0x2;
	v4 =	vld [tilespmem:s22+$0xFFFFFFD0]  }
0x102: {  	s28 =	simm.s32 $0x59C0;
	s0 =	simm.s32 $0x40;
	v7 =	vbroadcast v0, $0x5;
	v2 =	vld [tilespmem:s22+$0x0];
	v8 =	vmul.f32 v8, v10  }
.LBB2_7:
0x103: {  	p0 =	sne.s32 s0, $0xFC0  }
0x104: {  	v6 =	vmul.f32 v9, v6;
	v9 =	vld [tilespmem:s22+$0xFFFFFFF0];
	s28 =	sadd.s32 $0x80, s28;
	s13 =	smov.u32 s0;
	s0 =	sadd.s32 $0x40, s0  }
0x105: {  	v11 =	vbroadcast v0, $0x1;
	v10 =	vld [tilespmem:s22+$0xFFFFFFC0];
	v5 =	vmul.f32 v5, v7;
	[tilespmem:s22+$0x30] =	vst v8  }
0x106: {  	[tilespmem:s22+$0xFFFFFFE0] =	vst v6;
	v6 =	vbroadcast v0, $0x4;
	v1 =	vmul.f32 v3, v1  }
0x107: {  	v3 =	vmul.f32 v11, v4;
	v4 =	vbroadcast v0, $0x3;
	[tilespmem:s22+$0x10] =	vst v5  }
0x108: {  	v0 =	vbroadcast v0, $0x0;
	v2 =	vmul.f32 v2, v6;
	[tilespmem:s22+$0x20] =	vst v1  }
0x109: {  	[tilespmem:s22+$0xFFFFFFD0] =	vst v3;
	v1 =	vmul.f32 v9, v4  }
0x10a: {  	v0 =	vmul.f32 v0, v10;
	[tilespmem:s22+$0x0] =	vst v2  }
0x10b: {  	[tilespmem:s22+$0xFFFFFFF0] =	vst v1  }
0x10c: {  	s13 =	sshra.s32 s13, $0x2;
	[tilespmem:s22+$0xFFFFFFC0] =	vst v0;
	s22 =	smov.u32 s28  }
0x10d: {  	v0 =	vld [tilespmem:s13+$0x980]  }
0x10e: {  	v1 =	vld [tilespmem:s13+$0x1580];
	_ =	sdelay $0x4  }
0x10f: {  	v0 =	vadd.f32 v1, v0;
	_ =	sdelay $0x1  }
0x110: {  	v1 =	vmul.f32 $2.000000030e-01, v0;
	_ =	sdelay $0x1  }
0x111: {  	v0 =	vmax.f32 v0, v1  }
0x112: {  	v0 =	vmul.f32 $1.442695020e+00, v0;
	_ =	sdelay $0x1  }
0x113: {  	(erf) = vpow2.f32 v0;
	_ =	sdelay $0x8  }
0x114: {  	v0 =	vpop (erf)  }
0x115: {  	[tilespmem:s13+$0x8180] =	vst v0;
	v1 =	vbroadcast v0, $0x6  }
0x116: {  	v8 =	vld [tilespmem:s28+$0x30]  }
.Ltmp2:
0x117: {  	v6 =	vld [tilespmem:s28+$0xFFFFFFE0];
	(pc) =	sbr.rel @p0 .LBB2_7-.Ltmp2, $4  }
0x118: {  	v10 =	vbroadcast v0, $0x7;
	v5 =	vld [tilespmem:s28+$0x10]  }
0x119: {  	v3 =	vld [tilespmem:s28+$0x20]  }
0x11a: {  	v9 =	vbroadcast v0, $0x2;
	v4 =	vld [tilespmem:s28+$0xFFFFFFD0]  }
0x11b: {  	v7 =	vbroadcast v0, $0x5;
	v2 =	vld [tilespmem:s28+$0x0];
	v8 =	vmul.f32 v8, v10  }
0x11c: {  	v6 =	vmul.f32 v9, v6;
	v58 =	vld [tilespmem:s22+$0xFFFFFFF0]  }
0x11d: {  	v10 =	vld [tilespmem:s22+$0xFFFFFFC0];
	v11 =	vbroadcast v0, $0x1;
	v5 =	vmul.f32 v5, v7;
	[tilespmem:s22+$0x30] =	vst v8  }
0x11e: {  	v59 =	vbroadcast v0, $0x4;
	[tilespmem:s22+$0xFFFFFFE0] =	vst v6;
	v1 =	vmul.f32 v3, v1  }
0x11f: {  	v61 =	vbroadcast v0, $0x3;
	v60 =	vmul.f32 v11, v4;
	[tilespmem:s22+$0x10] =	vst v5  }
0x120: {  	v62 =	vbroadcast v0, $0x0;
	v2 =	vmul.f32 v2, v59;
	[tilespmem:s22+$0x20] =	vst v1  }
0x121: {  	s12 =	sadd.s32 $0x1, s12;
	[tilespmem:s22+$0xFFFFFFD0] =	vst v60;
	v63 =	vmul.f32 v58, v61  }
0x122: {  	p0 =	sne.s32 s12, $0x38;
	v0 =	vmul.f32 v62, v10;
	[tilespmem:s22+$0x0] =	vst v2  }
.Ltmp3:
0x123: {  	[tilespmem:s22+$0xFFFFFFF0] =	vst v63;
	(pc) =	sbr.rel @p0 .LBB2_2-.Ltmp3, $4  }
0x124: {  	[tilespmem:s22+$0xFFFFFFC0] =	vst v0  }
0x125: {  	[spmem:s2] =	stream.indirect.scatter.add.f32 [tilespmem:s4], [sflag:$0x6], $0x10, s11, s25, $0xb8;
	[tilespmem:$0x1ED80] =	vst v63  }
0x126: {  	_ = 	snop  }
0x127: {  	[spmem:s1] =	stream.indirect.scatter.add.f32 [tilespmem:s15], [sflag:$0x6], $0x80, s11, s25, $0xb8;
	[tilespmem:$0x1ED80] =	vst v63  }
0x128: {  	s0 =	simm.s32 $0x4  }
0x129: {  	_ =	swait.ge [sflag:s0], $0x400  }
0x12a: {  	[sflag:s0] =	ssyncset.done $0x0  }
0x12b: {  	[sflag:s0] =	ssyncadd.s32 $0xFFFFFC00  }
0x12c: {  	_ =	swait.ge [sflag:s0], $0x2000  }
0x12d: {  	[sflag:s0] =	ssyncset.done $0x0  }
0x12e: {  	s13 =	simm.s32 $0x5;
	[sflag:s0] =	ssyncadd.s32 $0xFFFFE000  }
0x12f: {  	_ =	swait.ge [sflag:s13], $0x400  }
0x130: {  	[sflag:s13] =	ssyncset.done $0x0  }
0x131: {  	[sflag:s13] =	ssyncadd.s32 $0xFFFFFC00  }
0x132: {  	_ =	swait.ge [sflag:s13], $0x2000  }
0x133: {  	[sflag:s13] =	ssyncset.done $0x0  }
0x134: {  	s22 =	simm.s32 $0x6;
	[sflag:s13] =	ssyncadd.s32 $0xFFFFE000  }
0x135: {  	_ =	swait.ge [sflag:s22], $0x400  }
0x136: {  	[sflag:s22] =	ssyncset.done $0x0  }
0x137: {  	[sflag:s22] =	ssyncadd.s32 $0xFFFFFC00  }
0x138: {  	_ =	swait.ge [sflag:s22], $0x2000  }
0x139: {  	[sflag:s22] =	ssyncset.done $0x0  }
0x13a: {  	[sflag:s22] =	ssyncadd.s32 $0xFFFFE000  }
0x13b: {  	[bflag:$0x0] =	sbarrier.arrive $0xFFFF  }
0x13c: {  	s13 =	rddreg [dreg:$0x6]  }
0x13d: {  	s28 =	rddreg [dreg:$0xa]  }
0x13e: {  	s12 =	rddreg [dreg:$0xd]  }
0x13f: {  	[hbm:s28], [sflag:s13] =	dma.local [spmem:s12], $0x2800  }
0x140: {  	_ =	swait.ge [sflag:s23], $0x2800  }
0x141: {  	[sflag:s23] =	ssyncset.done $0x0;
	s31 =	rddreg [dreg:$0xb]  }
0x142: {  	s22 =	rddreg [dreg:$0xf];
	[sflag:s23] =	ssyncadd.s32 $0xFFFFD800  }
0x143: {  	[hbm:s31], [sflag:s13] =	dma.local [spmem:s22], $0x500  }
0x144: {  	_ =	swait.ge [sflag:s23], $0x500  }
0x145: {  	s28 =	rddreg [dreg:$0xe]  }
0x146: {  	s31 =	rddreg [dreg:$0xc];
	s22 =	sadd.s32 $0x1, s28  }
0x147: {  	p0 =	sne.s32 s22, s31  }
.Ltmp4:
0x148: {  	_ = 	snop;
	(pc) =	sbr.rel @p0 .LBB2_1-.Ltmp4, $3  }
0x149: {  	_ =	sdelay $0x1  }
0x14a: {  	[sflag:s23] =	ssyncset.done $0x0  }
0x14b: {  	[sflag:s23] =	ssyncadd.s32 $0xFFFFFB00  }
0x14c: {  	_ =	sfence.sel $0x180000  }
0x14d: {  	[bflag:$0x0] =	sbarrier.arrive $0xFFFF  }
0x14e: {  	_ =	strace $0x90000047  }
0x14f: {  	s0 =	stileid.u32;
	[bflag:$0x2] =	sbarrier.arrive $0xFFFF  }
0x150: {  	p0 =	sne.s32 s0, $0x0;
	s0 =	rddreg [dreg:$0x3]  }
0x151: {  	s0 =	sadd.s32 @!p0 $0x100000, s0  }
0x152: {  	[sflag:s0] =	ssyncadd.tile.s32 @!p0 $0x1;
	_ =	shalt  }
.Lfunc_end2:
_tile_overlayer_lowered:
.L_overlay_start_2:
0x153: {  	(tag) =	ssettag $0x2  }
0x154: {  	s0 =	rddreg [dreg:$0x0];
	s2 =	stileid.u32  }
0x155: {  	s1 =	rddreg [dreg:$0x1];
	p0 =	sne.s32 s2, $0x0  }
0x156: {  	s3 =	rddreg [dreg:$0x2];
	[bflag:$0x3] =	sbarrier.arrive $0xFFFF;
	s2 =	simm.s32 @!p0 $0x1C07  }
0x157: {  	[timem:s3], [sflag:s2] =	dma.local @!p0 [hbm:s0], s1  }
0x158: {  	s0 =	simm.s32 @!p0 $0x7  }
0x159: {  	_ =	swait.ge @!p0 [sflag:s0], s1  }
0x15a: {  	s1 =	ssub.s32 @!p0 $0x0, s1;
	[sflag:s0] =	ssyncset.done @!p0 $0x0  }
0x15b: {  	[sflag:s0] =	ssyncadd.s32 @!p0 s1  }
0x15c: {  	[bflag:$0x3] =	sbarrier.arrive $0xFFFF  }
0x15d: {  	_ =	shalt  }

</sc_bundles>
